<compile_context>
chip_gen: v7x
topology: tpu7x:2x2x1
jax: 0.10.2.dev20260603
libtpu: 0.0.44.dev20260713+nightly
codegen_flags: <defaults>
</compile_context>

<pallas_src>
import functools

import jax
import jax.numpy as jnp
from jax import lax
from jax.experimental import pallas as pl
from jax.experimental.pallas import tpu as pltpu
from jax.experimental.pallas import tpu_sc as plsc

N = 10000
E = 320000
H = 128
B = 8
EPS = 1e-5

NB = 10
BN_ROWS = N // NB

NC = 2
NS = 16
NW = NC * NS
EPW = E // NW
CHUNK = 40
NCHUNK = EPW // CHUNK
SRP = 624
SREM = N - NS * SRP



def _mm_body(h_ref, w_ref, b_ref, k_ref, q_ref, v_ref, s_ref):
    y = jnp.dot(h_ref[...], w_ref[...], preferred_element_type=jnp.float32)
    y = y + b_ref[...]
    k_ref[...] = y[:, 0 * H:1 * H]
    q_ref[...] = y[:, 1 * H:2 * H]
    v_ref[...] = y[:, 2 * H:3 * H]
    s_ref[...] = y[:, 3 * H:4 * H]


def _norm_mm_body(a_ref, st_ref, gb_ref, w_ref, b_ref,
                  k_ref, q_ref, v_ref, s_ref):
    m = st_ref[0] * (1.0 / N)
    var = st_ref[1] * (1.0 / N) - m * m
    inv = lax.rsqrt(var + EPS)
    h = (a_ref[...] - m) * (inv * gb_ref[0]) + gb_ref[1]
    y = jnp.dot(h, w_ref[...], preferred_element_type=jnp.float32)
    y = y + b_ref[...]
    k_ref[...] = y[:, 0 * H:1 * H]
    q_ref[...] = y[:, 1 * H:2 * H]
    v_ref[...] = y[:, 2 * H:3 * H]
    s_ref[...] = y[:, 3 * H:4 * H]


def _post_body(p_ref, s_ref, a_ref, st_ref):
    i = pl.program_id(0)
    t = p_ref[0] + p_ref[1] + s_ref[...]
    a = jnp.where(t >= 0, t, 0.01 * t)
    a_ref[...] = a
    ssum = jnp.sum(a, axis=0, keepdims=True)
    ssq = jnp.sum(a * a, axis=0, keepdims=True)
    st = jnp.concatenate([ssum, ssq], axis=0)

    @pl.when(i == 0)
    def _():
        st_ref[...] = st

    @pl.when(i != 0)
    def _():
        st_ref[...] += st


def _final_body(a_ref, st_ref, gb_ref, batch_ref, clin_ref,
                wh_ref, wc_ref, bc_ref, o_ref):
    m = st_ref[0] * (1.0 / N)
    var = st_ref[1] * (1.0 / N) - m * m
    inv = lax.rsqrt(var + EPS)
    hn = (a_ref[...] - m) * (inv * gb_ref[0]) + gb_ref[1]
    oh = (batch_ref[...] == lax.broadcasted_iota(jnp.int32, (N, B), 1))
    oh = oh.astype(jnp.float32)
    psum = lax.dot_general(oh, hn, (((0,), (0,)), ((), ())),
                           preferred_element_type=jnp.float32)
    cnt = jnp.sum(oh, axis=0)[:, None]
    pooled = psum / jnp.clip(cnt, 1.0, None)
    out = jnp.dot(pooled, wh_ref[...], preferred_element_type=jnp.float32)
    out = out + jnp.dot(clin_ref[...], wc_ref[...],
                        preferred_element_type=jnp.float32)
    o_ref[...] = out + bc_ref[...]


def _mm_call(h, w4t, b4):
    return pl.pallas_call(
        _mm_body,
        grid=(NB,),
        in_specs=[
            pl.BlockSpec((BN_ROWS, H), lambda i: (i, 0)),
            pl.BlockSpec((H, 4 * H), lambda i: (0, 0)),
            pl.BlockSpec((1, 4 * H), lambda i: (0, 0)),
        ],
        out_specs=[pl.BlockSpec((BN_ROWS, H), lambda i: (i, 0))] * 4,
        out_shape=[jax.ShapeDtypeStruct((N, H), jnp.float32)] * 4,
    )(h, w4t, b4)


def _norm_mm_call(a, st, gb, w4t, b4):
    return pl.pallas_call(
        _norm_mm_body,
        grid=(NB,),
        in_specs=[
            pl.BlockSpec((BN_ROWS, H), lambda i: (i, 0)),
            pl.BlockSpec((2, H), lambda i: (0, 0)),
            pl.BlockSpec((2, H), lambda i: (0, 0)),
            pl.BlockSpec((H, 4 * H), lambda i: (0, 0)),
            pl.BlockSpec((1, 4 * H), lambda i: (0, 0)),
        ],
        out_specs=[pl.BlockSpec((BN_ROWS, H), lambda i: (i, 0))] * 4,
        out_shape=[jax.ShapeDtypeStruct((N, H), jnp.float32)] * 4,
    )(a, st, gb, w4t, b4)


def _post_call(parts, s):
    return pl.pallas_call(
        _post_body,
        grid=(NB,),
        in_specs=[
            pl.BlockSpec((2, BN_ROWS, H), lambda i: (0, i, 0)),
            pl.BlockSpec((BN_ROWS, H), lambda i: (i, 0)),
        ],
        out_specs=[
            pl.BlockSpec((BN_ROWS, H), lambda i: (i, 0)),
            pl.BlockSpec((2, H), lambda i: (0, 0)),
        ],
        out_shape=[
            jax.ShapeDtypeStruct((N, H), jnp.float32),
            jax.ShapeDtypeStruct((2, H), jnp.float32),
        ],
    )(parts, s)


def _final_call(a, st, gb, batch2d, clinical, wht, wct, bc):
    return pl.pallas_call(
        _final_body,
        out_shape=jax.ShapeDtypeStruct((B, 2), jnp.float32),
    )(a, st, gb, batch2d, clinical, wht, wct, bc)



def _sc_edge_body(k_hbm, q_hbm, v_hbm, src_hbm, dst_hbm, ea_hbm, we_hbm,
                  z_hbm, out_hbm,
                  sidx0, didx0, eav0, kq0, vb0, semk0, semq0, semv0,
                  sidx1, didx1, eav1, kq1, vb1, semk1, semq1, semv1,
                  wev, agg):
    cid = lax.axis_index("c")
    sid = lax.axis_index("s")
    wid = sid * NC + cid
    sets = ((sidx0, didx0, eav0, kq0, vb0, semk0, semq0, semv0),
            (sidx1, didx1, eav1, kq1, vb1, semk1, semq1, semv1))

    pltpu.sync_copy(we_hbm, wev)

    zbase = pl.multiple_of(sid * SRP, 8)
    pltpu.sync_copy(z_hbm.at[pl.ds(0, SRP)], agg.at[pl.ds(zbase, SRP)])

    @pl.when(sid == NS - 1)
    def _():
        pltpu.sync_copy(z_hbm.at[pl.ds(0, SREM)],
                        agg.at[pl.ds(NS * SRP, SREM)])

    plsc.subcore_barrier()

    we_rows = [[wev[c, pl.ds(s * 16, 16)] for s in range(8)]
               for c in range(4)]

    ebase = wid * EPW

    def load_idx(g, st):
        base = ebase + g * CHUNK
        pltpu.sync_copy(src_hbm.at[pl.ds(base, CHUNK)], st[0])
        pltpu.sync_copy(dst_hbm.at[pl.ds(base, CHUNK)], st[1])
        pltpu.sync_copy(ea_hbm.at[pl.ds(base, CHUNK)], st[2])

    def fire_kv(st):
        pltpu.async_copy(k_hbm.at[st[1]], st[3], st[5])
        pltpu.async_copy(v_hbm.at[st[0]], st[4], st[7])

    def fire_qadd(st):
        pltpu.async_copy(q_hbm.at[st[0]], st[3], st[6], add=True)

    def wait_k(st):
        pltpu.make_async_copy(k_hbm.at[st[1]], st[3], st[5]).wait()

    def wait_qv(st):
        pltpu.make_async_copy(q_hbm.at[st[0]], st[3], st[6]).wait()
        pltpu.make_async_copy(v_hbm.at[st[0]], st[4], st[7]).wait()

    def process(st):
        eav, kqb, vb = st[2], st[3], st[4]

        def edge_body(j, ecarry):
            ear = eav[j, pl.ds(0, 16)]
            ea0 = ear[0]
            ea1 = ear[1]
            ea2 = ear[2]
            ea3 = ear[3]
            zns = []
            for s in range(8):
                t01 = ea0 * we_rows[0][s] + ea1 * we_rows[1][s]
                t23 = ea2 * we_rows[2][s] + ea3 * we_rows[3][s]
                zns.append((t01 + t23) + kqb[j, pl.ds(s * 16, 16)])
            ws = [jnp.exp(zn) for zn in zns]
            gs = [1.0 / (1.0 + w) for w in ws]
            for s in range(8):
                ds = pl.ds(s * 16, 16)
                vb[j, ds] = gs[s] * vb[j, ds]
            return ecarry

        lax.fori_loop(0, CHUNK, edge_body, 0)

    load_idx(0, sets[0])
    fire_kv(sets[0])
    wait_k(sets[0])
    fire_qadd(sets[0])

    def pair_body(g2, carry):
        for b in range(2):
            gi = g2 * 2 + b
            cur = sets[b]
            nxt = sets[1 - b]

            @pl.when(gi + 1 < NCHUNK)
            def _():
                load_idx(gi + 1, nxt)
                fire_kv(nxt)

            wait_qv(cur)
            process(cur)

            @pl.when(gi + 1 < NCHUNK)
            def _():
                wait_k(nxt)
                fire_qadd(nxt)

            pltpu.sync_copy(cur[4], agg.at[cur[1]], add=True)
        return carry

    lax.fori_loop(0, NCHUNK // 2, pair_body, 0)
    plsc.subcore_barrier()
    obase = pl.multiple_of(sid * SRP, 8)
    pltpu.sync_copy(agg.at[pl.ds(obase, SRP)],
                    out_hbm.at[cid, pl.ds(obase, SRP)])

    @pl.when(sid == NS - 1)
    def _():
        pltpu.sync_copy(agg.at[pl.ds(NS * SRP, SREM)],
                        out_hbm.at[cid, pl.ds(NS * SRP, SREM)])


def _sc_edge_call(k, q, v, src, dst, ea16, wetb, zrows):
    mesh = plsc.VectorSubcoreMesh(core_axis_name="c", subcore_axis_name="s")
    fn = functools.partial(
        pl.kernel,
        mesh=mesh,
        out_type=jax.ShapeDtypeStruct((NC, N, H), jnp.float32),
        scratch_types=(
            [pltpu.VMEM((CHUNK,), jnp.int32),
             pltpu.VMEM((CHUNK,), jnp.int32),
             pltpu.VMEM((CHUNK, 16), jnp.float32),
             pltpu.VMEM((CHUNK, H), jnp.float32),
             pltpu.VMEM((CHUNK, H), jnp.float32),
             pltpu.SemaphoreType.DMA,
             pltpu.SemaphoreType.DMA,
             pltpu.SemaphoreType.DMA] * 2
            + [pltpu.VMEM((4, H), jnp.float32),
               pltpu.VMEM_SHARED((N, H), jnp.float32)]
        ),
    )(_sc_edge_body)
    return fn(k, q, v, src, dst, ea16, wetb, zrows)



def kernel(x, edge_index, edge_attr, batch, clinical, params):
    src = edge_index[0].astype(jnp.int32)
    dst = edge_index[1].astype(jnp.int32)
    ea16 = jnp.pad(edge_attr, ((0, 0), (0, 12)))
    zrows = jnp.zeros((SRP, H), jnp.float32)

    a = x
    st = None
    gb = None
    for i in range(3):
        p = params[f"conv{i + 1}"]
        w4t = jnp.concatenate(
            [-p["Wk"], -p["Wq"], p["Wv"], p["Ws"]], axis=0).T
        b4 = jnp.concatenate(
            [-(p["bk"] + p["be"]), -p["bq"], p["bv"], p["b"]],
            axis=0)[None, :]
        if i == 0:
            k, q, v, s = _mm_call(a, w4t, b4)
        else:
            k, q, v, s = _norm_mm_call(a, st, gb, w4t, b4)
        wetb = -p["We"].T
        parts = _sc_edge_call(k, q, v, src, dst, ea16, wetb, zrows)
        a, st = _post_call(parts, s)
        gb = jnp.stack([p["gamma"], p["beta"]], axis=0)

    wc = params["Wc"]
    wht = wc[:, :H].T
    wct = wc[:, H:].T
    bc = params["bc"][None, :]
    out = _final_call(a, st, gb, batch[:, None].astype(jnp.int32),
                      clinical, wht, wct, bc)
    return jnp.squeeze(out)

# --- scband reference (transcript-rebuilt; emitter-appended) ---
"""Pipeline reference for scband-clinical-gated-gcn-70858370450162 (READ-ONLY COPY).

The authoritative reference and input builder live on the scoring server;
editing this copy changes nothing except your own understanding.
"""

import jax, jax.numpy as jnp
import numpy as np

N = 10000
E = 320000
D_IN = 128
H = 128
EDGE_DIM = 4
B = 8
N_CLIN = 10
N_CLS = 2


def _lin_w(key, out_d, in_d):
    return (jax.random.normal(key, (out_d, in_d), dtype=jnp.float32) / np.sqrt(in_d)).astype(jnp.float32)


def _make_params(key):
    params = {}
    in_d = D_IN
    for i in range(3):
        keys = jax.random.split(jax.random.fold_in(key, i), 6)
        params[f"conv{i+1}"] = {
            "Wk": _lin_w(keys[0], H, in_d), "bk": jnp.zeros((H,), jnp.float32),
            "Wq": _lin_w(keys[1], H, in_d), "bq": jnp.zeros((H,), jnp.float32),
            "Wv": _lin_w(keys[2], H, in_d), "bv": jnp.zeros((H,), jnp.float32),
            "We": _lin_w(keys[3], H, EDGE_DIM), "be": jnp.zeros((H,), jnp.float32),
            "Ws": _lin_w(keys[4], H, in_d),
            "b": jnp.zeros((H,), jnp.float32),
            "gamma": jnp.ones((H,), jnp.float32),
            "beta": jnp.zeros((H,), jnp.float32),
        }
        in_d = H
    kc = jax.random.fold_in(key, 100)
    params["Wc"] = _lin_w(kc, N_CLS, H + N_CLIN)
    params["bc"] = jnp.zeros((N_CLS,), jnp.float32)
    return params


def setup_inputs(seed: int = 0):
    key = jax.random.key(seed)
    k1, k2, k3, k4, k5, k6 = jax.random.split(key, 6)
    x = jax.random.normal(k1, (N, D_IN), dtype=jnp.float32)
    edge_index = jax.random.randint(k2, (2, E), 0, N)
    edge_attr = jax.random.normal(k3, (E, EDGE_DIM), dtype=jnp.float32)
    batch = jnp.sort(jax.random.randint(k4, (N,), 0, B))
    clinical = jax.random.normal(k5, (B, N_CLIN), dtype=jnp.float32)
    params = _make_params(k6)
    return {"x": x, "edge_index": edge_index, "edge_attr": edge_attr,
            "batch": batch, "clinical": clinical, "params": params}


def _res_gated_conv(x, src, dst, edge_attr, p):
    # PyG ResGatedGraphConv: gate_ij = sigmoid(W_k x_i + W_q x_j + W_e e_ij)
    # out_i = sum_j gate_ij * (W_v x_j) + W_skip x_i + bias
    k = x @ p["Wk"].T + p["bk"]
    q = x @ p["Wq"].T + p["bq"]
    v = x @ p["Wv"].T + p["bv"]
    e = edge_attr @ p["We"].T + p["be"]
    gate = jax.nn.sigmoid(k[dst] + q[src] + e)
    msg = gate * v[src]
    agg = jax.ops.segment_sum(msg, dst, num_segments=x.shape[0])
    return agg + x @ p["Ws"].T + p["b"]


def _batch_norm(h, gamma, beta, eps=1e-5):
    m = jnp.mean(h, axis=0)
    va = jnp.var(h, axis=0)
    return (h - m) / jnp.sqrt(va + eps) * gamma + beta


def _forward(x, edge_attr, clinical, params, src, dst, batch):
    h = x
    for i in range(3):
        p = params[f"conv{i+1}"]
        h = _res_gated_conv(h, src, dst, edge_attr, p)
        h = jax.nn.leaky_relu(h, negative_slope=0.01)
        h = _batch_norm(h, p["gamma"], p["beta"])
        # dropout: identity in eval mode
    ones = jnp.ones((h.shape[0], 1), h.dtype)
    sums = jax.ops.segment_sum(h, batch, num_segments=B)
    cnt = jax.ops.segment_sum(ones, batch, num_segments=B)
    pooled = sums / jnp.clip(cnt, 1.0, None)
    z = jnp.concatenate([pooled, clinical], axis=1)
    out = z @ params["Wc"].T + params["bc"]
    return jnp.squeeze(out)


def reference(x, edge_index, edge_attr, batch, clinical, params):
    src = edge_index[0]
    dst = edge_index[1]
    return _forward(x, edge_attr, clinical, params, src, dst, batch)

if __name__ == "__main__":
    import jax
    _d = setup_inputs()
    print(jax.jit(kernel)(*tuple(_d.values())))

</pallas_src>

<mosaic_0001>
#map = affine_map<(d0, d1) -> (0, 0)>
#map1 = affine_map<(d0, d1) -> (0)>
#map2 = affine_map<(d0, d1) -> (0, 0, 0)>
module attributes {stable_mosaic.version = 14 : i64} {
  func.func @_sc_edge_body(%arg0: i32, %arg1: i32, %arg2: memref<10000x128xf32, #tpu.memory_space<hbm>>, %arg3: memref<10000x128xf32, #tpu.memory_space<hbm>>, %arg4: memref<10000x128xf32, #tpu.memory_space<hbm>>, %arg5: memref<320000xi32, #tpu.memory_space<hbm>>, %arg6: memref<320000xi32, #tpu.memory_space<hbm>>, %arg7: memref<320000x16xf32, #tpu.memory_space<hbm>>, %arg8: memref<4x128xf32, #tpu.memory_space<hbm>>, %arg9: memref<624x128xf32, #tpu.memory_space<hbm>>, %arg10: memref<2x10000x128xf32, #tpu.memory_space<hbm>>, %arg11: memref<40xi32, #tpu.memory_space<vmem>>, %arg12: memref<40xi32, #tpu.memory_space<vmem>>, %arg13: memref<40x16xf32, #tpu.memory_space<vmem>>, %arg14: memref<40x128xf32, #tpu.memory_space<vmem>>, %arg15: memref<40x128xf32, #tpu.memory_space<vmem>>, %arg16: memref<!tpu.dma_semaphore, #tpu.memory_space<semaphore_mem>>, %arg17: memref<!tpu.dma_semaphore, #tpu.memory_space<semaphore_mem>>, %arg18: memref<!tpu.dma_semaphore, #tpu.memory_space<semaphore_mem>>, %arg19: memref<40xi32, #tpu.memory_space<vmem>>, %arg20: memref<40xi32, #tpu.memory_space<vmem>>, %arg21: memref<40x16xf32, #tpu.memory_space<vmem>>, %arg22: memref<40x128xf32, #tpu.memory_space<vmem>>, %arg23: memref<40x128xf32, #tpu.memory_space<vmem>>, %arg24: memref<!tpu.dma_semaphore, #tpu.memory_space<semaphore_mem>>, %arg25: memref<!tpu.dma_semaphore, #tpu.memory_space<semaphore_mem>>, %arg26: memref<!tpu.dma_semaphore, #tpu.memory_space<semaphore_mem>>, %arg27: memref<4x128xf32, #tpu.memory_space<vmem>>, %arg28: memref<10000x128xf32, #tpu.memory_space<vmem_shared>>) attributes {dimension_semantics = [#tpu.dimension_semantics<core_parallel>, #tpu.dimension_semantics<subcore_parallel>], iteration_bounds = array<i64: 2, 16>, scalar_prefetch = 0 : i64, scratch_operands = 18 : i64, tpu.core_type = #tpu.core_type<sc_vector_subcore>, window_params = [{transform_indices = #map}, {transform_indices = #map}, {transform_indices = #map}, {transform_indices = #map1}, {transform_indices = #map1}, {transform_indices = #map}, {transform_indices = #map}, {transform_indices = #map}, {transform_indices = #map2}]} {
    %mul3A = arith.constant 2 : i32
    %mul3A_0 = arith.muli %arg1, %mul3A : i32
    %add3A = arith.addi %mul3A_0, %arg0 : i32
    "tpu.region"() ({
      %run_scoped3A = tpu.sem_alloc : memref<!tpu.dma_semaphore, #tpu.memory_space<semaphore_mem>>
      tpu.enqueue_dma source(%arg8 : memref<4x128xf32, #tpu.memory_space<hbm>>) target(%arg27 : memref<4x128xf32, #tpu.memory_space<vmem>>) target_semaphore(%run_scoped3A : memref<!tpu.dma_semaphore, #tpu.memory_space<semaphore_mem>>)
      tpu.wait_dma2 semaphore(%run_scoped3A : memref<!tpu.dma_semaphore, #tpu.memory_space<semaphore_mem>>) src(%arg8 : memref<4x128xf32, #tpu.memory_space<hbm>>) dst(%arg27 : memref<4x128xf32, #tpu.memory_space<vmem>>)
      tpu.yield
    }) : () -> ()
    %mul3A_1 = arith.constant 624 : i32
    %mul3A_2 = arith.muli %arg1, %mul3A_1 : i32
    %multiple_of3A = tpu.assume_multiple %mul3A_2, 8 : i32
    "tpu.region"() ({
      %run_scoped3A = tpu.sem_alloc : memref<!tpu.dma_semaphore, #tpu.memory_space<semaphore_mem>>
      %dma_start3A_192 = arith.constant 0 : i32
      %dma_start3A_193 = tpu.memref_slice %arg28[%multiple_of3A, %dma_start3A_192] : memref<10000x128xf32, #tpu.memory_space<vmem_shared>> -> memref<624x128xf32, #tpu.memory_space<vmem_shared>>
      %dma_start3A_194 = arith.constant 0 : i32
      %dma_start3A_195 = arith.constant 0 : i32
      %dma_start3A_196 = tpu.memref_slice %arg9[%dma_start3A_194, %dma_start3A_195] : memref<624x128xf32, #tpu.memory_space<hbm>> -> memref<624x128xf32, #tpu.memory_space<hbm>>
      tpu.enqueue_dma source(%dma_start3A_196 : memref<624x128xf32, #tpu.memory_space<hbm>>) target(%dma_start3A_193 : memref<624x128xf32, #tpu.memory_space<vmem_shared>>) target_semaphore(%run_scoped3A : memref<!tpu.dma_semaphore, #tpu.memory_space<semaphore_mem>>)
      %dma_wait3A_197 = arith.constant 0 : i32
      %dma_wait3A_198 = tpu.memref_slice %arg28[%multiple_of3A, %dma_wait3A_197] : memref<10000x128xf32, #tpu.memory_space<vmem_shared>> -> memref<624x128xf32, #tpu.memory_space<vmem_shared>>
      %dma_wait3A_199 = arith.constant 0 : i32
      %dma_wait3A_200 = arith.constant 0 : i32
      %dma_wait3A_201 = tpu.memref_slice %arg9[%dma_wait3A_199, %dma_wait3A_200] : memref<624x128xf32, #tpu.memory_space<hbm>> -> memref<624x128xf32, #tpu.memory_space<hbm>>
      tpu.wait_dma2 semaphore(%run_scoped3A : memref<!tpu.dma_semaphore, #tpu.memory_space<semaphore_mem>>) src(%dma_wait3A_201 : memref<624x128xf32, #tpu.memory_space<hbm>>) dst(%dma_wait3A_198 : memref<624x128xf32, #tpu.memory_space<vmem_shared>>)
      tpu.yield
    }) : () -> ()
    %eq3A = arith.constant 15 : i32
    %eq3A_3 = arith.cmpi eq, %arg1, %eq3A : i32
    %convert_element_type3A = arith.extui %eq3A_3 : i1 to i32
    %cond3A = arith.constant 0 : i32
    %cond3A_4 = arith.cmpi ne, %convert_element_type3A, %cond3A : i32
    scf.if %cond3A_4 {
      "tpu.region"() ({
        %run_scoped3A = tpu.sem_alloc : memref<!tpu.dma_semaphore, #tpu.memory_space<semaphore_mem>>
        %dma_start3A_192 = arith.constant 9984 : i32
        %dma_start3A_193 = arith.constant 0 : i32
        %dma_start3A_194 = tpu.memref_slice %arg28[%dma_start3A_192, %dma_start3A_193] : memref<10000x128xf32, #tpu.memory_space<vmem_shared>> -> memref<16x128xf32, #tpu.memory_space<vmem_shared>>
        %dma_start3A_195 = arith.constant 0 : i32
        %dma_start3A_196 = arith.constant 0 : i32
        %dma_start3A_197 = tpu.memref_slice %arg9[%dma_start3A_195, %dma_start3A_196] : memref<624x128xf32, #tpu.memory_space<hbm>> -> memref<16x128xf32, #tpu.memory_space<hbm>>
        tpu.enqueue_dma source(%dma_start3A_197 : memref<16x128xf32, #tpu.memory_space<hbm>>) target(%dma_start3A_194 : memref<16x128xf32, #tpu.memory_space<vmem_shared>>) target_semaphore(%run_scoped3A : memref<!tpu.dma_semaphore, #tpu.memory_space<semaphore_mem>>)
        %dma_wait3A_198 = arith.constant 9984 : i32
        %dma_wait3A_199 = arith.constant 0 : i32
        %dma_wait3A_200 = tpu.memref_slice %arg28[%dma_wait3A_198, %dma_wait3A_199] : memref<10000x128xf32, #tpu.memory_space<vmem_shared>> -> memref<16x128xf32, #tpu.memory_space<vmem_shared>>
        %dma_wait3A_201 = arith.constant 0 : i32
        %dma_wait3A_202 = arith.constant 0 : i32
        %dma_wait3A_203 = tpu.memref_slice %arg9[%dma_wait3A_201, %dma_wait3A_202] : memref<624x128xf32, #tpu.memory_space<hbm>> -> memref<16x128xf32, #tpu.memory_space<hbm>>
        tpu.wait_dma2 semaphore(%run_scoped3A : memref<!tpu.dma_semaphore, #tpu.memory_space<semaphore_mem>>) src(%dma_wait3A_203 : memref<16x128xf32, #tpu.memory_space<hbm>>) dst(%dma_wait3A_200 : memref<16x128xf32, #tpu.memory_space<vmem_shared>>)
        tpu.yield
      }) : () -> ()
    } else {
    }
    %barrier3A = arith.constant 0 : index
    tpu.barrier barrier_id(%barrier3A)
    %get3A = arith.constant 0 : i32
    %get3A_5 = arith.index_cast %get3A : i32 to index
    %get3A_6 = arith.constant 0 : index
    %get3A_7 = tpu.vector_load %arg27[%get3A_5, %get3A_6] {strides = array<i32>} : memref<4x128xf32, #tpu.memory_space<vmem>>, vector<1x16xf32>,
    %get3A_8 = vector.shape_cast %get3A_7 : vector<1x16xf32> to vector<16xf32>
    %get3A_9 = arith.constant 0 : i32
    %get3A_10 = arith.index_cast %get3A_9 : i32 to index
    %get3A_11 = arith.constant 16 : index
    %get3A_12 = tpu.vector_load %arg27[%get3A_10, %get3A_11] {strides = array<i32>} : memref<4x128xf32, #tpu.memory_space<vmem>>, vector<1x16xf32>,
    %get3A_13 = vector.shape_cast %get3A_12 : vector<1x16xf32> to vector<16xf32>
    %get3A_14 = arith.constant 0 : i32
    %get3A_15 = arith.index_cast %get3A_14 : i32 to index
    %get3A_16 = arith.constant 32 : index
    %get3A_17 = tpu.vector_load %arg27[%get3A_15, %get3A_16] {strides = array<i32>} : memref<4x128xf32, #tpu.memory_space<vmem>>, vector<1x16xf32>,
    %get3A_18 = vector.shape_cast %get3A_17 : vector<1x16xf32> to vector<16xf32>
    %get3A_19 = arith.constant 0 : i32
    %get3A_20 = arith.index_cast %get3A_19 : i32 to index
    %get3A_21 = arith.constant 48 : index
    %get3A_22 = tpu.vector_load %arg27[%get3A_20, %get3A_21] {strides = array<i32>} : memref<4x128xf32, #tpu.memory_space<vmem>>, vector<1x16xf32>,
    %get3A_23 = vector.shape_cast %get3A_22 : vector<1x16xf32> to vector<16xf32>
    %get3A_24 = arith.constant 0 : i32
    %get3A_25 = arith.index_cast %get3A_24 : i32 to index
    %get3A_26 = arith.constant 64 : index
    %get3A_27 = tpu.vector_load %arg27[%get3A_25, %get3A_26] {strides = array<i32>} : memref<4x128xf32, #tpu.memory_space<vmem>>, vector<1x16xf32>,
    %get3A_28 = vector.shape_cast %get3A_27 : vector<1x16xf32> to vector<16xf32>
    %get3A_29 = arith.constant 0 : i32
    %get3A_30 = arith.index_cast %get3A_29 : i32 to index
    %get3A_31 = arith.constant 80 : index
    %get3A_32 = tpu.vector_load %arg27[%get3A_30, %get3A_31] {strides = array<i32>} : memref<4x128xf32, #tpu.memory_space<vmem>>, vector<1x16xf32>,
    %get3A_33 = vector.shape_cast %get3A_32 : vector<1x16xf32> to vector<16xf32>
    %get3A_34 = arith.constant 0 : i32
    %get3A_35 = arith.index_cast %get3A_34 : i32 to index
    %get3A_36 = arith.constant 96 : index
    %get3A_37 = tpu.vector_load %arg27[%get3A_35, %get3A_36] {strides = array<i32>} : memref<4x128xf32, #tpu.memory_space<vmem>>, vector<1x16xf32>,
    %get3A_38 = vector.shape_cast %get3A_37 : vector<1x16xf32> to vector<16xf32>
    %get3A_39 = arith.constant 0 : i32
    %get3A_40 = arith.index_cast %get3A_39 : i32 to index
    %get3A_41 = arith.constant 112 : index
    %get3A_42 = tpu.vector_load %arg27[%get3A_40, %get3A_41] {strides = array<i32>} : memref<4x128xf32, #tpu.memory_space<vmem>>, vector<1x16xf32>,
    %get3A_43 = vector.shape_cast %get3A_42 : vector<1x16xf32> to vector<16xf32>
    %get3A_44 = arith.constant 1 : i32
    %get3A_45 = arith.index_cast %get3A_44 : i32 to index
    %get3A_46 = arith.constant 0 : index
    %get3A_47 = tpu.vector_load %arg27[%get3A_45, %get3A_46] {strides = array<i32>} : memref<4x128xf32, #tpu.memory_space<vmem>>, vector<1x16xf32>,
    %get3A_48 = vector.shape_cast %get3A_47 : vector<1x16xf32> to vector<16xf32>
    %get3A_49 = arith.constant 1 : i32
    %get3A_50 = arith.index_cast %get3A_49 : i32 to index
    %get3A_51 = arith.constant 16 : index
    %get3A_52 = tpu.vector_load %arg27[%get3A_50, %get3A_51] {strides = array<i32>} : memref<4x128xf32, #tpu.memory_space<vmem>>, vector<1x16xf32>,
    %get3A_53 = vector.shape_cast %get3A_52 : vector<1x16xf32> to vector<16xf32>
    %get3A_54 = arith.constant 1 : i32
    %get3A_55 = arith.index_cast %get3A_54 : i32 to index
    %get3A_56 = arith.constant 32 : index
    %get3A_57 = tpu.vector_load %arg27[%get3A_55, %get3A_56] {strides = array<i32>} : memref<4x128xf32, #tpu.memory_space<vmem>>, vector<1x16xf32>,
    %get3A_58 = vector.shape_cast %get3A_57 : vector<1x16xf32> to vector<16xf32>
    %get3A_59 = arith.constant 1 : i32
    %get3A_60 = arith.index_cast %get3A_59 : i32 to index
    %get3A_61 = arith.constant 48 : index
    %get3A_62 = tpu.vector_load %arg27[%get3A_60, %get3A_61] {strides = array<i32>} : memref<4x128xf32, #tpu.memory_space<vmem>>, vector<1x16xf32>,
    %get3A_63 = vector.shape_cast %get3A_62 : vector<1x16xf32> to vector<16xf32>
    %get3A_64 = arith.constant 1 : i32
    %get3A_65 = arith.index_cast %get3A_64 : i32 to index
    %get3A_66 = arith.constant 64 : index
    %get3A_67 = tpu.vector_load %arg27[%get3A_65, %get3A_66] {strides = array<i32>} : memref<4x128xf32, #tpu.memory_space<vmem>>, vector<1x16xf32>,
    %get3A_68 = vector.shape_cast %get3A_67 : vector<1x16xf32> to vector<16xf32>
    %get3A_69 = arith.constant 1 : i32
    %get3A_70 = arith.index_cast %get3A_69 : i32 to index
    %get3A_71 = arith.constant 80 : index
    %get3A_72 = tpu.vector_load %arg27[%get3A_70, %get3A_71] {strides = array<i32>} : memref<4x128xf32, #tpu.memory_space<vmem>>, vector<1x16xf32>,
    %get3A_73 = vector.shape_cast %get3A_72 : vector<1x16xf32> to vector<16xf32>
    %get3A_74 = arith.constant 1 : i32
    %get3A_75 = arith.index_cast %get3A_74 : i32 to index
    %get3A_76 = arith.constant 96 : index
    %get3A_77 = tpu.vector_load %arg27[%get3A_75, %get3A_76] {strides = array<i32>} : memref<4x128xf32, #tpu.memory_space<vmem>>, vector<1x16xf32>,
    %get3A_78 = vector.shape_cast %get3A_77 : vector<1x16xf32> to vector<16xf32>
    %get3A_79 = arith.constant 1 : i32
    %get3A_80 = arith.index_cast %get3A_79 : i32 to index
    %get3A_81 = arith.constant 112 : index
    %get3A_82 = tpu.vector_load %arg27[%get3A_80, %get3A_81] {strides = array<i32>} : memref<4x128xf32, #tpu.memory_space<vmem>>, vector<1x16xf32>,
    %get3A_83 = vector.shape_cast %get3A_82 : vector<1x16xf32> to vector<16xf32>
    %get3A_84 = arith.constant 2 : i32
    %get3A_85 = arith.index_cast %get3A_84 : i32 to index
    %get3A_86 = arith.constant 0 : index
    %get3A_87 = tpu.vector_load %arg27[%get3A_85, %get3A_86] {strides = array<i32>} : memref<4x128xf32, #tpu.memory_space<vmem>>, vector<1x16xf32>,
    %get3A_88 = vector.shape_cast %get3A_87 : vector<1x16xf32> to vector<16xf32>
    %get3A_89 = arith.constant 2 : i32
    %get3A_90 = arith.index_cast %get3A_89 : i32 to index
    %get3A_91 = arith.constant 16 : index
    %get3A_92 = tpu.vector_load %arg27[%get3A_90, %get3A_91] {strides = array<i32>} : memref<4x128xf32, #tpu.memory_space<vmem>>, vector<1x16xf32>,
    %get3A_93 = vector.shape_cast %get3A_92 : vector<1x16xf32> to vector<16xf32>
    %get3A_94 = arith.constant 2 : i32
    %get3A_95 = arith.index_cast %get3A_94 : i32 to index
    %get3A_96 = arith.constant 32 : index
    %get3A_97 = tpu.vector_load %arg27[%get3A_95, %get3A_96] {strides = array<i32>} : memref<4x128xf32, #tpu.memory_space<vmem>>, vector<1x16xf32>,
    %get3A_98 = vector.shape_cast %get3A_97 : vector<1x16xf32> to vector<16xf32>
    %get3A_99 = arith.constant 2 : i32
    %get3A_100 = arith.index_cast %get3A_99 : i32 to index
    %get3A_101 = arith.constant 48 : index
    %get3A_102 = tpu.vector_load %arg27[%get3A_100, %get3A_101] {strides = array<i32>} : memref<4x128xf32, #tpu.memory_space<vmem>>, vector<1x16xf32>,
    %get3A_103 = vector.shape_cast %get3A_102 : vector<1x16xf32> to vector<16xf32>
    %get3A_104 = arith.constant 2 : i32
    %get3A_105 = arith.index_cast %get3A_104 : i32 to index
    %get3A_106 = arith.constant 64 : index
    %get3A_107 = tpu.vector_load %arg27[%get3A_105, %get3A_106] {strides = array<i32>} : memref<4x128xf32, #tpu.memory_space<vmem>>, vector<1x16xf32>,
    %get3A_108 = vector.shape_cast %get3A_107 : vector<1x16xf32> to vector<16xf32>
    %get3A_109 = arith.constant 2 : i32
    %get3A_110 = arith.index_cast %get3A_109 : i32 to index
    %get3A_111 = arith.constant 80 : index
    %get3A_112 = tpu.vector_load %arg27[%get3A_110, %get3A_111] {strides = array<i32>} : memref<4x128xf32, #tpu.memory_space<vmem>>, vector<1x16xf32>,
    %get3A_113 = vector.shape_cast %get3A_112 : vector<1x16xf32> to vector<16xf32>
    %get3A_114 = arith.constant 2 : i32
    %get3A_115 = arith.index_cast %get3A_114 : i32 to index
    %get3A_116 = arith.constant 96 : index
    %get3A_117 = tpu.vector_load %arg27[%get3A_115, %get3A_116] {strides = array<i32>} : memref<4x128xf32, #tpu.memory_space<vmem>>, vector<1x16xf32>,
    %get3A_118 = vector.shape_cast %get3A_117 : vector<1x16xf32> to vector<16xf32>
    %get3A_119 = arith.constant 2 : i32
    %get3A_120 = arith.index_cast %get3A_119 : i32 to index
    %get3A_121 = arith.constant 112 : index
    %get3A_122 = tpu.vector_load %arg27[%get3A_120, %get3A_121] {strides = array<i32>} : memref<4x128xf32, #tpu.memory_space<vmem>>, vector<1x16xf32>,
    %get3A_123 = vector.shape_cast %get3A_122 : vector<1x16xf32> to vector<16xf32>
    %get3A_124 = arith.constant 3 : i32
    %get3A_125 = arith.index_cast %get3A_124 : i32 to index
    %get3A_126 = arith.constant 0 : index
    %get3A_127 = tpu.vector_load %arg27[%get3A_125, %get3A_126] {strides = array<i32>} : memref<4x128xf32, #tpu.memory_space<vmem>>, vector<1x16xf32>,
    %get3A_128 = vector.shape_cast %get3A_127 : vector<1x16xf32> to vector<16xf32>
    %get3A_129 = arith.constant 3 : i32
    %get3A_130 = arith.index_cast %get3A_129 : i32 to index
    %get3A_131 = arith.constant 16 : index
    %get3A_132 = tpu.vector_load %arg27[%get3A_130, %get3A_131] {strides = array<i32>} : memref<4x128xf32, #tpu.memory_space<vmem>>, vector<1x16xf32>,
    %get3A_133 = vector.shape_cast %get3A_132 : vector<1x16xf32> to vector<16xf32>
    %get3A_134 = arith.constant 3 : i32
    %get3A_135 = arith.index_cast %get3A_134 : i32 to index
    %get3A_136 = arith.constant 32 : index
    %get3A_137 = tpu.vector_load %arg27[%get3A_135, %get3A_136] {strides = array<i32>} : memref<4x128xf32, #tpu.memory_space<vmem>>, vector<1x16xf32>,
    %get3A_138 = vector.shape_cast %get3A_137 : vector<1x16xf32> to vector<16xf32>
    %get3A_139 = arith.constant 3 : i32
    %get3A_140 = arith.index_cast %get3A_139 : i32 to index
    %get3A_141 = arith.constant 48 : index
    %get3A_142 = tpu.vector_load %arg27[%get3A_140, %get3A_141] {strides = array<i32>} : memref<4x128xf32, #tpu.memory_space<vmem>>, vector<1x16xf32>,
    %get3A_143 = vector.shape_cast %get3A_142 : vector<1x16xf32> to vector<16xf32>
    %get3A_144 = arith.constant 3 : i32
    %get3A_145 = arith.index_cast %get3A_144 : i32 to index
    %get3A_146 = arith.constant 64 : index
    %get3A_147 = tpu.vector_load %arg27[%get3A_145, %get3A_146] {strides = array<i32>} : memref<4x128xf32, #tpu.memory_space<vmem>>, vector<1x16xf32>,
    %get3A_148 = vector.shape_cast %get3A_147 : vector<1x16xf32> to vector<16xf32>
    %get3A_149 = arith.constant 3 : i32
    %get3A_150 = arith.index_cast %get3A_149 : i32 to index
    %get3A_151 = arith.constant 80 : index
    %get3A_152 = tpu.vector_load %arg27[%get3A_150, %get3A_151] {strides = array<i32>} : memref<4x128xf32, #tpu.memory_space<vmem>>, vector<1x16xf32>,
    %get3A_153 = vector.shape_cast %get3A_152 : vector<1x16xf32> to vector<16xf32>
    %get3A_154 = arith.constant 3 : i32
    %get3A_155 = arith.index_cast %get3A_154 : i32 to index
    %get3A_156 = arith.constant 96 : index
    %get3A_157 = tpu.vector_load %arg27[%get3A_155, %get3A_156] {strides = array<i32>} : memref<4x128xf32, #tpu.memory_space<vmem>>, vector<1x16xf32>,
    %get3A_158 = vector.shape_cast %get3A_157 : vector<1x16xf32> to vector<16xf32>
    %get3A_159 = arith.constant 3 : i32
    %get3A_160 = arith.index_cast %get3A_159 : i32 to index
    %get3A_161 = arith.constant 112 : index
    %get3A_162 = tpu.vector_load %arg27[%get3A_160, %get3A_161] {strides = array<i32>} : memref<4x128xf32, #tpu.memory_space<vmem>>, vector<1x16xf32>,
    %get3A_163 = vector.shape_cast %get3A_162 : vector<1x16xf32> to vector<16xf32>
    %mul3A_164 = arith.constant 10000 : i32
    %mul3A_165 = arith.muli %add3A, %mul3A_164 : i32
    %add3A_166 = arith.constant 0 : i32
    %add3A_167 = arith.addi %mul3A_165, %add3A_166 : i32
    "tpu.region"() ({
      %run_scoped3A = tpu.sem_alloc : memref<!tpu.dma_semaphore, #tpu.memory_space<semaphore_mem>>
      %dma_start3A_192 = tpu.memref_slice %arg5[%add3A_167] : memref<320000xi32, #tpu.memory_space<hbm>> -> memref<40xi32, #tpu.memory_space<hbm>>
      %dma_start3A_193 = tpu.memref_slice %arg5[%add3A_167] : memref<320000xi32, #tpu.memory_space<hbm>> -> memref<40xi32, #tpu.memory_space<hbm>>
      tpu.enqueue_dma source(%dma_start3A_193 : memref<40xi32, #tpu.memory_space<hbm>>) target(%arg11 : memref<40xi32, #tpu.memory_space<vmem>>) target_semaphore(%run_scoped3A : memref<!tpu.dma_semaphore, #tpu.memory_space<semaphore_mem>>)
      %dma_wait3A_194 = tpu.memref_slice %arg5[%add3A_167] : memref<320000xi32, #tpu.memory_space<hbm>> -> memref<40xi32, #tpu.memory_space<hbm>>
      %dma_wait3A_195 = tpu.memref_slice %arg5[%add3A_167] : memref<320000xi32, #tpu.memory_space<hbm>> -> memref<40xi32, #tpu.memory_space<hbm>>
      tpu.wait_dma2 semaphore(%run_scoped3A : memref<!tpu.dma_semaphore, #tpu.memory_space<semaphore_mem>>) src(%dma_wait3A_195 : memref<40xi32, #tpu.memory_space<hbm>>) dst(%arg11 : memref<40xi32, #tpu.memory_space<vmem>>)
      tpu.yield
    }) : () -> ()
    "tpu.region"() ({
      %run_scoped3A = tpu.sem_alloc : memref<!tpu.dma_semaphore, #tpu.memory_space<semaphore_mem>>
      %dma_start3A_192 = tpu.memref_slice %arg6[%add3A_167] : memref<320000xi32, #tpu.memory_space<hbm>> -> memref<40xi32, #tpu.memory_space<hbm>>
      %dma_start3A_193 = tpu.memref_slice %arg6[%add3A_167] : memref<320000xi32, #tpu.memory_space<hbm>> -> memref<40xi32, #tpu.memory_space<hbm>>
      tpu.enqueue_dma source(%dma_start3A_193 : memref<40xi32, #tpu.memory_space<hbm>>) target(%arg12 : memref<40xi32, #tpu.memory_space<vmem>>) target_semaphore(%run_scoped3A : memref<!tpu.dma_semaphore, #tpu.memory_space<semaphore_mem>>)
      %dma_wait3A_194 = tpu.memref_slice %arg6[%add3A_167] : memref<320000xi32, #tpu.memory_space<hbm>> -> memref<40xi32, #tpu.memory_space<hbm>>
      %dma_wait3A_195 = tpu.memref_slice %arg6[%add3A_167] : memref<320000xi32, #tpu.memory_space<hbm>> -> memref<40xi32, #tpu.memory_space<hbm>>
      tpu.wait_dma2 semaphore(%run_scoped3A : memref<!tpu.dma_semaphore, #tpu.memory_space<semaphore_mem>>) src(%dma_wait3A_195 : memref<40xi32, #tpu.memory_space<hbm>>) dst(%arg12 : memref<40xi32, #tpu.memory_space<vmem>>)
      tpu.yield
    }) : () -> ()
    "tpu.region"() ({
      %run_scoped3A = tpu.sem_alloc : memref<!tpu.dma_semaphore, #tpu.memory_space<semaphore_mem>>
      %dma_start3A_192 = arith.constant 0 : i32
      %dma_start3A_193 = tpu.memref_slice %arg7[%add3A_167, %dma_start3A_192] : memref<320000x16xf32, #tpu.memory_space<hbm>> -> memref<40x16xf32, #tpu.memory_space<hbm>>
      %dma_start3A_194 = arith.constant 0 : i32
      %dma_start3A_195 = tpu.memref_slice %arg7[%add3A_167, %dma_start3A_194] : memref<320000x16xf32, #tpu.memory_space<hbm>> -> memref<40x16xf32, #tpu.memory_space<hbm>>
      tpu.enqueue_dma source(%dma_start3A_195 : memref<40x16xf32, #tpu.memory_space<hbm>>) target(%arg13 : memref<40x16xf32, #tpu.memory_space<vmem>>) target_semaphore(%run_scoped3A : memref<!tpu.dma_semaphore, #tpu.memory_space<semaphore_mem>>)
      %dma_wait3A_196 = arith.constant 0 : i32
      %dma_wait3A_197 = tpu.memref_slice %arg7[%add3A_167, %dma_wait3A_196] : memref<320000x16xf32, #tpu.memory_space<hbm>> -> memref<40x16xf32, #tpu.memory_space<hbm>>
      %dma_wait3A_198 = arith.constant 0 : i32
      %dma_wait3A_199 = tpu.memref_slice %arg7[%add3A_167, %dma_wait3A_198] : memref<320000x16xf32, #tpu.memory_space<hbm>> -> memref<40x16xf32, #tpu.memory_space<hbm>>
      tpu.wait_dma2 semaphore(%run_scoped3A : memref<!tpu.dma_semaphore, #tpu.memory_space<semaphore_mem>>) src(%dma_wait3A_199 : memref<40x16xf32, #tpu.memory_space<hbm>>) dst(%arg13 : memref<40x16xf32, #tpu.memory_space<vmem>>)
      tpu.yield
    }) : () -> ()
    %dma_start3A = arith.constant 0 : i32
    %dma_start3A_168 = arith.constant 0 : i32
    %dma_start3A_169 = tpu.memref_slice %arg2[%dma_start3A, %dma_start3A_168] : memref<10000x128xf32, #tpu.memory_space<hbm>> -> memref<10000x128xf32, #tpu.memory_space<hbm>>
    tpu.enqueue_indirect_dma source(%dma_start3A_169 : memref<10000x128xf32, #tpu.memory_space<hbm>>) target(%arg14 : memref<40x128xf32, #tpu.memory_space<vmem>>) offsets(%arg12 : memref<40xi32, #tpu.memory_space<vmem>>) semaphore(%arg16 : memref<!tpu.dma_semaphore, #tpu.memory_space<semaphore_mem>>)
    %dma_start3A_170 = arith.constant 0 : i32
    %dma_start3A_171 = arith.constant 0 : i32
    %dma_start3A_172 = tpu.memref_slice %arg4[%dma_start3A_170, %dma_start3A_171] : memref<10000x128xf32, #tpu.memory_space<hbm>> -> memref<10000x128xf32, #tpu.memory_space<hbm>>
    tpu.enqueue_indirect_dma source(%dma_start3A_172 : memref<10000x128xf32, #tpu.memory_space<hbm>>) target(%arg15 : memref<40x128xf32, #tpu.memory_space<vmem>>) offsets(%arg11 : memref<40xi32, #tpu.memory_space<vmem>>) semaphore(%arg18 : memref<!tpu.dma_semaphore, #tpu.memory_space<semaphore_mem>>)
    %dma_wait3A = arith.constant 0 : i32
    %dma_wait3A_173 = arith.constant 0 : i32
    %dma_wait3A_174 = tpu.memref_slice %arg2[%dma_wait3A, %dma_wait3A_173] : memref<10000x128xf32, #tpu.memory_space<hbm>> -> memref<10000x128xf32, #tpu.memory_space<hbm>>
    tpu.wait_indirect_dma semaphore(%arg16 : memref<!tpu.dma_semaphore, #tpu.memory_space<semaphore_mem>>) src(%dma_wait3A_174 : memref<10000x128xf32, #tpu.memory_space<hbm>>) dst(%arg14 : memref<40x128xf32, #tpu.memory_space<vmem>>)
    %dma_start3A_175 = arith.constant 0 : i32
    %dma_start3A_176 = arith.constant 0 : i32
    %dma_start3A_177 = tpu.memref_slice %arg3[%dma_start3A_175, %dma_start3A_176] : memref<10000x128xf32, #tpu.memory_space<hbm>> -> memref<10000x128xf32, #tpu.memory_space<hbm>>
    tpu.enqueue_indirect_dma source(%dma_start3A_177 : memref<10000x128xf32, #tpu.memory_space<hbm>>) target(%arg14 : memref<40x128xf32, #tpu.memory_space<vmem>>) offsets(%arg11 : memref<40xi32, #tpu.memory_space<vmem>>) semaphore(%arg17 : memref<!tpu.dma_semaphore, #tpu.memory_space<semaphore_mem>>) {add = true}
    %scan3A = arith.constant 0 : i32
    %scan3A_178 = arith.constant 0 : i32
    %scan3A_179 = arith.constant 125 : i32
    %scan3A_180 = arith.addi %scan3A_178, %scan3A_179 : i32
    %scan3A_181 = arith.constant 1 : i32
    scf.for %scan3A_192 = %scan3A_178 to %scan3A_180 step %scan3A_181  : i32 {
      %mul3A_193 = arith.constant 2 : i32
      %mul3A_194 = arith.muli %scan3A_192, %mul3A_193 : i32
      %add3A_195 = arith.constant 0 : i32
      %add3A_196 = arith.addi %mul3A_194, %add3A_195 : i32
      %add3A_197 = arith.constant 1 : i32
      %add3A_198 = arith.addi %add3A_196, %add3A_197 : i32
      %lt3A = arith.constant 250 : i32
      %lt3A_199 = arith.cmpi slt, %add3A_198, %lt3A : i32
      %convert_element_type3A_200 = arith.extui %lt3A_199 : i1 to i32
      %cond3A_201 = arith.constant 0 : i32
      %cond3A_202 = arith.cmpi ne, %convert_element_type3A_200, %cond3A_201 : i32
      scf.if %cond3A_202 {
        %add3A_252 = arith.constant 1 : i32
        %add3A_253 = arith.addi %add3A_196, %add3A_252 : i32
        %mul3A_254 = arith.constant 40 : i32
        %mul3A_255 = arith.muli %add3A_253, %mul3A_254 : i32
        %add3A_256 = arith.addi %mul3A_165, %mul3A_255 : i32
        "tpu.region"() ({
          %run_scoped3A = tpu.sem_alloc : memref<!tpu.dma_semaphore, #tpu.memory_space<semaphore_mem>>
          %dma_start3A_263 = tpu.memref_slice %arg5[%add3A_256] : memref<320000xi32, #tpu.memory_space<hbm>> -> memref<40xi32, #tpu.memory_space<hbm>>
          %dma_start3A_264 = tpu.memref_slice %arg5[%add3A_256] : memref<320000xi32, #tpu.memory_space<hbm>> -> memref<40xi32, #tpu.memory_space<hbm>>
          tpu.enqueue_dma source(%dma_start3A_264 : memref<40xi32, #tpu.memory_space<hbm>>) target(%arg19 : memref<40xi32, #tpu.memory_space<vmem>>) target_semaphore(%run_scoped3A : memref<!tpu.dma_semaphore, #tpu.memory_space<semaphore_mem>>)
          %dma_wait3A_265 = tpu.memref_slice %arg5[%add3A_256] : memref<320000xi32, #tpu.memory_space<hbm>> -> memref<40xi32, #tpu.memory_space<hbm>>
          %dma_wait3A_266 = tpu.memref_slice %arg5[%add3A_256] : memref<320000xi32, #tpu.memory_space<hbm>> -> memref<40xi32, #tpu.memory_space<hbm>>
          tpu.wait_dma2 semaphore(%run_scoped3A : memref<!tpu.dma_semaphore, #tpu.memory_space<semaphore_mem>>) src(%dma_wait3A_266 : memref<40xi32, #tpu.memory_space<hbm>>) dst(%arg19 : memref<40xi32, #tpu.memory_space<vmem>>)
          tpu.yield
        }) : () -> ()
        "tpu.region"() ({
          %run_scoped3A = tpu.sem_alloc : memref<!tpu.dma_semaphore, #tpu.memory_space<semaphore_mem>>
          %dma_start3A_263 = tpu.memref_slice %arg6[%add3A_256] : memref<320000xi32, #tpu.memory_space<hbm>> -> memref<40xi32, #tpu.memory_space<hbm>>
          %dma_start3A_264 = tpu.memref_slice %arg6[%add3A_256] : memref<320000xi32, #tpu.memory_space<hbm>> -> memref<40xi32, #tpu.memory_space<hbm>>
          tpu.enqueue_dma source(%dma_start3A_264 : memref<40xi32, #tpu.memory_space<hbm>>) target(%arg20 : memref<40xi32, #tpu.memory_space<vmem>>) target_semaphore(%run_scoped3A : memref<!tpu.dma_semaphore, #tpu.memory_space<semaphore_mem>>)
          %dma_wait3A_265 = tpu.memref_slice %arg6[%add3A_256] : memref<320000xi32, #tpu.memory_space<hbm>> -> memref<40xi32, #tpu.memory_space<hbm>>
          %dma_wait3A_266 = tpu.memref_slice %arg6[%add3A_256] : memref<320000xi32, #tpu.memory_space<hbm>> -> memref<40xi32, #tpu.memory_space<hbm>>
          tpu.wait_dma2 semaphore(%run_scoped3A : memref<!tpu.dma_semaphore, #tpu.memory_space<semaphore_mem>>) src(%dma_wait3A_266 : memref<40xi32, #tpu.memory_space<hbm>>) dst(%arg20 : memref<40xi32, #tpu.memory_space<vmem>>)
          tpu.yield
        }) : () -> ()
        "tpu.region"() ({
          %run_scoped3A = tpu.sem_alloc : memref<!tpu.dma_semaphore, #tpu.memory_space<semaphore_mem>>
          %dma_start3A_263 = arith.constant 0 : i32
          %dma_start3A_264 = tpu.memref_slice %arg7[%add3A_256, %dma_start3A_263] : memref<320000x16xf32, #tpu.memory_space<hbm>> -> memref<40x16xf32, #tpu.memory_space<hbm>>
          %dma_start3A_265 = arith.constant 0 : i32
          %dma_start3A_266 = tpu.memref_slice %arg7[%add3A_256, %dma_start3A_265] : memref<320000x16xf32, #tpu.memory_space<hbm>> -> memref<40x16xf32, #tpu.memory_space<hbm>>
          tpu.enqueue_dma source(%dma_start3A_266 : memref<40x16xf32, #tpu.memory_space<hbm>>) target(%arg21 : memref<40x16xf32, #tpu.memory_space<vmem>>) target_semaphore(%run_scoped3A : memref<!tpu.dma_semaphore, #tpu.memory_space<semaphore_mem>>)
          %dma_wait3A_267 = arith.constant 0 : i32
          %dma_wait3A_268 = tpu.memref_slice %arg7[%add3A_256, %dma_wait3A_267] : memref<320000x16xf32, #tpu.memory_space<hbm>> -> memref<40x16xf32, #tpu.memory_space<hbm>>
          %dma_wait3A_269 = arith.constant 0 : i32
          %dma_wait3A_270 = tpu.memref_slice %arg7[%add3A_256, %dma_wait3A_269] : memref<320000x16xf32, #tpu.memory_space<hbm>> -> memref<40x16xf32, #tpu.memory_space<hbm>>
          tpu.wait_dma2 semaphore(%run_scoped3A : memref<!tpu.dma_semaphore, #tpu.memory_space<semaphore_mem>>) src(%dma_wait3A_270 : memref<40x16xf32, #tpu.memory_space<hbm>>) dst(%arg21 : memref<40x16xf32, #tpu.memory_space<vmem>>)
          tpu.yield
        }) : () -> ()
        %dma_start3A_257 = arith.constant 0 : i32
        %dma_start3A_258 = arith.constant 0 : i32
        %dma_start3A_259 = tpu.memref_slice %arg2[%dma_start3A_257, %dma_start3A_258] : memref<10000x128xf32, #tpu.memory_space<hbm>> -> memref<10000x128xf32, #tpu.memory_space<hbm>>
        tpu.enqueue_indirect_dma source(%dma_start3A_259 : memref<10000x128xf32, #tpu.memory_space<hbm>>) target(%arg22 : memref<40x128xf32, #tpu.memory_space<vmem>>) offsets(%arg20 : memref<40xi32, #tpu.memory_space<vmem>>) semaphore(%arg24 : memref<!tpu.dma_semaphore, #tpu.memory_space<semaphore_mem>>)
        %dma_start3A_260 = arith.constant 0 : i32
        %dma_start3A_261 = arith.constant 0 : i32
        %dma_start3A_262 = tpu.memref_slice %arg4[%dma_start3A_260, %dma_start3A_261] : memref<10000x128xf32, #tpu.memory_space<hbm>> -> memref<10000x128xf32, #tpu.memory_space<hbm>>
        tpu.enqueue_indirect_dma source(%dma_start3A_262 : memref<10000x128xf32, #tpu.memory_space<hbm>>) target(%arg23 : memref<40x128xf32, #tpu.memory_space<vmem>>) offsets(%arg19 : memref<40xi32, #tpu.memory_space<vmem>>) semaphore(%arg26 : memref<!tpu.dma_semaphore, #tpu.memory_space<semaphore_mem>>)
      } else {
      }
      %dma_wait3A_203 = arith.constant 0 : i32
      %dma_wait3A_204 = arith.constant 0 : i32
      %dma_wait3A_205 = tpu.memref_slice %arg3[%dma_wait3A_203, %dma_wait3A_204] : memref<10000x128xf32, #tpu.memory_space<hbm>> -> memref<10000x128xf32, #tpu.memory_space<hbm>>
      tpu.wait_indirect_dma semaphore(%arg17 : memref<!tpu.dma_semaphore, #tpu.memory_space<semaphore_mem>>) src(%dma_wait3A_205 : memref<10000x128xf32, #tpu.memory_space<hbm>>) dst(%arg14 : memref<40x128xf32, #tpu.memory_space<vmem>>)
      %dma_wait3A_206 = arith.constant 0 : i32
      %dma_wait3A_207 = arith.constant 0 : i32
      %dma_wait3A_208 = tpu.memref_slice %arg4[%dma_wait3A_206, %dma_wait3A_207] : memref<10000x128xf32, #tpu.memory_space<hbm>> -> memref<10000x128xf32, #tpu.memory_space<hbm>>
      tpu.wait_indirect_dma semaphore(%arg18 : memref<!tpu.dma_semaphore, #tpu.memory_space<semaphore_mem>>) src(%dma_wait3A_208 : memref<10000x128xf32, #tpu.memory_space<hbm>>) dst(%arg15 : memref<40x128xf32, #tpu.memory_space<vmem>>)
      %scan3A_209 = arith.constant 0 : i32
      %scan3A_210 = arith.constant 0 : i32
      %scan3A_211 = arith.constant 40 : i32
      %scan3A_212 = arith.addi %scan3A_210, %scan3A_211 : i32
      %scan3A_213 = arith.constant 1 : i32
      scf.for %scan3A_252 = %scan3A_210 to %scan3A_212 step %scan3A_213  : i32 {
        %get3A_253 = arith.index_cast %scan3A_252 : i32 to index
        %get3A_254 = arith.constant 0 : index
        %get3A_255 = tpu.vector_load %arg13[%get3A_253, %get3A_254] {strides = array<i32>} : memref<40x16xf32, #tpu.memory_space<vmem>>, vector<1x16xf32>,
        %get3A_256 = vector.shape_cast %get3A_255 : vector<1x16xf32> to vector<16xf32>
        %slice3A = vector.extract_strided_slice %get3A_256 {offsets = [0], sizes = [1], strides = [1]} : vector<16xf32> to vector<1xf32>
        %squeeze3A = vector.extract %slice3A[0] : f32 from vector<1xf32>
        %slice3A_257 = vector.extract_strided_slice %get3A_256 {offsets = [1], sizes = [1], strides = [1]} : vector<16xf32> to vector<1xf32>
        %squeeze3A_258 = vector.extract %slice3A_257[0] : f32 from vector<1xf32>
        %slice3A_259 = vector.extract_strided_slice %get3A_256 {offsets = [2], sizes = [1], strides = [1]} : vector<16xf32> to vector<1xf32>
        %squeeze3A_260 = vector.extract %slice3A_259[0] : f32 from vector<1xf32>
        %slice3A_261 = vector.extract_strided_slice %get3A_256 {offsets = [3], sizes = [1], strides = [1]} : vector<16xf32> to vector<1xf32>
        %squeeze3A_262 = vector.extract %slice3A_261[0] : f32 from vector<1xf32>
        %mul3A_263 = vector.broadcast %squeeze3A : f32 to vector<16xf32>
        %mul3A_264 = arith.mulf %mul3A_263, %get3A_8 : vector<16xf32>
        %mul3A_265 = vector.broadcast %squeeze3A_258 : f32 to vector<16xf32>
        %mul3A_266 = arith.mulf %mul3A_265, %get3A_48 : vector<16xf32>
        %add3A_267 = arith.addf %mul3A_264, %mul3A_266 : vector<16xf32>
        %mul3A_268 = vector.broadcast %squeeze3A_260 : f32 to vector<16xf32>
        %mul3A_269 = arith.mulf %mul3A_268, %get3A_88 : vector<16xf32>
        %mul3A_270 = vector.broadcast %squeeze3A_262 : f32 to vector<16xf32>
        %mul3A_271 = arith.mulf %mul3A_270, %get3A_128 : vector<16xf32>
        %add3A_272 = arith.addf %mul3A_269, %mul3A_271 : vector<16xf32>
        %add3A_273 = arith.addf %add3A_267, %add3A_272 : vector<16xf32>
        %get3A_274 = arith.index_cast %scan3A_252 : i32 to index
        %get3A_275 = arith.constant 0 : index
        %get3A_276 = tpu.vector_load %arg14[%get3A_274, %get3A_275] {strides = array<i32>} : memref<40x128xf32, #tpu.memory_space<vmem>>, vector<1x16xf32>,
        %get3A_277 = vector.shape_cast %get3A_276 : vector<1x16xf32> to vector<16xf32>
        %add3A_278 = arith.addf %add3A_273, %get3A_277 : vector<16xf32>
        %mul3A_279 = vector.broadcast %squeeze3A : f32 to vector<16xf32>
        %mul3A_280 = arith.mulf %mul3A_279, %get3A_13 : vector<16xf32>
        %mul3A_281 = vector.broadcast %squeeze3A_258 : f32 to vector<16xf32>
        %mul3A_282 = arith.mulf %mul3A_281, %get3A_53 : vector<16xf32>
        %add3A_283 = arith.addf %mul3A_280, %mul3A_282 : vector<16xf32>
        %mul3A_284 = vector.broadcast %squeeze3A_260 : f32 to vector<16xf32>
        %mul3A_285 = arith.mulf %mul3A_284, %get3A_93 : vector<16xf32>
        %mul3A_286 = vector.broadcast %squeeze3A_262 : f32 to vector<16xf32>
        %mul3A_287 = arith.mulf %mul3A_286, %get3A_133 : vector<16xf32>
        %add3A_288 = arith.addf %mul3A_285, %mul3A_287 : vector<16xf32>
        %add3A_289 = arith.addf %add3A_283, %add3A_288 : vector<16xf32>
        %get3A_290 = arith.index_cast %scan3A_252 : i32 to index
        %get3A_291 = arith.constant 16 : index
        %get3A_292 = tpu.vector_load %arg14[%get3A_290, %get3A_291] {strides = array<i32>} : memref<40x128xf32, #tpu.memory_space<vmem>>, vector<1x16xf32>,
        %get3A_293 = vector.shape_cast %get3A_292 : vector<1x16xf32> to vector<16xf32>
        %add3A_294 = arith.addf %add3A_289, %get3A_293 : vector<16xf32>
        %mul3A_295 = vector.broadcast %squeeze3A : f32 to vector<16xf32>
        %mul3A_296 = arith.mulf %mul3A_295, %get3A_18 : vector<16xf32>
        %mul3A_297 = vector.broadcast %squeeze3A_258 : f32 to vector<16xf32>
        %mul3A_298 = arith.mulf %mul3A_297, %get3A_58 : vector<16xf32>
        %add3A_299 = arith.addf %mul3A_296, %mul3A_298 : vector<16xf32>
        %mul3A_300 = vector.broadcast %squeeze3A_260 : f32 to vector<16xf32>
        %mul3A_301 = arith.mulf %mul3A_300, %get3A_98 : vector<16xf32>
        %mul3A_302 = vector.broadcast %squeeze3A_262 : f32 to vector<16xf32>
        %mul3A_303 = arith.mulf %mul3A_302, %get3A_138 : vector<16xf32>
        %add3A_304 = arith.addf %mul3A_301, %mul3A_303 : vector<16xf32>
        %add3A_305 = arith.addf %add3A_299, %add3A_304 : vector<16xf32>
        %get3A_306 = arith.index_cast %scan3A_252 : i32 to index
        %get3A_307 = arith.constant 32 : index
        %get3A_308 = tpu.vector_load %arg14[%get3A_306, %get3A_307] {strides = array<i32>} : memref<40x128xf32, #tpu.memory_space<vmem>>, vector<1x16xf32>,
        %get3A_309 = vector.shape_cast %get3A_308 : vector<1x16xf32> to vector<16xf32>
        %add3A_310 = arith.addf %add3A_305, %get3A_309 : vector<16xf32>
        %mul3A_311 = vector.broadcast %squeeze3A : f32 to vector<16xf32>
        %mul3A_312 = arith.mulf %mul3A_311, %get3A_23 : vector<16xf32>
        %mul3A_313 = vector.broadcast %squeeze3A_258 : f32 to vector<16xf32>
        %mul3A_314 = arith.mulf %mul3A_313, %get3A_63 : vector<16xf32>
        %add3A_315 = arith.addf %mul3A_312, %mul3A_314 : vector<16xf32>
        %mul3A_316 = vector.broadcast %squeeze3A_260 : f32 to vector<16xf32>
        %mul3A_317 = arith.mulf %mul3A_316, %get3A_103 : vector<16xf32>
        %mul3A_318 = vector.broadcast %squeeze3A_262 : f32 to vector<16xf32>
        %mul3A_319 = arith.mulf %mul3A_318, %get3A_143 : vector<16xf32>
        %add3A_320 = arith.addf %mul3A_317, %mul3A_319 : vector<16xf32>
        %add3A_321 = arith.addf %add3A_315, %add3A_320 : vector<16xf32>
        %get3A_322 = arith.index_cast %scan3A_252 : i32 to index
        %get3A_323 = arith.constant 48 : index
        %get3A_324 = tpu.vector_load %arg14[%get3A_322, %get3A_323] {strides = array<i32>} : memref<40x128xf32, #tpu.memory_space<vmem>>, vector<1x16xf32>,
        %get3A_325 = vector.shape_cast %get3A_324 : vector<1x16xf32> to vector<16xf32>
        %add3A_326 = arith.addf %add3A_321, %get3A_325 : vector<16xf32>
        %mul3A_327 = vector.broadcast %squeeze3A : f32 to vector<16xf32>
        %mul3A_328 = arith.mulf %mul3A_327, %get3A_28 : vector<16xf32>
        %mul3A_329 = vector.broadcast %squeeze3A_258 : f32 to vector<16xf32>
        %mul3A_330 = arith.mulf %mul3A_329, %get3A_68 : vector<16xf32>
        %add3A_331 = arith.addf %mul3A_328, %mul3A_330 : vector<16xf32>
        %mul3A_332 = vector.broadcast %squeeze3A_260 : f32 to vector<16xf32>
        %mul3A_333 = arith.mulf %mul3A_332, %get3A_108 : vector<16xf32>
        %mul3A_334 = vector.broadcast %squeeze3A_262 : f32 to vector<16xf32>
        %mul3A_335 = arith.mulf %mul3A_334, %get3A_148 : vector<16xf32>
        %add3A_336 = arith.addf %mul3A_333, %mul3A_335 : vector<16xf32>
        %add3A_337 = arith.addf %add3A_331, %add3A_336 : vector<16xf32>
        %get3A_338 = arith.index_cast %scan3A_252 : i32 to index
        %get3A_339 = arith.constant 64 : index
        %get3A_340 = tpu.vector_load %arg14[%get3A_338, %get3A_339] {strides = array<i32>} : memref<40x128xf32, #tpu.memory_space<vmem>>, vector<1x16xf32>,
        %get3A_341 = vector.shape_cast %get3A_340 : vector<1x16xf32> to vector<16xf32>
        %add3A_342 = arith.addf %add3A_337, %get3A_341 : vector<16xf32>
        %mul3A_343 = vector.broadcast %squeeze3A : f32 to vector<16xf32>
        %mul3A_344 = arith.mulf %mul3A_343, %get3A_33 : vector<16xf32>
        %mul3A_345 = vector.broadcast %squeeze3A_258 : f32 to vector<16xf32>
        %mul3A_346 = arith.mulf %mul3A_345, %get3A_73 : vector<16xf32>
        %add3A_347 = arith.addf %mul3A_344, %mul3A_346 : vector<16xf32>
        %mul3A_348 = vector.broadcast %squeeze3A_260 : f32 to vector<16xf32>
        %mul3A_349 = arith.mulf %mul3A_348, %get3A_113 : vector<16xf32>
        %mul3A_350 = vector.broadcast %squeeze3A_262 : f32 to vector<16xf32>
        %mul3A_351 = arith.mulf %mul3A_350, %get3A_153 : vector<16xf32>
        %add3A_352 = arith.addf %mul3A_349, %mul3A_351 : vector<16xf32>
        %add3A_353 = arith.addf %add3A_347, %add3A_352 : vector<16xf32>
        %get3A_354 = arith.index_cast %scan3A_252 : i32 to index
        %get3A_355 = arith.constant 80 : index
        %get3A_356 = tpu.vector_load %arg14[%get3A_354, %get3A_355] {strides = array<i32>} : memref<40x128xf32, #tpu.memory_space<vmem>>, vector<1x16xf32>,
        %get3A_357 = vector.shape_cast %get3A_356 : vector<1x16xf32> to vector<16xf32>
        %add3A_358 = arith.addf %add3A_353, %get3A_357 : vector<16xf32>
        %mul3A_359 = vector.broadcast %squeeze3A : f32 to vector<16xf32>
        %mul3A_360 = arith.mulf %mul3A_359, %get3A_38 : vector<16xf32>
        %mul3A_361 = vector.broadcast %squeeze3A_258 : f32 to vector<16xf32>
        %mul3A_362 = arith.mulf %mul3A_361, %get3A_78 : vector<16xf32>
        %add3A_363 = arith.addf %mul3A_360, %mul3A_362 : vector<16xf32>
        %mul3A_364 = vector.broadcast %squeeze3A_260 : f32 to vector<16xf32>
        %mul3A_365 = arith.mulf %mul3A_364, %get3A_118 : vector<16xf32>
        %mul3A_366 = vector.broadcast %squeeze3A_262 : f32 to vector<16xf32>
        %mul3A_367 = arith.mulf %mul3A_366, %get3A_158 : vector<16xf32>
        %add3A_368 = arith.addf %mul3A_365, %mul3A_367 : vector<16xf32>
        %add3A_369 = arith.addf %add3A_363, %add3A_368 : vector<16xf32>
        %get3A_370 = arith.index_cast %scan3A_252 : i32 to index
        %get3A_371 = arith.constant 96 : index
        %get3A_372 = tpu.vector_load %arg14[%get3A_370, %get3A_371] {strides = array<i32>} : memref<40x128xf32, #tpu.memory_space<vmem>>, vector<1x16xf32>,
        %get3A_373 = vector.shape_cast %get3A_372 : vector<1x16xf32> to vector<16xf32>
        %add3A_374 = arith.addf %add3A_369, %get3A_373 : vector<16xf32>
        %mul3A_375 = vector.broadcast %squeeze3A : f32 to vector<16xf32>
        %mul3A_376 = arith.mulf %mul3A_375, %get3A_43 : vector<16xf32>
        %mul3A_377 = vector.broadcast %squeeze3A_258 : f32 to vector<16xf32>
        %mul3A_378 = arith.mulf %mul3A_377, %get3A_83 : vector<16xf32>
        %add3A_379 = arith.addf %mul3A_376, %mul3A_378 : vector<16xf32>
        %mul3A_380 = vector.broadcast %squeeze3A_260 : f32 to vector<16xf32>
        %mul3A_381 = arith.mulf %mul3A_380, %get3A_123 : vector<16xf32>
        %mul3A_382 = vector.broadcast %squeeze3A_262 : f32 to vector<16xf32>
        %mul3A_383 = arith.mulf %mul3A_382, %get3A_163 : vector<16xf32>
        %add3A_384 = arith.addf %mul3A_381, %mul3A_383 : vector<16xf32>
        %add3A_385 = arith.addf %add3A_379, %add3A_384 : vector<16xf32>
        %get3A_386 = arith.index_cast %scan3A_252 : i32 to index
        %get3A_387 = arith.constant 112 : index
        %get3A_388 = tpu.vector_load %arg14[%get3A_386, %get3A_387] {strides = array<i32>} : memref<40x128xf32, #tpu.memory_space<vmem>>, vector<1x16xf32>,
        %get3A_389 = vector.shape_cast %get3A_388 : vector<1x16xf32> to vector<16xf32>
        %add3A_390 = arith.addf %add3A_385, %get3A_389 : vector<16xf32>
        %exp3A = math.exp %add3A_278 : vector<16xf32>
        %exp3A_391 = math.exp %add3A_294 : vector<16xf32>
        %exp3A_392 = math.exp %add3A_310 : vector<16xf32>
        %exp3A_393 = math.exp %add3A_326 : vector<16xf32>
        %exp3A_394 = math.exp %add3A_342 : vector<16xf32>
        %exp3A_395 = math.exp %add3A_358 : vector<16xf32>
        %exp3A_396 = math.exp %add3A_374 : vector<16xf32>
        %exp3A_397 = math.exp %add3A_390 : vector<16xf32>
        %add3A_398 = arith.constant 1.000000e+00 : f32
        %add3A_399 = vector.broadcast %add3A_398 : f32 to vector<16xf32>
        %add3A_400 = arith.addf %add3A_399, %exp3A : vector<16xf32>
        %div3A = arith.constant 1.000000e+00 : f32
        %div3A_401 = vector.broadcast %div3A : f32 to vector<16xf32>
        %div3A_402 = arith.divf %div3A_401, %add3A_400 : vector<16xf32>
        %add3A_403 = arith.constant 1.000000e+00 : f32
        %add3A_404 = vector.broadcast %add3A_403 : f32 to vector<16xf32>
        %add3A_405 = arith.addf %add3A_404, %exp3A_391 : vector<16xf32>
        %div3A_406 = arith.constant 1.000000e+00 : f32
        %div3A_407 = vector.broadcast %div3A_406 : f32 to vector<16xf32>
        %div3A_408 = arith.divf %div3A_407, %add3A_405 : vector<16xf32>
        %add3A_409 = arith.constant 1.000000e+00 : f32
        %add3A_410 = vector.broadcast %add3A_409 : f32 to vector<16xf32>
        %add3A_411 = arith.addf %add3A_410, %exp3A_392 : vector<16xf32>
        %div3A_412 = arith.constant 1.000000e+00 : f32
        %div3A_413 = vector.broadcast %div3A_412 : f32 to vector<16xf32>
        %div3A_414 = arith.divf %div3A_413, %add3A_411 : vector<16xf32>
        %add3A_415 = arith.constant 1.000000e+00 : f32
        %add3A_416 = vector.broadcast %add3A_415 : f32 to vector<16xf32>
        %add3A_417 = arith.addf %add3A_416, %exp3A_393 : vector<16xf32>
        %div3A_418 = arith.constant 1.000000e+00 : f32
        %div3A_419 = vector.broadcast %div3A_418 : f32 to vector<16xf32>
        %div3A_420 = arith.divf %div3A_419, %add3A_417 : vector<16xf32>
        %add3A_421 = arith.constant 1.000000e+00 : f32
        %add3A_422 = vector.broadcast %add3A_421 : f32 to vector<16xf32>
        %add3A_423 = arith.addf %add3A_422, %exp3A_394 : vector<16xf32>
        %div3A_424 = arith.constant 1.000000e+00 : f32
        %div3A_425 = vector.broadcast %div3A_424 : f32 to vector<16xf32>
        %div3A_426 = arith.divf %div3A_425, %add3A_423 : vector<16xf32>
        %add3A_427 = arith.constant 1.000000e+00 : f32
        %add3A_428 = vector.broadcast %add3A_427 : f32 to vector<16xf32>
        %add3A_429 = arith.addf %add3A_428, %exp3A_395 : vector<16xf32>
        %div3A_430 = arith.constant 1.000000e+00 : f32
        %div3A_431 = vector.broadcast %div3A_430 : f32 to vector<16xf32>
        %div3A_432 = arith.divf %div3A_431, %add3A_429 : vector<16xf32>
        %add3A_433 = arith.constant 1.000000e+00 : f32
        %add3A_434 = vector.broadcast %add3A_433 : f32 to vector<16xf32>
        %add3A_435 = arith.addf %add3A_434, %exp3A_396 : vector<16xf32>
        %div3A_436 = arith.constant 1.000000e+00 : f32
        %div3A_437 = vector.broadcast %div3A_436 : f32 to vector<16xf32>
        %div3A_438 = arith.divf %div3A_437, %add3A_435 : vector<16xf32>
        %add3A_439 = arith.constant 1.000000e+00 : f32
        %add3A_440 = vector.broadcast %add3A_439 : f32 to vector<16xf32>
        %add3A_441 = arith.addf %add3A_440, %exp3A_397 : vector<16xf32>
        %div3A_442 = arith.constant 1.000000e+00 : f32
        %div3A_443 = vector.broadcast %div3A_442 : f32 to vector<16xf32>
        %div3A_444 = arith.divf %div3A_443, %add3A_441 : vector<16xf32>
        %get3A_445 = arith.index_cast %scan3A_252 : i32 to index
        %get3A_446 = arith.constant 0 : index
        %get3A_447 = tpu.vector_load %arg15[%get3A_445, %get3A_446] {strides = array<i32>} : memref<40x128xf32, #tpu.memory_space<vmem>>, vector<1x16xf32>,
        %get3A_448 = vector.shape_cast %get3A_447 : vector<1x16xf32> to vector<16xf32>
        %mul3A_449 = arith.mulf %div3A_402, %get3A_448 : vector<16xf32>
        %swap3A = arith.index_cast %scan3A_252 : i32 to index
        %swap3A_450 = arith.constant 0 : index
        %swap3A_451 = tpu.vector_load %arg15[%swap3A, %swap3A_450] {strides = array<i32>} : memref<40x128xf32, #tpu.memory_space<vmem>>, vector<1x16xf32>,
        %swap3A_452 = vector.shape_cast %swap3A_451 : vector<1x16xf32> to vector<16xf32>
        %swap3A_453 = vector.shape_cast %mul3A_449 : vector<16xf32> to vector<1x16xf32>
        tpu.vector_store %arg15[%swap3A, %swap3A_450], %swap3A_453 {strides = array<i32>} : memref<40x128xf32, #tpu.memory_space<vmem>>, vector<1x16xf32>,
        %get3A_454 = arith.index_cast %scan3A_252 : i32 to index
        %get3A_455 = arith.constant 16 : index
        %get3A_456 = tpu.vector_load %arg15[%get3A_454, %get3A_455] {strides = array<i32>} : memref<40x128xf32, #tpu.memory_space<vmem>>, vector<1x16xf32>,
        %get3A_457 = vector.shape_cast %get3A_456 : vector<1x16xf32> to vector<16xf32>
        %mul3A_458 = arith.mulf %div3A_408, %get3A_457 : vector<16xf32>
        %swap3A_459 = arith.index_cast %scan3A_252 : i32 to index
        %swap3A_460 = arith.constant 16 : index
        %swap3A_461 = tpu.vector_load %arg15[%swap3A_459, %swap3A_460] {strides = array<i32>} : memref<40x128xf32, #tpu.memory_space<vmem>>, vector<1x16xf32>,
        %swap3A_462 = vector.shape_cast %swap3A_461 : vector<1x16xf32> to vector<16xf32>
        %swap3A_463 = vector.shape_cast %mul3A_458 : vector<16xf32> to vector<1x16xf32>
        tpu.vector_store %arg15[%swap3A_459, %swap3A_460], %swap3A_463 {strides = array<i32>} : memref<40x128xf32, #tpu.memory_space<vmem>>, vector<1x16xf32>,
        %get3A_464 = arith.index_cast %scan3A_252 : i32 to index
        %get3A_465 = arith.constant 32 : index
        %get3A_466 = tpu.vector_load %arg15[%get3A_464, %get3A_465] {strides = array<i32>} : memref<40x128xf32, #tpu.memory_space<vmem>>, vector<1x16xf32>,
        %get3A_467 = vector.shape_cast %get3A_466 : vector<1x16xf32> to vector<16xf32>
        %mul3A_468 = arith.mulf %div3A_414, %get3A_467 : vector<16xf32>
        %swap3A_469 = arith.index_cast %scan3A_252 : i32 to index
        %swap3A_470 = arith.constant 32 : index
        %swap3A_471 = tpu.vector_load %arg15[%swap3A_469, %swap3A_470] {strides = array<i32>} : memref<40x128xf32, #tpu.memory_space<vmem>>, vector<1x16xf32>,
        %swap3A_472 = vector.shape_cast %swap3A_471 : vector<1x16xf32> to vector<16xf32>
        %swap3A_473 = vector.shape_cast %mul3A_468 : vector<16xf32> to vector<1x16xf32>
        tpu.vector_store %arg15[%swap3A_469, %swap3A_470], %swap3A_473 {strides = array<i32>} : memref<40x128xf32, #tpu.memory_space<vmem>>, vector<1x16xf32>,
        %get3A_474 = arith.index_cast %scan3A_252 : i32 to index
        %get3A_475 = arith.constant 48 : index
        %get3A_476 = tpu.vector_load %arg15[%get3A_474, %get3A_475] {strides = array<i32>} : memref<40x128xf32, #tpu.memory_space<vmem>>, vector<1x16xf32>,
        %get3A_477 = vector.shape_cast %get3A_476 : vector<1x16xf32> to vector<16xf32>
        %mul3A_478 = arith.mulf %div3A_420, %get3A_477 : vector<16xf32>
        %swap3A_479 = arith.index_cast %scan3A_252 : i32 to index
        %swap3A_480 = arith.constant 48 : index
        %swap3A_481 = tpu.vector_load %arg15[%swap3A_479, %swap3A_480] {strides = array<i32>} : memref<40x128xf32, #tpu.memory_space<vmem>>, vector<1x16xf32>,
        %swap3A_482 = vector.shape_cast %swap3A_481 : vector<1x16xf32> to vector<16xf32>
        %swap3A_483 = vector.shape_cast %mul3A_478 : vector<16xf32> to vector<1x16xf32>
        tpu.vector_store %arg15[%swap3A_479, %swap3A_480], %swap3A_483 {strides = array<i32>} : memref<40x128xf32, #tpu.memory_space<vmem>>, vector<1x16xf32>,
        %get3A_484 = arith.index_cast %scan3A_252 : i32 to index
        %get3A_485 = arith.constant 64 : index
        %get3A_486 = tpu.vector_load %arg15[%get3A_484, %get3A_485] {strides = array<i32>} : memref<40x128xf32, #tpu.memory_space<vmem>>, vector<1x16xf32>,
        %get3A_487 = vector.shape_cast %get3A_486 : vector<1x16xf32> to vector<16xf32>
        %mul3A_488 = arith.mulf %div3A_426, %get3A_487 : vector<16xf32>
        %swap3A_489 = arith.index_cast %scan3A_252 : i32 to index
        %swap3A_490 = arith.constant 64 : index
        %swap3A_491 = tpu.vector_load %arg15[%swap3A_489, %swap3A_490] {strides = array<i32>} : memref<40x128xf32, #tpu.memory_space<vmem>>, vector<1x16xf32>,
        %swap3A_492 = vector.shape_cast %swap3A_491 : vector<1x16xf32> to vector<16xf32>
        %swap3A_493 = vector.shape_cast %mul3A_488 : vector<16xf32> to vector<1x16xf32>
        tpu.vector_store %arg15[%swap3A_489, %swap3A_490], %swap3A_493 {strides = array<i32>} : memref<40x128xf32, #tpu.memory_space<vmem>>, vector<1x16xf32>,
        %get3A_494 = arith.index_cast %scan3A_252 : i32 to index
        %get3A_495 = arith.constant 80 : index
        %get3A_496 = tpu.vector_load %arg15[%get3A_494, %get3A_495] {strides = array<i32>} : memref<40x128xf32, #tpu.memory_space<vmem>>, vector<1x16xf32>,
        %get3A_497 = vector.shape_cast %get3A_496 : vector<1x16xf32> to vector<16xf32>
        %mul3A_498 = arith.mulf %div3A_432, %get3A_497 : vector<16xf32>
        %swap3A_499 = arith.index_cast %scan3A_252 : i32 to index
        %swap3A_500 = arith.constant 80 : index
        %swap3A_501 = tpu.vector_load %arg15[%swap3A_499, %swap3A_500] {strides = array<i32>} : memref<40x128xf32, #tpu.memory_space<vmem>>, vector<1x16xf32>,
        %swap3A_502 = vector.shape_cast %swap3A_501 : vector<1x16xf32> to vector<16xf32>
        %swap3A_503 = vector.shape_cast %mul3A_498 : vector<16xf32> to vector<1x16xf32>
        tpu.vector_store %arg15[%swap3A_499, %swap3A_500], %swap3A_503 {strides = array<i32>} : memref<40x128xf32, #tpu.memory_space<vmem>>, vector<1x16xf32>,
        %get3A_504 = arith.index_cast %scan3A_252 : i32 to index
        %get3A_505 = arith.constant 96 : index
        %get3A_506 = tpu.vector_load %arg15[%get3A_504, %get3A_505] {strides = array<i32>} : memref<40x128xf32, #tpu.memory_space<vmem>>, vector<1x16xf32>,
        %get3A_507 = vector.shape_cast %get3A_506 : vector<1x16xf32> to vector<16xf32>
        %mul3A_508 = arith.mulf %div3A_438, %get3A_507 : vector<16xf32>
        %swap3A_509 = arith.index_cast %scan3A_252 : i32 to index
        %swap3A_510 = arith.constant 96 : index
        %swap3A_511 = tpu.vector_load %arg15[%swap3A_509, %swap3A_510] {strides = array<i32>} : memref<40x128xf32, #tpu.memory_space<vmem>>, vector<1x16xf32>,
        %swap3A_512 = vector.shape_cast %swap3A_511 : vector<1x16xf32> to vector<16xf32>
        %swap3A_513 = vector.shape_cast %mul3A_508 : vector<16xf32> to vector<1x16xf32>
        tpu.vector_store %arg15[%swap3A_509, %swap3A_510], %swap3A_513 {strides = array<i32>} : memref<40x128xf32, #tpu.memory_space<vmem>>, vector<1x16xf32>,
        %get3A_514 = arith.index_cast %scan3A_252 : i32 to index
        %get3A_515 = arith.constant 112 : index
        %get3A_516 = tpu.vector_load %arg15[%get3A_514, %get3A_515] {strides = array<i32>} : memref<40x128xf32, #tpu.memory_space<vmem>>, vector<1x16xf32>,
        %get3A_517 = vector.shape_cast %get3A_516 : vector<1x16xf32> to vector<16xf32>
        %mul3A_518 = arith.mulf %div3A_444, %get3A_517 : vector<16xf32>
        %swap3A_519 = arith.index_cast %scan3A_252 : i32 to index
        %swap3A_520 = arith.constant 112 : index
        %swap3A_521 = tpu.vector_load %arg15[%swap3A_519, %swap3A_520] {strides = array<i32>} : memref<40x128xf32, #tpu.memory_space<vmem>>, vector<1x16xf32>,
        %swap3A_522 = vector.shape_cast %swap3A_521 : vector<1x16xf32> to vector<16xf32>
        %swap3A_523 = vector.shape_cast %mul3A_518 : vector<16xf32> to vector<1x16xf32>
        tpu.vector_store %arg15[%swap3A_519, %swap3A_520], %swap3A_523 {strides = array<i32>} : memref<40x128xf32, #tpu.memory_space<vmem>>, vector<1x16xf32>,
      }
      %scan3A_214 = arith.constant 40 : i32
      %add3A_215 = arith.constant 1 : i32
      %add3A_216 = arith.addi %add3A_196, %add3A_215 : i32
      %lt3A_217 = arith.constant 250 : i32
      %lt3A_218 = arith.cmpi slt, %add3A_216, %lt3A_217 : i32
      %convert_element_type3A_219 = arith.extui %lt3A_218 : i1 to i32
      %cond3A_220 = arith.constant 0 : i32
      %cond3A_221 = arith.cmpi ne, %convert_element_type3A_219, %cond3A_220 : i32
      scf.if %cond3A_221 {
        %dma_wait3A_252 = arith.constant 0 : i32
        %dma_wait3A_253 = arith.constant 0 : i32
        %dma_wait3A_254 = tpu.memref_slice %arg2[%dma_wait3A_252, %dma_wait3A_253] : memref<10000x128xf32, #tpu.memory_space<hbm>> -> memref<10000x128xf32, #tpu.memory_space<hbm>>
        tpu.wait_indirect_dma semaphore(%arg24 : memref<!tpu.dma_semaphore, #tpu.memory_space<semaphore_mem>>) src(%dma_wait3A_254 : memref<10000x128xf32, #tpu.memory_space<hbm>>) dst(%arg22 : memref<40x128xf32, #tpu.memory_space<vmem>>)
        %dma_start3A_255 = arith.constant 0 : i32
        %dma_start3A_256 = arith.constant 0 : i32
        %dma_start3A_257 = tpu.memref_slice %arg3[%dma_start3A_255, %dma_start3A_256] : memref<10000x128xf32, #tpu.memory_space<hbm>> -> memref<10000x128xf32, #tpu.memory_space<hbm>>
        tpu.enqueue_indirect_dma source(%dma_start3A_257 : memref<10000x128xf32, #tpu.memory_space<hbm>>) target(%arg22 : memref<40x128xf32, #tpu.memory_space<vmem>>) offsets(%arg19 : memref<40xi32, #tpu.memory_space<vmem>>) semaphore(%arg25 : memref<!tpu.dma_semaphore, #tpu.memory_space<semaphore_mem>>) {add = true}
      } else {
      }
      "tpu.region"() ({
        %run_scoped3A = tpu.sem_alloc : memref<!tpu.dma_semaphore, #tpu.memory_space<semaphore_mem>>
        %dma_start3A_252 = arith.constant 0 : i32
        %dma_start3A_253 = arith.constant 0 : i32
        %dma_start3A_254 = tpu.memref_slice %arg28[%dma_start3A_252, %dma_start3A_253] : memref<10000x128xf32, #tpu.memory_space<vmem_shared>> -> memref<10000x128xf32, #tpu.memory_space<vmem_shared>>
        tpu.enqueue_indirect_dma source(%arg15 : memref<40x128xf32, #tpu.memory_space<vmem>>) target(%dma_start3A_254 : memref<10000x128xf32, #tpu.memory_space<vmem_shared>>) offsets(%arg12 : memref<40xi32, #tpu.memory_space<vmem>>) semaphore(%run_scoped3A : memref<!tpu.dma_semaphore, #tpu.memory_space<semaphore_mem>>) {add = true}
        %dma_wait3A_255 = arith.constant 0 : i32
        %dma_wait3A_256 = arith.constant 0 : i32
        %dma_wait3A_257 = tpu.memref_slice %arg28[%dma_wait3A_255, %dma_wait3A_256] : memref<10000x128xf32, #tpu.memory_space<vmem_shared>> -> memref<10000x128xf32, #tpu.memory_space<vmem_shared>>
        tpu.wait_indirect_dma semaphore(%run_scoped3A : memref<!tpu.dma_semaphore, #tpu.memory_space<semaphore_mem>>) src(%arg15 : memref<40x128xf32, #tpu.memory_space<vmem>>) dst(%dma_wait3A_257 : memref<10000x128xf32, #tpu.memory_space<vmem_shared>>)
        tpu.yield
      }) : () -> ()
      %mul3A_222 = arith.constant 2 : i32
      %mul3A_223 = arith.muli %scan3A_192, %mul3A_222 : i32
      %add3A_224 = arith.constant 1 : i32
      %add3A_225 = arith.addi %mul3A_223, %add3A_224 : i32
      %add3A_226 = arith.constant 1 : i32
      %add3A_227 = arith.addi %add3A_225, %add3A_226 : i32
      %lt3A_228 = arith.constant 250 : i32
      %lt3A_229 = arith.cmpi slt, %add3A_227, %lt3A_228 : i32
      %convert_element_type3A_230 = arith.extui %lt3A_229 : i1 to i32
      %cond3A_231 = arith.constant 0 : i32
      %cond3A_232 = arith.cmpi ne, %convert_element_type3A_230, %cond3A_231 : i32
      scf.if %cond3A_232 {
        %add3A_252 = arith.constant 1 : i32
        %add3A_253 = arith.addi %add3A_225, %add3A_252 : i32
        %mul3A_254 = arith.constant 40 : i32
        %mul3A_255 = arith.muli %add3A_253, %mul3A_254 : i32
        %add3A_256 = arith.addi %mul3A_165, %mul3A_255 : i32
        "tpu.region"() ({
          %run_scoped3A = tpu.sem_alloc : memref<!tpu.dma_semaphore, #tpu.memory_space<semaphore_mem>>
          %dma_start3A_263 = tpu.memref_slice %arg5[%add3A_256] : memref<320000xi32, #tpu.memory_space<hbm>> -> memref<40xi32, #tpu.memory_space<hbm>>
          %dma_start3A_264 = tpu.memref_slice %arg5[%add3A_256] : memref<320000xi32, #tpu.memory_space<hbm>> -> memref<40xi32, #tpu.memory_space<hbm>>
          tpu.enqueue_dma source(%dma_start3A_264 : memref<40xi32, #tpu.memory_space<hbm>>) target(%arg11 : memref<40xi32, #tpu.memory_space<vmem>>) target_semaphore(%run_scoped3A : memref<!tpu.dma_semaphore, #tpu.memory_space<semaphore_mem>>)
          %dma_wait3A_265 = tpu.memref_slice %arg5[%add3A_256] : memref<320000xi32, #tpu.memory_space<hbm>> -> memref<40xi32, #tpu.memory_space<hbm>>
          %dma_wait3A_266 = tpu.memref_slice %arg5[%add3A_256] : memref<320000xi32, #tpu.memory_space<hbm>> -> memref<40xi32, #tpu.memory_space<hbm>>
          tpu.wait_dma2 semaphore(%run_scoped3A : memref<!tpu.dma_semaphore, #tpu.memory_space<semaphore_mem>>) src(%dma_wait3A_266 : memref<40xi32, #tpu.memory_space<hbm>>) dst(%arg11 : memref<40xi32, #tpu.memory_space<vmem>>)
          tpu.yield
        }) : () -> ()
        "tpu.region"() ({
          %run_scoped3A = tpu.sem_alloc : memref<!tpu.dma_semaphore, #tpu.memory_space<semaphore_mem>>
          %dma_start3A_263 = tpu.memref_slice %arg6[%add3A_256] : memref<320000xi32, #tpu.memory_space<hbm>> -> memref<40xi32, #tpu.memory_space<hbm>>
          %dma_start3A_264 = tpu.memref_slice %arg6[%add3A_256] : memref<320000xi32, #tpu.memory_space<hbm>> -> memref<40xi32, #tpu.memory_space<hbm>>
          tpu.enqueue_dma source(%dma_start3A_264 : memref<40xi32, #tpu.memory_space<hbm>>) target(%arg12 : memref<40xi32, #tpu.memory_space<vmem>>) target_semaphore(%run_scoped3A : memref<!tpu.dma_semaphore, #tpu.memory_space<semaphore_mem>>)
          %dma_wait3A_265 = tpu.memref_slice %arg6[%add3A_256] : memref<320000xi32, #tpu.memory_space<hbm>> -> memref<40xi32, #tpu.memory_space<hbm>>
          %dma_wait3A_266 = tpu.memref_slice %arg6[%add3A_256] : memref<320000xi32, #tpu.memory_space<hbm>> -> memref<40xi32, #tpu.memory_space<hbm>>
          tpu.wait_dma2 semaphore(%run_scoped3A : memref<!tpu.dma_semaphore, #tpu.memory_space<semaphore_mem>>) src(%dma_wait3A_266 : memref<40xi32, #tpu.memory_space<hbm>>) dst(%arg12 : memref<40xi32, #tpu.memory_space<vmem>>)
          tpu.yield
        }) : () -> ()
        "tpu.region"() ({
          %run_scoped3A = tpu.sem_alloc : memref<!tpu.dma_semaphore, #tpu.memory_space<semaphore_mem>>
          %dma_start3A_263 = arith.constant 0 : i32
          %dma_start3A_264 = tpu.memref_slice %arg7[%add3A_256, %dma_start3A_263] : memref<320000x16xf32, #tpu.memory_space<hbm>> -> memref<40x16xf32, #tpu.memory_space<hbm>>
          %dma_start3A_265 = arith.constant 0 : i32
          %dma_start3A_266 = tpu.memref_slice %arg7[%add3A_256, %dma_start3A_265] : memref<320000x16xf32, #tpu.memory_space<hbm>> -> memref<40x16xf32, #tpu.memory_space<hbm>>
          tpu.enqueue_dma source(%dma_start3A_266 : memref<40x16xf32, #tpu.memory_space<hbm>>) target(%arg13 : memref<40x16xf32, #tpu.memory_space<vmem>>) target_semaphore(%run_scoped3A : memref<!tpu.dma_semaphore, #tpu.memory_space<semaphore_mem>>)
          %dma_wait3A_267 = arith.constant 0 : i32
          %dma_wait3A_268 = tpu.memref_slice %arg7[%add3A_256, %dma_wait3A_267] : memref<320000x16xf32, #tpu.memory_space<hbm>> -> memref<40x16xf32, #tpu.memory_space<hbm>>
          %dma_wait3A_269 = arith.constant 0 : i32
          %dma_wait3A_270 = tpu.memref_slice %arg7[%add3A_256, %dma_wait3A_269] : memref<320000x16xf32, #tpu.memory_space<hbm>> -> memref<40x16xf32, #tpu.memory_space<hbm>>
          tpu.wait_dma2 semaphore(%run_scoped3A : memref<!tpu.dma_semaphore, #tpu.memory_space<semaphore_mem>>) src(%dma_wait3A_270 : memref<40x16xf32, #tpu.memory_space<hbm>>) dst(%arg13 : memref<40x16xf32, #tpu.memory_space<vmem>>)
          tpu.yield
        }) : () -> ()
        %dma_start3A_257 = arith.constant 0 : i32
        %dma_start3A_258 = arith.constant 0 : i32
        %dma_start3A_259 = tpu.memref_slice %arg2[%dma_start3A_257, %dma_start3A_258] : memref<10000x128xf32, #tpu.memory_space<hbm>> -> memref<10000x128xf32, #tpu.memory_space<hbm>>
        tpu.enqueue_indirect_dma source(%dma_start3A_259 : memref<10000x128xf32, #tpu.memory_space<hbm>>) target(%arg14 : memref<40x128xf32, #tpu.memory_space<vmem>>) offsets(%arg12 : memref<40xi32, #tpu.memory_space<vmem>>) semaphore(%arg16 : memref<!tpu.dma_semaphore, #tpu.memory_space<semaphore_mem>>)
        %dma_start3A_260 = arith.constant 0 : i32
        %dma_start3A_261 = arith.constant 0 : i32
        %dma_start3A_262 = tpu.memref_slice %arg4[%dma_start3A_260, %dma_start3A_261] : memref<10000x128xf32, #tpu.memory_space<hbm>> -> memref<10000x128xf32, #tpu.memory_space<hbm>>
        tpu.enqueue_indirect_dma source(%dma_start3A_262 : memref<10000x128xf32, #tpu.memory_space<hbm>>) target(%arg15 : memref<40x128xf32, #tpu.memory_space<vmem>>) offsets(%arg11 : memref<40xi32, #tpu.memory_space<vmem>>) semaphore(%arg18 : memref<!tpu.dma_semaphore, #tpu.memory_space<semaphore_mem>>)
      } else {
      }
      %dma_wait3A_233 = arith.constant 0 : i32
      %dma_wait3A_234 = arith.constant 0 : i32
      %dma_wait3A_235 = tpu.memref_slice %arg3[%dma_wait3A_233, %dma_wait3A_234] : memref<10000x128xf32, #tpu.memory_space<hbm>> -> memref<10000x128xf32, #tpu.memory_space<hbm>>
      tpu.wait_indirect_dma semaphore(%arg25 : memref<!tpu.dma_semaphore, #tpu.memory_space<semaphore_mem>>) src(%dma_wait3A_235 : memref<10000x128xf32, #tpu.memory_space<hbm>>) dst(%arg22 : memref<40x128xf32, #tpu.memory_space<vmem>>)
      %dma_wait3A_236 = arith.constant 0 : i32
      %dma_wait3A_237 = arith.constant 0 : i32
      %dma_wait3A_238 = tpu.memref_slice %arg4[%dma_wait3A_236, %dma_wait3A_237] : memref<10000x128xf32, #tpu.memory_space<hbm>> -> memref<10000x128xf32, #tpu.memory_space<hbm>>
      tpu.wait_indirect_dma semaphore(%arg26 : memref<!tpu.dma_semaphore, #tpu.memory_space<semaphore_mem>>) src(%dma_wait3A_238 : memref<10000x128xf32, #tpu.memory_space<hbm>>) dst(%arg23 : memref<40x128xf32, #tpu.memory_space<vmem>>)
      %scan3A_239 = arith.constant 0 : i32
      %scan3A_240 = arith.constant 0 : i32
      %scan3A_241 = arith.constant 40 : i32
      %scan3A_242 = arith.addi %scan3A_240, %scan3A_241 : i32
      %scan3A_243 = arith.constant 1 : i32
      scf.for %scan3A_252 = %scan3A_240 to %scan3A_242 step %scan3A_243  : i32 {
        %get3A_253 = arith.index_cast %scan3A_252 : i32 to index
        %get3A_254 = arith.constant 0 : index
        %get3A_255 = tpu.vector_load %arg21[%get3A_253, %get3A_254] {strides = array<i32>} : memref<40x16xf32, #tpu.memory_space<vmem>>, vector<1x16xf32>,
        %get3A_256 = vector.shape_cast %get3A_255 : vector<1x16xf32> to vector<16xf32>
        %slice3A = vector.extract_strided_slice %get3A_256 {offsets = [0], sizes = [1], strides = [1]} : vector<16xf32> to vector<1xf32>
        %squeeze3A = vector.extract %slice3A[0] : f32 from vector<1xf32>
        %slice3A_257 = vector.extract_strided_slice %get3A_256 {offsets = [1], sizes = [1], strides = [1]} : vector<16xf32> to vector<1xf32>
        %squeeze3A_258 = vector.extract %slice3A_257[0] : f32 from vector<1xf32>
        %slice3A_259 = vector.extract_strided_slice %get3A_256 {offsets = [2], sizes = [1], strides = [1]} : vector<16xf32> to vector<1xf32>
        %squeeze3A_260 = vector.extract %slice3A_259[0] : f32 from vector<1xf32>
        %slice3A_261 = vector.extract_strided_slice %get3A_256 {offsets = [3], sizes = [1], strides = [1]} : vector<16xf32> to vector<1xf32>
        %squeeze3A_262 = vector.extract %slice3A_261[0] : f32 from vector<1xf32>
        %mul3A_263 = vector.broadcast %squeeze3A : f32 to vector<16xf32>
        %mul3A_264 = arith.mulf %mul3A_263, %get3A_8 : vector<16xf32>
        %mul3A_265 = vector.broadcast %squeeze3A_258 : f32 to vector<16xf32>
        %mul3A_266 = arith.mulf %mul3A_265, %get3A_48 : vector<16xf32>
        %add3A_267 = arith.addf %mul3A_264, %mul3A_266 : vector<16xf32>
        %mul3A_268 = vector.broadcast %squeeze3A_260 : f32 to vector<16xf32>
        %mul3A_269 = arith.mulf %mul3A_268, %get3A_88 : vector<16xf32>
        %mul3A_270 = vector.broadcast %squeeze3A_262 : f32 to vector<16xf32>
        %mul3A_271 = arith.mulf %mul3A_270, %get3A_128 : vector<16xf32>
        %add3A_272 = arith.addf %mul3A_269, %mul3A_271 : vector<16xf32>
        %add3A_273 = arith.addf %add3A_267, %add3A_272 : vector<16xf32>
        %get3A_274 = arith.index_cast %scan3A_252 : i32 to index
        %get3A_275 = arith.constant 0 : index
        %get3A_276 = tpu.vector_load %arg22[%get3A_274, %get3A_275] {strides = array<i32>} : memref<40x128xf32, #tpu.memory_space<vmem>>, vector<1x16xf32>,
        %get3A_277 = vector.shape_cast %get3A_276 : vector<1x16xf32> to vector<16xf32>
        %add3A_278 = arith.addf %add3A_273, %get3A_277 : vector<16xf32>
        %mul3A_279 = vector.broadcast %squeeze3A : f32 to vector<16xf32>
        %mul3A_280 = arith.mulf %mul3A_279, %get3A_13 : vector<16xf32>
        %mul3A_281 = vector.broadcast %squeeze3A_258 : f32 to vector<16xf32>
        %mul3A_282 = arith.mulf %mul3A_281, %get3A_53 : vector<16xf32>
        %add3A_283 = arith.addf %mul3A_280, %mul3A_282 : vector<16xf32>
        %mul3A_284 = vector.broadcast %squeeze3A_260 : f32 to vector<16xf32>
        %mul3A_285 = arith.mulf %mul3A_284, %get3A_93 : vector<16xf32>
        %mul3A_286 = vector.broadcast %squeeze3A_262 : f32 to vector<16xf32>
        %mul3A_287 = arith.mulf %mul3A_286, %get3A_133 : vector<16xf32>
        %add3A_288 = arith.addf %mul3A_285, %mul3A_287 : vector<16xf32>
        %add3A_289 = arith.addf %add3A_283, %add3A_288 : vector<16xf32>
        %get3A_290 = arith.index_cast %scan3A_252 : i32 to index
        %get3A_291 = arith.constant 16 : index
        %get3A_292 = tpu.vector_load %arg22[%get3A_290, %get3A_291] {strides = array<i32>} : memref<40x128xf32, #tpu.memory_space<vmem>>, vector<1x16xf32>,
        %get3A_293 = vector.shape_cast %get3A_292 : vector<1x16xf32> to vector<16xf32>
        %add3A_294 = arith.addf %add3A_289, %get3A_293 : vector<16xf32>
        %mul3A_295 = vector.broadcast %squeeze3A : f32 to vector<16xf32>
        %mul3A_296 = arith.mulf %mul3A_295, %get3A_18 : vector<16xf32>
        %mul3A_297 = vector.broadcast %squeeze3A_258 : f32 to vector<16xf32>
        %mul3A_298 = arith.mulf %mul3A_297, %get3A_58 : vector<16xf32>
        %add3A_299 = arith.addf %mul3A_296, %mul3A_298 : vector<16xf32>
        %mul3A_300 = vector.broadcast %squeeze3A_260 : f32 to vector<16xf32>
        %mul3A_301 = arith.mulf %mul3A_300, %get3A_98 : vector<16xf32>
        %mul3A_302 = vector.broadcast %squeeze3A_262 : f32 to vector<16xf32>
        %mul3A_303 = arith.mulf %mul3A_302, %get3A_138 : vector<16xf32>
        %add3A_304 = arith.addf %mul3A_301, %mul3A_303 : vector<16xf32>
        %add3A_305 = arith.addf %add3A_299, %add3A_304 : vector<16xf32>
        %get3A_306 = arith.index_cast %scan3A_252 : i32 to index
        %get3A_307 = arith.constant 32 : index
        %get3A_308 = tpu.vector_load %arg22[%get3A_306, %get3A_307] {strides = array<i32>} : memref<40x128xf32, #tpu.memory_space<vmem>>, vector<1x16xf32>,
        %get3A_309 = vector.shape_cast %get3A_308 : vector<1x16xf32> to vector<16xf32>
        %add3A_310 = arith.addf %add3A_305, %get3A_309 : vector<16xf32>
        %mul3A_311 = vector.broadcast %squeeze3A : f32 to vector<16xf32>
        %mul3A_312 = arith.mulf %mul3A_311, %get3A_23 : vector<16xf32>
        %mul3A_313 = vector.broadcast %squeeze3A_258 : f32 to vector<16xf32>
        %mul3A_314 = arith.mulf %mul3A_313, %get3A_63 : vector<16xf32>
        %add3A_315 = arith.addf %mul3A_312, %mul3A_314 : vector<16xf32>
        %mul3A_316 = vector.broadcast %squeeze3A_260 : f32 to vector<16xf32>
        %mul3A_317 = arith.mulf %mul3A_316, %get3A_103 : vector<16xf32>
        %mul3A_318 = vector.broadcast %squeeze3A_262 : f32 to vector<16xf32>
        %mul3A_319 = arith.mulf %mul3A_318, %get3A_143 : vector<16xf32>
        %add3A_320 = arith.addf %mul3A_317, %mul3A_319 : vector<16xf32>
        %add3A_321 = arith.addf %add3A_315, %add3A_320 : vector<16xf32>
        %get3A_322 = arith.index_cast %scan3A_252 : i32 to index
        %get3A_323 = arith.constant 48 : index
        %get3A_324 = tpu.vector_load %arg22[%get3A_322, %get3A_323] {strides = array<i32>} : memref<40x128xf32, #tpu.memory_space<vmem>>, vector<1x16xf32>,
        %get3A_325 = vector.shape_cast %get3A_324 : vector<1x16xf32> to vector<16xf32>
        %add3A_326 = arith.addf %add3A_321, %get3A_325 : vector<16xf32>
        %mul3A_327 = vector.broadcast %squeeze3A : f32 to vector<16xf32>
        %mul3A_328 = arith.mulf %mul3A_327, %get3A_28 : vector<16xf32>
        %mul3A_329 = vector.broadcast %squeeze3A_258 : f32 to vector<16xf32>
        %mul3A_330 = arith.mulf %mul3A_329, %get3A_68 : vector<16xf32>
        %add3A_331 = arith.addf %mul3A_328, %mul3A_330 : vector<16xf32>
        %mul3A_332 = vector.broadcast %squeeze3A_260 : f32 to vector<16xf32>
        %mul3A_333 = arith.mulf %mul3A_332, %get3A_108 : vector<16xf32>
        %mul3A_334 = vector.broadcast %squeeze3A_262 : f32 to vector<16xf32>
        %mul3A_335 = arith.mulf %mul3A_334, %get3A_148 : vector<16xf32>
        %add3A_336 = arith.addf %mul3A_333, %mul3A_335 : vector<16xf32>
        %add3A_337 = arith.addf %add3A_331, %add3A_336 : vector<16xf32>
        %get3A_338 = arith.index_cast %scan3A_252 : i32 to index
        %get3A_339 = arith.constant 64 : index
        %get3A_340 = tpu.vector_load %arg22[%get3A_338, %get3A_339] {strides = array<i32>} : memref<40x128xf32, #tpu.memory_space<vmem>>, vector<1x16xf32>,
        %get3A_341 = vector.shape_cast %get3A_340 : vector<1x16xf32> to vector<16xf32>
        %add3A_342 = arith.addf %add3A_337, %get3A_341 : vector<16xf32>
        %mul3A_343 = vector.broadcast %squeeze3A : f32 to vector<16xf32>
        %mul3A_344 = arith.mulf %mul3A_343, %get3A_33 : vector<16xf32>
        %mul3A_345 = vector.broadcast %squeeze3A_258 : f32 to vector<16xf32>
        %mul3A_346 = arith.mulf %mul3A_345, %get3A_73 : vector<16xf32>
        %add3A_347 = arith.addf %mul3A_344, %mul3A_346 : vector<16xf32>
        %mul3A_348 = vector.broadcast %squeeze3A_260 : f32 to vector<16xf32>
        %mul3A_349 = arith.mulf %mul3A_348, %get3A_113 : vector<16xf32>
        %mul3A_350 = vector.broadcast %squeeze3A_262 : f32 to vector<16xf32>
        %mul3A_351 = arith.mulf %mul3A_350, %get3A_153 : vector<16xf32>
        %add3A_352 = arith.addf %mul3A_349, %mul3A_351 : vector<16xf32>
        %add3A_353 = arith.addf %add3A_347, %add3A_352 : vector<16xf32>
        %get3A_354 = arith.index_cast %scan3A_252 : i32 to index
        %get3A_355 = arith.constant 80 : index
        %get3A_356 = tpu.vector_load %arg22[%get3A_354, %get3A_355] {strides = array<i32>} : memref<40x128xf32, #tpu.memory_space<vmem>>, vector<1x16xf32>,
        %get3A_357 = vector.shape_cast %get3A_356 : vector<1x16xf32> to vector<16xf32>
        %add3A_358 = arith.addf %add3A_353, %get3A_357 : vector<16xf32>
        %mul3A_359 = vector.broadcast %squeeze3A : f32 to vector<16xf32>
        %mul3A_360 = arith.mulf %mul3A_359, %get3A_38 : vector<16xf32>
        %mul3A_361 = vector.broadcast %squeeze3A_258 : f32 to vector<16xf32>
        %mul3A_362 = arith.mulf %mul3A_361, %get3A_78 : vector<16xf32>
        %add3A_363 = arith.addf %mul3A_360, %mul3A_362 : vector<16xf32>
        %mul3A_364 = vector.broadcast %squeeze3A_260 : f32 to vector<16xf32>
        %mul3A_365 = arith.mulf %mul3A_364, %get3A_118 : vector<16xf32>
        %mul3A_366 = vector.broadcast %squeeze3A_262 : f32 to vector<16xf32>
        %mul3A_367 = arith.mulf %mul3A_366, %get3A_158 : vector<16xf32>
        %add3A_368 = arith.addf %mul3A_365, %mul3A_367 : vector<16xf32>
        %add3A_369 = arith.addf %add3A_363, %add3A_368 : vector<16xf32>
        %get3A_370 = arith.index_cast %scan3A_252 : i32 to index
        %get3A_371 = arith.constant 96 : index
        %get3A_372 = tpu.vector_load %arg22[%get3A_370, %get3A_371] {strides = array<i32>} : memref<40x128xf32, #tpu.memory_space<vmem>>, vector<1x16xf32>,
        %get3A_373 = vector.shape_cast %get3A_372 : vector<1x16xf32> to vector<16xf32>
        %add3A_374 = arith.addf %add3A_369, %get3A_373 : vector<16xf32>
        %mul3A_375 = vector.broadcast %squeeze3A : f32 to vector<16xf32>
        %mul3A_376 = arith.mulf %mul3A_375, %get3A_43 : vector<16xf32>
        %mul3A_377 = vector.broadcast %squeeze3A_258 : f32 to vector<16xf32>
        %mul3A_378 = arith.mulf %mul3A_377, %get3A_83 : vector<16xf32>
        %add3A_379 = arith.addf %mul3A_376, %mul3A_378 : vector<16xf32>
        %mul3A_380 = vector.broadcast %squeeze3A_260 : f32 to vector<16xf32>
        %mul3A_381 = arith.mulf %mul3A_380, %get3A_123 : vector<16xf32>
        %mul3A_382 = vector.broadcast %squeeze3A_262 : f32 to vector<16xf32>
        %mul3A_383 = arith.mulf %mul3A_382, %get3A_163 : vector<16xf32>
        %add3A_384 = arith.addf %mul3A_381, %mul3A_383 : vector<16xf32>
        %add3A_385 = arith.addf %add3A_379, %add3A_384 : vector<16xf32>
        %get3A_386 = arith.index_cast %scan3A_252 : i32 to index
        %get3A_387 = arith.constant 112 : index
        %get3A_388 = tpu.vector_load %arg22[%get3A_386, %get3A_387] {strides = array<i32>} : memref<40x128xf32, #tpu.memory_space<vmem>>, vector<1x16xf32>,
        %get3A_389 = vector.shape_cast %get3A_388 : vector<1x16xf32> to vector<16xf32>
        %add3A_390 = arith.addf %add3A_385, %get3A_389 : vector<16xf32>
        %exp3A = math.exp %add3A_278 : vector<16xf32>
        %exp3A_391 = math.exp %add3A_294 : vector<16xf32>
        %exp3A_392 = math.exp %add3A_310 : vector<16xf32>
        %exp3A_393 = math.exp %add3A_326 : vector<16xf32>
        %exp3A_394 = math.exp %add3A_342 : vector<16xf32>
        %exp3A_395 = math.exp %add3A_358 : vector<16xf32>
        %exp3A_396 = math.exp %add3A_374 : vector<16xf32>
        %exp3A_397 = math.exp %add3A_390 : vector<16xf32>
        %add3A_398 = arith.constant 1.000000e+00 : f32
        %add3A_399 = vector.broadcast %add3A_398 : f32 to vector<16xf32>
        %add3A_400 = arith.addf %add3A_399, %exp3A : vector<16xf32>
        %div3A = arith.constant 1.000000e+00 : f32
        %div3A_401 = vector.broadcast %div3A : f32 to vector<16xf32>
        %div3A_402 = arith.divf %div3A_401, %add3A_400 : vector<16xf32>
        %add3A_403 = arith.constant 1.000000e+00 : f32
        %add3A_404 = vector.broadcast %add3A_403 : f32 to vector<16xf32>
        %add3A_405 = arith.addf %add3A_404, %exp3A_391 : vector<16xf32>
        %div3A_406 = arith.constant 1.000000e+00 : f32
        %div3A_407 = vector.broadcast %div3A_406 : f32 to vector<16xf32>
        %div3A_408 = arith.divf %div3A_407, %add3A_405 : vector<16xf32>
        %add3A_409 = arith.constant 1.000000e+00 : f32
        %add3A_410 = vector.broadcast %add3A_409 : f32 to vector<16xf32>
        %add3A_411 = arith.addf %add3A_410, %exp3A_392 : vector<16xf32>
        %div3A_412 = arith.constant 1.000000e+00 : f32
        %div3A_413 = vector.broadcast %div3A_412 : f32 to vector<16xf32>
        %div3A_414 = arith.divf %div3A_413, %add3A_411 : vector<16xf32>
        %add3A_415 = arith.constant 1.000000e+00 : f32
        %add3A_416 = vector.broadcast %add3A_415 : f32 to vector<16xf32>
        %add3A_417 = arith.addf %add3A_416, %exp3A_393 : vector<16xf32>
        %div3A_418 = arith.constant 1.000000e+00 : f32
        %div3A_419 = vector.broadcast %div3A_418 : f32 to vector<16xf32>
        %div3A_420 = arith.divf %div3A_419, %add3A_417 : vector<16xf32>
        %add3A_421 = arith.constant 1.000000e+00 : f32
        %add3A_422 = vector.broadcast %add3A_421 : f32 to vector<16xf32>
        %add3A_423 = arith.addf %add3A_422, %exp3A_394 : vector<16xf32>
        %div3A_424 = arith.constant 1.000000e+00 : f32
        %div3A_425 = vector.broadcast %div3A_424 : f32 to vector<16xf32>
        %div3A_426 = arith.divf %div3A_425, %add3A_423 : vector<16xf32>
        %add3A_427 = arith.constant 1.000000e+00 : f32
        %add3A_428 = vector.broadcast %add3A_427 : f32 to vector<16xf32>
        %add3A_429 = arith.addf %add3A_428, %exp3A_395 : vector<16xf32>
        %div3A_430 = arith.constant 1.000000e+00 : f32
        %div3A_431 = vector.broadcast %div3A_430 : f32 to vector<16xf32>
        %div3A_432 = arith.divf %div3A_431, %add3A_429 : vector<16xf32>
        %add3A_433 = arith.constant 1.000000e+00 : f32
        %add3A_434 = vector.broadcast %add3A_433 : f32 to vector<16xf32>
        %add3A_435 = arith.addf %add3A_434, %exp3A_396 : vector<16xf32>
        %div3A_436 = arith.constant 1.000000e+00 : f32
        %div3A_437 = vector.broadcast %div3A_436 : f32 to vector<16xf32>
        %div3A_438 = arith.divf %div3A_437, %add3A_435 : vector<16xf32>
        %add3A_439 = arith.constant 1.000000e+00 : f32
        %add3A_440 = vector.broadcast %add3A_439 : f32 to vector<16xf32>
        %add3A_441 = arith.addf %add3A_440, %exp3A_397 : vector<16xf32>
        %div3A_442 = arith.constant 1.000000e+00 : f32
        %div3A_443 = vector.broadcast %div3A_442 : f32 to vector<16xf32>
        %div3A_444 = arith.divf %div3A_443, %add3A_441 : vector<16xf32>
        %get3A_445 = arith.index_cast %scan3A_252 : i32 to index
        %get3A_446 = arith.constant 0 : index
        %get3A_447 = tpu.vector_load %arg23[%get3A_445, %get3A_446] {strides = array<i32>} : memref<40x128xf32, #tpu.memory_space<vmem>>, vector<1x16xf32>,
        %get3A_448 = vector.shape_cast %get3A_447 : vector<1x16xf32> to vector<16xf32>
        %mul3A_449 = arith.mulf %div3A_402, %get3A_448 : vector<16xf32>
        %swap3A = arith.index_cast %scan3A_252 : i32 to index
        %swap3A_450 = arith.constant 0 : index
        %swap3A_451 = tpu.vector_load %arg23[%swap3A, %swap3A_450] {strides = array<i32>} : memref<40x128xf32, #tpu.memory_space<vmem>>, vector<1x16xf32>,
        %swap3A_452 = vector.shape_cast %swap3A_451 : vector<1x16xf32> to vector<16xf32>
        %swap3A_453 = vector.shape_cast %mul3A_449 : vector<16xf32> to vector<1x16xf32>
        tpu.vector_store %arg23[%swap3A, %swap3A_450], %swap3A_453 {strides = array<i32>} : memref<40x128xf32, #tpu.memory_space<vmem>>, vector<1x16xf32>,
        %get3A_454 = arith.index_cast %scan3A_252 : i32 to index
        %get3A_455 = arith.constant 16 : index
        %get3A_456 = tpu.vector_load %arg23[%get3A_454, %get3A_455] {strides = array<i32>} : memref<40x128xf32, #tpu.memory_space<vmem>>, vector<1x16xf32>,
        %get3A_457 = vector.shape_cast %get3A_456 : vector<1x16xf32> to vector<16xf32>
        %mul3A_458 = arith.mulf %div3A_408, %get3A_457 : vector<16xf32>
        %swap3A_459 = arith.index_cast %scan3A_252 : i32 to index
        %swap3A_460 = arith.constant 16 : index
        %swap3A_461 = tpu.vector_load %arg23[%swap3A_459, %swap3A_460] {strides = array<i32>} : memref<40x128xf32, #tpu.memory_space<vmem>>, vector<1x16xf32>,
        %swap3A_462 = vector.shape_cast %swap3A_461 : vector<1x16xf32> to vector<16xf32>
        %swap3A_463 = vector.shape_cast %mul3A_458 : vector<16xf32> to vector<1x16xf32>
        tpu.vector_store %arg23[%swap3A_459, %swap3A_460], %swap3A_463 {strides = array<i32>} : memref<40x128xf32, #tpu.memory_space<vmem>>, vector<1x16xf32>,
        %get3A_464 = arith.index_cast %scan3A_252 : i32 to index
        %get3A_465 = arith.constant 32 : index
        %get3A_466 = tpu.vector_load %arg23[%get3A_464, %get3A_465] {strides = array<i32>} : memref<40x128xf32, #tpu.memory_space<vmem>>, vector<1x16xf32>,
        %get3A_467 = vector.shape_cast %get3A_466 : vector<1x16xf32> to vector<16xf32>
        %mul3A_468 = arith.mulf %div3A_414, %get3A_467 : vector<16xf32>
        %swap3A_469 = arith.index_cast %scan3A_252 : i32 to index
        %swap3A_470 = arith.constant 32 : index
        %swap3A_471 = tpu.vector_load %arg23[%swap3A_469, %swap3A_470] {strides = array<i32>} : memref<40x128xf32, #tpu.memory_space<vmem>>, vector<1x16xf32>,
        %swap3A_472 = vector.shape_cast %swap3A_471 : vector<1x16xf32> to vector<16xf32>
        %swap3A_473 = vector.shape_cast %mul3A_468 : vector<16xf32> to vector<1x16xf32>
        tpu.vector_store %arg23[%swap3A_469, %swap3A_470], %swap3A_473 {strides = array<i32>} : memref<40x128xf32, #tpu.memory_space<vmem>>, vector<1x16xf32>,
        %get3A_474 = arith.index_cast %scan3A_252 : i32 to index
        %get3A_475 = arith.constant 48 : index
        %get3A_476 = tpu.vector_load %arg23[%get3A_474, %get3A_475] {strides = array<i32>} : memref<40x128xf32, #tpu.memory_space<vmem>>, vector<1x16xf32>,
        %get3A_477 = vector.shape_cast %get3A_476 : vector<1x16xf32> to vector<16xf32>
        %mul3A_478 = arith.mulf %div3A_420, %get3A_477 : vector<16xf32>
        %swap3A_479 = arith.index_cast %scan3A_252 : i32 to index
        %swap3A_480 = arith.constant 48 : index
        %swap3A_481 = tpu.vector_load %arg23[%swap3A_479, %swap3A_480] {strides = array<i32>} : memref<40x128xf32, #tpu.memory_space<vmem>>, vector<1x16xf32>,
        %swap3A_482 = vector.shape_cast %swap3A_481 : vector<1x16xf32> to vector<16xf32>
        %swap3A_483 = vector.shape_cast %mul3A_478 : vector<16xf32> to vector<1x16xf32>
        tpu.vector_store %arg23[%swap3A_479, %swap3A_480], %swap3A_483 {strides = array<i32>} : memref<40x128xf32, #tpu.memory_space<vmem>>, vector<1x16xf32>,
        %get3A_484 = arith.index_cast %scan3A_252 : i32 to index
        %get3A_485 = arith.constant 64 : index
        %get3A_486 = tpu.vector_load %arg23[%get3A_484, %get3A_485] {strides = array<i32>} : memref<40x128xf32, #tpu.memory_space<vmem>>, vector<1x16xf32>,
        %get3A_487 = vector.shape_cast %get3A_486 : vector<1x16xf32> to vector<16xf32>
        %mul3A_488 = arith.mulf %div3A_426, %get3A_487 : vector<16xf32>
        %swap3A_489 = arith.index_cast %scan3A_252 : i32 to index
        %swap3A_490 = arith.constant 64 : index
        %swap3A_491 = tpu.vector_load %arg23[%swap3A_489, %swap3A_490] {strides = array<i32>} : memref<40x128xf32, #tpu.memory_space<vmem>>, vector<1x16xf32>,
        %swap3A_492 = vector.shape_cast %swap3A_491 : vector<1x16xf32> to vector<16xf32>
        %swap3A_493 = vector.shape_cast %mul3A_488 : vector<16xf32> to vector<1x16xf32>
        tpu.vector_store %arg23[%swap3A_489, %swap3A_490], %swap3A_493 {strides = array<i32>} : memref<40x128xf32, #tpu.memory_space<vmem>>, vector<1x16xf32>,
        %get3A_494 = arith.index_cast %scan3A_252 : i32 to index
        %get3A_495 = arith.constant 80 : index
        %get3A_496 = tpu.vector_load %arg23[%get3A_494, %get3A_495] {strides = array<i32>} : memref<40x128xf32, #tpu.memory_space<vmem>>, vector<1x16xf32>,
        %get3A_497 = vector.shape_cast %get3A_496 : vector<1x16xf32> to vector<16xf32>
        %mul3A_498 = arith.mulf %div3A_432, %get3A_497 : vector<16xf32>
        %swap3A_499 = arith.index_cast %scan3A_252 : i32 to index
        %swap3A_500 = arith.constant 80 : index
        %swap3A_501 = tpu.vector_load %arg23[%swap3A_499, %swap3A_500] {strides = array<i32>} : memref<40x128xf32, #tpu.memory_space<vmem>>, vector<1x16xf32>,
        %swap3A_502 = vector.shape_cast %swap3A_501 : vector<1x16xf32> to vector<16xf32>
        %swap3A_503 = vector.shape_cast %mul3A_498 : vector<16xf32> to vector<1x16xf32>
        tpu.vector_store %arg23[%swap3A_499, %swap3A_500], %swap3A_503 {strides = array<i32>} : memref<40x128xf32, #tpu.memory_space<vmem>>, vector<1x16xf32>,
        %get3A_504 = arith.index_cast %scan3A_252 : i32 to index
        %get3A_505 = arith.constant 96 : index
        %get3A_506 = tpu.vector_load %arg23[%get3A_504, %get3A_505] {strides = array<i32>} : memref<40x128xf32, #tpu.memory_space<vmem>>, vector<1x16xf32>,
        %get3A_507 = vector.shape_cast %get3A_506 : vector<1x16xf32> to vector<16xf32>
        %mul3A_508 = arith.mulf %div3A_438, %get3A_507 : vector<16xf32>
        %swap3A_509 = arith.index_cast %scan3A_252 : i32 to index
        %swap3A_510 = arith.constant 96 : index
        %swap3A_511 = tpu.vector_load %arg23[%swap3A_509, %swap3A_510] {strides = array<i32>} : memref<40x128xf32, #tpu.memory_space<vmem>>, vector<1x16xf32>,
        %swap3A_512 = vector.shape_cast %swap3A_511 : vector<1x16xf32> to vector<16xf32>
        %swap3A_513 = vector.shape_cast %mul3A_508 : vector<16xf32> to vector<1x16xf32>
        tpu.vector_store %arg23[%swap3A_509, %swap3A_510], %swap3A_513 {strides = array<i32>} : memref<40x128xf32, #tpu.memory_space<vmem>>, vector<1x16xf32>,
        %get3A_514 = arith.index_cast %scan3A_252 : i32 to index
        %get3A_515 = arith.constant 112 : index
        %get3A_516 = tpu.vector_load %arg23[%get3A_514, %get3A_515] {strides = array<i32>} : memref<40x128xf32, #tpu.memory_space<vmem>>, vector<1x16xf32>,
        %get3A_517 = vector.shape_cast %get3A_516 : vector<1x16xf32> to vector<16xf32>
        %mul3A_518 = arith.mulf %div3A_444, %get3A_517 : vector<16xf32>
        %swap3A_519 = arith.index_cast %scan3A_252 : i32 to index
        %swap3A_520 = arith.constant 112 : index
        %swap3A_521 = tpu.vector_load %arg23[%swap3A_519, %swap3A_520] {strides = array<i32>} : memref<40x128xf32, #tpu.memory_space<vmem>>, vector<1x16xf32>,
        %swap3A_522 = vector.shape_cast %swap3A_521 : vector<1x16xf32> to vector<16xf32>
        %swap3A_523 = vector.shape_cast %mul3A_518 : vector<16xf32> to vector<1x16xf32>
        tpu.vector_store %arg23[%swap3A_519, %swap3A_520], %swap3A_523 {strides = array<i32>} : memref<40x128xf32, #tpu.memory_space<vmem>>, vector<1x16xf32>,
      }
      %scan3A_244 = arith.constant 40 : i32
      %add3A_245 = arith.constant 1 : i32
      %add3A_246 = arith.addi %add3A_225, %add3A_245 : i32
      %lt3A_247 = arith.constant 250 : i32
      %lt3A_248 = arith.cmpi slt, %add3A_246, %lt3A_247 : i32
      %convert_element_type3A_249 = arith.extui %lt3A_248 : i1 to i32
      %cond3A_250 = arith.constant 0 : i32
      %cond3A_251 = arith.cmpi ne, %convert_element_type3A_249, %cond3A_250 : i32
      scf.if %cond3A_251 {
        %dma_wait3A_252 = arith.constant 0 : i32
        %dma_wait3A_253 = arith.constant 0 : i32
        %dma_wait3A_254 = tpu.memref_slice %arg2[%dma_wait3A_252, %dma_wait3A_253] : memref<10000x128xf32, #tpu.memory_space<hbm>> -> memref<10000x128xf32, #tpu.memory_space<hbm>>
        tpu.wait_indirect_dma semaphore(%arg16 : memref<!tpu.dma_semaphore, #tpu.memory_space<semaphore_mem>>) src(%dma_wait3A_254 : memref<10000x128xf32, #tpu.memory_space<hbm>>) dst(%arg14 : memref<40x128xf32, #tpu.memory_space<vmem>>)
        %dma_start3A_255 = arith.constant 0 : i32
        %dma_start3A_256 = arith.constant 0 : i32
        %dma_start3A_257 = tpu.memref_slice %arg3[%dma_start3A_255, %dma_start3A_256] : memref<10000x128xf32, #tpu.memory_space<hbm>> -> memref<10000x128xf32, #tpu.memory_space<hbm>>
        tpu.enqueue_indirect_dma source(%dma_start3A_257 : memref<10000x128xf32, #tpu.memory_space<hbm>>) target(%arg14 : memref<40x128xf32, #tpu.memory_space<vmem>>) offsets(%arg11 : memref<40xi32, #tpu.memory_space<vmem>>) semaphore(%arg17 : memref<!tpu.dma_semaphore, #tpu.memory_space<semaphore_mem>>) {add = true}
      } else {
      }
      "tpu.region"() ({
        %run_scoped3A = tpu.sem_alloc : memref<!tpu.dma_semaphore, #tpu.memory_space<semaphore_mem>>
        %dma_start3A_252 = arith.constant 0 : i32
        %dma_start3A_253 = arith.constant 0 : i32
        %dma_start3A_254 = tpu.memref_slice %arg28[%dma_start3A_252, %dma_start3A_253] : memref<10000x128xf32, #tpu.memory_space<vmem_shared>> -> memref<10000x128xf32, #tpu.memory_space<vmem_shared>>
        tpu.enqueue_indirect_dma source(%arg23 : memref<40x128xf32, #tpu.memory_space<vmem>>) target(%dma_start3A_254 : memref<10000x128xf32, #tpu.memory_space<vmem_shared>>) offsets(%arg20 : memref<40xi32, #tpu.memory_space<vmem>>) semaphore(%run_scoped3A : memref<!tpu.dma_semaphore, #tpu.memory_space<semaphore_mem>>) {add = true}
        %dma_wait3A_255 = arith.constant 0 : i32
        %dma_wait3A_256 = arith.constant 0 : i32
        %dma_wait3A_257 = tpu.memref_slice %arg28[%dma_wait3A_255, %dma_wait3A_256] : memref<10000x128xf32, #tpu.memory_space<vmem_shared>> -> memref<10000x128xf32, #tpu.memory_space<vmem_shared>>
        tpu.wait_indirect_dma semaphore(%run_scoped3A : memref<!tpu.dma_semaphore, #tpu.memory_space<semaphore_mem>>) src(%arg23 : memref<40x128xf32, #tpu.memory_space<vmem>>) dst(%dma_wait3A_257 : memref<10000x128xf32, #tpu.memory_space<vmem_shared>>)
        tpu.yield
      }) : () -> ()
    }
    %scan3A_182 = arith.constant 125 : i32
    %barrier3A_183 = arith.constant 0 : index
    tpu.barrier barrier_id(%barrier3A_183)
    %mul3A_184 = arith.constant 624 : i32
    %mul3A_185 = arith.muli %arg1, %mul3A_184 : i32
    %multiple_of3A_186 = tpu.assume_multiple %mul3A_185, 8 : i32
    "tpu.region"() ({
      %run_scoped3A = tpu.sem_alloc : memref<!tpu.dma_semaphore, #tpu.memory_space<semaphore_mem>>
      %dma_start3A_192 = arith.constant 0 : i32
      %dma_start3A_193 = tpu.memref_slice %arg10[%arg0, %multiple_of3A_186, %dma_start3A_192] : memref<2x10000x128xf32, #tpu.memory_space<hbm>> -> memref<1x624x128xf32, #tpu.memory_space<hbm>>
      %dma_start3A_194 = tpu.memref_squeeze %dma_start3A_193 : memref<1x624x128xf32, #tpu.memory_space<hbm>> -> memref<624x128xf32, #tpu.memory_space<hbm>>
      %dma_start3A_195 = arith.constant 0 : i32
      %dma_start3A_196 = tpu.memref_slice %arg28[%multiple_of3A_186, %dma_start3A_195] : memref<10000x128xf32, #tpu.memory_space<vmem_shared>> -> memref<624x128xf32, #tpu.memory_space<vmem_shared>>
      tpu.enqueue_dma source(%dma_start3A_196 : memref<624x128xf32, #tpu.memory_space<vmem_shared>>) target(%dma_start3A_194 : memref<624x128xf32, #tpu.memory_space<hbm>>) target_semaphore(%run_scoped3A : memref<!tpu.dma_semaphore, #tpu.memory_space<semaphore_mem>>)
      %dma_wait3A_197 = arith.constant 0 : i32
      %dma_wait3A_198 = tpu.memref_slice %arg10[%arg0, %multiple_of3A_186, %dma_wait3A_197] : memref<2x10000x128xf32, #tpu.memory_space<hbm>> -> memref<1x624x128xf32, #tpu.memory_space<hbm>>
      %dma_wait3A_199 = tpu.memref_squeeze %dma_wait3A_198 : memref<1x624x128xf32, #tpu.memory_space<hbm>> -> memref<624x128xf32, #tpu.memory_space<hbm>>
      %dma_wait3A_200 = arith.constant 0 : i32
      %dma_wait3A_201 = tpu.memref_slice %arg28[%multiple_of3A_186, %dma_wait3A_200] : memref<10000x128xf32, #tpu.memory_space<vmem_shared>> -> memref<624x128xf32, #tpu.memory_space<vmem_shared>>
      tpu.wait_dma2 semaphore(%run_scoped3A : memref<!tpu.dma_semaphore, #tpu.memory_space<semaphore_mem>>) src(%dma_wait3A_201 : memref<624x128xf32, #tpu.memory_space<vmem_shared>>) dst(%dma_wait3A_199 : memref<624x128xf32, #tpu.memory_space<hbm>>)
      tpu.yield
    }) : () -> ()
    %eq3A_187 = arith.constant 15 : i32
    %eq3A_188 = arith.cmpi eq, %arg1, %eq3A_187 : i32
    %convert_element_type3A_189 = arith.extui %eq3A_188 : i1 to i32
    %cond3A_190 = arith.constant 0 : i32
    %cond3A_191 = arith.cmpi ne, %convert_element_type3A_189, %cond3A_190 : i32
    scf.if %cond3A_191 {
      "tpu.region"() ({
        %run_scoped3A = tpu.sem_alloc : memref<!tpu.dma_semaphore, #tpu.memory_space<semaphore_mem>>
        %dma_start3A_192 = arith.constant 9984 : i32
        %dma_start3A_193 = arith.constant 0 : i32
        %dma_start3A_194 = tpu.memref_slice %arg10[%arg0, %dma_start3A_192, %dma_start3A_193] : memref<2x10000x128xf32, #tpu.memory_space<hbm>> -> memref<1x16x128xf32, #tpu.memory_space<hbm>>
        %dma_start3A_195 = tpu.memref_squeeze %dma_start3A_194 : memref<1x16x128xf32, #tpu.memory_space<hbm>> -> memref<16x128xf32, #tpu.memory_space<hbm>>
        %dma_start3A_196 = arith.constant 9984 : i32
        %dma_start3A_197 = arith.constant 0 : i32
        %dma_start3A_198 = tpu.memref_slice %arg28[%dma_start3A_196, %dma_start3A_197] : memref<10000x128xf32, #tpu.memory_space<vmem_shared>> -> memref<16x128xf32, #tpu.memory_space<vmem_shared>>
        tpu.enqueue_dma source(%dma_start3A_198 : memref<16x128xf32, #tpu.memory_space<vmem_shared>>) target(%dma_start3A_195 : memref<16x128xf32, #tpu.memory_space<hbm>>) target_semaphore(%run_scoped3A : memref<!tpu.dma_semaphore, #tpu.memory_space<semaphore_mem>>)
        %dma_wait3A_199 = arith.constant 9984 : i32
        %dma_wait3A_200 = arith.constant 0 : i32
        %dma_wait3A_201 = tpu.memref_slice %arg10[%arg0, %dma_wait3A_199, %dma_wait3A_200] : memref<2x10000x128xf32, #tpu.memory_space<hbm>> -> memref<1x16x128xf32, #tpu.memory_space<hbm>>
        %dma_wait3A_202 = tpu.memref_squeeze %dma_wait3A_201 : memref<1x16x128xf32, #tpu.memory_space<hbm>> -> memref<16x128xf32, #tpu.memory_space<hbm>>
        %dma_wait3A_203 = arith.constant 9984 : i32
        %dma_wait3A_204 = arith.constant 0 : i32
        %dma_wait3A_205 = tpu.memref_slice %arg28[%dma_wait3A_203, %dma_wait3A_204] : memref<10000x128xf32, #tpu.memory_space<vmem_shared>> -> memref<16x128xf32, #tpu.memory_space<vmem_shared>>
        tpu.wait_dma2 semaphore(%run_scoped3A : memref<!tpu.dma_semaphore, #tpu.memory_space<semaphore_mem>>) src(%dma_wait3A_205 : memref<16x128xf32, #tpu.memory_space<vmem_shared>>) dst(%dma_wait3A_202 : memref<16x128xf32, #tpu.memory_space<hbm>>)
        tpu.yield
      }) : () -> ()
    } else {
    }
    return
  }
}

#map = affine_map<(d0, d1) -> (0, 0)>
#map1 = affine_map<(d0, d1) -> (0)>
#map2 = affine_map<(d0, d1) -> (0, 0, 0)>
module attributes {stable_mosaic.version = 14 : i64} {
  func.func @_sc_edge_body(%arg0: i32, %arg1: i32, %arg2: memref<10000x128xf32, #tpu.memory_space<hbm>>, %arg3: memref<10000x128xf32, #tpu.memory_space<hbm>>, %arg4: memref<10000x128xf32, #tpu.memory_space<hbm>>, %arg5: memref<320000xi32, #tpu.memory_space<hbm>>, %arg6: memref<320000xi32, #tpu.memory_space<hbm>>, %arg7: memref<320000x16xf32, #tpu.memory_space<hbm>>, %arg8: memref<4x128xf32, #tpu.memory_space<hbm>>, %arg9: memref<624x128xf32, #tpu.memory_space<hbm>>, %arg10: memref<2x10000x128xf32, #tpu.memory_space<hbm>>, %arg11: memref<40xi32, #tpu.memory_space<vmem>>, %arg12: memref<40xi32, #tpu.memory_space<vmem>>, %arg13: memref<40x16xf32, #tpu.memory_space<vmem>>, %arg14: memref<40x128xf32, #tpu.memory_space<vmem>>, %arg15: memref<40x128xf32, #tpu.memory_space<vmem>>, %arg16: memref<!tpu.dma_semaphore, #tpu.memory_space<semaphore_mem>>, %arg17: memref<!tpu.dma_semaphore, #tpu.memory_space<semaphore_mem>>, %arg18: memref<!tpu.dma_semaphore, #tpu.memory_space<semaphore_mem>>, %arg19: memref<40xi32, #tpu.memory_space<vmem>>, %arg20: memref<40xi32, #tpu.memory_space<vmem>>, %arg21: memref<40x16xf32, #tpu.memory_space<vmem>>, %arg22: memref<40x128xf32, #tpu.memory_space<vmem>>, %arg23: memref<40x128xf32, #tpu.memory_space<vmem>>, %arg24: memref<!tpu.dma_semaphore, #tpu.memory_space<semaphore_mem>>, %arg25: memref<!tpu.dma_semaphore, #tpu.memory_space<semaphore_mem>>, %arg26: memref<!tpu.dma_semaphore, #tpu.memory_space<semaphore_mem>>, %arg27: memref<4x128xf32, #tpu.memory_space<vmem>>, %arg28: memref<10000x128xf32, #tpu.memory_space<vmem_shared>>) attributes {dimension_semantics = [#tpu.dimension_semantics<core_parallel>, #tpu.dimension_semantics<subcore_parallel>], iteration_bounds = array<i64: 2, 16>, scalar_prefetch = 0 : i64, scratch_operands = 18 : i64, tpu.core_type = #tpu.core_type<sc_vector_subcore>, window_params = [{transform_indices = #map}, {transform_indices = #map}, {transform_indices = #map}, {transform_indices = #map1}, {transform_indices = #map1}, {transform_indices = #map}, {transform_indices = #map}, {transform_indices = #map}, {transform_indices = #map2}]} {
    %mul3A = arith.constant 2 : i32
    %mul3A_0 = arith.muli %arg1, %mul3A : i32
    %add3A = arith.addi %mul3A_0, %arg0 : i32
    "tpu.region"() ({
      %run_scoped3A = tpu.sem_alloc : memref<!tpu.dma_semaphore, #tpu.memory_space<semaphore_mem>>
      tpu.enqueue_dma source(%arg8 : memref<4x128xf32, #tpu.memory_space<hbm>>) target(%arg27 : memref<4x128xf32, #tpu.memory_space<vmem>>) target_semaphore(%run_scoped3A : memref<!tpu.dma_semaphore, #tpu.memory_space<semaphore_mem>>)
      tpu.wait_dma2 semaphore(%run_scoped3A : memref<!tpu.dma_semaphore, #tpu.memory_space<semaphore_mem>>) src(%arg8 : memref<4x128xf32, #tpu.memory_space<hbm>>) dst(%arg27 : memref<4x128xf32, #tpu.memory_space<vmem>>)
      tpu.yield
    }) : () -> ()
    %mul3A_1 = arith.constant 624 : i32
    %mul3A_2 = arith.muli %arg1, %mul3A_1 : i32
    %multiple_of3A = tpu.assume_multiple %mul3A_2, 8 : i32
    "tpu.region"() ({
      %run_scoped3A = tpu.sem_alloc : memref<!tpu.dma_semaphore, #tpu.memory_space<semaphore_mem>>
      %dma_start3A_192 = arith.constant 0 : i32
      %dma_start3A_193 = tpu.memref_slice %arg28[%multiple_of3A, %dma_start3A_192] : memref<10000x128xf32, #tpu.memory_space<vmem_shared>> -> memref<624x128xf32, #tpu.memory_space<vmem_shared>>
      %dma_start3A_194 = arith.constant 0 : i32
      %dma_start3A_195 = arith.constant 0 : i32
      %dma_start3A_196 = tpu.memref_slice %arg9[%dma_start3A_194, %dma_start3A_195] : memref<624x128xf32, #tpu.memory_space<hbm>> -> memref<624x128xf32, #tpu.memory_space<hbm>>
      tpu.enqueue_dma source(%dma_start3A_196 : memref<624x128xf32, #tpu.memory_space<hbm>>) target(%dma_start3A_193 : memref<624x128xf32, #tpu.memory_space<vmem_shared>>) target_semaphore(%run_scoped3A : memref<!tpu.dma_semaphore, #tpu.memory_space<semaphore_mem>>)
      %dma_wait3A_197 = arith.constant 0 : i32
      %dma_wait3A_198 = tpu.memref_slice %arg28[%multiple_of3A, %dma_wait3A_197] : memref<10000x128xf32, #tpu.memory_space<vmem_shared>> -> memref<624x128xf32, #tpu.memory_space<vmem_shared>>
      %dma_wait3A_199 = arith.constant 0 : i32
      %dma_wait3A_200 = arith.constant 0 : i32
      %dma_wait3A_201 = tpu.memref_slice %arg9[%dma_wait3A_199, %dma_wait3A_200] : memref<624x128xf32, #tpu.memory_space<hbm>> -> memref<624x128xf32, #tpu.memory_space<hbm>>
      tpu.wait_dma2 semaphore(%run_scoped3A : memref<!tpu.dma_semaphore, #tpu.memory_space<semaphore_mem>>) src(%dma_wait3A_201 : memref<624x128xf32, #tpu.memory_space<hbm>>) dst(%dma_wait3A_198 : memref<624x128xf32, #tpu.memory_space<vmem_shared>>)
      tpu.yield
    }) : () -> ()
    %eq3A = arith.constant 15 : i32
    %eq3A_3 = arith.cmpi eq, %arg1, %eq3A : i32
    %convert_element_type3A = arith.extui %eq3A_3 : i1 to i32
    %cond3A = arith.constant 0 : i32
    %cond3A_4 = arith.cmpi ne, %convert_element_type3A, %cond3A : i32
    scf.if %cond3A_4 {
      "tpu.region"() ({
        %run_scoped3A = tpu.sem_alloc : memref<!tpu.dma_semaphore, #tpu.memory_space<semaphore_mem>>
        %dma_start3A_192 = arith.constant 9984 : i32
        %dma_start3A_193 = arith.constant 0 : i32
        %dma_start3A_194 = tpu.memref_slice %arg28[%dma_start3A_192, %dma_start3A_193] : memref<10000x128xf32, #tpu.memory_space<vmem_shared>> -> memref<16x128xf32, #tpu.memory_space<vmem_shared>>
        %dma_start3A_195 = arith.constant 0 : i32
        %dma_start3A_196 = arith.constant 0 : i32
        %dma_start3A_197 = tpu.memref_slice %arg9[%dma_start3A_195, %dma_start3A_196] : memref<624x128xf32, #tpu.memory_space<hbm>> -> memref<16x128xf32, #tpu.memory_space<hbm>>
        tpu.enqueue_dma source(%dma_start3A_197 : memref<16x128xf32, #tpu.memory_space<hbm>>) target(%dma_start3A_194 : memref<16x128xf32, #tpu.memory_space<vmem_shared>>) target_semaphore(%run_scoped3A : memref<!tpu.dma_semaphore, #tpu.memory_space<semaphore_mem>>)
        %dma_wait3A_198 = arith.constant 9984 : i32
        %dma_wait3A_199 = arith.constant 0 : i32
        %dma_wait3A_200 = tpu.memref_slice %arg28[%dma_wait3A_198, %dma_wait3A_199] : memref<10000x128xf32, #tpu.memory_space<vmem_shared>> -> memref<16x128xf32, #tpu.memory_space<vmem_shared>>
        %dma_wait3A_201 = arith.constant 0 : i32
        %dma_wait3A_202 = arith.constant 0 : i32
        %dma_wait3A_203 = tpu.memref_slice %arg9[%dma_wait3A_201, %dma_wait3A_202] : memref<624x128xf32, #tpu.memory_space<hbm>> -> memref<16x128xf32, #tpu.memory_space<hbm>>
        tpu.wait_dma2 semaphore(%run_scoped3A : memref<!tpu.dma_semaphore, #tpu.memory_space<semaphore_mem>>) src(%dma_wait3A_203 : memref<16x128xf32, #tpu.memory_space<hbm>>) dst(%dma_wait3A_200 : memref<16x128xf32, #tpu.memory_space<vmem_shared>>)
        tpu.yield
      }) : () -> ()
    } else {
    }
    %barrier3A = arith.constant 0 : index
    tpu.barrier barrier_id(%barrier3A)
    %get3A = arith.constant 0 : i32
    %get3A_5 = arith.index_cast %get3A : i32 to index
    %get3A_6 = arith.constant 0 : index
    %get3A_7 = tpu.vector_load %arg27[%get3A_5, %get3A_6] {strides = array<i32>} : memref<4x128xf32, #tpu.memory_space<vmem>>, vector<1x16xf32>,
    %get3A_8 = vector.shape_cast %get3A_7 : vector<1x16xf32> to vector<16xf32>
    %get3A_9 = arith.constant 0 : i32
    %get3A_10 = arith.index_cast %get3A_9 : i32 to index
    %get3A_11 = arith.constant 16 : index
    %get3A_12 = tpu.vector_load %arg27[%get3A_10, %get3A_11] {strides = array<i32>} : memref<4x128xf32, #tpu.memory_space<vmem>>, vector<1x16xf32>,
    %get3A_13 = vector.shape_cast %get3A_12 : vector<1x16xf32> to vector<16xf32>
    %get3A_14 = arith.constant 0 : i32
    %get3A_15 = arith.index_cast %get3A_14 : i32 to index
    %get3A_16 = arith.constant 32 : index
    %get3A_17 = tpu.vector_load %arg27[%get3A_15, %get3A_16] {strides = array<i32>} : memref<4x128xf32, #tpu.memory_space<vmem>>, vector<1x16xf32>,
    %get3A_18 = vector.shape_cast %get3A_17 : vector<1x16xf32> to vector<16xf32>
    %get3A_19 = arith.constant 0 : i32
    %get3A_20 = arith.index_cast %get3A_19 : i32 to index
    %get3A_21 = arith.constant 48 : index
    %get3A_22 = tpu.vector_load %arg27[%get3A_20, %get3A_21] {strides = array<i32>} : memref<4x128xf32, #tpu.memory_space<vmem>>, vector<1x16xf32>,
    %get3A_23 = vector.shape_cast %get3A_22 : vector<1x16xf32> to vector<16xf32>
    %get3A_24 = arith.constant 0 : i32
    %get3A_25 = arith.index_cast %get3A_24 : i32 to index
    %get3A_26 = arith.constant 64 : index
    %get3A_27 = tpu.vector_load %arg27[%get3A_25, %get3A_26] {strides = array<i32>} : memref<4x128xf32, #tpu.memory_space<vmem>>, vector<1x16xf32>,
    %get3A_28 = vector.shape_cast %get3A_27 : vector<1x16xf32> to vector<16xf32>
    %get3A_29 = arith.constant 0 : i32
    %get3A_30 = arith.index_cast %get3A_29 : i32 to index
    %get3A_31 = arith.constant 80 : index
    %get3A_32 = tpu.vector_load %arg27[%get3A_30, %get3A_31] {strides = array<i32>} : memref<4x128xf32, #tpu.memory_space<vmem>>, vector<1x16xf32>,
    %get3A_33 = vector.shape_cast %get3A_32 : vector<1x16xf32> to vector<16xf32>
    %get3A_34 = arith.constant 0 : i32
    %get3A_35 = arith.index_cast %get3A_34 : i32 to index
    %get3A_36 = arith.constant 96 : index
    %get3A_37 = tpu.vector_load %arg27[%get3A_35, %get3A_36] {strides = array<i32>} : memref<4x128xf32, #tpu.memory_space<vmem>>, vector<1x16xf32>,
    %get3A_38 = vector.shape_cast %get3A_37 : vector<1x16xf32> to vector<16xf32>
    %get3A_39 = arith.constant 0 : i32
    %get3A_40 = arith.index_cast %get3A_39 : i32 to index
    %get3A_41 = arith.constant 112 : index
    %get3A_42 = tpu.vector_load %arg27[%get3A_40, %get3A_41] {strides = array<i32>} : memref<4x128xf32, #tpu.memory_space<vmem>>, vector<1x16xf32>,
    %get3A_43 = vector.shape_cast %get3A_42 : vector<1x16xf32> to vector<16xf32>
    %get3A_44 = arith.constant 1 : i32
    %get3A_45 = arith.index_cast %get3A_44 : i32 to index
    %get3A_46 = arith.constant 0 : index
    %get3A_47 = tpu.vector_load %arg27[%get3A_45, %get3A_46] {strides = array<i32>} : memref<4x128xf32, #tpu.memory_space<vmem>>, vector<1x16xf32>,
    %get3A_48 = vector.shape_cast %get3A_47 : vector<1x16xf32> to vector<16xf32>
    %get3A_49 = arith.constant 1 : i32
    %get3A_50 = arith.index_cast %get3A_49 : i32 to index
    %get3A_51 = arith.constant 16 : index
    %get3A_52 = tpu.vector_load %arg27[%get3A_50, %get3A_51] {strides = array<i32>} : memref<4x128xf32, #tpu.memory_space<vmem>>, vector<1x16xf32>,
    %get3A_53 = vector.shape_cast %get3A_52 : vector<1x16xf32> to vector<16xf32>
    %get3A_54 = arith.constant 1 : i32
    %get3A_55 = arith.index_cast %get3A_54 : i32 to index
    %get3A_56 = arith.constant 32 : index
    %get3A_57 = tpu.vector_load %arg27[%get3A_55, %get3A_56] {strides = array<i32>} : memref<4x128xf32, #tpu.memory_space<vmem>>, vector<1x16xf32>,
    %get3A_58 = vector.shape_cast %get3A_57 : vector<1x16xf32> to vector<16xf32>
    %get3A_59 = arith.constant 1 : i32
    %get3A_60 = arith.index_cast %get3A_59 : i32 to index
    %get3A_61 = arith.constant 48 : index
    %get3A_62 = tpu.vector_load %arg27[%get3A_60, %get3A_61] {strides = array<i32>} : memref<4x128xf32, #tpu.memory_space<vmem>>, vector<1x16xf32>,
    %get3A_63 = vector.shape_cast %get3A_62 : vector<1x16xf32> to vector<16xf32>
    %get3A_64 = arith.constant 1 : i32
    %get3A_65 = arith.index_cast %get3A_64 : i32 to index
    %get3A_66 = arith.constant 64 : index
    %get3A_67 = tpu.vector_load %arg27[%get3A_65, %get3A_66] {strides = array<i32>} : memref<4x128xf32, #tpu.memory_space<vmem>>, vector<1x16xf32>,
    %get3A_68 = vector.shape_cast %get3A_67 : vector<1x16xf32> to vector<16xf32>
    %get3A_69 = arith.constant 1 : i32
    %get3A_70 = arith.index_cast %get3A_69 : i32 to index
    %get3A_71 = arith.constant 80 : index
    %get3A_72 = tpu.vector_load %arg27[%get3A_70, %get3A_71] {strides = array<i32>} : memref<4x128xf32, #tpu.memory_space<vmem>>, vector<1x16xf32>,
    %get3A_73 = vector.shape_cast %get3A_72 : vector<1x16xf32> to vector<16xf32>
    %get3A_74 = arith.constant 1 : i32
    %get3A_75 = arith.index_cast %get3A_74 : i32 to index
    %get3A_76 = arith.constant 96 : index
    %get3A_77 = tpu.vector_load %arg27[%get3A_75, %get3A_76] {strides = array<i32>} : memref<4x128xf32, #tpu.memory_space<vmem>>, vector<1x16xf32>,
    %get3A_78 = vector.shape_cast %get3A_77 : vector<1x16xf32> to vector<16xf32>
    %get3A_79 = arith.constant 1 : i32
    %get3A_80 = arith.index_cast %get3A_79 : i32 to index
    %get3A_81 = arith.constant 112 : index
    %get3A_82 = tpu.vector_load %arg27[%get3A_80, %get3A_81] {strides = array<i32>} : memref<4x128xf32, #tpu.memory_space<vmem>>, vector<1x16xf32>,
    %get3A_83 = vector.shape_cast %get3A_82 : vector<1x16xf32> to vector<16xf32>
    %get3A_84 = arith.constant 2 : i32
    %get3A_85 = arith.index_cast %get3A_84 : i32 to index
    %get3A_86 = arith.constant 0 : index
    %get3A_87 = tpu.vector_load %arg27[%get3A_85, %get3A_86] {strides = array<i32>} : memref<4x128xf32, #tpu.memory_space<vmem>>, vector<1x16xf32>,
    %get3A_88 = vector.shape_cast %get3A_87 : vector<1x16xf32> to vector<16xf32>
    %get3A_89 = arith.constant 2 : i32
    %get3A_90 = arith.index_cast %get3A_89 : i32 to index
    %get3A_91 = arith.constant 16 : index
    %get3A_92 = tpu.vector_load %arg27[%get3A_90, %get3A_91] {strides = array<i32>} : memref<4x128xf32, #tpu.memory_space<vmem>>, vector<1x16xf32>,
    %get3A_93 = vector.shape_cast %get3A_92 : vector<1x16xf32> to vector<16xf32>
    %get3A_94 = arith.constant 2 : i32
    %get3A_95 = arith.index_cast %get3A_94 : i32 to index
    %get3A_96 = arith.constant 32 : index
    %get3A_97 = tpu.vector_load %arg27[%get3A_95, %get3A_96] {strides = array<i32>} : memref<4x128xf32, #tpu.memory_space<vmem>>, vector<1x16xf32>,
    %get3A_98 = vector.shape_cast %get3A_97 : vector<1x16xf32> to vector<16xf32>
    %get3A_99 = arith.constant 2 : i32
    %get3A_100 = arith.index_cast %get3A_99 : i32 to index
    %get3A_101 = arith.constant 48 : index
    %get3A_102 = tpu.vector_load %arg27[%get3A_100, %get3A_101] {strides = array<i32>} : memref<4x128xf32, #tpu.memory_space<vmem>>, vector<1x16xf32>,
    %get3A_103 = vector.shape_cast %get3A_102 : vector<1x16xf32> to vector<16xf32>
    %get3A_104 = arith.constant 2 : i32
    %get3A_105 = arith.index_cast %get3A_104 : i32 to index
    %get3A_106 = arith.constant 64 : index
    %get3A_107 = tpu.vector_load %arg27[%get3A_105, %get3A_106] {strides = array<i32>} : memref<4x128xf32, #tpu.memory_space<vmem>>, vector<1x16xf32>,
    %get3A_108 = vector.shape_cast %get3A_107 : vector<1x16xf32> to vector<16xf32>
    %get3A_109 = arith.constant 2 : i32
    %get3A_110 = arith.index_cast %get3A_109 : i32 to index
    %get3A_111 = arith.constant 80 : index
    %get3A_112 = tpu.vector_load %arg27[%get3A_110, %get3A_111] {strides = array<i32>} : memref<4x128xf32, #tpu.memory_space<vmem>>, vector<1x16xf32>,
    %get3A_113 = vector.shape_cast %get3A_112 : vector<1x16xf32> to vector<16xf32>
    %get3A_114 = arith.constant 2 : i32
    %get3A_115 = arith.index_cast %get3A_114 : i32 to index
    %get3A_116 = arith.constant 96 : index
    %get3A_117 = tpu.vector_load %arg27[%get3A_115, %get3A_116] {strides = array<i32>} : memref<4x128xf32, #tpu.memory_space<vmem>>, vector<1x16xf32>,
    %get3A_118 = vector.shape_cast %get3A_117 : vector<1x16xf32> to vector<16xf32>
    %get3A_119 = arith.constant 2 : i32
    %get3A_120 = arith.index_cast %get3A_119 : i32 to index
    %get3A_121 = arith.constant 112 : index
    %get3A_122 = tpu.vector_load %arg27[%get3A_120, %get3A_121] {strides = array<i32>} : memref<4x128xf32, #tpu.memory_space<vmem>>, vector<1x16xf32>,
    %get3A_123 = vector.shape_cast %get3A_122 : vector<1x16xf32> to vector<16xf32>
    %get3A_124 = arith.constant 3 : i32
    %get3A_125 = arith.index_cast %get3A_124 : i32 to index
    %get3A_126 = arith.constant 0 : index
    %get3A_127 = tpu.vector_load %arg27[%get3A_125, %get3A_126] {strides = array<i32>} : memref<4x128xf32, #tpu.memory_space<vmem>>, vector<1x16xf32>,
    %get3A_128 = vector.shape_cast %get3A_127 : vector<1x16xf32> to vector<16xf32>
    %get3A_129 = arith.constant 3 : i32
    %get3A_130 = arith.index_cast %get3A_129 : i32 to index
    %get3A_131 = arith.constant 16 : index
    %get3A_132 = tpu.vector_load %arg27[%get3A_130, %get3A_131] {strides = array<i32>} : memref<4x128xf32, #tpu.memory_space<vmem>>, vector<1x16xf32>,
    %get3A_133 = vector.shape_cast %get3A_132 : vector<1x16xf32> to vector<16xf32>
    %get3A_134 = arith.constant 3 : i32
    %get3A_135 = arith.index_cast %get3A_134 : i32 to index
    %get3A_136 = arith.constant 32 : index
    %get3A_137 = tpu.vector_load %arg27[%get3A_135, %get3A_136] {strides = array<i32>} : memref<4x128xf32, #tpu.memory_space<vmem>>, vector<1x16xf32>,
    %get3A_138 = vector.shape_cast %get3A_137 : vector<1x16xf32> to vector<16xf32>
    %get3A_139 = arith.constant 3 : i32
    %get3A_140 = arith.index_cast %get3A_139 : i32 to index
    %get3A_141 = arith.constant 48 : index
    %get3A_142 = tpu.vector_load %arg27[%get3A_140, %get3A_141] {strides = array<i32>} : memref<4x128xf32, #tpu.memory_space<vmem>>, vector<1x16xf32>,
    %get3A_143 = vector.shape_cast %get3A_142 : vector<1x16xf32> to vector<16xf32>
    %get3A_144 = arith.constant 3 : i32
    %get3A_145 = arith.index_cast %get3A_144 : i32 to index
    %get3A_146 = arith.constant 64 : index
    %get3A_147 = tpu.vector_load %arg27[%get3A_145, %get3A_146] {strides = array<i32>} : memref<4x128xf32, #tpu.memory_space<vmem>>, vector<1x16xf32>,
    %get3A_148 = vector.shape_cast %get3A_147 : vector<1x16xf32> to vector<16xf32>
    %get3A_149 = arith.constant 3 : i32
    %get3A_150 = arith.index_cast %get3A_149 : i32 to index
    %get3A_151 = arith.constant 80 : index
    %get3A_152 = tpu.vector_load %arg27[%get3A_150, %get3A_151] {strides = array<i32>} : memref<4x128xf32, #tpu.memory_space<vmem>>, vector<1x16xf32>,
    %get3A_153 = vector.shape_cast %get3A_152 : vector<1x16xf32> to vector<16xf32>
    %get3A_154 = arith.constant 3 : i32
    %get3A_155 = arith.index_cast %get3A_154 : i32 to index
    %get3A_156 = arith.constant 96 : index
    %get3A_157 = tpu.vector_load %arg27[%get3A_155, %get3A_156] {strides = array<i32>} : memref<4x128xf32, #tpu.memory_space<vmem>>, vector<1x16xf32>,
    %get3A_158 = vector.shape_cast %get3A_157 : vector<1x16xf32> to vector<16xf32>
    %get3A_159 = arith.constant 3 : i32
    %get3A_160 = arith.index_cast %get3A_159 : i32 to index
    %get3A_161 = arith.constant 112 : index
    %get3A_162 = tpu.vector_load %arg27[%get3A_160, %get3A_161] {strides = array<i32>} : memref<4x128xf32, #tpu.memory_space<vmem>>, vector<1x16xf32>,
    %get3A_163 = vector.shape_cast %get3A_162 : vector<1x16xf32> to vector<16xf32>
    %mul3A_164 = arith.constant 10000 : i32
    %mul3A_165 = arith.muli %add3A, %mul3A_164 : i32
    %add3A_166 = arith.constant 0 : i32
    %add3A_167 = arith.addi %mul3A_165, %add3A_166 : i32
    "tpu.region"() ({
      %run_scoped3A = tpu.sem_alloc : memref<!tpu.dma_semaphore, #tpu.memory_space<semaphore_mem>>
      %dma_start3A_192 = tpu.memref_slice %arg5[%add3A_167] : memref<320000xi32, #tpu.memory_space<hbm>> -> memref<40xi32, #tpu.memory_space<hbm>>
      %dma_start3A_193 = tpu.memref_slice %arg5[%add3A_167] : memref<320000xi32, #tpu.memory_space<hbm>> -> memref<40xi32, #tpu.memory_space<hbm>>
      tpu.enqueue_dma source(%dma_start3A_193 : memref<40xi32, #tpu.memory_space<hbm>>) target(%arg11 : memref<40xi32, #tpu.memory_space<vmem>>) target_semaphore(%run_scoped3A : memref<!tpu.dma_semaphore, #tpu.memory_space<semaphore_mem>>)
      %dma_wait3A_194 = tpu.memref_slice %arg5[%add3A_167] : memref<320000xi32, #tpu.memory_space<hbm>> -> memref<40xi32, #tpu.memory_space<hbm>>
      %dma_wait3A_195 = tpu.memref_slice %arg5[%add3A_167] : memref<320000xi32, #tpu.memory_space<hbm>> -> memref<40xi32, #tpu.memory_space<hbm>>
      tpu.wait_dma2 semaphore(%run_scoped3A : memref<!tpu.dma_semaphore, #tpu.memory_space<semaphore_mem>>) src(%dma_wait3A_195 : memref<40xi32, #tpu.memory_space<hbm>>) dst(%arg11 : memref<40xi32, #tpu.memory_space<vmem>>)
      tpu.yield
    }) : () -> ()
    "tpu.region"() ({
      %run_scoped3A = tpu.sem_alloc : memref<!tpu.dma_semaphore, #tpu.memory_space<semaphore_mem>>
      %dma_start3A_192 = tpu.memref_slice %arg6[%add3A_167] : memref<320000xi32, #tpu.memory_space<hbm>> -> memref<40xi32, #tpu.memory_space<hbm>>
      %dma_start3A_193 = tpu.memref_slice %arg6[%add3A_167] : memref<320000xi32, #tpu.memory_space<hbm>> -> memref<40xi32, #tpu.memory_space<hbm>>
      tpu.enqueue_dma source(%dma_start3A_193 : memref<40xi32, #tpu.memory_space<hbm>>) target(%arg12 : memref<40xi32, #tpu.memory_space<vmem>>) target_semaphore(%run_scoped3A : memref<!tpu.dma_semaphore, #tpu.memory_space<semaphore_mem>>)
      %dma_wait3A_194 = tpu.memref_slice %arg6[%add3A_167] : memref<320000xi32, #tpu.memory_space<hbm>> -> memref<40xi32, #tpu.memory_space<hbm>>
      %dma_wait3A_195 = tpu.memref_slice %arg6[%add3A_167] : memref<320000xi32, #tpu.memory_space<hbm>> -> memref<40xi32, #tpu.memory_space<hbm>>
      tpu.wait_dma2 semaphore(%run_scoped3A : memref<!tpu.dma_semaphore, #tpu.memory_space<semaphore_mem>>) src(%dma_wait3A_195 : memref<40xi32, #tpu.memory_space<hbm>>) dst(%arg12 : memref<40xi32, #tpu.memory_space<vmem>>)
      tpu.yield
    }) : () -> ()
    "tpu.region"() ({
      %run_scoped3A = tpu.sem_alloc : memref<!tpu.dma_semaphore, #tpu.memory_space<semaphore_mem>>
      %dma_start3A_192 = arith.constant 0 : i32
      %dma_start3A_193 = tpu.memref_slice %arg7[%add3A_167, %dma_start3A_192] : memref<320000x16xf32, #tpu.memory_space<hbm>> -> memref<40x16xf32, #tpu.memory_space<hbm>>
      %dma_start3A_194 = arith.constant 0 : i32
      %dma_start3A_195 = tpu.memref_slice %arg7[%add3A_167, %dma_start3A_194] : memref<320000x16xf32, #tpu.memory_space<hbm>> -> memref<40x16xf32, #tpu.memory_space<hbm>>
      tpu.enqueue_dma source(%dma_start3A_195 : memref<40x16xf32, #tpu.memory_space<hbm>>) target(%arg13 : memref<40x16xf32, #tpu.memory_space<vmem>>) target_semaphore(%run_scoped3A : memref<!tpu.dma_semaphore, #tpu.memory_space<semaphore_mem>>)
      %dma_wait3A_196 = arith.constant 0 : i32
      %dma_wait3A_197 = tpu.memref_slice %arg7[%add3A_167, %dma_wait3A_196] : memref<320000x16xf32, #tpu.memory_space<hbm>> -> memref<40x16xf32, #tpu.memory_space<hbm>>
      %dma_wait3A_198 = arith.constant 0 : i32
      %dma_wait3A_199 = tpu.memref_slice %arg7[%add3A_167, %dma_wait3A_198] : memref<320000x16xf32, #tpu.memory_space<hbm>> -> memref<40x16xf32, #tpu.memory_space<hbm>>
      tpu.wait_dma2 semaphore(%run_scoped3A : memref<!tpu.dma_semaphore, #tpu.memory_space<semaphore_mem>>) src(%dma_wait3A_199 : memref<40x16xf32, #tpu.memory_space<hbm>>) dst(%arg13 : memref<40x16xf32, #tpu.memory_space<vmem>>)
      tpu.yield
    }) : () -> ()
    %dma_start3A = arith.constant 0 : i32
    %dma_start3A_168 = arith.constant 0 : i32
    %dma_start3A_169 = tpu.memref_slice %arg2[%dma_start3A, %dma_start3A_168] : memref<10000x128xf32, #tpu.memory_space<hbm>> -> memref<10000x128xf32, #tpu.memory_space<hbm>>
    tpu.enqueue_indirect_dma source(%dma_start3A_169 : memref<10000x128xf32, #tpu.memory_space<hbm>>) target(%arg14 : memref<40x128xf32, #tpu.memory_space<vmem>>) offsets(%arg12 : memref<40xi32, #tpu.memory_space<vmem>>) semaphore(%arg16 : memref<!tpu.dma_semaphore, #tpu.memory_space<semaphore_mem>>)
    %dma_start3A_170 = arith.constant 0 : i32
    %dma_start3A_171 = arith.constant 0 : i32
    %dma_start3A_172 = tpu.memref_slice %arg4[%dma_start3A_170, %dma_start3A_171] : memref<10000x128xf32, #tpu.memory_space<hbm>> -> memref<10000x128xf32, #tpu.memory_space<hbm>>
    tpu.enqueue_indirect_dma source(%dma_start3A_172 : memref<10000x128xf32, #tpu.memory_space<hbm>>) target(%arg15 : memref<40x128xf32, #tpu.memory_space<vmem>>) offsets(%arg11 : memref<40xi32, #tpu.memory_space<vmem>>) semaphore(%arg18 : memref<!tpu.dma_semaphore, #tpu.memory_space<semaphore_mem>>)
    %dma_wait3A = arith.constant 0 : i32
    %dma_wait3A_173 = arith.constant 0 : i32
    %dma_wait3A_174 = tpu.memref_slice %arg2[%dma_wait3A, %dma_wait3A_173] : memref<10000x128xf32, #tpu.memory_space<hbm>> -> memref<10000x128xf32, #tpu.memory_space<hbm>>
    tpu.wait_indirect_dma semaphore(%arg16 : memref<!tpu.dma_semaphore, #tpu.memory_space<semaphore_mem>>) src(%dma_wait3A_174 : memref<10000x128xf32, #tpu.memory_space<hbm>>) dst(%arg14 : memref<40x128xf32, #tpu.memory_space<vmem>>)
    %dma_start3A_175 = arith.constant 0 : i32
    %dma_start3A_176 = arith.constant 0 : i32
    %dma_start3A_177 = tpu.memref_slice %arg3[%dma_start3A_175, %dma_start3A_176] : memref<10000x128xf32, #tpu.memory_space<hbm>> -> memref<10000x128xf32, #tpu.memory_space<hbm>>
    tpu.enqueue_indirect_dma source(%dma_start3A_177 : memref<10000x128xf32, #tpu.memory_space<hbm>>) target(%arg14 : memref<40x128xf32, #tpu.memory_space<vmem>>) offsets(%arg11 : memref<40xi32, #tpu.memory_space<vmem>>) semaphore(%arg17 : memref<!tpu.dma_semaphore, #tpu.memory_space<semaphore_mem>>) {add = true}
    %scan3A = arith.constant 0 : i32
    %scan3A_178 = arith.constant 0 : i32
    %scan3A_179 = arith.constant 125 : i32
    %scan3A_180 = arith.addi %scan3A_178, %scan3A_179 : i32
    %scan3A_181 = arith.constant 1 : i32
    scf.for %scan3A_192 = %scan3A_178 to %scan3A_180 step %scan3A_181  : i32 {
      %mul3A_193 = arith.constant 2 : i32
      %mul3A_194 = arith.muli %scan3A_192, %mul3A_193 : i32
      %add3A_195 = arith.constant 0 : i32
      %add3A_196 = arith.addi %mul3A_194, %add3A_195 : i32
      %add3A_197 = arith.constant 1 : i32
      %add3A_198 = arith.addi %add3A_196, %add3A_197 : i32
      %lt3A = arith.constant 250 : i32
      %lt3A_199 = arith.cmpi slt, %add3A_198, %lt3A : i32
      %convert_element_type3A_200 = arith.extui %lt3A_199 : i1 to i32
      %cond3A_201 = arith.constant 0 : i32
      %cond3A_202 = arith.cmpi ne, %convert_element_type3A_200, %cond3A_201 : i32
      scf.if %cond3A_202 {
        %add3A_252 = arith.constant 1 : i32
        %add3A_253 = arith.addi %add3A_196, %add3A_252 : i32
        %mul3A_254 = arith.constant 40 : i32
        %mul3A_255 = arith.muli %add3A_253, %mul3A_254 : i32
        %add3A_256 = arith.addi %mul3A_165, %mul3A_255 : i32
        "tpu.region"() ({
          %run_scoped3A = tpu.sem_alloc : memref<!tpu.dma_semaphore, #tpu.memory_space<semaphore_mem>>
          %dma_start3A_263 = tpu.memref_slice %arg5[%add3A_256] : memref<320000xi32, #tpu.memory_space<hbm>> -> memref<40xi32, #tpu.memory_space<hbm>>
          %dma_start3A_264 = tpu.memref_slice %arg5[%add3A_256] : memref<320000xi32, #tpu.memory_space<hbm>> -> memref<40xi32, #tpu.memory_space<hbm>>
          tpu.enqueue_dma source(%dma_start3A_264 : memref<40xi32, #tpu.memory_space<hbm>>) target(%arg19 : memref<40xi32, #tpu.memory_space<vmem>>) target_semaphore(%run_scoped3A : memref<!tpu.dma_semaphore, #tpu.memory_space<semaphore_mem>>)
          %dma_wait3A_265 = tpu.memref_slice %arg5[%add3A_256] : memref<320000xi32, #tpu.memory_space<hbm>> -> memref<40xi32, #tpu.memory_space<hbm>>
          %dma_wait3A_266 = tpu.memref_slice %arg5[%add3A_256] : memref<320000xi32, #tpu.memory_space<hbm>> -> memref<40xi32, #tpu.memory_space<hbm>>
          tpu.wait_dma2 semaphore(%run_scoped3A : memref<!tpu.dma_semaphore, #tpu.memory_space<semaphore_mem>>) src(%dma_wait3A_266 : memref<40xi32, #tpu.memory_space<hbm>>) dst(%arg19 : memref<40xi32, #tpu.memory_space<vmem>>)
          tpu.yield
        }) : () -> ()
        "tpu.region"() ({
          %run_scoped3A = tpu.sem_alloc : memref<!tpu.dma_semaphore, #tpu.memory_space<semaphore_mem>>
          %dma_start3A_263 = tpu.memref_slice %arg6[%add3A_256] : memref<320000xi32, #tpu.memory_space<hbm>> -> memref<40xi32, #tpu.memory_space<hbm>>
          %dma_start3A_264 = tpu.memref_slice %arg6[%add3A_256] : memref<320000xi32, #tpu.memory_space<hbm>> -> memref<40xi32, #tpu.memory_space<hbm>>
          tpu.enqueue_dma source(%dma_start3A_264 : memref<40xi32, #tpu.memory_space<hbm>>) target(%arg20 : memref<40xi32, #tpu.memory_space<vmem>>) target_semaphore(%run_scoped3A : memref<!tpu.dma_semaphore, #tpu.memory_space<semaphore_mem>>)
          %dma_wait3A_265 = tpu.memref_slice %arg6[%add3A_256] : memref<320000xi32, #tpu.memory_space<hbm>> -> memref<40xi32, #tpu.memory_space<hbm>>
          %dma_wait3A_266 = tpu.memref_slice %arg6[%add3A_256] : memref<320000xi32, #tpu.memory_space<hbm>> -> memref<40xi32, #tpu.memory_space<hbm>>
          tpu.wait_dma2 semaphore(%run_scoped3A : memref<!tpu.dma_semaphore, #tpu.memory_space<semaphore_mem>>) src(%dma_wait3A_266 : memref<40xi32, #tpu.memory_space<hbm>>) dst(%arg20 : memref<40xi32, #tpu.memory_space<vmem>>)
          tpu.yield
        }) : () -> ()
        "tpu.region"() ({
          %run_scoped3A = tpu.sem_alloc : memref<!tpu.dma_semaphore, #tpu.memory_space<semaphore_mem>>
          %dma_start3A_263 = arith.constant 0 : i32
          %dma_start3A_264 = tpu.memref_slice %arg7[%add3A_256, %dma_start3A_263] : memref<320000x16xf32, #tpu.memory_space<hbm>> -> memref<40x16xf32, #tpu.memory_space<hbm>>
          %dma_start3A_265 = arith.constant 0 : i32
          %dma_start3A_266 = tpu.memref_slice %arg7[%add3A_256, %dma_start3A_265] : memref<320000x16xf32, #tpu.memory_space<hbm>> -> memref<40x16xf32, #tpu.memory_space<hbm>>
          tpu.enqueue_dma source(%dma_start3A_266 : memref<40x16xf32, #tpu.memory_space<hbm>>) target(%arg21 : memref<40x16xf32, #tpu.memory_space<vmem>>) target_semaphore(%run_scoped3A : memref<!tpu.dma_semaphore, #tpu.memory_space<semaphore_mem>>)
          %dma_wait3A_267 = arith.constant 0 : i32
          %dma_wait3A_268 = tpu.memref_slice %arg7[%add3A_256, %dma_wait3A_267] : memref<320000x16xf32, #tpu.memory_space<hbm>> -> memref<40x16xf32, #tpu.memory_space<hbm>>
          %dma_wait3A_269 = arith.constant 0 : i32
          %dma_wait3A_270 = tpu.memref_slice %arg7[%add3A_256, %dma_wait3A_269] : memref<320000x16xf32, #tpu.memory_space<hbm>> -> memref<40x16xf32, #tpu.memory_space<hbm>>
          tpu.wait_dma2 semaphore(%run_scoped3A : memref<!tpu.dma_semaphore, #tpu.memory_space<semaphore_mem>>) src(%dma_wait3A_270 : memref<40x16xf32, #tpu.memory_space<hbm>>) dst(%arg21 : memref<40x16xf32, #tpu.memory_space<vmem>>)
          tpu.yield
        }) : () -> ()
        %dma_start3A_257 = arith.constant 0 : i32
        %dma_start3A_258 = arith.constant 0 : i32
        %dma_start3A_259 = tpu.memref_slice %arg2[%dma_start3A_257, %dma_start3A_258] : memref<10000x128xf32, #tpu.memory_space<hbm>> -> memref<10000x128xf32, #tpu.memory_space<hbm>>
        tpu.enqueue_indirect_dma source(%dma_start3A_259 : memref<10000x128xf32, #tpu.memory_space<hbm>>) target(%arg22 : memref<40x128xf32, #tpu.memory_space<vmem>>) offsets(%arg20 : memref<40xi32, #tpu.memory_space<vmem>>) semaphore(%arg24 : memref<!tpu.dma_semaphore, #tpu.memory_space<semaphore_mem>>)
        %dma_start3A_260 = arith.constant 0 : i32
        %dma_start3A_261 = arith.constant 0 : i32
        %dma_start3A_262 = tpu.memref_slice %arg4[%dma_start3A_260, %dma_start3A_261] : memref<10000x128xf32, #tpu.memory_space<hbm>> -> memref<10000x128xf32, #tpu.memory_space<hbm>>
        tpu.enqueue_indirect_dma source(%dma_start3A_262 : memref<10000x128xf32, #tpu.memory_space<hbm>>) target(%arg23 : memref<40x128xf32, #tpu.memory_space<vmem>>) offsets(%arg19 : memref<40xi32, #tpu.memory_space<vmem>>) semaphore(%arg26 : memref<!tpu.dma_semaphore, #tpu.memory_space<semaphore_mem>>)
      } else {
      }
      %dma_wait3A_203 = arith.constant 0 : i32
      %dma_wait3A_204 = arith.constant 0 : i32
      %dma_wait3A_205 = tpu.memref_slice %arg3[%dma_wait3A_203, %dma_wait3A_204] : memref<10000x128xf32, #tpu.memory_space<hbm>> -> memref<10000x128xf32, #tpu.memory_space<hbm>>
      tpu.wait_indirect_dma semaphore(%arg17 : memref<!tpu.dma_semaphore, #tpu.memory_space<semaphore_mem>>) src(%dma_wait3A_205 : memref<10000x128xf32, #tpu.memory_space<hbm>>) dst(%arg14 : memref<40x128xf32, #tpu.memory_space<vmem>>)
      %dma_wait3A_206 = arith.constant 0 : i32
      %dma_wait3A_207 = arith.constant 0 : i32
      %dma_wait3A_208 = tpu.memref_slice %arg4[%dma_wait3A_206, %dma_wait3A_207] : memref<10000x128xf32, #tpu.memory_space<hbm>> -> memref<10000x128xf32, #tpu.memory_space<hbm>>
      tpu.wait_indirect_dma semaphore(%arg18 : memref<!tpu.dma_semaphore, #tpu.memory_space<semaphore_mem>>) src(%dma_wait3A_208 : memref<10000x128xf32, #tpu.memory_space<hbm>>) dst(%arg15 : memref<40x128xf32, #tpu.memory_space<vmem>>)
      %scan3A_209 = arith.constant 0 : i32
      %scan3A_210 = arith.constant 0 : i32
      %scan3A_211 = arith.constant 40 : i32
      %scan3A_212 = arith.addi %scan3A_210, %scan3A_211 : i32
      %scan3A_213 = arith.constant 1 : i32
      scf.for %scan3A_252 = %scan3A_210 to %scan3A_212 step %scan3A_213  : i32 {
        %get3A_253 = arith.index_cast %scan3A_252 : i32 to index
        %get3A_254 = arith.constant 0 : index
        %get3A_255 = tpu.vector_load %arg13[%get3A_253, %get3A_254] {strides = array<i32>} : memref<40x16xf32, #tpu.memory_space<vmem>>, vector<1x16xf32>,
        %get3A_256 = vector.shape_cast %get3A_255 : vector<1x16xf32> to vector<16xf32>
        %slice3A = vector.extract_strided_slice %get3A_256 {offsets = [0], sizes = [1], strides = [1]} : vector<16xf32> to vector<1xf32>
        %squeeze3A = vector.extract %slice3A[0] : f32 from vector<1xf32>
        %slice3A_257 = vector.extract_strided_slice %get3A_256 {offsets = [1], sizes = [1], strides = [1]} : vector<16xf32> to vector<1xf32>
        %squeeze3A_258 = vector.extract %slice3A_257[0] : f32 from vector<1xf32>
        %slice3A_259 = vector.extract_strided_slice %get3A_256 {offsets = [2], sizes = [1], strides = [1]} : vector<16xf32> to vector<1xf32>
        %squeeze3A_260 = vector.extract %slice3A_259[0] : f32 from vector<1xf32>
        %slice3A_261 = vector.extract_strided_slice %get3A_256 {offsets = [3], sizes = [1], strides = [1]} : vector<16xf32> to vector<1xf32>
        %squeeze3A_262 = vector.extract %slice3A_261[0] : f32 from vector<1xf32>
        %mul3A_263 = vector.broadcast %squeeze3A : f32 to vector<16xf32>
        %mul3A_264 = arith.mulf %mul3A_263, %get3A_8 : vector<16xf32>
        %mul3A_265 = vector.broadcast %squeeze3A_258 : f32 to vector<16xf32>
        %mul3A_266 = arith.mulf %mul3A_265, %get3A_48 : vector<16xf32>
        %add3A_267 = arith.addf %mul3A_264, %mul3A_266 : vector<16xf32>
        %mul3A_268 = vector.broadcast %squeeze3A_260 : f32 to vector<16xf32>
        %mul3A_269 = arith.mulf %mul3A_268, %get3A_88 : vector<16xf32>
        %mul3A_270 = vector.broadcast %squeeze3A_262 : f32 to vector<16xf32>
        %mul3A_271 = arith.mulf %mul3A_270, %get3A_128 : vector<16xf32>
        %add3A_272 = arith.addf %mul3A_269, %mul3A_271 : vector<16xf32>
        %add3A_273 = arith.addf %add3A_267, %add3A_272 : vector<16xf32>
        %get3A_274 = arith.index_cast %scan3A_252 : i32 to index
        %get3A_275 = arith.constant 0 : index
        %get3A_276 = tpu.vector_load %arg14[%get3A_274, %get3A_275] {strides = array<i32>} : memref<40x128xf32, #tpu.memory_space<vmem>>, vector<1x16xf32>,
        %get3A_277 = vector.shape_cast %get3A_276 : vector<1x16xf32> to vector<16xf32>
        %add3A_278 = arith.addf %add3A_273, %get3A_277 : vector<16xf32>
        %mul3A_279 = vector.broadcast %squeeze3A : f32 to vector<16xf32>
        %mul3A_280 = arith.mulf %mul3A_279, %get3A_13 : vector<16xf32>
        %mul3A_281 = vector.broadcast %squeeze3A_258 : f32 to vector<16xf32>
        %mul3A_282 = arith.mulf %mul3A_281, %get3A_53 : vector<16xf32>
        %add3A_283 = arith.addf %mul3A_280, %mul3A_282 : vector<16xf32>
        %mul3A_284 = vector.broadcast %squeeze3A_260 : f32 to vector<16xf32>
        %mul3A_285 = arith.mulf %mul3A_284, %get3A_93 : vector<16xf32>
        %mul3A_286 = vector.broadcast %squeeze3A_262 : f32 to vector<16xf32>
        %mul3A_287 = arith.mulf %mul3A_286, %get3A_133 : vector<16xf32>
        %add3A_288 = arith.addf %mul3A_285, %mul3A_287 : vector<16xf32>
        %add3A_289 = arith.addf %add3A_283, %add3A_288 : vector<16xf32>
        %get3A_290 = arith.index_cast %scan3A_252 : i32 to index
        %get3A_291 = arith.constant 16 : index
        %get3A_292 = tpu.vector_load %arg14[%get3A_290, %get3A_291] {strides = array<i32>} : memref<40x128xf32, #tpu.memory_space<vmem>>, vector<1x16xf32>,
        %get3A_293 = vector.shape_cast %get3A_292 : vector<1x16xf32> to vector<16xf32>
        %add3A_294 = arith.addf %add3A_289, %get3A_293 : vector<16xf32>
        %mul3A_295 = vector.broadcast %squeeze3A : f32 to vector<16xf32>
        %mul3A_296 = arith.mulf %mul3A_295, %get3A_18 : vector<16xf32>
        %mul3A_297 = vector.broadcast %squeeze3A_258 : f32 to vector<16xf32>
        %mul3A_298 = arith.mulf %mul3A_297, %get3A_58 : vector<16xf32>
        %add3A_299 = arith.addf %mul3A_296, %mul3A_298 : vector<16xf32>
        %mul3A_300 = vector.broadcast %squeeze3A_260 : f32 to vector<16xf32>
        %mul3A_301 = arith.mulf %mul3A_300, %get3A_98 : vector<16xf32>
        %mul3A_302 = vector.broadcast %squeeze3A_262 : f32 to vector<16xf32>
        %mul3A_303 = arith.mulf %mul3A_302, %get3A_138 : vector<16xf32>
        %add3A_304 = arith.addf %mul3A_301, %mul3A_303 : vector<16xf32>
        %add3A_305 = arith.addf %add3A_299, %add3A_304 : vector<16xf32>
        %get3A_306 = arith.index_cast %scan3A_252 : i32 to index
        %get3A_307 = arith.constant 32 : index
        %get3A_308 = tpu.vector_load %arg14[%get3A_306, %get3A_307] {strides = array<i32>} : memref<40x128xf32, #tpu.memory_space<vmem>>, vector<1x16xf32>,
        %get3A_309 = vector.shape_cast %get3A_308 : vector<1x16xf32> to vector<16xf32>
        %add3A_310 = arith.addf %add3A_305, %get3A_309 : vector<16xf32>
        %mul3A_311 = vector.broadcast %squeeze3A : f32 to vector<16xf32>
        %mul3A_312 = arith.mulf %mul3A_311, %get3A_23 : vector<16xf32>
        %mul3A_313 = vector.broadcast %squeeze3A_258 : f32 to vector<16xf32>
        %mul3A_314 = arith.mulf %mul3A_313, %get3A_63 : vector<16xf32>
        %add3A_315 = arith.addf %mul3A_312, %mul3A_314 : vector<16xf32>
        %mul3A_316 = vector.broadcast %squeeze3A_260 : f32 to vector<16xf32>
        %mul3A_317 = arith.mulf %mul3A_316, %get3A_103 : vector<16xf32>
        %mul3A_318 = vector.broadcast %squeeze3A_262 : f32 to vector<16xf32>
        %mul3A_319 = arith.mulf %mul3A_318, %get3A_143 : vector<16xf32>
        %add3A_320 = arith.addf %mul3A_317, %mul3A_319 : vector<16xf32>
        %add3A_321 = arith.addf %add3A_315, %add3A_320 : vector<16xf32>
        %get3A_322 = arith.index_cast %scan3A_252 : i32 to index
        %get3A_323 = arith.constant 48 : index
        %get3A_324 = tpu.vector_load %arg14[%get3A_322, %get3A_323] {strides = array<i32>} : memref<40x128xf32, #tpu.memory_space<vmem>>, vector<1x16xf32>,
        %get3A_325 = vector.shape_cast %get3A_324 : vector<1x16xf32> to vector<16xf32>
        %add3A_326 = arith.addf %add3A_321, %get3A_325 : vector<16xf32>
        %mul3A_327 = vector.broadcast %squeeze3A : f32 to vector<16xf32>
        %mul3A_328 = arith.mulf %mul3A_327, %get3A_28 : vector<16xf32>
        %mul3A_329 = vector.broadcast %squeeze3A_258 : f32 to vector<16xf32>
        %mul3A_330 = arith.mulf %mul3A_329, %get3A_68 : vector<16xf32>
        %add3A_331 = arith.addf %mul3A_328, %mul3A_330 : vector<16xf32>
        %mul3A_332 = vector.broadcast %squeeze3A_260 : f32 to vector<16xf32>
        %mul3A_333 = arith.mulf %mul3A_332, %get3A_108 : vector<16xf32>
        %mul3A_334 = vector.broadcast %squeeze3A_262 : f32 to vector<16xf32>
        %mul3A_335 = arith.mulf %mul3A_334, %get3A_148 : vector<16xf32>
        %add3A_336 = arith.addf %mul3A_333, %mul3A_335 : vector<16xf32>
        %add3A_337 = arith.addf %add3A_331, %add3A_336 : vector<16xf32>
        %get3A_338 = arith.index_cast %scan3A_252 : i32 to index
        %get3A_339 = arith.constant 64 : index
        %get3A_340 = tpu.vector_load %arg14[%get3A_338, %get3A_339] {strides = array<i32>} : memref<40x128xf32, #tpu.memory_space<vmem>>, vector<1x16xf32>,
        %get3A_341 = vector.shape_cast %get3A_340 : vector<1x16xf32> to vector<16xf32>
        %add3A_342 = arith.addf %add3A_337, %get3A_341 : vector<16xf32>
        %mul3A_343 = vector.broadcast %squeeze3A : f32 to vector<16xf32>
        %mul3A_344 = arith.mulf %mul3A_343, %get3A_33 : vector<16xf32>
        %mul3A_345 = vector.broadcast %squeeze3A_258 : f32 to vector<16xf32>
        %mul3A_346 = arith.mulf %mul3A_345, %get3A_73 : vector<16xf32>
        %add3A_347 = arith.addf %mul3A_344, %mul3A_346 : vector<16xf32>
        %mul3A_348 = vector.broadcast %squeeze3A_260 : f32 to vector<16xf32>
        %mul3A_349 = arith.mulf %mul3A_348, %get3A_113 : vector<16xf32>
        %mul3A_350 = vector.broadcast %squeeze3A_262 : f32 to vector<16xf32>
        %mul3A_351 = arith.mulf %mul3A_350, %get3A_153 : vector<16xf32>
        %add3A_352 = arith.addf %mul3A_349, %mul3A_351 : vector<16xf32>
        %add3A_353 = arith.addf %add3A_347, %add3A_352 : vector<16xf32>
        %get3A_354 = arith.index_cast %scan3A_252 : i32 to index
        %get3A_355 = arith.constant 80 : index
        %get3A_356 = tpu.vector_load %arg14[%get3A_354, %get3A_355] {strides = array<i32>} : memref<40x128xf32, #tpu.memory_space<vmem>>, vector<1x16xf32>,
        %get3A_357 = vector.shape_cast %get3A_356 : vector<1x16xf32> to vector<16xf32>
        %add3A_358 = arith.addf %add3A_353, %get3A_357 : vector<16xf32>
        %mul3A_359 = vector.broadcast %squeeze3A : f32 to vector<16xf32>
        %mul3A_360 = arith.mulf %mul3A_359, %get3A_38 : vector<16xf32>
        %mul3A_361 = vector.broadcast %squeeze3A_258 : f32 to vector<16xf32>
        %mul3A_362 = arith.mulf %mul3A_361, %get3A_78 : vector<16xf32>
        %add3A_363 = arith.addf %mul3A_360, %mul3A_362 : vector<16xf32>
        %mul3A_364 = vector.broadcast %squeeze3A_260 : f32 to vector<16xf32>
        %mul3A_365 = arith.mulf %mul3A_364, %get3A_118 : vector<16xf32>
        %mul3A_366 = vector.broadcast %squeeze3A_262 : f32 to vector<16xf32>
        %mul3A_367 = arith.mulf %mul3A_366, %get3A_158 : vector<16xf32>
        %add3A_368 = arith.addf %mul3A_365, %mul3A_367 : vector<16xf32>
        %add3A_369 = arith.addf %add3A_363, %add3A_368 : vector<16xf32>
        %get3A_370 = arith.index_cast %scan3A_252 : i32 to index
        %get3A_371 = arith.constant 96 : index
        %get3A_372 = tpu.vector_load %arg14[%get3A_370, %get3A_371] {strides = array<i32>} : memref<40x128xf32, #tpu.memory_space<vmem>>, vector<1x16xf32>,
        %get3A_373 = vector.shape_cast %get3A_372 : vector<1x16xf32> to vector<16xf32>
        %add3A_374 = arith.addf %add3A_369, %get3A_373 : vector<16xf32>
        %mul3A_375 = vector.broadcast %squeeze3A : f32 to vector<16xf32>
        %mul3A_376 = arith.mulf %mul3A_375, %get3A_43 : vector<16xf32>
        %mul3A_377 = vector.broadcast %squeeze3A_258 : f32 to vector<16xf32>
        %mul3A_378 = arith.mulf %mul3A_377, %get3A_83 : vector<16xf32>
        %add3A_379 = arith.addf %mul3A_376, %mul3A_378 : vector<16xf32>
        %mul3A_380 = vector.broadcast %squeeze3A_260 : f32 to vector<16xf32>
        %mul3A_381 = arith.mulf %mul3A_380, %get3A_123 : vector<16xf32>
        %mul3A_382 = vector.broadcast %squeeze3A_262 : f32 to vector<16xf32>
        %mul3A_383 = arith.mulf %mul3A_382, %get3A_163 : vector<16xf32>
        %add3A_384 = arith.addf %mul3A_381, %mul3A_383 : vector<16xf32>
        %add3A_385 = arith.addf %add3A_379, %add3A_384 : vector<16xf32>
        %get3A_386 = arith.index_cast %scan3A_252 : i32 to index
        %get3A_387 = arith.constant 112 : index
        %get3A_388 = tpu.vector_load %arg14[%get3A_386, %get3A_387] {strides = array<i32>} : memref<40x128xf32, #tpu.memory_space<vmem>>, vector<1x16xf32>,
        %get3A_389 = vector.shape_cast %get3A_388 : vector<1x16xf32> to vector<16xf32>
        %add3A_390 = arith.addf %add3A_385, %get3A_389 : vector<16xf32>
        %exp3A = math.exp %add3A_278 : vector<16xf32>
        %exp3A_391 = math.exp %add3A_294 : vector<16xf32>
        %exp3A_392 = math.exp %add3A_310 : vector<16xf32>
        %exp3A_393 = math.exp %add3A_326 : vector<16xf32>
        %exp3A_394 = math.exp %add3A_342 : vector<16xf32>
        %exp3A_395 = math.exp %add3A_358 : vector<16xf32>
        %exp3A_396 = math.exp %add3A_374 : vector<16xf32>
        %exp3A_397 = math.exp %add3A_390 : vector<16xf32>
        %add3A_398 = arith.constant 1.000000e+00 : f32
        %add3A_399 = vector.broadcast %add3A_398 : f32 to vector<16xf32>
        %add3A_400 = arith.addf %add3A_399, %exp3A : vector<16xf32>
        %div3A = arith.constant 1.000000e+00 : f32
        %div3A_401 = vector.broadcast %div3A : f32 to vector<16xf32>
        %div3A_402 = arith.divf %div3A_401, %add3A_400 : vector<16xf32>
        %add3A_403 = arith.constant 1.000000e+00 : f32
        %add3A_404 = vector.broadcast %add3A_403 : f32 to vector<16xf32>
        %add3A_405 = arith.addf %add3A_404, %exp3A_391 : vector<16xf32>
        %div3A_406 = arith.constant 1.000000e+00 : f32
        %div3A_407 = vector.broadcast %div3A_406 : f32 to vector<16xf32>
        %div3A_408 = arith.divf %div3A_407, %add3A_405 : vector<16xf32>
        %add3A_409 = arith.constant 1.000000e+00 : f32
        %add3A_410 = vector.broadcast %add3A_409 : f32 to vector<16xf32>
        %add3A_411 = arith.addf %add3A_410, %exp3A_392 : vector<16xf32>
        %div3A_412 = arith.constant 1.000000e+00 : f32
        %div3A_413 = vector.broadcast %div3A_412 : f32 to vector<16xf32>
        %div3A_414 = arith.divf %div3A_413, %add3A_411 : vector<16xf32>
        %add3A_415 = arith.constant 1.000000e+00 : f32
        %add3A_416 = vector.broadcast %add3A_415 : f32 to vector<16xf32>
        %add3A_417 = arith.addf %add3A_416, %exp3A_393 : vector<16xf32>
        %div3A_418 = arith.constant 1.000000e+00 : f32
        %div3A_419 = vector.broadcast %div3A_418 : f32 to vector<16xf32>
        %div3A_420 = arith.divf %div3A_419, %add3A_417 : vector<16xf32>
        %add3A_421 = arith.constant 1.000000e+00 : f32
        %add3A_422 = vector.broadcast %add3A_421 : f32 to vector<16xf32>
        %add3A_423 = arith.addf %add3A_422, %exp3A_394 : vector<16xf32>
        %div3A_424 = arith.constant 1.000000e+00 : f32
        %div3A_425 = vector.broadcast %div3A_424 : f32 to vector<16xf32>
        %div3A_426 = arith.divf %div3A_425, %add3A_423 : vector<16xf32>
        %add3A_427 = arith.constant 1.000000e+00 : f32
        %add3A_428 = vector.broadcast %add3A_427 : f32 to vector<16xf32>
        %add3A_429 = arith.addf %add3A_428, %exp3A_395 : vector<16xf32>
        %div3A_430 = arith.constant 1.000000e+00 : f32
        %div3A_431 = vector.broadcast %div3A_430 : f32 to vector<16xf32>
        %div3A_432 = arith.divf %div3A_431, %add3A_429 : vector<16xf32>
        %add3A_433 = arith.constant 1.000000e+00 : f32
        %add3A_434 = vector.broadcast %add3A_433 : f32 to vector<16xf32>
        %add3A_435 = arith.addf %add3A_434, %exp3A_396 : vector<16xf32>
        %div3A_436 = arith.constant 1.000000e+00 : f32
        %div3A_437 = vector.broadcast %div3A_436 : f32 to vector<16xf32>
        %div3A_438 = arith.divf %div3A_437, %add3A_435 : vector<16xf32>
        %add3A_439 = arith.constant 1.000000e+00 : f32
        %add3A_440 = vector.broadcast %add3A_439 : f32 to vector<16xf32>
        %add3A_441 = arith.addf %add3A_440, %exp3A_397 : vector<16xf32>
        %div3A_442 = arith.constant 1.000000e+00 : f32
        %div3A_443 = vector.broadcast %div3A_442 : f32 to vector<16xf32>
        %div3A_444 = arith.divf %div3A_443, %add3A_441 : vector<16xf32>
        %get3A_445 = arith.index_cast %scan3A_252 : i32 to index
        %get3A_446 = arith.constant 0 : index
        %get3A_447 = tpu.vector_load %arg15[%get3A_445, %get3A_446] {strides = array<i32>} : memref<40x128xf32, #tpu.memory_space<vmem>>, vector<1x16xf32>,
        %get3A_448 = vector.shape_cast %get3A_447 : vector<1x16xf32> to vector<16xf32>
        %mul3A_449 = arith.mulf %div3A_402, %get3A_448 : vector<16xf32>
        %swap3A = arith.index_cast %scan3A_252 : i32 to index
        %swap3A_450 = arith.constant 0 : index
        %swap3A_451 = tpu.vector_load %arg15[%swap3A, %swap3A_450] {strides = array<i32>} : memref<40x128xf32, #tpu.memory_space<vmem>>, vector<1x16xf32>,
        %swap3A_452 = vector.shape_cast %swap3A_451 : vector<1x16xf32> to vector<16xf32>
        %swap3A_453 = vector.shape_cast %mul3A_449 : vector<16xf32> to vector<1x16xf32>
        tpu.vector_store %arg15[%swap3A, %swap3A_450], %swap3A_453 {strides = array<i32>} : memref<40x128xf32, #tpu.memory_space<vmem>>, vector<1x16xf32>,
        %get3A_454 = arith.index_cast %scan3A_252 : i32 to index
        %get3A_455 = arith.constant 16 : index
        %get3A_456 = tpu.vector_load %arg15[%get3A_454, %get3A_455] {strides = array<i32>} : memref<40x128xf32, #tpu.memory_space<vmem>>, vector<1x16xf32>,
        %get3A_457 = vector.shape_cast %get3A_456 : vector<1x16xf32> to vector<16xf32>
        %mul3A_458 = arith.mulf %div3A_408, %get3A_457 : vector<16xf32>
        %swap3A_459 = arith.index_cast %scan3A_252 : i32 to index
        %swap3A_460 = arith.constant 16 : index
        %swap3A_461 = tpu.vector_load %arg15[%swap3A_459, %swap3A_460] {strides = array<i32>} : memref<40x128xf32, #tpu.memory_space<vmem>>, vector<1x16xf32>,
        %swap3A_462 = vector.shape_cast %swap3A_461 : vector<1x16xf32> to vector<16xf32>
        %swap3A_463 = vector.shape_cast %mul3A_458 : vector<16xf32> to vector<1x16xf32>
        tpu.vector_store %arg15[%swap3A_459, %swap3A_460], %swap3A_463 {strides = array<i32>} : memref<40x128xf32, #tpu.memory_space<vmem>>, vector<1x16xf32>,
        %get3A_464 = arith.index_cast %scan3A_252 : i32 to index
        %get3A_465 = arith.constant 32 : index
        %get3A_466 = tpu.vector_load %arg15[%get3A_464, %get3A_465] {strides = array<i32>} : memref<40x128xf32, #tpu.memory_space<vmem>>, vector<1x16xf32>,
        %get3A_467 = vector.shape_cast %get3A_466 : vector<1x16xf32> to vector<16xf32>
        %mul3A_468 = arith.mulf %div3A_414, %get3A_467 : vector<16xf32>
        %swap3A_469 = arith.index_cast %scan3A_252 : i32 to index
        %swap3A_470 = arith.constant 32 : index
        %swap3A_471 = tpu.vector_load %arg15[%swap3A_469, %swap3A_470] {strides = array<i32>} : memref<40x128xf32, #tpu.memory_space<vmem>>, vector<1x16xf32>,
        %swap3A_472 = vector.shape_cast %swap3A_471 : vector<1x16xf32> to vector<16xf32>
        %swap3A_473 = vector.shape_cast %mul3A_468 : vector<16xf32> to vector<1x16xf32>
        tpu.vector_store %arg15[%swap3A_469, %swap3A_470], %swap3A_473 {strides = array<i32>} : memref<40x128xf32, #tpu.memory_space<vmem>>, vector<1x16xf32>,
        %get3A_474 = arith.index_cast %scan3A_252 : i32 to index
        %get3A_475 = arith.constant 48 : index
        %get3A_476 = tpu.vector_load %arg15[%get3A_474, %get3A_475] {strides = array<i32>} : memref<40x128xf32, #tpu.memory_space<vmem>>, vector<1x16xf32>,
        %get3A_477 = vector.shape_cast %get3A_476 : vector<1x16xf32> to vector<16xf32>
        %mul3A_478 = arith.mulf %div3A_420, %get3A_477 : vector<16xf32>
        %swap3A_479 = arith.index_cast %scan3A_252 : i32 to index
        %swap3A_480 = arith.constant 48 : index
        %swap3A_481 = tpu.vector_load %arg15[%swap3A_479, %swap3A_480] {strides = array<i32>} : memref<40x128xf32, #tpu.memory_space<vmem>>, vector<1x16xf32>,
        %swap3A_482 = vector.shape_cast %swap3A_481 : vector<1x16xf32> to vector<16xf32>
        %swap3A_483 = vector.shape_cast %mul3A_478 : vector<16xf32> to vector<1x16xf32>
        tpu.vector_store %arg15[%swap3A_479, %swap3A_480], %swap3A_483 {strides = array<i32>} : memref<40x128xf32, #tpu.memory_space<vmem>>, vector<1x16xf32>,
        %get3A_484 = arith.index_cast %scan3A_252 : i32 to index
        %get3A_485 = arith.constant 64 : index
        %get3A_486 = tpu.vector_load %arg15[%get3A_484, %get3A_485] {strides = array<i32>} : memref<40x128xf32, #tpu.memory_space<vmem>>, vector<1x16xf32>,
        %get3A_487 = vector.shape_cast %get3A_486 : vector<1x16xf32> to vector<16xf32>
        %mul3A_488 = arith.mulf %div3A_426, %get3A_487 : vector<16xf32>
        %swap3A_489 = arith.index_cast %scan3A_252 : i32 to index
        %swap3A_490 = arith.constant 64 : index
        %swap3A_491 = tpu.vector_load %arg15[%swap3A_489, %swap3A_490] {strides = array<i32>} : memref<40x128xf32, #tpu.memory_space<vmem>>, vector<1x16xf32>,
        %swap3A_492 = vector.shape_cast %swap3A_491 : vector<1x16xf32> to vector<16xf32>
        %swap3A_493 = vector.shape_cast %mul3A_488 : vector<16xf32> to vector<1x16xf32>
        tpu.vector_store %arg15[%swap3A_489, %swap3A_490], %swap3A_493 {strides = array<i32>} : memref<40x128xf32, #tpu.memory_space<vmem>>, vector<1x16xf32>,
        %get3A_494 = arith.index_cast %scan3A_252 : i32 to index
        %get3A_495 = arith.constant 80 : index
        %get3A_496 = tpu.vector_load %arg15[%get3A_494, %get3A_495] {strides = array<i32>} : memref<40x128xf32, #tpu.memory_space<vmem>>, vector<1x16xf32>,
        %get3A_497 = vector.shape_cast %get3A_496 : vector<1x16xf32> to vector<16xf32>
        %mul3A_498 = arith.mulf %div3A_432, %get3A_497 : vector<16xf32>
        %swap3A_499 = arith.index_cast %scan3A_252 : i32 to index
        %swap3A_500 = arith.constant 80 : index
        %swap3A_501 = tpu.vector_load %arg15[%swap3A_499, %swap3A_500] {strides = array<i32>} : memref<40x128xf32, #tpu.memory_space<vmem>>, vector<1x16xf32>,
        %swap3A_502 = vector.shape_cast %swap3A_501 : vector<1x16xf32> to vector<16xf32>
        %swap3A_503 = vector.shape_cast %mul3A_498 : vector<16xf32> to vector<1x16xf32>
        tpu.vector_store %arg15[%swap3A_499, %swap3A_500], %swap3A_503 {strides = array<i32>} : memref<40x128xf32, #tpu.memory_space<vmem>>, vector<1x16xf32>,
        %get3A_504 = arith.index_cast %scan3A_252 : i32 to index
        %get3A_505 = arith.constant 96 : index
        %get3A_506 = tpu.vector_load %arg15[%get3A_504, %get3A_505] {strides = array<i32>} : memref<40x128xf32, #tpu.memory_space<vmem>>, vector<1x16xf32>,
        %get3A_507 = vector.shape_cast %get3A_506 : vector<1x16xf32> to vector<16xf32>
        %mul3A_508 = arith.mulf %div3A_438, %get3A_507 : vector<16xf32>
        %swap3A_509 = arith.index_cast %scan3A_252 : i32 to index
        %swap3A_510 = arith.constant 96 : index
        %swap3A_511 = tpu.vector_load %arg15[%swap3A_509, %swap3A_510] {strides = array<i32>} : memref<40x128xf32, #tpu.memory_space<vmem>>, vector<1x16xf32>,
        %swap3A_512 = vector.shape_cast %swap3A_511 : vector<1x16xf32> to vector<16xf32>
        %swap3A_513 = vector.shape_cast %mul3A_508 : vector<16xf32> to vector<1x16xf32>
        tpu.vector_store %arg15[%swap3A_509, %swap3A_510], %swap3A_513 {strides = array<i32>} : memref<40x128xf32, #tpu.memory_space<vmem>>, vector<1x16xf32>,
        %get3A_514 = arith.index_cast %scan3A_252 : i32 to index
        %get3A_515 = arith.constant 112 : index
        %get3A_516 = tpu.vector_load %arg15[%get3A_514, %get3A_515] {strides = array<i32>} : memref<40x128xf32, #tpu.memory_space<vmem>>, vector<1x16xf32>,
        %get3A_517 = vector.shape_cast %get3A_516 : vector<1x16xf32> to vector<16xf32>
        %mul3A_518 = arith.mulf %div3A_444, %get3A_517 : vector<16xf32>
        %swap3A_519 = arith.index_cast %scan3A_252 : i32 to index
        %swap3A_520 = arith.constant 112 : index
        %swap3A_521 = tpu.vector_load %arg15[%swap3A_519, %swap3A_520] {strides = array<i32>} : memref<40x128xf32, #tpu.memory_space<vmem>>, vector<1x16xf32>,
        %swap3A_522 = vector.shape_cast %swap3A_521 : vector<1x16xf32> to vector<16xf32>
        %swap3A_523 = vector.shape_cast %mul3A_518 : vector<16xf32> to vector<1x16xf32>
        tpu.vector_store %arg15[%swap3A_519, %swap3A_520], %swap3A_523 {strides = array<i32>} : memref<40x128xf32, #tpu.memory_space<vmem>>, vector<1x16xf32>,
      }
      %scan3A_214 = arith.constant 40 : i32
      %add3A_215 = arith.constant 1 : i32
      %add3A_216 = arith.addi %add3A_196, %add3A_215 : i32
      %lt3A_217 = arith.constant 250 : i32
      %lt3A_218 = arith.cmpi slt, %add3A_216, %lt3A_217 : i32
      %convert_element_type3A_219 = arith.extui %lt3A_218 : i1 to i32
      %cond3A_220 = arith.constant 0 : i32
      %cond3A_221 = arith.cmpi ne, %convert_element_type3A_219, %cond3A_220 : i32
      scf.if %cond3A_221 {
        %dma_wait3A_252 = arith.constant 0 : i32
        %dma_wait3A_253 = arith.constant 0 : i32
        %dma_wait3A_254 = tpu.memref_slice %arg2[%dma_wait3A_252, %dma_wait3A_253] : memref<10000x128xf32, #tpu.memory_space<hbm>> -> memref<10000x128xf32, #tpu.memory_space<hbm>>
        tpu.wait_indirect_dma semaphore(%arg24 : memref<!tpu.dma_semaphore, #tpu.memory_space<semaphore_mem>>) src(%dma_wait3A_254 : memref<10000x128xf32, #tpu.memory_space<hbm>>) dst(%arg22 : memref<40x128xf32, #tpu.memory_space<vmem>>)
        %dma_start3A_255 = arith.constant 0 : i32
        %dma_start3A_256 = arith.constant 0 : i32
        %dma_start3A_257 = tpu.memref_slice %arg3[%dma_start3A_255, %dma_start3A_256] : memref<10000x128xf32, #tpu.memory_space<hbm>> -> memref<10000x128xf32, #tpu.memory_space<hbm>>
        tpu.enqueue_indirect_dma source(%dma_start3A_257 : memref<10000x128xf32, #tpu.memory_space<hbm>>) target(%arg22 : memref<40x128xf32, #tpu.memory_space<vmem>>) offsets(%arg19 : memref<40xi32, #tpu.memory_space<vmem>>) semaphore(%arg25 : memref<!tpu.dma_semaphore, #tpu.memory_space<semaphore_mem>>) {add = true}
      } else {
      }
      "tpu.region"() ({
        %run_scoped3A = tpu.sem_alloc : memref<!tpu.dma_semaphore, #tpu.memory_space<semaphore_mem>>
        %dma_start3A_252 = arith.constant 0 : i32
        %dma_start3A_253 = arith.constant 0 : i32
        %dma_start3A_254 = tpu.memref_slice %arg28[%dma_start3A_252, %dma_start3A_253] : memref<10000x128xf32, #tpu.memory_space<vmem_shared>> -> memref<10000x128xf32, #tpu.memory_space<vmem_shared>>
        tpu.enqueue_indirect_dma source(%arg15 : memref<40x128xf32, #tpu.memory_space<vmem>>) target(%dma_start3A_254 : memref<10000x128xf32, #tpu.memory_space<vmem_shared>>) offsets(%arg12 : memref<40xi32, #tpu.memory_space<vmem>>) semaphore(%run_scoped3A : memref<!tpu.dma_semaphore, #tpu.memory_space<semaphore_mem>>) {add = true}
        %dma_wait3A_255 = arith.constant 0 : i32
        %dma_wait3A_256 = arith.constant 0 : i32
        %dma_wait3A_257 = tpu.memref_slice %arg28[%dma_wait3A_255, %dma_wait3A_256] : memref<10000x128xf32, #tpu.memory_space<vmem_shared>> -> memref<10000x128xf32, #tpu.memory_space<vmem_shared>>
        tpu.wait_indirect_dma semaphore(%run_scoped3A : memref<!tpu.dma_semaphore, #tpu.memory_space<semaphore_mem>>) src(%arg15 : memref<40x128xf32, #tpu.memory_space<vmem>>) dst(%dma_wait3A_257 : memref<10000x128xf32, #tpu.memory_space<vmem_shared>>)
        tpu.yield
      }) : () -> ()
      %mul3A_222 = arith.constant 2 : i32
      %mul3A_223 = arith.muli %scan3A_192, %mul3A_222 : i32
      %add3A_224 = arith.constant 1 : i32
      %add3A_225 = arith.addi %mul3A_223, %add3A_224 : i32
      %add3A_226 = arith.constant 1 : i32
      %add3A_227 = arith.addi %add3A_225, %add3A_226 : i32
      %lt3A_228 = arith.constant 250 : i32
      %lt3A_229 = arith.cmpi slt, %add3A_227, %lt3A_228 : i32
      %convert_element_type3A_230 = arith.extui %lt3A_229 : i1 to i32
      %cond3A_231 = arith.constant 0 : i32
      %cond3A_232 = arith.cmpi ne, %convert_element_type3A_230, %cond3A_231 : i32
      scf.if %cond3A_232 {
        %add3A_252 = arith.constant 1 : i32
        %add3A_253 = arith.addi %add3A_225, %add3A_252 : i32
        %mul3A_254 = arith.constant 40 : i32
        %mul3A_255 = arith.muli %add3A_253, %mul3A_254 : i32
        %add3A_256 = arith.addi %mul3A_165, %mul3A_255 : i32
        "tpu.region"() ({
          %run_scoped3A = tpu.sem_alloc : memref<!tpu.dma_semaphore, #tpu.memory_space<semaphore_mem>>
          %dma_start3A_263 = tpu.memref_slice %arg5[%add3A_256] : memref<320000xi32, #tpu.memory_space<hbm>> -> memref<40xi32, #tpu.memory_space<hbm>>
          %dma_start3A_264 = tpu.memref_slice %arg5[%add3A_256] : memref<320000xi32, #tpu.memory_space<hbm>> -> memref<40xi32, #tpu.memory_space<hbm>>
          tpu.enqueue_dma source(%dma_start3A_264 : memref<40xi32, #tpu.memory_space<hbm>>) target(%arg11 : memref<40xi32, #tpu.memory_space<vmem>>) target_semaphore(%run_scoped3A : memref<!tpu.dma_semaphore, #tpu.memory_space<semaphore_mem>>)
          %dma_wait3A_265 = tpu.memref_slice %arg5[%add3A_256] : memref<320000xi32, #tpu.memory_space<hbm>> -> memref<40xi32, #tpu.memory_space<hbm>>
          %dma_wait3A_266 = tpu.memref_slice %arg5[%add3A_256] : memref<320000xi32, #tpu.memory_space<hbm>> -> memref<40xi32, #tpu.memory_space<hbm>>
          tpu.wait_dma2 semaphore(%run_scoped3A : memref<!tpu.dma_semaphore, #tpu.memory_space<semaphore_mem>>) src(%dma_wait3A_266 : memref<40xi32, #tpu.memory_space<hbm>>) dst(%arg11 : memref<40xi32, #tpu.memory_space<vmem>>)
          tpu.yield
        }) : () -> ()
        "tpu.region"() ({
          %run_scoped3A = tpu.sem_alloc : memref<!tpu.dma_semaphore, #tpu.memory_space<semaphore_mem>>
          %dma_start3A_263 = tpu.memref_slice %arg6[%add3A_256] : memref<320000xi32, #tpu.memory_space<hbm>> -> memref<40xi32, #tpu.memory_space<hbm>>
          %dma_start3A_264 = tpu.memref_slice %arg6[%add3A_256] : memref<320000xi32, #tpu.memory_space<hbm>> -> memref<40xi32, #tpu.memory_space<hbm>>
          tpu.enqueue_dma source(%dma_start3A_264 : memref<40xi32, #tpu.memory_space<hbm>>) target(%arg12 : memref<40xi32, #tpu.memory_space<vmem>>) target_semaphore(%run_scoped3A : memref<!tpu.dma_semaphore, #tpu.memory_space<semaphore_mem>>)
          %dma_wait3A_265 = tpu.memref_slice %arg6[%add3A_256] : memref<320000xi32, #tpu.memory_space<hbm>> -> memref<40xi32, #tpu.memory_space<hbm>>
          %dma_wait3A_266 = tpu.memref_slice %arg6[%add3A_256] : memref<320000xi32, #tpu.memory_space<hbm>> -> memref<40xi32, #tpu.memory_space<hbm>>
          tpu.wait_dma2 semaphore(%run_scoped3A : memref<!tpu.dma_semaphore, #tpu.memory_space<semaphore_mem>>) src(%dma_wait3A_266 : memref<40xi32, #tpu.memory_space<hbm>>) dst(%arg12 : memref<40xi32, #tpu.memory_space<vmem>>)
          tpu.yield
        }) : () -> ()
        "tpu.region"() ({
          %run_scoped3A = tpu.sem_alloc : memref<!tpu.dma_semaphore, #tpu.memory_space<semaphore_mem>>
          %dma_start3A_263 = arith.constant 0 : i32
          %dma_start3A_264 = tpu.memref_slice %arg7[%add3A_256, %dma_start3A_263] : memref<320000x16xf32, #tpu.memory_space<hbm>> -> memref<40x16xf32, #tpu.memory_space<hbm>>
          %dma_start3A_265 = arith.constant 0 : i32
          %dma_start3A_266 = tpu.memref_slice %arg7[%add3A_256, %dma_start3A_265] : memref<320000x16xf32, #tpu.memory_space<hbm>> -> memref<40x16xf32, #tpu.memory_space<hbm>>
          tpu.enqueue_dma source(%dma_start3A_266 : memref<40x16xf32, #tpu.memory_space<hbm>>) target(%arg13 : memref<40x16xf32, #tpu.memory_space<vmem>>) target_semaphore(%run_scoped3A : memref<!tpu.dma_semaphore, #tpu.memory_space<semaphore_mem>>)
          %dma_wait3A_267 = arith.constant 0 : i32
          %dma_wait3A_268 = tpu.memref_slice %arg7[%add3A_256, %dma_wait3A_267] : memref<320000x16xf32, #tpu.memory_space<hbm>> -> memref<40x16xf32, #tpu.memory_space<hbm>>
          %dma_wait3A_269 = arith.constant 0 : i32
          %dma_wait3A_270 = tpu.memref_slice %arg7[%add3A_256, %dma_wait3A_269] : memref<320000x16xf32, #tpu.memory_space<hbm>> -> memref<40x16xf32, #tpu.memory_space<hbm>>
          tpu.wait_dma2 semaphore(%run_scoped3A : memref<!tpu.dma_semaphore, #tpu.memory_space<semaphore_mem>>) src(%dma_wait3A_270 : memref<40x16xf32, #tpu.memory_space<hbm>>) dst(%arg13 : memref<40x16xf32, #tpu.memory_space<vmem>>)
          tpu.yield
        }) : () -> ()
        %dma_start3A_257 = arith.constant 0 : i32
        %dma_start3A_258 = arith.constant 0 : i32
        %dma_start3A_259 = tpu.memref_slice %arg2[%dma_start3A_257, %dma_start3A_258] : memref<10000x128xf32, #tpu.memory_space<hbm>> -> memref<10000x128xf32, #tpu.memory_space<hbm>>
        tpu.enqueue_indirect_dma source(%dma_start3A_259 : memref<10000x128xf32, #tpu.memory_space<hbm>>) target(%arg14 : memref<40x128xf32, #tpu.memory_space<vmem>>) offsets(%arg12 : memref<40xi32, #tpu.memory_space<vmem>>) semaphore(%arg16 : memref<!tpu.dma_semaphore, #tpu.memory_space<semaphore_mem>>)
        %dma_start3A_260 = arith.constant 0 : i32
        %dma_start3A_261 = arith.constant 0 : i32
        %dma_start3A_262 = tpu.memref_slice %arg4[%dma_start3A_260, %dma_start3A_261] : memref<10000x128xf32, #tpu.memory_space<hbm>> -> memref<10000x128xf32, #tpu.memory_space<hbm>>
        tpu.enqueue_indirect_dma source(%dma_start3A_262 : memref<10000x128xf32, #tpu.memory_space<hbm>>) target(%arg15 : memref<40x128xf32, #tpu.memory_space<vmem>>) offsets(%arg11 : memref<40xi32, #tpu.memory_space<vmem>>) semaphore(%arg18 : memref<!tpu.dma_semaphore, #tpu.memory_space<semaphore_mem>>)
      } else {
      }
      %dma_wait3A_233 = arith.constant 0 : i32
      %dma_wait3A_234 = arith.constant 0 : i32
      %dma_wait3A_235 = tpu.memref_slice %arg3[%dma_wait3A_233, %dma_wait3A_234] : memref<10000x128xf32, #tpu.memory_space<hbm>> -> memref<10000x128xf32, #tpu.memory_space<hbm>>
      tpu.wait_indirect_dma semaphore(%arg25 : memref<!tpu.dma_semaphore, #tpu.memory_space<semaphore_mem>>) src(%dma_wait3A_235 : memref<10000x128xf32, #tpu.memory_space<hbm>>) dst(%arg22 : memref<40x128xf32, #tpu.memory_space<vmem>>)
      %dma_wait3A_236 = arith.constant 0 : i32
      %dma_wait3A_237 = arith.constant 0 : i32
      %dma_wait3A_238 = tpu.memref_slice %arg4[%dma_wait3A_236, %dma_wait3A_237] : memref<10000x128xf32, #tpu.memory_space<hbm>> -> memref<10000x128xf32, #tpu.memory_space<hbm>>
      tpu.wait_indirect_dma semaphore(%arg26 : memref<!tpu.dma_semaphore, #tpu.memory_space<semaphore_mem>>) src(%dma_wait3A_238 : memref<10000x128xf32, #tpu.memory_space<hbm>>) dst(%arg23 : memref<40x128xf32, #tpu.memory_space<vmem>>)
      %scan3A_239 = arith.constant 0 : i32
      %scan3A_240 = arith.constant 0 : i32
      %scan3A_241 = arith.constant 40 : i32
      %scan3A_242 = arith.addi %scan3A_240, %scan3A_241 : i32
      %scan3A_243 = arith.constant 1 : i32
      scf.for %scan3A_252 = %scan3A_240 to %scan3A_242 step %scan3A_243  : i32 {
        %get3A_253 = arith.index_cast %scan3A_252 : i32 to index
        %get3A_254 = arith.constant 0 : index
        %get3A_255 = tpu.vector_load %arg21[%get3A_253, %get3A_254] {strides = array<i32>} : memref<40x16xf32, #tpu.memory_space<vmem>>, vector<1x16xf32>,
        %get3A_256 = vector.shape_cast %get3A_255 : vector<1x16xf32> to vector<16xf32>
        %slice3A = vector.extract_strided_slice %get3A_256 {offsets = [0], sizes = [1], strides = [1]} : vector<16xf32> to vector<1xf32>
        %squeeze3A = vector.extract %slice3A[0] : f32 from vector<1xf32>
        %slice3A_257 = vector.extract_strided_slice %get3A_256 {offsets = [1], sizes = [1], strides = [1]} : vector<16xf32> to vector<1xf32>
        %squeeze3A_258 = vector.extract %slice3A_257[0] : f32 from vector<1xf32>
        %slice3A_259 = vector.extract_strided_slice %get3A_256 {offsets = [2], sizes = [1], strides = [1]} : vector<16xf32> to vector<1xf32>
        %squeeze3A_260 = vector.extract %slice3A_259[0] : f32 from vector<1xf32>
        %slice3A_261 = vector.extract_strided_slice %get3A_256 {offsets = [3], sizes = [1], strides = [1]} : vector<16xf32> to vector<1xf32>
        %squeeze3A_262 = vector.extract %slice3A_261[0] : f32 from vector<1xf32>
        %mul3A_263 = vector.broadcast %squeeze3A : f32 to vector<16xf32>
        %mul3A_264 = arith.mulf %mul3A_263, %get3A_8 : vector<16xf32>
        %mul3A_265 = vector.broadcast %squeeze3A_258 : f32 to vector<16xf32>
        %mul3A_266 = arith.mulf %mul3A_265, %get3A_48 : vector<16xf32>
        %add3A_267 = arith.addf %mul3A_264, %mul3A_266 : vector<16xf32>
        %mul3A_268 = vector.broadcast %squeeze3A_260 : f32 to vector<16xf32>
        %mul3A_269 = arith.mulf %mul3A_268, %get3A_88 : vector<16xf32>
        %mul3A_270 = vector.broadcast %squeeze3A_262 : f32 to vector<16xf32>
        %mul3A_271 = arith.mulf %mul3A_270, %get3A_128 : vector<16xf32>
        %add3A_272 = arith.addf %mul3A_269, %mul3A_271 : vector<16xf32>
        %add3A_273 = arith.addf %add3A_267, %add3A_272 : vector<16xf32>
        %get3A_274 = arith.index_cast %scan3A_252 : i32 to index
        %get3A_275 = arith.constant 0 : index
        %get3A_276 = tpu.vector_load %arg22[%get3A_274, %get3A_275] {strides = array<i32>} : memref<40x128xf32, #tpu.memory_space<vmem>>, vector<1x16xf32>,
        %get3A_277 = vector.shape_cast %get3A_276 : vector<1x16xf32> to vector<16xf32>
        %add3A_278 = arith.addf %add3A_273, %get3A_277 : vector<16xf32>
        %mul3A_279 = vector.broadcast %squeeze3A : f32 to vector<16xf32>
        %mul3A_280 = arith.mulf %mul3A_279, %get3A_13 : vector<16xf32>
        %mul3A_281 = vector.broadcast %squeeze3A_258 : f32 to vector<16xf32>
        %mul3A_282 = arith.mulf %mul3A_281, %get3A_53 : vector<16xf32>
        %add3A_283 = arith.addf %mul3A_280, %mul3A_282 : vector<16xf32>
        %mul3A_284 = vector.broadcast %squeeze3A_260 : f32 to vector<16xf32>
        %mul3A_285 = arith.mulf %mul3A_284, %get3A_93 : vector<16xf32>
        %mul3A_286 = vector.broadcast %squeeze3A_262 : f32 to vector<16xf32>
        %mul3A_287 = arith.mulf %mul3A_286, %get3A_133 : vector<16xf32>
        %add3A_288 = arith.addf %mul3A_285, %mul3A_287 : vector<16xf32>
        %add3A_289 = arith.addf %add3A_283, %add3A_288 : vector<16xf32>
        %get3A_290 = arith.index_cast %scan3A_252 : i32 to index
        %get3A_291 = arith.constant 16 : index
        %get3A_292 = tpu.vector_load %arg22[%get3A_290, %get3A_291] {strides = array<i32>} : memref<40x128xf32, #tpu.memory_space<vmem>>, vector<1x16xf32>,
        %get3A_293 = vector.shape_cast %get3A_292 : vector<1x16xf32> to vector<16xf32>
        %add3A_294 = arith.addf %add3A_289, %get3A_293 : vector<16xf32>
        %mul3A_295 = vector.broadcast %squeeze3A : f32 to vector<16xf32>
        %mul3A_296 = arith.mulf %mul3A_295, %get3A_18 : vector<16xf32>
        %mul3A_297 = vector.broadcast %squeeze3A_258 : f32 to vector<16xf32>
        %mul3A_298 = arith.mulf %mul3A_297, %get3A_58 : vector<16xf32>
        %add3A_299 = arith.addf %mul3A_296, %mul3A_298 : vector<16xf32>
        %mul3A_300 = vector.broadcast %squeeze3A_260 : f32 to vector<16xf32>
        %mul3A_301 = arith.mulf %mul3A_300, %get3A_98 : vector<16xf32>
        %mul3A_302 = vector.broadcast %squeeze3A_262 : f32 to vector<16xf32>
        %mul3A_303 = arith.mulf %mul3A_302, %get3A_138 : vector<16xf32>
        %add3A_304 = arith.addf %mul3A_301, %mul3A_303 : vector<16xf32>
        %add3A_305 = arith.addf %add3A_299, %add3A_304 : vector<16xf32>
        %get3A_306 = arith.index_cast %scan3A_252 : i32 to index
        %get3A_307 = arith.constant 32 : index
        %get3A_308 = tpu.vector_load %arg22[%get3A_306, %get3A_307] {strides = array<i32>} : memref<40x128xf32, #tpu.memory_space<vmem>>, vector<1x16xf32>,
        %get3A_309 = vector.shape_cast %get3A_308 : vector<1x16xf32> to vector<16xf32>
        %add3A_310 = arith.addf %add3A_305, %get3A_309 : vector<16xf32>
        %mul3A_311 = vector.broadcast %squeeze3A : f32 to vector<16xf32>
        %mul3A_312 = arith.mulf %mul3A_311, %get3A_23 : vector<16xf32>
        %mul3A_313 = vector.broadcast %squeeze3A_258 : f32 to vector<16xf32>
        %mul3A_314 = arith.mulf %mul3A_313, %get3A_63 : vector<16xf32>
        %add3A_315 = arith.addf %mul3A_312, %mul3A_314 : vector<16xf32>
        %mul3A_316 = vector.broadcast %squeeze3A_260 : f32 to vector<16xf32>
        %mul3A_317 = arith.mulf %mul3A_316, %get3A_103 : vector<16xf32>
        %mul3A_318 = vector.broadcast %squeeze3A_262 : f32 to vector<16xf32>
        %mul3A_319 = arith.mulf %mul3A_318, %get3A_143 : vector<16xf32>
        %add3A_320 = arith.addf %mul3A_317, %mul3A_319 : vector<16xf32>
        %add3A_321 = arith.addf %add3A_315, %add3A_320 : vector<16xf32>
        %get3A_322 = arith.index_cast %scan3A_252 : i32 to index
        %get3A_323 = arith.constant 48 : index
        %get3A_324 = tpu.vector_load %arg22[%get3A_322, %get3A_323] {strides = array<i32>} : memref<40x128xf32, #tpu.memory_space<vmem>>, vector<1x16xf32>,
        %get3A_325 = vector.shape_cast %get3A_324 : vector<1x16xf32> to vector<16xf32>
        %add3A_326 = arith.addf %add3A_321, %get3A_325 : vector<16xf32>
        %mul3A_327 = vector.broadcast %squeeze3A : f32 to vector<16xf32>
        %mul3A_328 = arith.mulf %mul3A_327, %get3A_28 : vector<16xf32>
        %mul3A_329 = vector.broadcast %squeeze3A_258 : f32 to vector<16xf32>
        %mul3A_330 = arith.mulf %mul3A_329, %get3A_68 : vector<16xf32>
        %add3A_331 = arith.addf %mul3A_328, %mul3A_330 : vector<16xf32>
        %mul3A_332 = vector.broadcast %squeeze3A_260 : f32 to vector<16xf32>
        %mul3A_333 = arith.mulf %mul3A_332, %get3A_108 : vector<16xf32>
        %mul3A_334 = vector.broadcast %squeeze3A_262 : f32 to vector<16xf32>
        %mul3A_335 = arith.mulf %mul3A_334, %get3A_148 : vector<16xf32>
        %add3A_336 = arith.addf %mul3A_333, %mul3A_335 : vector<16xf32>
        %add3A_337 = arith.addf %add3A_331, %add3A_336 : vector<16xf32>
        %get3A_338 = arith.index_cast %scan3A_252 : i32 to index
        %get3A_339 = arith.constant 64 : index
        %get3A_340 = tpu.vector_load %arg22[%get3A_338, %get3A_339] {strides = array<i32>} : memref<40x128xf32, #tpu.memory_space<vmem>>, vector<1x16xf32>,
        %get3A_341 = vector.shape_cast %get3A_340 : vector<1x16xf32> to vector<16xf32>
        %add3A_342 = arith.addf %add3A_337, %get3A_341 : vector<16xf32>
        %mul3A_343 = vector.broadcast %squeeze3A : f32 to vector<16xf32>
        %mul3A_344 = arith.mulf %mul3A_343, %get3A_33 : vector<16xf32>
        %mul3A_345 = vector.broadcast %squeeze3A_258 : f32 to vector<16xf32>
        %mul3A_346 = arith.mulf %mul3A_345, %get3A_73 : vector<16xf32>
        %add3A_347 = arith.addf %mul3A_344, %mul3A_346 : vector<16xf32>
        %mul3A_348 = vector.broadcast %squeeze3A_260 : f32 to vector<16xf32>
        %mul3A_349 = arith.mulf %mul3A_348, %get3A_113 : vector<16xf32>
        %mul3A_350 = vector.broadcast %squeeze3A_262 : f32 to vector<16xf32>
        %mul3A_351 = arith.mulf %mul3A_350, %get3A_153 : vector<16xf32>
        %add3A_352 = arith.addf %mul3A_349, %mul3A_351 : vector<16xf32>
        %add3A_353 = arith.addf %add3A_347, %add3A_352 : vector<16xf32>
        %get3A_354 = arith.index_cast %scan3A_252 : i32 to index
        %get3A_355 = arith.constant 80 : index
        %get3A_356 = tpu.vector_load %arg22[%get3A_354, %get3A_355] {strides = array<i32>} : memref<40x128xf32, #tpu.memory_space<vmem>>, vector<1x16xf32>,
        %get3A_357 = vector.shape_cast %get3A_356 : vector<1x16xf32> to vector<16xf32>
        %add3A_358 = arith.addf %add3A_353, %get3A_357 : vector<16xf32>
        %mul3A_359 = vector.broadcast %squeeze3A : f32 to vector<16xf32>
        %mul3A_360 = arith.mulf %mul3A_359, %get3A_38 : vector<16xf32>
        %mul3A_361 = vector.broadcast %squeeze3A_258 : f32 to vector<16xf32>
        %mul3A_362 = arith.mulf %mul3A_361, %get3A_78 : vector<16xf32>
        %add3A_363 = arith.addf %mul3A_360, %mul3A_362 : vector<16xf32>
        %mul3A_364 = vector.broadcast %squeeze3A_260 : f32 to vector<16xf32>
        %mul3A_365 = arith.mulf %mul3A_364, %get3A_118 : vector<16xf32>
        %mul3A_366 = vector.broadcast %squeeze3A_262 : f32 to vector<16xf32>
        %mul3A_367 = arith.mulf %mul3A_366, %get3A_158 : vector<16xf32>
        %add3A_368 = arith.addf %mul3A_365, %mul3A_367 : vector<16xf32>
        %add3A_369 = arith.addf %add3A_363, %add3A_368 : vector<16xf32>
        %get3A_370 = arith.index_cast %scan3A_252 : i32 to index
        %get3A_371 = arith.constant 96 : index
        %get3A_372 = tpu.vector_load %arg22[%get3A_370, %get3A_371] {strides = array<i32>} : memref<40x128xf32, #tpu.memory_space<vmem>>, vector<1x16xf32>,
        %get3A_373 = vector.shape_cast %get3A_372 : vector<1x16xf32> to vector<16xf32>
        %add3A_374 = arith.addf %add3A_369, %get3A_373 : vector<16xf32>
        %mul3A_375 = vector.broadcast %squeeze3A : f32 to vector<16xf32>
        %mul3A_376 = arith.mulf %mul3A_375, %get3A_43 : vector<16xf32>
        %mul3A_377 = vector.broadcast %squeeze3A_258 : f32 to vector<16xf32>
        %mul3A_378 = arith.mulf %mul3A_377, %get3A_83 : vector<16xf32>
        %add3A_379 = arith.addf %mul3A_376, %mul3A_378 : vector<16xf32>
        %mul3A_380 = vector.broadcast %squeeze3A_260 : f32 to vector<16xf32>
        %mul3A_381 = arith.mulf %mul3A_380, %get3A_123 : vector<16xf32>
        %mul3A_382 = vector.broadcast %squeeze3A_262 : f32 to vector<16xf32>
        %mul3A_383 = arith.mulf %mul3A_382, %get3A_163 : vector<16xf32>
        %add3A_384 = arith.addf %mul3A_381, %mul3A_383 : vector<16xf32>
        %add3A_385 = arith.addf %add3A_379, %add3A_384 : vector<16xf32>
        %get3A_386 = arith.index_cast %scan3A_252 : i32 to index
        %get3A_387 = arith.constant 112 : index
        %get3A_388 = tpu.vector_load %arg22[%get3A_386, %get3A_387] {strides = array<i32>} : memref<40x128xf32, #tpu.memory_space<vmem>>, vector<1x16xf32>,
        %get3A_389 = vector.shape_cast %get3A_388 : vector<1x16xf32> to vector<16xf32>
        %add3A_390 = arith.addf %add3A_385, %get3A_389 : vector<16xf32>
        %exp3A = math.exp %add3A_278 : vector<16xf32>
        %exp3A_391 = math.exp %add3A_294 : vector<16xf32>
        %exp3A_392 = math.exp %add3A_310 : vector<16xf32>
        %exp3A_393 = math.exp %add3A_326 : vector<16xf32>
        %exp3A_394 = math.exp %add3A_342 : vector<16xf32>
        %exp3A_395 = math.exp %add3A_358 : vector<16xf32>
        %exp3A_396 = math.exp %add3A_374 : vector<16xf32>
        %exp3A_397 = math.exp %add3A_390 : vector<16xf32>
        %add3A_398 = arith.constant 1.000000e+00 : f32
        %add3A_399 = vector.broadcast %add3A_398 : f32 to vector<16xf32>
        %add3A_400 = arith.addf %add3A_399, %exp3A : vector<16xf32>
        %div3A = arith.constant 1.000000e+00 : f32
        %div3A_401 = vector.broadcast %div3A : f32 to vector<16xf32>
        %div3A_402 = arith.divf %div3A_401, %add3A_400 : vector<16xf32>
        %add3A_403 = arith.constant 1.000000e+00 : f32
        %add3A_404 = vector.broadcast %add3A_403 : f32 to vector<16xf32>
        %add3A_405 = arith.addf %add3A_404, %exp3A_391 : vector<16xf32>
        %div3A_406 = arith.constant 1.000000e+00 : f32
        %div3A_407 = vector.broadcast %div3A_406 : f32 to vector<16xf32>
        %div3A_408 = arith.divf %div3A_407, %add3A_405 : vector<16xf32>
        %add3A_409 = arith.constant 1.000000e+00 : f32
        %add3A_410 = vector.broadcast %add3A_409 : f32 to vector<16xf32>
        %add3A_411 = arith.addf %add3A_410, %exp3A_392 : vector<16xf32>
        %div3A_412 = arith.constant 1.000000e+00 : f32
        %div3A_413 = vector.broadcast %div3A_412 : f32 to vector<16xf32>
        %div3A_414 = arith.divf %div3A_413, %add3A_411 : vector<16xf32>
        %add3A_415 = arith.constant 1.000000e+00 : f32
        %add3A_416 = vector.broadcast %add3A_415 : f32 to vector<16xf32>
        %add3A_417 = arith.addf %add3A_416, %exp3A_393 : vector<16xf32>
        %div3A_418 = arith.constant 1.000000e+00 : f32
        %div3A_419 = vector.broadcast %div3A_418 : f32 to vector<16xf32>
        %div3A_420 = arith.divf %div3A_419, %add3A_417 : vector<16xf32>
        %add3A_421 = arith.constant 1.000000e+00 : f32
        %add3A_422 = vector.broadcast %add3A_421 : f32 to vector<16xf32>
        %add3A_423 = arith.addf %add3A_422, %exp3A_394 : vector<16xf32>
        %div3A_424 = arith.constant 1.000000e+00 : f32
        %div3A_425 = vector.broadcast %div3A_424 : f32 to vector<16xf32>
        %div3A_426 = arith.divf %div3A_425, %add3A_423 : vector<16xf32>
        %add3A_427 = arith.constant 1.000000e+00 : f32
        %add3A_428 = vector.broadcast %add3A_427 : f32 to vector<16xf32>
        %add3A_429 = arith.addf %add3A_428, %exp3A_395 : vector<16xf32>
        %div3A_430 = arith.constant 1.000000e+00 : f32
        %div3A_431 = vector.broadcast %div3A_430 : f32 to vector<16xf32>
        %div3A_432 = arith.divf %div3A_431, %add3A_429 : vector<16xf32>
        %add3A_433 = arith.constant 1.000000e+00 : f32
        %add3A_434 = vector.broadcast %add3A_433 : f32 to vector<16xf32>
        %add3A_435 = arith.addf %add3A_434, %exp3A_396 : vector<16xf32>
        %div3A_436 = arith.constant 1.000000e+00 : f32
        %div3A_437 = vector.broadcast %div3A_436 : f32 to vector<16xf32>
        %div3A_438 = arith.divf %div3A_437, %add3A_435 : vector<16xf32>
        %add3A_439 = arith.constant 1.000000e+00 : f32
        %add3A_440 = vector.broadcast %add3A_439 : f32 to vector<16xf32>
        %add3A_441 = arith.addf %add3A_440, %exp3A_397 : vector<16xf32>
        %div3A_442 = arith.constant 1.000000e+00 : f32
        %div3A_443 = vector.broadcast %div3A_442 : f32 to vector<16xf32>
        %div3A_444 = arith.divf %div3A_443, %add3A_441 : vector<16xf32>
        %get3A_445 = arith.index_cast %scan3A_252 : i32 to index
        %get3A_446 = arith.constant 0 : index
        %get3A_447 = tpu.vector_load %arg23[%get3A_445, %get3A_446] {strides = array<i32>} : memref<40x128xf32, #tpu.memory_space<vmem>>, vector<1x16xf32>,
        %get3A_448 = vector.shape_cast %get3A_447 : vector<1x16xf32> to vector<16xf32>
        %mul3A_449 = arith.mulf %div3A_402, %get3A_448 : vector<16xf32>
        %swap3A = arith.index_cast %scan3A_252 : i32 to index
        %swap3A_450 = arith.constant 0 : index
        %swap3A_451 = tpu.vector_load %arg23[%swap3A, %swap3A_450] {strides = array<i32>} : memref<40x128xf32, #tpu.memory_space<vmem>>, vector<1x16xf32>,
        %swap3A_452 = vector.shape_cast %swap3A_451 : vector<1x16xf32> to vector<16xf32>
        %swap3A_453 = vector.shape_cast %mul3A_449 : vector<16xf32> to vector<1x16xf32>
        tpu.vector_store %arg23[%swap3A, %swap3A_450], %swap3A_453 {strides = array<i32>} : memref<40x128xf32, #tpu.memory_space<vmem>>, vector<1x16xf32>,
        %get3A_454 = arith.index_cast %scan3A_252 : i32 to index
        %get3A_455 = arith.constant 16 : index
        %get3A_456 = tpu.vector_load %arg23[%get3A_454, %get3A_455] {strides = array<i32>} : memref<40x128xf32, #tpu.memory_space<vmem>>, vector<1x16xf32>,
        %get3A_457 = vector.shape_cast %get3A_456 : vector<1x16xf32> to vector<16xf32>
        %mul3A_458 = arith.mulf %div3A_408, %get3A_457 : vector<16xf32>
        %swap3A_459 = arith.index_cast %scan3A_252 : i32 to index
        %swap3A_460 = arith.constant 16 : index
        %swap3A_461 = tpu.vector_load %arg23[%swap3A_459, %swap3A_460] {strides = array<i32>} : memref<40x128xf32, #tpu.memory_space<vmem>>, vector<1x16xf32>,
        %swap3A_462 = vector.shape_cast %swap3A_461 : vector<1x16xf32> to vector<16xf32>
        %swap3A_463 = vector.shape_cast %mul3A_458 : vector<16xf32> to vector<1x16xf32>
        tpu.vector_store %arg23[%swap3A_459, %swap3A_460], %swap3A_463 {strides = array<i32>} : memref<40x128xf32, #tpu.memory_space<vmem>>, vector<1x16xf32>,
        %get3A_464 = arith.index_cast %scan3A_252 : i32 to index
        %get3A_465 = arith.constant 32 : index
        %get3A_466 = tpu.vector_load %arg23[%get3A_464, %get3A_465] {strides = array<i32>} : memref<40x128xf32, #tpu.memory_space<vmem>>, vector<1x16xf32>,
        %get3A_467 = vector.shape_cast %get3A_466 : vector<1x16xf32> to vector<16xf32>
        %mul3A_468 = arith.mulf %div3A_414, %get3A_467 : vector<16xf32>
        %swap3A_469 = arith.index_cast %scan3A_252 : i32 to index
        %swap3A_470 = arith.constant 32 : index
        %swap3A_471 = tpu.vector_load %arg23[%swap3A_469, %swap3A_470] {strides = array<i32>} : memref<40x128xf32, #tpu.memory_space<vmem>>, vector<1x16xf32>,
        %swap3A_472 = vector.shape_cast %swap3A_471 : vector<1x16xf32> to vector<16xf32>
        %swap3A_473 = vector.shape_cast %mul3A_468 : vector<16xf32> to vector<1x16xf32>
        tpu.vector_store %arg23[%swap3A_469, %swap3A_470], %swap3A_473 {strides = array<i32>} : memref<40x128xf32, #tpu.memory_space<vmem>>, vector<1x16xf32>,
        %get3A_474 = arith.index_cast %scan3A_252 : i32 to index
        %get3A_475 = arith.constant 48 : index
        %get3A_476 = tpu.vector_load %arg23[%get3A_474, %get3A_475] {strides = array<i32>} : memref<40x128xf32, #tpu.memory_space<vmem>>, vector<1x16xf32>,
        %get3A_477 = vector.shape_cast %get3A_476 : vector<1x16xf32> to vector<16xf32>
        %mul3A_478 = arith.mulf %div3A_420, %get3A_477 : vector<16xf32>
        %swap3A_479 = arith.index_cast %scan3A_252 : i32 to index
        %swap3A_480 = arith.constant 48 : index
        %swap3A_481 = tpu.vector_load %arg23[%swap3A_479, %swap3A_480] {strides = array<i32>} : memref<40x128xf32, #tpu.memory_space<vmem>>, vector<1x16xf32>,
        %swap3A_482 = vector.shape_cast %swap3A_481 : vector<1x16xf32> to vector<16xf32>
        %swap3A_483 = vector.shape_cast %mul3A_478 : vector<16xf32> to vector<1x16xf32>
        tpu.vector_store %arg23[%swap3A_479, %swap3A_480], %swap3A_483 {strides = array<i32>} : memref<40x128xf32, #tpu.memory_space<vmem>>, vector<1x16xf32>,
        %get3A_484 = arith.index_cast %scan3A_252 : i32 to index
        %get3A_485 = arith.constant 64 : index
        %get3A_486 = tpu.vector_load %arg23[%get3A_484, %get3A_485] {strides = array<i32>} : memref<40x128xf32, #tpu.memory_space<vmem>>, vector<1x16xf32>,
        %get3A_487 = vector.shape_cast %get3A_486 : vector<1x16xf32> to vector<16xf32>
        %mul3A_488 = arith.mulf %div3A_426, %get3A_487 : vector<16xf32>
        %swap3A_489 = arith.index_cast %scan3A_252 : i32 to index
        %swap3A_490 = arith.constant 64 : index
        %swap3A_491 = tpu.vector_load %arg23[%swap3A_489, %swap3A_490] {strides = array<i32>} : memref<40x128xf32, #tpu.memory_space<vmem>>, vector<1x16xf32>,
        %swap3A_492 = vector.shape_cast %swap3A_491 : vector<1x16xf32> to vector<16xf32>
        %swap3A_493 = vector.shape_cast %mul3A_488 : vector<16xf32> to vector<1x16xf32>
        tpu.vector_store %arg23[%swap3A_489, %swap3A_490], %swap3A_493 {strides = array<i32>} : memref<40x128xf32, #tpu.memory_space<vmem>>, vector<1x16xf32>,
        %get3A_494 = arith.index_cast %scan3A_252 : i32 to index
        %get3A_495 = arith.constant 80 : index
        %get3A_496 = tpu.vector_load %arg23[%get3A_494, %get3A_495] {strides = array<i32>} : memref<40x128xf32, #tpu.memory_space<vmem>>, vector<1x16xf32>,
        %get3A_497 = vector.shape_cast %get3A_496 : vector<1x16xf32> to vector<16xf32>
        %mul3A_498 = arith.mulf %div3A_432, %get3A_497 : vector<16xf32>
        %swap3A_499 = arith.index_cast %scan3A_252 : i32 to index
        %swap3A_500 = arith.constant 80 : index
        %swap3A_501 = tpu.vector_load %arg23[%swap3A_499, %swap3A_500] {strides = array<i32>} : memref<40x128xf32, #tpu.memory_space<vmem>>, vector<1x16xf32>,
        %swap3A_502 = vector.shape_cast %swap3A_501 : vector<1x16xf32> to vector<16xf32>
        %swap3A_503 = vector.shape_cast %mul3A_498 : vector<16xf32> to vector<1x16xf32>
        tpu.vector_store %arg23[%swap3A_499, %swap3A_500], %swap3A_503 {strides = array<i32>} : memref<40x128xf32, #tpu.memory_space<vmem>>, vector<1x16xf32>,
        %get3A_504 = arith.index_cast %scan3A_252 : i32 to index
        %get3A_505 = arith.constant 96 : index
        %get3A_506 = tpu.vector_load %arg23[%get3A_504, %get3A_505] {strides = array<i32>} : memref<40x128xf32, #tpu.memory_space<vmem>>, vector<1x16xf32>,
        %get3A_507 = vector.shape_cast %get3A_506 : vector<1x16xf32> to vector<16xf32>
        %mul3A_508 = arith.mulf %div3A_438, %get3A_507 : vector<16xf32>
        %swap3A_509 = arith.index_cast %scan3A_252 : i32 to index
        %swap3A_510 = arith.constant 96 : index
        %swap3A_511 = tpu.vector_load %arg23[%swap3A_509, %swap3A_510] {strides = array<i32>} : memref<40x128xf32, #tpu.memory_space<vmem>>, vector<1x16xf32>,
        %swap3A_512 = vector.shape_cast %swap3A_511 : vector<1x16xf32> to vector<16xf32>
        %swap3A_513 = vector.shape_cast %mul3A_508 : vector<16xf32> to vector<1x16xf32>
        tpu.vector_store %arg23[%swap3A_509, %swap3A_510], %swap3A_513 {strides = array<i32>} : memref<40x128xf32, #tpu.memory_space<vmem>>, vector<1x16xf32>,
        %get3A_514 = arith.index_cast %scan3A_252 : i32 to index
        %get3A_515 = arith.constant 112 : index
        %get3A_516 = tpu.vector_load %arg23[%get3A_514, %get3A_515] {strides = array<i32>} : memref<40x128xf32, #tpu.memory_space<vmem>>, vector<1x16xf32>,
        %get3A_517 = vector.shape_cast %get3A_516 : vector<1x16xf32> to vector<16xf32>
        %mul3A_518 = arith.mulf %div3A_444, %get3A_517 : vector<16xf32>
        %swap3A_519 = arith.index_cast %scan3A_252 : i32 to index
        %swap3A_520 = arith.constant 112 : index
        %swap3A_521 = tpu.vector_load %arg23[%swap3A_519, %swap3A_520] {strides = array<i32>} : memref<40x128xf32, #tpu.memory_space<vmem>>, vector<1x16xf32>,
        %swap3A_522 = vector.shape_cast %swap3A_521 : vector<1x16xf32> to vector<16xf32>
        %swap3A_523 = vector.shape_cast %mul3A_518 : vector<16xf32> to vector<1x16xf32>
        tpu.vector_store %arg23[%swap3A_519, %swap3A_520], %swap3A_523 {strides = array<i32>} : memref<40x128xf32, #tpu.memory_space<vmem>>, vector<1x16xf32>,
      }
      %scan3A_244 = arith.constant 40 : i32
      %add3A_245 = arith.constant 1 : i32
      %add3A_246 = arith.addi %add3A_225, %add3A_245 : i32
      %lt3A_247 = arith.constant 250 : i32
      %lt3A_248 = arith.cmpi slt, %add3A_246, %lt3A_247 : i32
      %convert_element_type3A_249 = arith.extui %lt3A_248 : i1 to i32
      %cond3A_250 = arith.constant 0 : i32
      %cond3A_251 = arith.cmpi ne, %convert_element_type3A_249, %cond3A_250 : i32
      scf.if %cond3A_251 {
        %dma_wait3A_252 = arith.constant 0 : i32
        %dma_wait3A_253 = arith.constant 0 : i32
        %dma_wait3A_254 = tpu.memref_slice %arg2[%dma_wait3A_252, %dma_wait3A_253] : memref<10000x128xf32, #tpu.memory_space<hbm>> -> memref<10000x128xf32, #tpu.memory_space<hbm>>
        tpu.wait_indirect_dma semaphore(%arg16 : memref<!tpu.dma_semaphore, #tpu.memory_space<semaphore_mem>>) src(%dma_wait3A_254 : memref<10000x128xf32, #tpu.memory_space<hbm>>) dst(%arg14 : memref<40x128xf32, #tpu.memory_space<vmem>>)
        %dma_start3A_255 = arith.constant 0 : i32
        %dma_start3A_256 = arith.constant 0 : i32
        %dma_start3A_257 = tpu.memref_slice %arg3[%dma_start3A_255, %dma_start3A_256] : memref<10000x128xf32, #tpu.memory_space<hbm>> -> memref<10000x128xf32, #tpu.memory_space<hbm>>
        tpu.enqueue_indirect_dma source(%dma_start3A_257 : memref<10000x128xf32, #tpu.memory_space<hbm>>) target(%arg14 : memref<40x128xf32, #tpu.memory_space<vmem>>) offsets(%arg11 : memref<40xi32, #tpu.memory_space<vmem>>) semaphore(%arg17 : memref<!tpu.dma_semaphore, #tpu.memory_space<semaphore_mem>>) {add = true}
      } else {
      }
      "tpu.region"() ({
        %run_scoped3A = tpu.sem_alloc : memref<!tpu.dma_semaphore, #tpu.memory_space<semaphore_mem>>
        %dma_start3A_252 = arith.constant 0 : i32
        %dma_start3A_253 = arith.constant 0 : i32
        %dma_start3A_254 = tpu.memref_slice %arg28[%dma_start3A_252, %dma_start3A_253] : memref<10000x128xf32, #tpu.memory_space<vmem_shared>> -> memref<10000x128xf32, #tpu.memory_space<vmem_shared>>
        tpu.enqueue_indirect_dma source(%arg23 : memref<40x128xf32, #tpu.memory_space<vmem>>) target(%dma_start3A_254 : memref<10000x128xf32, #tpu.memory_space<vmem_shared>>) offsets(%arg20 : memref<40xi32, #tpu.memory_space<vmem>>) semaphore(%run_scoped3A : memref<!tpu.dma_semaphore, #tpu.memory_space<semaphore_mem>>) {add = true}
        %dma_wait3A_255 = arith.constant 0 : i32
        %dma_wait3A_256 = arith.constant 0 : i32
        %dma_wait3A_257 = tpu.memref_slice %arg28[%dma_wait3A_255, %dma_wait3A_256] : memref<10000x128xf32, #tpu.memory_space<vmem_shared>> -> memref<10000x128xf32, #tpu.memory_space<vmem_shared>>
        tpu.wait_indirect_dma semaphore(%run_scoped3A : memref<!tpu.dma_semaphore, #tpu.memory_space<semaphore_mem>>) src(%arg23 : memref<40x128xf32, #tpu.memory_space<vmem>>) dst(%dma_wait3A_257 : memref<10000x128xf32, #tpu.memory_space<vmem_shared>>)
        tpu.yield
      }) : () -> ()
    }
    %scan3A_182 = arith.constant 125 : i32
    %barrier3A_183 = arith.constant 0 : index
    tpu.barrier barrier_id(%barrier3A_183)
    %mul3A_184 = arith.constant 624 : i32
    %mul3A_185 = arith.muli %arg1, %mul3A_184 : i32
    %multiple_of3A_186 = tpu.assume_multiple %mul3A_185, 8 : i32
    "tpu.region"() ({
      %run_scoped3A = tpu.sem_alloc : memref<!tpu.dma_semaphore, #tpu.memory_space<semaphore_mem>>
      %dma_start3A_192 = arith.constant 0 : i32
      %dma_start3A_193 = tpu.memref_slice %arg10[%arg0, %multiple_of3A_186, %dma_start3A_192] : memref<2x10000x128xf32, #tpu.memory_space<hbm>> -> memref<1x624x128xf32, #tpu.memory_space<hbm>>
      %dma_start3A_194 = tpu.memref_squeeze %dma_start3A_193 : memref<1x624x128xf32, #tpu.memory_space<hbm>> -> memref<624x128xf32, #tpu.memory_space<hbm>>
      %dma_start3A_195 = arith.constant 0 : i32
      %dma_start3A_196 = tpu.memref_slice %arg28[%multiple_of3A_186, %dma_start3A_195] : memref<10000x128xf32, #tpu.memory_space<vmem_shared>> -> memref<624x128xf32, #tpu.memory_space<vmem_shared>>
      tpu.enqueue_dma source(%dma_start3A_196 : memref<624x128xf32, #tpu.memory_space<vmem_shared>>) target(%dma_start3A_194 : memref<624x128xf32, #tpu.memory_space<hbm>>) target_semaphore(%run_scoped3A : memref<!tpu.dma_semaphore, #tpu.memory_space<semaphore_mem>>)
      %dma_wait3A_197 = arith.constant 0 : i32
      %dma_wait3A_198 = tpu.memref_slice %arg10[%arg0, %multiple_of3A_186, %dma_wait3A_197] : memref<2x10000x128xf32, #tpu.memory_space<hbm>> -> memref<1x624x128xf32, #tpu.memory_space<hbm>>
      %dma_wait3A_199 = tpu.memref_squeeze %dma_wait3A_198 : memref<1x624x128xf32, #tpu.memory_space<hbm>> -> memref<624x128xf32, #tpu.memory_space<hbm>>
      %dma_wait3A_200 = arith.constant 0 : i32
      %dma_wait3A_201 = tpu.memref_slice %arg28[%multiple_of3A_186, %dma_wait3A_200] : memref<10000x128xf32, #tpu.memory_space<vmem_shared>> -> memref<624x128xf32, #tpu.memory_space<vmem_shared>>
      tpu.wait_dma2 semaphore(%run_scoped3A : memref<!tpu.dma_semaphore, #tpu.memory_space<semaphore_mem>>) src(%dma_wait3A_201 : memref<624x128xf32, #tpu.memory_space<vmem_shared>>) dst(%dma_wait3A_199 : memref<624x128xf32, #tpu.memory_space<hbm>>)
      tpu.yield
    }) : () -> ()
    %eq3A_187 = arith.constant 15 : i32
    %eq3A_188 = arith.cmpi eq, %arg1, %eq3A_187 : i32
    %convert_element_type3A_189 = arith.extui %eq3A_188 : i1 to i32
    %cond3A_190 = arith.constant 0 : i32
    %cond3A_191 = arith.cmpi ne, %convert_element_type3A_189, %cond3A_190 : i32
    scf.if %cond3A_191 {
      "tpu.region"() ({
        %run_scoped3A = tpu.sem_alloc : memref<!tpu.dma_semaphore, #tpu.memory_space<semaphore_mem>>
        %dma_start3A_192 = arith.constant 9984 : i32
        %dma_start3A_193 = arith.constant 0 : i32
        %dma_start3A_194 = tpu.memref_slice %arg10[%arg0, %dma_start3A_192, %dma_start3A_193] : memref<2x10000x128xf32, #tpu.memory_space<hbm>> -> memref<1x16x128xf32, #tpu.memory_space<hbm>>
        %dma_start3A_195 = tpu.memref_squeeze %dma_start3A_194 : memref<1x16x128xf32, #tpu.memory_space<hbm>> -> memref<16x128xf32, #tpu.memory_space<hbm>>
        %dma_start3A_196 = arith.constant 9984 : i32
        %dma_start3A_197 = arith.constant 0 : i32
        %dma_start3A_198 = tpu.memref_slice %arg28[%dma_start3A_196, %dma_start3A_197] : memref<10000x128xf32, #tpu.memory_space<vmem_shared>> -> memref<16x128xf32, #tpu.memory_space<vmem_shared>>
        tpu.enqueue_dma source(%dma_start3A_198 : memref<16x128xf32, #tpu.memory_space<vmem_shared>>) target(%dma_start3A_195 : memref<16x128xf32, #tpu.memory_space<hbm>>) target_semaphore(%run_scoped3A : memref<!tpu.dma_semaphore, #tpu.memory_space<semaphore_mem>>)
        %dma_wait3A_199 = arith.constant 9984 : i32
        %dma_wait3A_200 = arith.constant 0 : i32
        %dma_wait3A_201 = tpu.memref_slice %arg10[%arg0, %dma_wait3A_199, %dma_wait3A_200] : memref<2x10000x128xf32, #tpu.memory_space<hbm>> -> memref<1x16x128xf32, #tpu.memory_space<hbm>>
        %dma_wait3A_202 = tpu.memref_squeeze %dma_wait3A_201 : memref<1x16x128xf32, #tpu.memory_space<hbm>> -> memref<16x128xf32, #tpu.memory_space<hbm>>
        %dma_wait3A_203 = arith.constant 9984 : i32
        %dma_wait3A_204 = arith.constant 0 : i32
        %dma_wait3A_205 = tpu.memref_slice %arg28[%dma_wait3A_203, %dma_wait3A_204] : memref<10000x128xf32, #tpu.memory_space<vmem_shared>> -> memref<16x128xf32, #tpu.memory_space<vmem_shared>>
        tpu.wait_dma2 semaphore(%run_scoped3A : memref<!tpu.dma_semaphore, #tpu.memory_space<semaphore_mem>>) src(%dma_wait3A_205 : memref<16x128xf32, #tpu.memory_space<vmem_shared>>) dst(%dma_wait3A_202 : memref<16x128xf32, #tpu.memory_space<hbm>>)
        tpu.yield
      }) : () -> ()
    } else {
    }
    return
  }
}

#map = affine_map<(d0, d1) -> (0, 0)>
#map1 = affine_map<(d0, d1) -> (0)>
#map2 = affine_map<(d0, d1) -> (0, 0, 0)>
module attributes {stable_mosaic.version = 14 : i64} {
  func.func @_sc_edge_body(%arg0: i32, %arg1: i32, %arg2: memref<10000x128xf32, #tpu.memory_space<hbm>>, %arg3: memref<10000x128xf32, #tpu.memory_space<hbm>>, %arg4: memref<10000x128xf32, #tpu.memory_space<hbm>>, %arg5: memref<320000xi32, #tpu.memory_space<hbm>>, %arg6: memref<320000xi32, #tpu.memory_space<hbm>>, %arg7: memref<320000x16xf32, #tpu.memory_space<hbm>>, %arg8: memref<4x128xf32, #tpu.memory_space<hbm>>, %arg9: memref<624x128xf32, #tpu.memory_space<hbm>>, %arg10: memref<2x10000x128xf32, #tpu.memory_space<hbm>>, %arg11: memref<40xi32, #tpu.memory_space<vmem>>, %arg12: memref<40xi32, #tpu.memory_space<vmem>>, %arg13: memref<40x16xf32, #tpu.memory_space<vmem>>, %arg14: memref<40x128xf32, #tpu.memory_space<vmem>>, %arg15: memref<40x128xf32, #tpu.memory_space<vmem>>, %arg16: memref<!tpu.dma_semaphore, #tpu.memory_space<semaphore_mem>>, %arg17: memref<!tpu.dma_semaphore, #tpu.memory_space<semaphore_mem>>, %arg18: memref<!tpu.dma_semaphore, #tpu.memory_space<semaphore_mem>>, %arg19: memref<40xi32, #tpu.memory_space<vmem>>, %arg20: memref<40xi32, #tpu.memory_space<vmem>>, %arg21: memref<40x16xf32, #tpu.memory_space<vmem>>, %arg22: memref<40x128xf32, #tpu.memory_space<vmem>>, %arg23: memref<40x128xf32, #tpu.memory_space<vmem>>, %arg24: memref<!tpu.dma_semaphore, #tpu.memory_space<semaphore_mem>>, %arg25: memref<!tpu.dma_semaphore, #tpu.memory_space<semaphore_mem>>, %arg26: memref<!tpu.dma_semaphore, #tpu.memory_space<semaphore_mem>>, %arg27: memref<4x128xf32, #tpu.memory_space<vmem>>, %arg28: memref<10000x128xf32, #tpu.memory_space<vmem_shared>>) attributes {dimension_semantics = [#tpu.dimension_semantics<core_parallel>, #tpu.dimension_semantics<subcore_parallel>], iteration_bounds = array<i64: 2, 16>, scalar_prefetch = 0 : i64, scratch_operands = 18 : i64, tpu.core_type = #tpu.core_type<sc_vector_subcore>, window_params = [{transform_indices = #map}, {transform_indices = #map}, {transform_indices = #map}, {transform_indices = #map1}, {transform_indices = #map1}, {transform_indices = #map}, {transform_indices = #map}, {transform_indices = #map}, {transform_indices = #map2}]} {
    %mul3A = arith.constant 2 : i32
    %mul3A_0 = arith.muli %arg1, %mul3A : i32
    %add3A = arith.addi %mul3A_0, %arg0 : i32
    "tpu.region"() ({
      %run_scoped3A = tpu.sem_alloc : memref<!tpu.dma_semaphore, #tpu.memory_space<semaphore_mem>>
      tpu.enqueue_dma source(%arg8 : memref<4x128xf32, #tpu.memory_space<hbm>>) target(%arg27 : memref<4x128xf32, #tpu.memory_space<vmem>>) target_semaphore(%run_scoped3A : memref<!tpu.dma_semaphore, #tpu.memory_space<semaphore_mem>>)
      tpu.wait_dma2 semaphore(%run_scoped3A : memref<!tpu.dma_semaphore, #tpu.memory_space<semaphore_mem>>) src(%arg8 : memref<4x128xf32, #tpu.memory_space<hbm>>) dst(%arg27 : memref<4x128xf32, #tpu.memory_space<vmem>>)
      tpu.yield
    }) : () -> ()
    %mul3A_1 = arith.constant 624 : i32
    %mul3A_2 = arith.muli %arg1, %mul3A_1 : i32
    %multiple_of3A = tpu.assume_multiple %mul3A_2, 8 : i32
    "tpu.region"() ({
      %run_scoped3A = tpu.sem_alloc : memref<!tpu.dma_semaphore, #tpu.memory_space<semaphore_mem>>
      %dma_start3A_192 = arith.constant 0 : i32
      %dma_start3A_193 = tpu.memref_slice %arg28[%multiple_of3A, %dma_start3A_192] : memref<10000x128xf32, #tpu.memory_space<vmem_shared>> -> memref<624x128xf32, #tpu.memory_space<vmem_shared>>
      %dma_start3A_194 = arith.constant 0 : i32
      %dma_start3A_195 = arith.constant 0 : i32
      %dma_start3A_196 = tpu.memref_slice %arg9[%dma_start3A_194, %dma_start3A_195] : memref<624x128xf32, #tpu.memory_space<hbm>> -> memref<624x128xf32, #tpu.memory_space<hbm>>
      tpu.enqueue_dma source(%dma_start3A_196 : memref<624x128xf32, #tpu.memory_space<hbm>>) target(%dma_start3A_193 : memref<624x128xf32, #tpu.memory_space<vmem_shared>>) target_semaphore(%run_scoped3A : memref<!tpu.dma_semaphore, #tpu.memory_space<semaphore_mem>>)
      %dma_wait3A_197 = arith.constant 0 : i32
      %dma_wait3A_198 = tpu.memref_slice %arg28[%multiple_of3A, %dma_wait3A_197] : memref<10000x128xf32, #tpu.memory_space<vmem_shared>> -> memref<624x128xf32, #tpu.memory_space<vmem_shared>>
      %dma_wait3A_199 = arith.constant 0 : i32
      %dma_wait3A_200 = arith.constant 0 : i32
      %dma_wait3A_201 = tpu.memref_slice %arg9[%dma_wait3A_199, %dma_wait3A_200] : memref<624x128xf32, #tpu.memory_space<hbm>> -> memref<624x128xf32, #tpu.memory_space<hbm>>
      tpu.wait_dma2 semaphore(%run_scoped3A : memref<!tpu.dma_semaphore, #tpu.memory_space<semaphore_mem>>) src(%dma_wait3A_201 : memref<624x128xf32, #tpu.memory_space<hbm>>) dst(%dma_wait3A_198 : memref<624x128xf32, #tpu.memory_space<vmem_shared>>)
      tpu.yield
    }) : () -> ()
    %eq3A = arith.constant 15 : i32
    %eq3A_3 = arith.cmpi eq, %arg1, %eq3A : i32
    %convert_element_type3A = arith.extui %eq3A_3 : i1 to i32
    %cond3A = arith.constant 0 : i32
    %cond3A_4 = arith.cmpi ne, %convert_element_type3A, %cond3A : i32
    scf.if %cond3A_4 {
      "tpu.region"() ({
        %run_scoped3A = tpu.sem_alloc : memref<!tpu.dma_semaphore, #tpu.memory_space<semaphore_mem>>
        %dma_start3A_192 = arith.constant 9984 : i32
        %dma_start3A_193 = arith.constant 0 : i32
        %dma_start3A_194 = tpu.memref_slice %arg28[%dma_start3A_192, %dma_start3A_193] : memref<10000x128xf32, #tpu.memory_space<vmem_shared>> -> memref<16x128xf32, #tpu.memory_space<vmem_shared>>
        %dma_start3A_195 = arith.constant 0 : i32
        %dma_start3A_196 = arith.constant 0 : i32
        %dma_start3A_197 = tpu.memref_slice %arg9[%dma_start3A_195, %dma_start3A_196] : memref<624x128xf32, #tpu.memory_space<hbm>> -> memref<16x128xf32, #tpu.memory_space<hbm>>
        tpu.enqueue_dma source(%dma_start3A_197 : memref<16x128xf32, #tpu.memory_space<hbm>>) target(%dma_start3A_194 : memref<16x128xf32, #tpu.memory_space<vmem_shared>>) target_semaphore(%run_scoped3A : memref<!tpu.dma_semaphore, #tpu.memory_space<semaphore_mem>>)
        %dma_wait3A_198 = arith.constant 9984 : i32
        %dma_wait3A_199 = arith.constant 0 : i32
        %dma_wait3A_200 = tpu.memref_slice %arg28[%dma_wait3A_198, %dma_wait3A_199] : memref<10000x128xf32, #tpu.memory_space<vmem_shared>> -> memref<16x128xf32, #tpu.memory_space<vmem_shared>>
        %dma_wait3A_201 = arith.constant 0 : i32
        %dma_wait3A_202 = arith.constant 0 : i32
        %dma_wait3A_203 = tpu.memref_slice %arg9[%dma_wait3A_201, %dma_wait3A_202] : memref<624x128xf32, #tpu.memory_space<hbm>> -> memref<16x128xf32, #tpu.memory_space<hbm>>
        tpu.wait_dma2 semaphore(%run_scoped3A : memref<!tpu.dma_semaphore, #tpu.memory_space<semaphore_mem>>) src(%dma_wait3A_203 : memref<16x128xf32, #tpu.memory_space<hbm>>) dst(%dma_wait3A_200 : memref<16x128xf32, #tpu.memory_space<vmem_shared>>)
        tpu.yield
      }) : () -> ()
    } else {
    }
    %barrier3A = arith.constant 0 : index
    tpu.barrier barrier_id(%barrier3A)
    %get3A = arith.constant 0 : i32
    %get3A_5 = arith.index_cast %get3A : i32 to index
    %get3A_6 = arith.constant 0 : index
    %get3A_7 = tpu.vector_load %arg27[%get3A_5, %get3A_6] {strides = array<i32>} : memref<4x128xf32, #tpu.memory_space<vmem>>, vector<1x16xf32>,
    %get3A_8 = vector.shape_cast %get3A_7 : vector<1x16xf32> to vector<16xf32>
    %get3A_9 = arith.constant 0 : i32
    %get3A_10 = arith.index_cast %get3A_9 : i32 to index
    %get3A_11 = arith.constant 16 : index
    %get3A_12 = tpu.vector_load %arg27[%get3A_10, %get3A_11] {strides = array<i32>} : memref<4x128xf32, #tpu.memory_space<vmem>>, vector<1x16xf32>,
    %get3A_13 = vector.shape_cast %get3A_12 : vector<1x16xf32> to vector<16xf32>
    %get3A_14 = arith.constant 0 : i32
    %get3A_15 = arith.index_cast %get3A_14 : i32 to index
    %get3A_16 = arith.constant 32 : index
    %get3A_17 = tpu.vector_load %arg27[%get3A_15, %get3A_16] {strides = array<i32>} : memref<4x128xf32, #tpu.memory_space<vmem>>, vector<1x16xf32>,
    %get3A_18 = vector.shape_cast %get3A_17 : vector<1x16xf32> to vector<16xf32>
    %get3A_19 = arith.constant 0 : i32
    %get3A_20 = arith.index_cast %get3A_19 : i32 to index
    %get3A_21 = arith.constant 48 : index
    %get3A_22 = tpu.vector_load %arg27[%get3A_20, %get3A_21] {strides = array<i32>} : memref<4x128xf32, #tpu.memory_space<vmem>>, vector<1x16xf32>,
    %get3A_23 = vector.shape_cast %get3A_22 : vector<1x16xf32> to vector<16xf32>
    %get3A_24 = arith.constant 0 : i32
    %get3A_25 = arith.index_cast %get3A_24 : i32 to index
    %get3A_26 = arith.constant 64 : index
    %get3A_27 = tpu.vector_load %arg27[%get3A_25, %get3A_26] {strides = array<i32>} : memref<4x128xf32, #tpu.memory_space<vmem>>, vector<1x16xf32>,
    %get3A_28 = vector.shape_cast %get3A_27 : vector<1x16xf32> to vector<16xf32>
    %get3A_29 = arith.constant 0 : i32
    %get3A_30 = arith.index_cast %get3A_29 : i32 to index
    %get3A_31 = arith.constant 80 : index
    %get3A_32 = tpu.vector_load %arg27[%get3A_30, %get3A_31] {strides = array<i32>} : memref<4x128xf32, #tpu.memory_space<vmem>>, vector<1x16xf32>,
    %get3A_33 = vector.shape_cast %get3A_32 : vector<1x16xf32> to vector<16xf32>
    %get3A_34 = arith.constant 0 : i32
    %get3A_35 = arith.index_cast %get3A_34 : i32 to index
    %get3A_36 = arith.constant 96 : index
    %get3A_37 = tpu.vector_load %arg27[%get3A_35, %get3A_36] {strides = array<i32>} : memref<4x128xf32, #tpu.memory_space<vmem>>, vector<1x16xf32>,
    %get3A_38 = vector.shape_cast %get3A_37 : vector<1x16xf32> to vector<16xf32>
    %get3A_39 = arith.constant 0 : i32
    %get3A_40 = arith.index_cast %get3A_39 : i32 to index
    %get3A_41 = arith.constant 112 : index
    %get3A_42 = tpu.vector_load %arg27[%get3A_40, %get3A_41] {strides = array<i32>} : memref<4x128xf32, #tpu.memory_space<vmem>>, vector<1x16xf32>,
    %get3A_43 = vector.shape_cast %get3A_42 : vector<1x16xf32> to vector<16xf32>
    %get3A_44 = arith.constant 1 : i32
    %get3A_45 = arith.index_cast %get3A_44 : i32 to index
    %get3A_46 = arith.constant 0 : index
    %get3A_47 = tpu.vector_load %arg27[%get3A_45, %get3A_46] {strides = array<i32>} : memref<4x128xf32, #tpu.memory_space<vmem>>, vector<1x16xf32>,
    %get3A_48 = vector.shape_cast %get3A_47 : vector<1x16xf32> to vector<16xf32>
    %get3A_49 = arith.constant 1 : i32
    %get3A_50 = arith.index_cast %get3A_49 : i32 to index
    %get3A_51 = arith.constant 16 : index
    %get3A_52 = tpu.vector_load %arg27[%get3A_50, %get3A_51] {strides = array<i32>} : memref<4x128xf32, #tpu.memory_space<vmem>>, vector<1x16xf32>,
    %get3A_53 = vector.shape_cast %get3A_52 : vector<1x16xf32> to vector<16xf32>
    %get3A_54 = arith.constant 1 : i32
    %get3A_55 = arith.index_cast %get3A_54 : i32 to index
    %get3A_56 = arith.constant 32 : index
    %get3A_57 = tpu.vector_load %arg27[%get3A_55, %get3A_56] {strides = array<i32>} : memref<4x128xf32, #tpu.memory_space<vmem>>, vector<1x16xf32>,
    %get3A_58 = vector.shape_cast %get3A_57 : vector<1x16xf32> to vector<16xf32>
    %get3A_59 = arith.constant 1 : i32
    %get3A_60 = arith.index_cast %get3A_59 : i32 to index
    %get3A_61 = arith.constant 48 : index
    %get3A_62 = tpu.vector_load %arg27[%get3A_60, %get3A_61] {strides = array<i32>} : memref<4x128xf32, #tpu.memory_space<vmem>>, vector<1x16xf32>,
    %get3A_63 = vector.shape_cast %get3A_62 : vector<1x16xf32> to vector<16xf32>
    %get3A_64 = arith.constant 1 : i32
    %get3A_65 = arith.index_cast %get3A_64 : i32 to index
    %get3A_66 = arith.constant 64 : index
    %get3A_67 = tpu.vector_load %arg27[%get3A_65, %get3A_66] {strides = array<i32>} : memref<4x128xf32, #tpu.memory_space<vmem>>, vector<1x16xf32>,
    %get3A_68 = vector.shape_cast %get3A_67 : vector<1x16xf32> to vector<16xf32>
    %get3A_69 = arith.constant 1 : i32
    %get3A_70 = arith.index_cast %get3A_69 : i32 to index
    %get3A_71 = arith.constant 80 : index
    %get3A_72 = tpu.vector_load %arg27[%get3A_70, %get3A_71] {strides = array<i32>} : memref<4x128xf32, #tpu.memory_space<vmem>>, vector<1x16xf32>,
    %get3A_73 = vector.shape_cast %get3A_72 : vector<1x16xf32> to vector<16xf32>
    %get3A_74 = arith.constant 1 : i32
    %get3A_75 = arith.index_cast %get3A_74 : i32 to index
    %get3A_76 = arith.constant 96 : index
    %get3A_77 = tpu.vector_load %arg27[%get3A_75, %get3A_76] {strides = array<i32>} : memref<4x128xf32, #tpu.memory_space<vmem>>, vector<1x16xf32>,
    %get3A_78 = vector.shape_cast %get3A_77 : vector<1x16xf32> to vector<16xf32>
    %get3A_79 = arith.constant 1 : i32
    %get3A_80 = arith.index_cast %get3A_79 : i32 to index
    %get3A_81 = arith.constant 112 : index
    %get3A_82 = tpu.vector_load %arg27[%get3A_80, %get3A_81] {strides = array<i32>} : memref<4x128xf32, #tpu.memory_space<vmem>>, vector<1x16xf32>,
    %get3A_83 = vector.shape_cast %get3A_82 : vector<1x16xf32> to vector<16xf32>
    %get3A_84 = arith.constant 2 : i32
    %get3A_85 = arith.index_cast %get3A_84 : i32 to index
    %get3A_86 = arith.constant 0 : index
    %get3A_87 = tpu.vector_load %arg27[%get3A_85, %get3A_86] {strides = array<i32>} : memref<4x128xf32, #tpu.memory_space<vmem>>, vector<1x16xf32>,
    %get3A_88 = vector.shape_cast %get3A_87 : vector<1x16xf32> to vector<16xf32>
    %get3A_89 = arith.constant 2 : i32
    %get3A_90 = arith.index_cast %get3A_89 : i32 to index
    %get3A_91 = arith.constant 16 : index
    %get3A_92 = tpu.vector_load %arg27[%get3A_90, %get3A_91] {strides = array<i32>} : memref<4x128xf32, #tpu.memory_space<vmem>>, vector<1x16xf32>,
    %get3A_93 = vector.shape_cast %get3A_92 : vector<1x16xf32> to vector<16xf32>
    %get3A_94 = arith.constant 2 : i32
    %get3A_95 = arith.index_cast %get3A_94 : i32 to index
    %get3A_96 = arith.constant 32 : index
    %get3A_97 = tpu.vector_load %arg27[%get3A_95, %get3A_96] {strides = array<i32>} : memref<4x128xf32, #tpu.memory_space<vmem>>, vector<1x16xf32>,
    %get3A_98 = vector.shape_cast %get3A_97 : vector<1x16xf32> to vector<16xf32>
    %get3A_99 = arith.constant 2 : i32
    %get3A_100 = arith.index_cast %get3A_99 : i32 to index
    %get3A_101 = arith.constant 48 : index
    %get3A_102 = tpu.vector_load %arg27[%get3A_100, %get3A_101] {strides = array<i32>} : memref<4x128xf32, #tpu.memory_space<vmem>>, vector<1x16xf32>,
    %get3A_103 = vector.shape_cast %get3A_102 : vector<1x16xf32> to vector<16xf32>
    %get3A_104 = arith.constant 2 : i32
    %get3A_105 = arith.index_cast %get3A_104 : i32 to index
    %get3A_106 = arith.constant 64 : index
    %get3A_107 = tpu.vector_load %arg27[%get3A_105, %get3A_106] {strides = array<i32>} : memref<4x128xf32, #tpu.memory_space<vmem>>, vector<1x16xf32>,
    %get3A_108 = vector.shape_cast %get3A_107 : vector<1x16xf32> to vector<16xf32>
    %get3A_109 = arith.constant 2 : i32
    %get3A_110 = arith.index_cast %get3A_109 : i32 to index
    %get3A_111 = arith.constant 80 : index
    %get3A_112 = tpu.vector_load %arg27[%get3A_110, %get3A_111] {strides = array<i32>} : memref<4x128xf32, #tpu.memory_space<vmem>>, vector<1x16xf32>,
    %get3A_113 = vector.shape_cast %get3A_112 : vector<1x16xf32> to vector<16xf32>
    %get3A_114 = arith.constant 2 : i32
    %get3A_115 = arith.index_cast %get3A_114 : i32 to index
    %get3A_116 = arith.constant 96 : index
    %get3A_117 = tpu.vector_load %arg27[%get3A_115, %get3A_116] {strides = array<i32>} : memref<4x128xf32, #tpu.memory_space<vmem>>, vector<1x16xf32>,
    %get3A_118 = vector.shape_cast %get3A_117 : vector<1x16xf32> to vector<16xf32>
    %get3A_119 = arith.constant 2 : i32
    %get3A_120 = arith.index_cast %get3A_119 : i32 to index
    %get3A_121 = arith.constant 112 : index
    %get3A_122 = tpu.vector_load %arg27[%get3A_120, %get3A_121] {strides = array<i32>} : memref<4x128xf32, #tpu.memory_space<vmem>>, vector<1x16xf32>,
    %get3A_123 = vector.shape_cast %get3A_122 : vector<1x16xf32> to vector<16xf32>
    %get3A_124 = arith.constant 3 : i32
    %get3A_125 = arith.index_cast %get3A_124 : i32 to index
    %get3A_126 = arith.constant 0 : index
    %get3A_127 = tpu.vector_load %arg27[%get3A_125, %get3A_126] {strides = array<i32>} : memref<4x128xf32, #tpu.memory_space<vmem>>, vector<1x16xf32>,
    %get3A_128 = vector.shape_cast %get3A_127 : vector<1x16xf32> to vector<16xf32>
    %get3A_129 = arith.constant 3 : i32
    %get3A_130 = arith.index_cast %get3A_129 : i32 to index
    %get3A_131 = arith.constant 16 : index
    %get3A_132 = tpu.vector_load %arg27[%get3A_130, %get3A_131] {strides = array<i32>} : memref<4x128xf32, #tpu.memory_space<vmem>>, vector<1x16xf32>,
    %get3A_133 = vector.shape_cast %get3A_132 : vector<1x16xf32> to vector<16xf32>
    %get3A_134 = arith.constant 3 : i32
    %get3A_135 = arith.index_cast %get3A_134 : i32 to index
    %get3A_136 = arith.constant 32 : index
    %get3A_137 = tpu.vector_load %arg27[%get3A_135, %get3A_136] {strides = array<i32>} : memref<4x128xf32, #tpu.memory_space<vmem>>, vector<1x16xf32>,
    %get3A_138 = vector.shape_cast %get3A_137 : vector<1x16xf32> to vector<16xf32>
    %get3A_139 = arith.constant 3 : i32
    %get3A_140 = arith.index_cast %get3A_139 : i32 to index
    %get3A_141 = arith.constant 48 : index
    %get3A_142 = tpu.vector_load %arg27[%get3A_140, %get3A_141] {strides = array<i32>} : memref<4x128xf32, #tpu.memory_space<vmem>>, vector<1x16xf32>,
    %get3A_143 = vector.shape_cast %get3A_142 : vector<1x16xf32> to vector<16xf32>
    %get3A_144 = arith.constant 3 : i32
    %get3A_145 = arith.index_cast %get3A_144 : i32 to index
    %get3A_146 = arith.constant 64 : index
    %get3A_147 = tpu.vector_load %arg27[%get3A_145, %get3A_146] {strides = array<i32>} : memref<4x128xf32, #tpu.memory_space<vmem>>, vector<1x16xf32>,
    %get3A_148 = vector.shape_cast %get3A_147 : vector<1x16xf32> to vector<16xf32>
    %get3A_149 = arith.constant 3 : i32
    %get3A_150 = arith.index_cast %get3A_149 : i32 to index
    %get3A_151 = arith.constant 80 : index
    %get3A_152 = tpu.vector_load %arg27[%get3A_150, %get3A_151] {strides = array<i32>} : memref<4x128xf32, #tpu.memory_space<vmem>>, vector<1x16xf32>,
    %get3A_153 = vector.shape_cast %get3A_152 : vector<1x16xf32> to vector<16xf32>
    %get3A_154 = arith.constant 3 : i32
    %get3A_155 = arith.index_cast %get3A_154 : i32 to index
    %get3A_156 = arith.constant 96 : index
    %get3A_157 = tpu.vector_load %arg27[%get3A_155, %get3A_156] {strides = array<i32>} : memref<4x128xf32, #tpu.memory_space<vmem>>, vector<1x16xf32>,
    %get3A_158 = vector.shape_cast %get3A_157 : vector<1x16xf32> to vector<16xf32>
    %get3A_159 = arith.constant 3 : i32
    %get3A_160 = arith.index_cast %get3A_159 : i32 to index
    %get3A_161 = arith.constant 112 : index
    %get3A_162 = tpu.vector_load %arg27[%get3A_160, %get3A_161] {strides = array<i32>} : memref<4x128xf32, #tpu.memory_space<vmem>>, vector<1x16xf32>,
    %get3A_163 = vector.shape_cast %get3A_162 : vector<1x16xf32> to vector<16xf32>
    %mul3A_164 = arith.constant 10000 : i32
    %mul3A_165 = arith.muli %add3A, %mul3A_164 : i32
    %add3A_166 = arith.constant 0 : i32
    %add3A_167 = arith.addi %mul3A_165, %add3A_166 : i32
    "tpu.region"() ({
      %run_scoped3A = tpu.sem_alloc : memref<!tpu.dma_semaphore, #tpu.memory_space<semaphore_mem>>
      %dma_start3A_192 = tpu.memref_slice %arg5[%add3A_167] : memref<320000xi32, #tpu.memory_space<hbm>> -> memref<40xi32, #tpu.memory_space<hbm>>
      %dma_start3A_193 = tpu.memref_slice %arg5[%add3A_167] : memref<320000xi32, #tpu.memory_space<hbm>> -> memref<40xi32, #tpu.memory_space<hbm>>
      tpu.enqueue_dma source(%dma_start3A_193 : memref<40xi32, #tpu.memory_space<hbm>>) target(%arg11 : memref<40xi32, #tpu.memory_space<vmem>>) target_semaphore(%run_scoped3A : memref<!tpu.dma_semaphore, #tpu.memory_space<semaphore_mem>>)
      %dma_wait3A_194 = tpu.memref_slice %arg5[%add3A_167] : memref<320000xi32, #tpu.memory_space<hbm>> -> memref<40xi32, #tpu.memory_space<hbm>>
      %dma_wait3A_195 = tpu.memref_slice %arg5[%add3A_167] : memref<320000xi32, #tpu.memory_space<hbm>> -> memref<40xi32, #tpu.memory_space<hbm>>
      tpu.wait_dma2 semaphore(%run_scoped3A : memref<!tpu.dma_semaphore, #tpu.memory_space<semaphore_mem>>) src(%dma_wait3A_195 : memref<40xi32, #tpu.memory_space<hbm>>) dst(%arg11 : memref<40xi32, #tpu.memory_space<vmem>>)
      tpu.yield
    }) : () -> ()
    "tpu.region"() ({
      %run_scoped3A = tpu.sem_alloc : memref<!tpu.dma_semaphore, #tpu.memory_space<semaphore_mem>>
      %dma_start3A_192 = tpu.memref_slice %arg6[%add3A_167] : memref<320000xi32, #tpu.memory_space<hbm>> -> memref<40xi32, #tpu.memory_space<hbm>>
      %dma_start3A_193 = tpu.memref_slice %arg6[%add3A_167] : memref<320000xi32, #tpu.memory_space<hbm>> -> memref<40xi32, #tpu.memory_space<hbm>>
      tpu.enqueue_dma source(%dma_start3A_193 : memref<40xi32, #tpu.memory_space<hbm>>) target(%arg12 : memref<40xi32, #tpu.memory_space<vmem>>) target_semaphore(%run_scoped3A : memref<!tpu.dma_semaphore, #tpu.memory_space<semaphore_mem>>)
      %dma_wait3A_194 = tpu.memref_slice %arg6[%add3A_167] : memref<320000xi32, #tpu.memory_space<hbm>> -> memref<40xi32, #tpu.memory_space<hbm>>
      %dma_wait3A_195 = tpu.memref_slice %arg6[%add3A_167] : memref<320000xi32, #tpu.memory_space<hbm>> -> memref<40xi32, #tpu.memory_space<hbm>>
      tpu.wait_dma2 semaphore(%run_scoped3A : memref<!tpu.dma_semaphore, #tpu.memory_space<semaphore_mem>>) src(%dma_wait3A_195 : memref<40xi32, #tpu.memory_space<hbm>>) dst(%arg12 : memref<40xi32, #tpu.memory_space<vmem>>)
      tpu.yield
    }) : () -> ()
    "tpu.region"() ({
      %run_scoped3A = tpu.sem_alloc : memref<!tpu.dma_semaphore, #tpu.memory_space<semaphore_mem>>
      %dma_start3A_192 = arith.constant 0 : i32
      %dma_start3A_193 = tpu.memref_slice %arg7[%add3A_167, %dma_start3A_192] : memref<320000x16xf32, #tpu.memory_space<hbm>> -> memref<40x16xf32, #tpu.memory_space<hbm>>
      %dma_start3A_194 = arith.constant 0 : i32
      %dma_start3A_195 = tpu.memref_slice %arg7[%add3A_167, %dma_start3A_194] : memref<320000x16xf32, #tpu.memory_space<hbm>> -> memref<40x16xf32, #tpu.memory_space<hbm>>
      tpu.enqueue_dma source(%dma_start3A_195 : memref<40x16xf32, #tpu.memory_space<hbm>>) target(%arg13 : memref<40x16xf32, #tpu.memory_space<vmem>>) target_semaphore(%run_scoped3A : memref<!tpu.dma_semaphore, #tpu.memory_space<semaphore_mem>>)
      %dma_wait3A_196 = arith.constant 0 : i32
      %dma_wait3A_197 = tpu.memref_slice %arg7[%add3A_167, %dma_wait3A_196] : memref<320000x16xf32, #tpu.memory_space<hbm>> -> memref<40x16xf32, #tpu.memory_space<hbm>>
      %dma_wait3A_198 = arith.constant 0 : i32
      %dma_wait3A_199 = tpu.memref_slice %arg7[%add3A_167, %dma_wait3A_198] : memref<320000x16xf32, #tpu.memory_space<hbm>> -> memref<40x16xf32, #tpu.memory_space<hbm>>
      tpu.wait_dma2 semaphore(%run_scoped3A : memref<!tpu.dma_semaphore, #tpu.memory_space<semaphore_mem>>) src(%dma_wait3A_199 : memref<40x16xf32, #tpu.memory_space<hbm>>) dst(%arg13 : memref<40x16xf32, #tpu.memory_space<vmem>>)
      tpu.yield
    }) : () -> ()
    %dma_start3A = arith.constant 0 : i32
    %dma_start3A_168 = arith.constant 0 : i32
    %dma_start3A_169 = tpu.memref_slice %arg2[%dma_start3A, %dma_start3A_168] : memref<10000x128xf32, #tpu.memory_space<hbm>> -> memref<10000x128xf32, #tpu.memory_space<hbm>>
    tpu.enqueue_indirect_dma source(%dma_start3A_169 : memref<10000x128xf32, #tpu.memory_space<hbm>>) target(%arg14 : memref<40x128xf32, #tpu.memory_space<vmem>>) offsets(%arg12 : memref<40xi32, #tpu.memory_space<vmem>>) semaphore(%arg16 : memref<!tpu.dma_semaphore, #tpu.memory_space<semaphore_mem>>)
    %dma_start3A_170 = arith.constant 0 : i32
    %dma_start3A_171 = arith.constant 0 : i32
    %dma_start3A_172 = tpu.memref_slice %arg4[%dma_start3A_170, %dma_start3A_171] : memref<10000x128xf32, #tpu.memory_space<hbm>> -> memref<10000x128xf32, #tpu.memory_space<hbm>>
    tpu.enqueue_indirect_dma source(%dma_start3A_172 : memref<10000x128xf32, #tpu.memory_space<hbm>>) target(%arg15 : memref<40x128xf32, #tpu.memory_space<vmem>>) offsets(%arg11 : memref<40xi32, #tpu.memory_space<vmem>>) semaphore(%arg18 : memref<!tpu.dma_semaphore, #tpu.memory_space<semaphore_mem>>)
    %dma_wait3A = arith.constant 0 : i32
    %dma_wait3A_173 = arith.constant 0 : i32
    %dma_wait3A_174 = tpu.memref_slice %arg2[%dma_wait3A, %dma_wait3A_173] : memref<10000x128xf32, #tpu.memory_space<hbm>> -> memref<10000x128xf32, #tpu.memory_space<hbm>>
    tpu.wait_indirect_dma semaphore(%arg16 : memref<!tpu.dma_semaphore, #tpu.memory_space<semaphore_mem>>) src(%dma_wait3A_174 : memref<10000x128xf32, #tpu.memory_space<hbm>>) dst(%arg14 : memref<40x128xf32, #tpu.memory_space<vmem>>)
    %dma_start3A_175 = arith.constant 0 : i32
    %dma_start3A_176 = arith.constant 0 : i32
    %dma_start3A_177 = tpu.memref_slice %arg3[%dma_start3A_175, %dma_start3A_176] : memref<10000x128xf32, #tpu.memory_space<hbm>> -> memref<10000x128xf32, #tpu.memory_space<hbm>>
    tpu.enqueue_indirect_dma source(%dma_start3A_177 : memref<10000x128xf32, #tpu.memory_space<hbm>>) target(%arg14 : memref<40x128xf32, #tpu.memory_space<vmem>>) offsets(%arg11 : memref<40xi32, #tpu.memory_space<vmem>>) semaphore(%arg17 : memref<!tpu.dma_semaphore, #tpu.memory_space<semaphore_mem>>) {add = true}
    %scan3A = arith.constant 0 : i32
    %scan3A_178 = arith.constant 0 : i32
    %scan3A_179 = arith.constant 125 : i32
    %scan3A_180 = arith.addi %scan3A_178, %scan3A_179 : i32
    %scan3A_181 = arith.constant 1 : i32
    scf.for %scan3A_192 = %scan3A_178 to %scan3A_180 step %scan3A_181  : i32 {
      %mul3A_193 = arith.constant 2 : i32
      %mul3A_194 = arith.muli %scan3A_192, %mul3A_193 : i32
      %add3A_195 = arith.constant 0 : i32
      %add3A_196 = arith.addi %mul3A_194, %add3A_195 : i32
      %add3A_197 = arith.constant 1 : i32
      %add3A_198 = arith.addi %add3A_196, %add3A_197 : i32
      %lt3A = arith.constant 250 : i32
      %lt3A_199 = arith.cmpi slt, %add3A_198, %lt3A : i32
      %convert_element_type3A_200 = arith.extui %lt3A_199 : i1 to i32
      %cond3A_201 = arith.constant 0 : i32
      %cond3A_202 = arith.cmpi ne, %convert_element_type3A_200, %cond3A_201 : i32
      scf.if %cond3A_202 {
        %add3A_252 = arith.constant 1 : i32
        %add3A_253 = arith.addi %add3A_196, %add3A_252 : i32
        %mul3A_254 = arith.constant 40 : i32
        %mul3A_255 = arith.muli %add3A_253, %mul3A_254 : i32
        %add3A_256 = arith.addi %mul3A_165, %mul3A_255 : i32
        "tpu.region"() ({
          %run_scoped3A = tpu.sem_alloc : memref<!tpu.dma_semaphore, #tpu.memory_space<semaphore_mem>>
          %dma_start3A_263 = tpu.memref_slice %arg5[%add3A_256] : memref<320000xi32, #tpu.memory_space<hbm>> -> memref<40xi32, #tpu.memory_space<hbm>>
          %dma_start3A_264 = tpu.memref_slice %arg5[%add3A_256] : memref<320000xi32, #tpu.memory_space<hbm>> -> memref<40xi32, #tpu.memory_space<hbm>>
          tpu.enqueue_dma source(%dma_start3A_264 : memref<40xi32, #tpu.memory_space<hbm>>) target(%arg19 : memref<40xi32, #tpu.memory_space<vmem>>) target_semaphore(%run_scoped3A : memref<!tpu.dma_semaphore, #tpu.memory_space<semaphore_mem>>)
          %dma_wait3A_265 = tpu.memref_slice %arg5[%add3A_256] : memref<320000xi32, #tpu.memory_space<hbm>> -> memref<40xi32, #tpu.memory_space<hbm>>
          %dma_wait3A_266 = tpu.memref_slice %arg5[%add3A_256] : memref<320000xi32, #tpu.memory_space<hbm>> -> memref<40xi32, #tpu.memory_space<hbm>>
          tpu.wait_dma2 semaphore(%run_scoped3A : memref<!tpu.dma_semaphore, #tpu.memory_space<semaphore_mem>>) src(%dma_wait3A_266 : memref<40xi32, #tpu.memory_space<hbm>>) dst(%arg19 : memref<40xi32, #tpu.memory_space<vmem>>)
          tpu.yield
        }) : () -> ()
        "tpu.region"() ({
          %run_scoped3A = tpu.sem_alloc : memref<!tpu.dma_semaphore, #tpu.memory_space<semaphore_mem>>
          %dma_start3A_263 = tpu.memref_slice %arg6[%add3A_256] : memref<320000xi32, #tpu.memory_space<hbm>> -> memref<40xi32, #tpu.memory_space<hbm>>
          %dma_start3A_264 = tpu.memref_slice %arg6[%add3A_256] : memref<320000xi32, #tpu.memory_space<hbm>> -> memref<40xi32, #tpu.memory_space<hbm>>
          tpu.enqueue_dma source(%dma_start3A_264 : memref<40xi32, #tpu.memory_space<hbm>>) target(%arg20 : memref<40xi32, #tpu.memory_space<vmem>>) target_semaphore(%run_scoped3A : memref<!tpu.dma_semaphore, #tpu.memory_space<semaphore_mem>>)
          %dma_wait3A_265 = tpu.memref_slice %arg6[%add3A_256] : memref<320000xi32, #tpu.memory_space<hbm>> -> memref<40xi32, #tpu.memory_space<hbm>>
          %dma_wait3A_266 = tpu.memref_slice %arg6[%add3A_256] : memref<320000xi32, #tpu.memory_space<hbm>> -> memref<40xi32, #tpu.memory_space<hbm>>
          tpu.wait_dma2 semaphore(%run_scoped3A : memref<!tpu.dma_semaphore, #tpu.memory_space<semaphore_mem>>) src(%dma_wait3A_266 : memref<40xi32, #tpu.memory_space<hbm>>) dst(%arg20 : memref<40xi32, #tpu.memory_space<vmem>>)
          tpu.yield
        }) : () -> ()
        "tpu.region"() ({
          %run_scoped3A = tpu.sem_alloc : memref<!tpu.dma_semaphore, #tpu.memory_space<semaphore_mem>>
          %dma_start3A_263 = arith.constant 0 : i32
          %dma_start3A_264 = tpu.memref_slice %arg7[%add3A_256, %dma_start3A_263] : memref<320000x16xf32, #tpu.memory_space<hbm>> -> memref<40x16xf32, #tpu.memory_space<hbm>>
          %dma_start3A_265 = arith.constant 0 : i32
          %dma_start3A_266 = tpu.memref_slice %arg7[%add3A_256, %dma_start3A_265] : memref<320000x16xf32, #tpu.memory_space<hbm>> -> memref<40x16xf32, #tpu.memory_space<hbm>>
          tpu.enqueue_dma source(%dma_start3A_266 : memref<40x16xf32, #tpu.memory_space<hbm>>) target(%arg21 : memref<40x16xf32, #tpu.memory_space<vmem>>) target_semaphore(%run_scoped3A : memref<!tpu.dma_semaphore, #tpu.memory_space<semaphore_mem>>)
          %dma_wait3A_267 = arith.constant 0 : i32
          %dma_wait3A_268 = tpu.memref_slice %arg7[%add3A_256, %dma_wait3A_267] : memref<320000x16xf32, #tpu.memory_space<hbm>> -> memref<40x16xf32, #tpu.memory_space<hbm>>
          %dma_wait3A_269 = arith.constant 0 : i32
          %dma_wait3A_270 = tpu.memref_slice %arg7[%add3A_256, %dma_wait3A_269] : memref<320000x16xf32, #tpu.memory_space<hbm>> -> memref<40x16xf32, #tpu.memory_space<hbm>>
          tpu.wait_dma2 semaphore(%run_scoped3A : memref<!tpu.dma_semaphore, #tpu.memory_space<semaphore_mem>>) src(%dma_wait3A_270 : memref<40x16xf32, #tpu.memory_space<hbm>>) dst(%arg21 : memref<40x16xf32, #tpu.memory_space<vmem>>)
          tpu.yield
        }) : () -> ()
        %dma_start3A_257 = arith.constant 0 : i32
        %dma_start3A_258 = arith.constant 0 : i32
        %dma_start3A_259 = tpu.memref_slice %arg2[%dma_start3A_257, %dma_start3A_258] : memref<10000x128xf32, #tpu.memory_space<hbm>> -> memref<10000x128xf32, #tpu.memory_space<hbm>>
        tpu.enqueue_indirect_dma source(%dma_start3A_259 : memref<10000x128xf32, #tpu.memory_space<hbm>>) target(%arg22 : memref<40x128xf32, #tpu.memory_space<vmem>>) offsets(%arg20 : memref<40xi32, #tpu.memory_space<vmem>>) semaphore(%arg24 : memref<!tpu.dma_semaphore, #tpu.memory_space<semaphore_mem>>)
        %dma_start3A_260 = arith.constant 0 : i32
        %dma_start3A_261 = arith.constant 0 : i32
        %dma_start3A_262 = tpu.memref_slice %arg4[%dma_start3A_260, %dma_start3A_261] : memref<10000x128xf32, #tpu.memory_space<hbm>> -> memref<10000x128xf32, #tpu.memory_space<hbm>>
        tpu.enqueue_indirect_dma source(%dma_start3A_262 : memref<10000x128xf32, #tpu.memory_space<hbm>>) target(%arg23 : memref<40x128xf32, #tpu.memory_space<vmem>>) offsets(%arg19 : memref<40xi32, #tpu.memory_space<vmem>>) semaphore(%arg26 : memref<!tpu.dma_semaphore, #tpu.memory_space<semaphore_mem>>)
      } else {
      }
      %dma_wait3A_203 = arith.constant 0 : i32
      %dma_wait3A_204 = arith.constant 0 : i32
      %dma_wait3A_205 = tpu.memref_slice %arg3[%dma_wait3A_203, %dma_wait3A_204] : memref<10000x128xf32, #tpu.memory_space<hbm>> -> memref<10000x128xf32, #tpu.memory_space<hbm>>
      tpu.wait_indirect_dma semaphore(%arg17 : memref<!tpu.dma_semaphore, #tpu.memory_space<semaphore_mem>>) src(%dma_wait3A_205 : memref<10000x128xf32, #tpu.memory_space<hbm>>) dst(%arg14 : memref<40x128xf32, #tpu.memory_space<vmem>>)
      %dma_wait3A_206 = arith.constant 0 : i32
      %dma_wait3A_207 = arith.constant 0 : i32
      %dma_wait3A_208 = tpu.memref_slice %arg4[%dma_wait3A_206, %dma_wait3A_207] : memref<10000x128xf32, #tpu.memory_space<hbm>> -> memref<10000x128xf32, #tpu.memory_space<hbm>>
      tpu.wait_indirect_dma semaphore(%arg18 : memref<!tpu.dma_semaphore, #tpu.memory_space<semaphore_mem>>) src(%dma_wait3A_208 : memref<10000x128xf32, #tpu.memory_space<hbm>>) dst(%arg15 : memref<40x128xf32, #tpu.memory_space<vmem>>)
      %scan3A_209 = arith.constant 0 : i32
      %scan3A_210 = arith.constant 0 : i32
      %scan3A_211 = arith.constant 40 : i32
      %scan3A_212 = arith.addi %scan3A_210, %scan3A_211 : i32
      %scan3A_213 = arith.constant 1 : i32
      scf.for %scan3A_252 = %scan3A_210 to %scan3A_212 step %scan3A_213  : i32 {
        %get3A_253 = arith.index_cast %scan3A_252 : i32 to index
        %get3A_254 = arith.constant 0 : index
        %get3A_255 = tpu.vector_load %arg13[%get3A_253, %get3A_254] {strides = array<i32>} : memref<40x16xf32, #tpu.memory_space<vmem>>, vector<1x16xf32>,
        %get3A_256 = vector.shape_cast %get3A_255 : vector<1x16xf32> to vector<16xf32>
        %slice3A = vector.extract_strided_slice %get3A_256 {offsets = [0], sizes = [1], strides = [1]} : vector<16xf32> to vector<1xf32>
        %squeeze3A = vector.extract %slice3A[0] : f32 from vector<1xf32>
        %slice3A_257 = vector.extract_strided_slice %get3A_256 {offsets = [1], sizes = [1], strides = [1]} : vector<16xf32> to vector<1xf32>
        %squeeze3A_258 = vector.extract %slice3A_257[0] : f32 from vector<1xf32>
        %slice3A_259 = vector.extract_strided_slice %get3A_256 {offsets = [2], sizes = [1], strides = [1]} : vector<16xf32> to vector<1xf32>
        %squeeze3A_260 = vector.extract %slice3A_259[0] : f32 from vector<1xf32>
        %slice3A_261 = vector.extract_strided_slice %get3A_256 {offsets = [3], sizes = [1], strides = [1]} : vector<16xf32> to vector<1xf32>
        %squeeze3A_262 = vector.extract %slice3A_261[0] : f32 from vector<1xf32>
        %mul3A_263 = vector.broadcast %squeeze3A : f32 to vector<16xf32>
        %mul3A_264 = arith.mulf %mul3A_263, %get3A_8 : vector<16xf32>
        %mul3A_265 = vector.broadcast %squeeze3A_258 : f32 to vector<16xf32>
        %mul3A_266 = arith.mulf %mul3A_265, %get3A_48 : vector<16xf32>
        %add3A_267 = arith.addf %mul3A_264, %mul3A_266 : vector<16xf32>
        %mul3A_268 = vector.broadcast %squeeze3A_260 : f32 to vector<16xf32>
        %mul3A_269 = arith.mulf %mul3A_268, %get3A_88 : vector<16xf32>
        %mul3A_270 = vector.broadcast %squeeze3A_262 : f32 to vector<16xf32>
        %mul3A_271 = arith.mulf %mul3A_270, %get3A_128 : vector<16xf32>
        %add3A_272 = arith.addf %mul3A_269, %mul3A_271 : vector<16xf32>
        %add3A_273 = arith.addf %add3A_267, %add3A_272 : vector<16xf32>
        %get3A_274 = arith.index_cast %scan3A_252 : i32 to index
        %get3A_275 = arith.constant 0 : index
        %get3A_276 = tpu.vector_load %arg14[%get3A_274, %get3A_275] {strides = array<i32>} : memref<40x128xf32, #tpu.memory_space<vmem>>, vector<1x16xf32>,
        %get3A_277 = vector.shape_cast %get3A_276 : vector<1x16xf32> to vector<16xf32>
        %add3A_278 = arith.addf %add3A_273, %get3A_277 : vector<16xf32>
        %mul3A_279 = vector.broadcast %squeeze3A : f32 to vector<16xf32>
        %mul3A_280 = arith.mulf %mul3A_279, %get3A_13 : vector<16xf32>
        %mul3A_281 = vector.broadcast %squeeze3A_258 : f32 to vector<16xf32>
        %mul3A_282 = arith.mulf %mul3A_281, %get3A_53 : vector<16xf32>
        %add3A_283 = arith.addf %mul3A_280, %mul3A_282 : vector<16xf32>
        %mul3A_284 = vector.broadcast %squeeze3A_260 : f32 to vector<16xf32>
        %mul3A_285 = arith.mulf %mul3A_284, %get3A_93 : vector<16xf32>
        %mul3A_286 = vector.broadcast %squeeze3A_262 : f32 to vector<16xf32>
        %mul3A_287 = arith.mulf %mul3A_286, %get3A_133 : vector<16xf32>
        %add3A_288 = arith.addf %mul3A_285, %mul3A_287 : vector<16xf32>
        %add3A_289 = arith.addf %add3A_283, %add3A_288 : vector<16xf32>
        %get3A_290 = arith.index_cast %scan3A_252 : i32 to index
        %get3A_291 = arith.constant 16 : index
        %get3A_292 = tpu.vector_load %arg14[%get3A_290, %get3A_291] {strides = array<i32>} : memref<40x128xf32, #tpu.memory_space<vmem>>, vector<1x16xf32>,
        %get3A_293 = vector.shape_cast %get3A_292 : vector<1x16xf32> to vector<16xf32>
        %add3A_294 = arith.addf %add3A_289, %get3A_293 : vector<16xf32>
        %mul3A_295 = vector.broadcast %squeeze3A : f32 to vector<16xf32>
        %mul3A_296 = arith.mulf %mul3A_295, %get3A_18 : vector<16xf32>
        %mul3A_297 = vector.broadcast %squeeze3A_258 : f32 to vector<16xf32>
        %mul3A_298 = arith.mulf %mul3A_297, %get3A_58 : vector<16xf32>
        %add3A_299 = arith.addf %mul3A_296, %mul3A_298 : vector<16xf32>
        %mul3A_300 = vector.broadcast %squeeze3A_260 : f32 to vector<16xf32>
        %mul3A_301 = arith.mulf %mul3A_300, %get3A_98 : vector<16xf32>
        %mul3A_302 = vector.broadcast %squeeze3A_262 : f32 to vector<16xf32>
        %mul3A_303 = arith.mulf %mul3A_302, %get3A_138 : vector<16xf32>
        %add3A_304 = arith.addf %mul3A_301, %mul3A_303 : vector<16xf32>
        %add3A_305 = arith.addf %add3A_299, %add3A_304 : vector<16xf32>
        %get3A_306 = arith.index_cast %scan3A_252 : i32 to index
        %get3A_307 = arith.constant 32 : index
        %get3A_308 = tpu.vector_load %arg14[%get3A_306, %get3A_307] {strides = array<i32>} : memref<40x128xf32, #tpu.memory_space<vmem>>, vector<1x16xf32>,
        %get3A_309 = vector.shape_cast %get3A_308 : vector<1x16xf32> to vector<16xf32>
        %add3A_310 = arith.addf %add3A_305, %get3A_309 : vector<16xf32>
        %mul3A_311 = vector.broadcast %squeeze3A : f32 to vector<16xf32>
        %mul3A_312 = arith.mulf %mul3A_311, %get3A_23 : vector<16xf32>
        %mul3A_313 = vector.broadcast %squeeze3A_258 : f32 to vector<16xf32>
        %mul3A_314 = arith.mulf %mul3A_313, %get3A_63 : vector<16xf32>
        %add3A_315 = arith.addf %mul3A_312, %mul3A_314 : vector<16xf32>
        %mul3A_316 = vector.broadcast %squeeze3A_260 : f32 to vector<16xf32>
        %mul3A_317 = arith.mulf %mul3A_316, %get3A_103 : vector<16xf32>
        %mul3A_318 = vector.broadcast %squeeze3A_262 : f32 to vector<16xf32>
        %mul3A_319 = arith.mulf %mul3A_318, %get3A_143 : vector<16xf32>
        %add3A_320 = arith.addf %mul3A_317, %mul3A_319 : vector<16xf32>
        %add3A_321 = arith.addf %add3A_315, %add3A_320 : vector<16xf32>
        %get3A_322 = arith.index_cast %scan3A_252 : i32 to index
        %get3A_323 = arith.constant 48 : index
        %get3A_324 = tpu.vector_load %arg14[%get3A_322, %get3A_323] {strides = array<i32>} : memref<40x128xf32, #tpu.memory_space<vmem>>, vector<1x16xf32>,
        %get3A_325 = vector.shape_cast %get3A_324 : vector<1x16xf32> to vector<16xf32>
        %add3A_326 = arith.addf %add3A_321, %get3A_325 : vector<16xf32>
        %mul3A_327 = vector.broadcast %squeeze3A : f32 to vector<16xf32>
        %mul3A_328 = arith.mulf %mul3A_327, %get3A_28 : vector<16xf32>
        %mul3A_329 = vector.broadcast %squeeze3A_258 : f32 to vector<16xf32>
        %mul3A_330 = arith.mulf %mul3A_329, %get3A_68 : vector<16xf32>
        %add3A_331 = arith.addf %mul3A_328, %mul3A_330 : vector<16xf32>
        %mul3A_332 = vector.broadcast %squeeze3A_260 : f32 to vector<16xf32>
        %mul3A_333 = arith.mulf %mul3A_332, %get3A_108 : vector<16xf32>
        %mul3A_334 = vector.broadcast %squeeze3A_262 : f32 to vector<16xf32>
        %mul3A_335 = arith.mulf %mul3A_334, %get3A_148 : vector<16xf32>
        %add3A_336 = arith.addf %mul3A_333, %mul3A_335 : vector<16xf32>
        %add3A_337 = arith.addf %add3A_331, %add3A_336 : vector<16xf32>
        %get3A_338 = arith.index_cast %scan3A_252 : i32 to index
        %get3A_339 = arith.constant 64 : index
        %get3A_340 = tpu.vector_load %arg14[%get3A_338, %get3A_339] {strides = array<i32>} : memref<40x128xf32, #tpu.memory_space<vmem>>, vector<1x16xf32>,
        %get3A_341 = vector.shape_cast %get3A_340 : vector<1x16xf32> to vector<16xf32>
        %add3A_342 = arith.addf %add3A_337, %get3A_341 : vector<16xf32>
        %mul3A_343 = vector.broadcast %squeeze3A : f32 to vector<16xf32>
        %mul3A_344 = arith.mulf %mul3A_343, %get3A_33 : vector<16xf32>
        %mul3A_345 = vector.broadcast %squeeze3A_258 : f32 to vector<16xf32>
        %mul3A_346 = arith.mulf %mul3A_345, %get3A_73 : vector<16xf32>
        %add3A_347 = arith.addf %mul3A_344, %mul3A_346 : vector<16xf32>
        %mul3A_348 = vector.broadcast %squeeze3A_260 : f32 to vector<16xf32>
        %mul3A_349 = arith.mulf %mul3A_348, %get3A_113 : vector<16xf32>
        %mul3A_350 = vector.broadcast %squeeze3A_262 : f32 to vector<16xf32>
        %mul3A_351 = arith.mulf %mul3A_350, %get3A_153 : vector<16xf32>
        %add3A_352 = arith.addf %mul3A_349, %mul3A_351 : vector<16xf32>
        %add3A_353 = arith.addf %add3A_347, %add3A_352 : vector<16xf32>
        %get3A_354 = arith.index_cast %scan3A_252 : i32 to index
        %get3A_355 = arith.constant 80 : index
        %get3A_356 = tpu.vector_load %arg14[%get3A_354, %get3A_355] {strides = array<i32>} : memref<40x128xf32, #tpu.memory_space<vmem>>, vector<1x16xf32>,
        %get3A_357 = vector.shape_cast %get3A_356 : vector<1x16xf32> to vector<16xf32>
        %add3A_358 = arith.addf %add3A_353, %get3A_357 : vector<16xf32>
        %mul3A_359 = vector.broadcast %squeeze3A : f32 to vector<16xf32>
        %mul3A_360 = arith.mulf %mul3A_359, %get3A_38 : vector<16xf32>
        %mul3A_361 = vector.broadcast %squeeze3A_258 : f32 to vector<16xf32>
        %mul3A_362 = arith.mulf %mul3A_361, %get3A_78 : vector<16xf32>
        %add3A_363 = arith.addf %mul3A_360, %mul3A_362 : vector<16xf32>
        %mul3A_364 = vector.broadcast %squeeze3A_260 : f32 to vector<16xf32>
        %mul3A_365 = arith.mulf %mul3A_364, %get3A_118 : vector<16xf32>
        %mul3A_366 = vector.broadcast %squeeze3A_262 : f32 to vector<16xf32>
        %mul3A_367 = arith.mulf %mul3A_366, %get3A_158 : vector<16xf32>
        %add3A_368 = arith.addf %mul3A_365, %mul3A_367 : vector<16xf32>
        %add3A_369 = arith.addf %add3A_363, %add3A_368 : vector<16xf32>
        %get3A_370 = arith.index_cast %scan3A_252 : i32 to index
        %get3A_371 = arith.constant 96 : index
        %get3A_372 = tpu.vector_load %arg14[%get3A_370, %get3A_371] {strides = array<i32>} : memref<40x128xf32, #tpu.memory_space<vmem>>, vector<1x16xf32>,
        %get3A_373 = vector.shape_cast %get3A_372 : vector<1x16xf32> to vector<16xf32>
        %add3A_374 = arith.addf %add3A_369, %get3A_373 : vector<16xf32>
        %mul3A_375 = vector.broadcast %squeeze3A : f32 to vector<16xf32>
        %mul3A_376 = arith.mulf %mul3A_375, %get3A_43 : vector<16xf32>
        %mul3A_377 = vector.broadcast %squeeze3A_258 : f32 to vector<16xf32>
        %mul3A_378 = arith.mulf %mul3A_377, %get3A_83 : vector<16xf32>
        %add3A_379 = arith.addf %mul3A_376, %mul3A_378 : vector<16xf32>
        %mul3A_380 = vector.broadcast %squeeze3A_260 : f32 to vector<16xf32>
        %mul3A_381 = arith.mulf %mul3A_380, %get3A_123 : vector<16xf32>
        %mul3A_382 = vector.broadcast %squeeze3A_262 : f32 to vector<16xf32>
        %mul3A_383 = arith.mulf %mul3A_382, %get3A_163 : vector<16xf32>
        %add3A_384 = arith.addf %mul3A_381, %mul3A_383 : vector<16xf32>
        %add3A_385 = arith.addf %add3A_379, %add3A_384 : vector<16xf32>
        %get3A_386 = arith.index_cast %scan3A_252 : i32 to index
        %get3A_387 = arith.constant 112 : index
        %get3A_388 = tpu.vector_load %arg14[%get3A_386, %get3A_387] {strides = array<i32>} : memref<40x128xf32, #tpu.memory_space<vmem>>, vector<1x16xf32>,
        %get3A_389 = vector.shape_cast %get3A_388 : vector<1x16xf32> to vector<16xf32>
        %add3A_390 = arith.addf %add3A_385, %get3A_389 : vector<16xf32>
        %exp3A = math.exp %add3A_278 : vector<16xf32>
        %exp3A_391 = math.exp %add3A_294 : vector<16xf32>
        %exp3A_392 = math.exp %add3A_310 : vector<16xf32>
        %exp3A_393 = math.exp %add3A_326 : vector<16xf32>
        %exp3A_394 = math.exp %add3A_342 : vector<16xf32>
        %exp3A_395 = math.exp %add3A_358 : vector<16xf32>
        %exp3A_396 = math.exp %add3A_374 : vector<16xf32>
        %exp3A_397 = math.exp %add3A_390 : vector<16xf32>
        %add3A_398 = arith.constant 1.000000e+00 : f32
        %add3A_399 = vector.broadcast %add3A_398 : f32 to vector<16xf32>
        %add3A_400 = arith.addf %add3A_399, %exp3A : vector<16xf32>
        %div3A = arith.constant 1.000000e+00 : f32
        %div3A_401 = vector.broadcast %div3A : f32 to vector<16xf32>
        %div3A_402 = arith.divf %div3A_401, %add3A_400 : vector<16xf32>
        %add3A_403 = arith.constant 1.000000e+00 : f32
        %add3A_404 = vector.broadcast %add3A_403 : f32 to vector<16xf32>
        %add3A_405 = arith.addf %add3A_404, %exp3A_391 : vector<16xf32>
        %div3A_406 = arith.constant 1.000000e+00 : f32
        %div3A_407 = vector.broadcast %div3A_406 : f32 to vector<16xf32>
        %div3A_408 = arith.divf %div3A_407, %add3A_405 : vector<16xf32>
        %add3A_409 = arith.constant 1.000000e+00 : f32
        %add3A_410 = vector.broadcast %add3A_409 : f32 to vector<16xf32>
        %add3A_411 = arith.addf %add3A_410, %exp3A_392 : vector<16xf32>
        %div3A_412 = arith.constant 1.000000e+00 : f32
        %div3A_413 = vector.broadcast %div3A_412 : f32 to vector<16xf32>
        %div3A_414 = arith.divf %div3A_413, %add3A_411 : vector<16xf32>
        %add3A_415 = arith.constant 1.000000e+00 : f32
        %add3A_416 = vector.broadcast %add3A_415 : f32 to vector<16xf32>
        %add3A_417 = arith.addf %add3A_416, %exp3A_393 : vector<16xf32>
        %div3A_418 = arith.constant 1.000000e+00 : f32
        %div3A_419 = vector.broadcast %div3A_418 : f32 to vector<16xf32>
        %div3A_420 = arith.divf %div3A_419, %add3A_417 : vector<16xf32>
        %add3A_421 = arith.constant 1.000000e+00 : f32
        %add3A_422 = vector.broadcast %add3A_421 : f32 to vector<16xf32>
        %add3A_423 = arith.addf %add3A_422, %exp3A_394 : vector<16xf32>
        %div3A_424 = arith.constant 1.000000e+00 : f32
        %div3A_425 = vector.broadcast %div3A_424 : f32 to vector<16xf32>
        %div3A_426 = arith.divf %div3A_425, %add3A_423 : vector<16xf32>
        %add3A_427 = arith.constant 1.000000e+00 : f32
        %add3A_428 = vector.broadcast %add3A_427 : f32 to vector<16xf32>
        %add3A_429 = arith.addf %add3A_428, %exp3A_395 : vector<16xf32>
        %div3A_430 = arith.constant 1.000000e+00 : f32
        %div3A_431 = vector.broadcast %div3A_430 : f32 to vector<16xf32>
        %div3A_432 = arith.divf %div3A_431, %add3A_429 : vector<16xf32>
        %add3A_433 = arith.constant 1.000000e+00 : f32
        %add3A_434 = vector.broadcast %add3A_433 : f32 to vector<16xf32>
        %add3A_435 = arith.addf %add3A_434, %exp3A_396 : vector<16xf32>
        %div3A_436 = arith.constant 1.000000e+00 : f32
        %div3A_437 = vector.broadcast %div3A_436 : f32 to vector<16xf32>
        %div3A_438 = arith.divf %div3A_437, %add3A_435 : vector<16xf32>
        %add3A_439 = arith.constant 1.000000e+00 : f32
        %add3A_440 = vector.broadcast %add3A_439 : f32 to vector<16xf32>
        %add3A_441 = arith.addf %add3A_440, %exp3A_397 : vector<16xf32>
        %div3A_442 = arith.constant 1.000000e+00 : f32
        %div3A_443 = vector.broadcast %div3A_442 : f32 to vector<16xf32>
        %div3A_444 = arith.divf %div3A_443, %add3A_441 : vector<16xf32>
        %get3A_445 = arith.index_cast %scan3A_252 : i32 to index
        %get3A_446 = arith.constant 0 : index
        %get3A_447 = tpu.vector_load %arg15[%get3A_445, %get3A_446] {strides = array<i32>} : memref<40x128xf32, #tpu.memory_space<vmem>>, vector<1x16xf32>,
        %get3A_448 = vector.shape_cast %get3A_447 : vector<1x16xf32> to vector<16xf32>
        %mul3A_449 = arith.mulf %div3A_402, %get3A_448 : vector<16xf32>
        %swap3A = arith.index_cast %scan3A_252 : i32 to index
        %swap3A_450 = arith.constant 0 : index
        %swap3A_451 = tpu.vector_load %arg15[%swap3A, %swap3A_450] {strides = array<i32>} : memref<40x128xf32, #tpu.memory_space<vmem>>, vector<1x16xf32>,
        %swap3A_452 = vector.shape_cast %swap3A_451 : vector<1x16xf32> to vector<16xf32>
        %swap3A_453 = vector.shape_cast %mul3A_449 : vector<16xf32> to vector<1x16xf32>
        tpu.vector_store %arg15[%swap3A, %swap3A_450], %swap3A_453 {strides = array<i32>} : memref<40x128xf32, #tpu.memory_space<vmem>>, vector<1x16xf32>,
        %get3A_454 = arith.index_cast %scan3A_252 : i32 to index
        %get3A_455 = arith.constant 16 : index
        %get3A_456 = tpu.vector_load %arg15[%get3A_454, %get3A_455] {strides = array<i32>} : memref<40x128xf32, #tpu.memory_space<vmem>>, vector<1x16xf32>,
        %get3A_457 = vector.shape_cast %get3A_456 : vector<1x16xf32> to vector<16xf32>
        %mul3A_458 = arith.mulf %div3A_408, %get3A_457 : vector<16xf32>
        %swap3A_459 = arith.index_cast %scan3A_252 : i32 to index
        %swap3A_460 = arith.constant 16 : index
        %swap3A_461 = tpu.vector_load %arg15[%swap3A_459, %swap3A_460] {strides = array<i32>} : memref<40x128xf32, #tpu.memory_space<vmem>>, vector<1x16xf32>,
        %swap3A_462 = vector.shape_cast %swap3A_461 : vector<1x16xf32> to vector<16xf32>
        %swap3A_463 = vector.shape_cast %mul3A_458 : vector<16xf32> to vector<1x16xf32>
        tpu.vector_store %arg15[%swap3A_459, %swap3A_460], %swap3A_463 {strides = array<i32>} : memref<40x128xf32, #tpu.memory_space<vmem>>, vector<1x16xf32>,
        %get3A_464 = arith.index_cast %scan3A_252 : i32 to index
        %get3A_465 = arith.constant 32 : index
        %get3A_466 = tpu.vector_load %arg15[%get3A_464, %get3A_465] {strides = array<i32>} : memref<40x128xf32, #tpu.memory_space<vmem>>, vector<1x16xf32>,
        %get3A_467 = vector.shape_cast %get3A_466 : vector<1x16xf32> to vector<16xf32>
        %mul3A_468 = arith.mulf %div3A_414, %get3A_467 : vector<16xf32>
        %swap3A_469 = arith.index_cast %scan3A_252 : i32 to index
        %swap3A_470 = arith.constant 32 : index
        %swap3A_471 = tpu.vector_load %arg15[%swap3A_469, %swap3A_470] {strides = array<i32>} : memref<40x128xf32, #tpu.memory_space<vmem>>, vector<1x16xf32>,
        %swap3A_472 = vector.shape_cast %swap3A_471 : vector<1x16xf32> to vector<16xf32>
        %swap3A_473 = vector.shape_cast %mul3A_468 : vector<16xf32> to vector<1x16xf32>
        tpu.vector_store %arg15[%swap3A_469, %swap3A_470], %swap3A_473 {strides = array<i32>} : memref<40x128xf32, #tpu.memory_space<vmem>>, vector<1x16xf32>,
        %get3A_474 = arith.index_cast %scan3A_252 : i32 to index
        %get3A_475 = arith.constant 48 : index
        %get3A_476 = tpu.vector_load %arg15[%get3A_474, %get3A_475] {strides = array<i32>} : memref<40x128xf32, #tpu.memory_space<vmem>>, vector<1x16xf32>,
        %get3A_477 = vector.shape_cast %get3A_476 : vector<1x16xf32> to vector<16xf32>
        %mul3A_478 = arith.mulf %div3A_420, %get3A_477 : vector<16xf32>
        %swap3A_479 = arith.index_cast %scan3A_252 : i32 to index
        %swap3A_480 = arith.constant 48 : index
        %swap3A_481 = tpu.vector_load %arg15[%swap3A_479, %swap3A_480] {strides = array<i32>} : memref<40x128xf32, #tpu.memory_space<vmem>>, vector<1x16xf32>,
        %swap3A_482 = vector.shape_cast %swap3A_481 : vector<1x16xf32> to vector<16xf32>
        %swap3A_483 = vector.shape_cast %mul3A_478 : vector<16xf32> to vector<1x16xf32>
        tpu.vector_store %arg15[%swap3A_479, %swap3A_480], %swap3A_483 {strides = array<i32>} : memref<40x128xf32, #tpu.memory_space<vmem>>, vector<1x16xf32>,
        %get3A_484 = arith.index_cast %scan3A_252 : i32 to index
        %get3A_485 = arith.constant 64 : index
        %get3A_486 = tpu.vector_load %arg15[%get3A_484, %get3A_485] {strides = array<i32>} : memref<40x128xf32, #tpu.memory_space<vmem>>, vector<1x16xf32>,
        %get3A_487 = vector.shape_cast %get3A_486 : vector<1x16xf32> to vector<16xf32>
        %mul3A_488 = arith.mulf %div3A_426, %get3A_487 : vector<16xf32>
        %swap3A_489 = arith.index_cast %scan3A_252 : i32 to index
        %swap3A_490 = arith.constant 64 : index
        %swap3A_491 = tpu.vector_load %arg15[%swap3A_489, %swap3A_490] {strides = array<i32>} : memref<40x128xf32, #tpu.memory_space<vmem>>, vector<1x16xf32>,
        %swap3A_492 = vector.shape_cast %swap3A_491 : vector<1x16xf32> to vector<16xf32>
        %swap3A_493 = vector.shape_cast %mul3A_488 : vector<16xf32> to vector<1x16xf32>
        tpu.vector_store %arg15[%swap3A_489, %swap3A_490], %swap3A_493 {strides = array<i32>} : memref<40x128xf32, #tpu.memory_space<vmem>>, vector<1x16xf32>,
        %get3A_494 = arith.index_cast %scan3A_252 : i32 to index
        %get3A_495 = arith.constant 80 : index
        %get3A_496 = tpu.vector_load %arg15[%get3A_494, %get3A_495] {strides = array<i32>} : memref<40x128xf32, #tpu.memory_space<vmem>>, vector<1x16xf32>,
        %get3A_497 = vector.shape_cast %get3A_496 : vector<1x16xf32> to vector<16xf32>
        %mul3A_498 = arith.mulf %div3A_432, %get3A_497 : vector<16xf32>
        %swap3A_499 = arith.index_cast %scan3A_252 : i32 to index
        %swap3A_500 = arith.constant 80 : index
        %swap3A_501 = tpu.vector_load %arg15[%swap3A_499, %swap3A_500] {strides = array<i32>} : memref<40x128xf32, #tpu.memory_space<vmem>>, vector<1x16xf32>,
        %swap3A_502 = vector.shape_cast %swap3A_501 : vector<1x16xf32> to vector<16xf32>
        %swap3A_503 = vector.shape_cast %mul3A_498 : vector<16xf32> to vector<1x16xf32>
        tpu.vector_store %arg15[%swap3A_499, %swap3A_500], %swap3A_503 {strides = array<i32>} : memref<40x128xf32, #tpu.memory_space<vmem>>, vector<1x16xf32>,
        %get3A_504 = arith.index_cast %scan3A_252 : i32 to index
        %get3A_505 = arith.constant 96 : index
        %get3A_506 = tpu.vector_load %arg15[%get3A_504, %get3A_505] {strides = array<i32>} : memref<40x128xf32, #tpu.memory_space<vmem>>, vector<1x16xf32>,
        %get3A_507 = vector.shape_cast %get3A_506 : vector<1x16xf32> to vector<16xf32>
        %mul3A_508 = arith.mulf %div3A_438, %get3A_507 : vector<16xf32>
        %swap3A_509 = arith.index_cast %scan3A_252 : i32 to index
        %swap3A_510 = arith.constant 96 : index
        %swap3A_511 = tpu.vector_load %arg15[%swap3A_509, %swap3A_510] {strides = array<i32>} : memref<40x128xf32, #tpu.memory_space<vmem>>, vector<1x16xf32>,
        %swap3A_512 = vector.shape_cast %swap3A_511 : vector<1x16xf32> to vector<16xf32>
        %swap3A_513 = vector.shape_cast %mul3A_508 : vector<16xf32> to vector<1x16xf32>
        tpu.vector_store %arg15[%swap3A_509, %swap3A_510], %swap3A_513 {strides = array<i32>} : memref<40x128xf32, #tpu.memory_space<vmem>>, vector<1x16xf32>,
        %get3A_514 = arith.index_cast %scan3A_252 : i32 to index
        %get3A_515 = arith.constant 112 : index
        %get3A_516 = tpu.vector_load %arg15[%get3A_514, %get3A_515] {strides = array<i32>} : memref<40x128xf32, #tpu.memory_space<vmem>>, vector<1x16xf32>,
        %get3A_517 = vector.shape_cast %get3A_516 : vector<1x16xf32> to vector<16xf32>
        %mul3A_518 = arith.mulf %div3A_444, %get3A_517 : vector<16xf32>
        %swap3A_519 = arith.index_cast %scan3A_252 : i32 to index
        %swap3A_520 = arith.constant 112 : index
        %swap3A_521 = tpu.vector_load %arg15[%swap3A_519, %swap3A_520] {strides = array<i32>} : memref<40x128xf32, #tpu.memory_space<vmem>>, vector<1x16xf32>,
        %swap3A_522 = vector.shape_cast %swap3A_521 : vector<1x16xf32> to vector<16xf32>
        %swap3A_523 = vector.shape_cast %mul3A_518 : vector<16xf32> to vector<1x16xf32>
        tpu.vector_store %arg15[%swap3A_519, %swap3A_520], %swap3A_523 {strides = array<i32>} : memref<40x128xf32, #tpu.memory_space<vmem>>, vector<1x16xf32>,
      }
      %scan3A_214 = arith.constant 40 : i32
      %add3A_215 = arith.constant 1 : i32
      %add3A_216 = arith.addi %add3A_196, %add3A_215 : i32
      %lt3A_217 = arith.constant 250 : i32
      %lt3A_218 = arith.cmpi slt, %add3A_216, %lt3A_217 : i32
      %convert_element_type3A_219 = arith.extui %lt3A_218 : i1 to i32
      %cond3A_220 = arith.constant 0 : i32
      %cond3A_221 = arith.cmpi ne, %convert_element_type3A_219, %cond3A_220 : i32
      scf.if %cond3A_221 {
        %dma_wait3A_252 = arith.constant 0 : i32
        %dma_wait3A_253 = arith.constant 0 : i32
        %dma_wait3A_254 = tpu.memref_slice %arg2[%dma_wait3A_252, %dma_wait3A_253] : memref<10000x128xf32, #tpu.memory_space<hbm>> -> memref<10000x128xf32, #tpu.memory_space<hbm>>
        tpu.wait_indirect_dma semaphore(%arg24 : memref<!tpu.dma_semaphore, #tpu.memory_space<semaphore_mem>>) src(%dma_wait3A_254 : memref<10000x128xf32, #tpu.memory_space<hbm>>) dst(%arg22 : memref<40x128xf32, #tpu.memory_space<vmem>>)
        %dma_start3A_255 = arith.constant 0 : i32
        %dma_start3A_256 = arith.constant 0 : i32
        %dma_start3A_257 = tpu.memref_slice %arg3[%dma_start3A_255, %dma_start3A_256] : memref<10000x128xf32, #tpu.memory_space<hbm>> -> memref<10000x128xf32, #tpu.memory_space<hbm>>
        tpu.enqueue_indirect_dma source(%dma_start3A_257 : memref<10000x128xf32, #tpu.memory_space<hbm>>) target(%arg22 : memref<40x128xf32, #tpu.memory_space<vmem>>) offsets(%arg19 : memref<40xi32, #tpu.memory_space<vmem>>) semaphore(%arg25 : memref<!tpu.dma_semaphore, #tpu.memory_space<semaphore_mem>>) {add = true}
      } else {
      }
      "tpu.region"() ({
        %run_scoped3A = tpu.sem_alloc : memref<!tpu.dma_semaphore, #tpu.memory_space<semaphore_mem>>
        %dma_start3A_252 = arith.constant 0 : i32
        %dma_start3A_253 = arith.constant 0 : i32
        %dma_start3A_254 = tpu.memref_slice %arg28[%dma_start3A_252, %dma_start3A_253] : memref<10000x128xf32, #tpu.memory_space<vmem_shared>> -> memref<10000x128xf32, #tpu.memory_space<vmem_shared>>
        tpu.enqueue_indirect_dma source(%arg15 : memref<40x128xf32, #tpu.memory_space<vmem>>) target(%dma_start3A_254 : memref<10000x128xf32, #tpu.memory_space<vmem_shared>>) offsets(%arg12 : memref<40xi32, #tpu.memory_space<vmem>>) semaphore(%run_scoped3A : memref<!tpu.dma_semaphore, #tpu.memory_space<semaphore_mem>>) {add = true}
        %dma_wait3A_255 = arith.constant 0 : i32
        %dma_wait3A_256 = arith.constant 0 : i32
        %dma_wait3A_257 = tpu.memref_slice %arg28[%dma_wait3A_255, %dma_wait3A_256] : memref<10000x128xf32, #tpu.memory_space<vmem_shared>> -> memref<10000x128xf32, #tpu.memory_space<vmem_shared>>
        tpu.wait_indirect_dma semaphore(%run_scoped3A : memref<!tpu.dma_semaphore, #tpu.memory_space<semaphore_mem>>) src(%arg15 : memref<40x128xf32, #tpu.memory_space<vmem>>) dst(%dma_wait3A_257 : memref<10000x128xf32, #tpu.memory_space<vmem_shared>>)
        tpu.yield
      }) : () -> ()
      %mul3A_222 = arith.constant 2 : i32
      %mul3A_223 = arith.muli %scan3A_192, %mul3A_222 : i32
      %add3A_224 = arith.constant 1 : i32
      %add3A_225 = arith.addi %mul3A_223, %add3A_224 : i32
      %add3A_226 = arith.constant 1 : i32
      %add3A_227 = arith.addi %add3A_225, %add3A_226 : i32
      %lt3A_228 = arith.constant 250 : i32
      %lt3A_229 = arith.cmpi slt, %add3A_227, %lt3A_228 : i32
      %convert_element_type3A_230 = arith.extui %lt3A_229 : i1 to i32
      %cond3A_231 = arith.constant 0 : i32
      %cond3A_232 = arith.cmpi ne, %convert_element_type3A_230, %cond3A_231 : i32
      scf.if %cond3A_232 {
        %add3A_252 = arith.constant 1 : i32
        %add3A_253 = arith.addi %add3A_225, %add3A_252 : i32
        %mul3A_254 = arith.constant 40 : i32
        %mul3A_255 = arith.muli %add3A_253, %mul3A_254 : i32
        %add3A_256 = arith.addi %mul3A_165, %mul3A_255 : i32
        "tpu.region"() ({
          %run_scoped3A = tpu.sem_alloc : memref<!tpu.dma_semaphore, #tpu.memory_space<semaphore_mem>>
          %dma_start3A_263 = tpu.memref_slice %arg5[%add3A_256] : memref<320000xi32, #tpu.memory_space<hbm>> -> memref<40xi32, #tpu.memory_space<hbm>>
          %dma_start3A_264 = tpu.memref_slice %arg5[%add3A_256] : memref<320000xi32, #tpu.memory_space<hbm>> -> memref<40xi32, #tpu.memory_space<hbm>>
          tpu.enqueue_dma source(%dma_start3A_264 : memref<40xi32, #tpu.memory_space<hbm>>) target(%arg11 : memref<40xi32, #tpu.memory_space<vmem>>) target_semaphore(%run_scoped3A : memref<!tpu.dma_semaphore, #tpu.memory_space<semaphore_mem>>)
          %dma_wait3A_265 = tpu.memref_slice %arg5[%add3A_256] : memref<320000xi32, #tpu.memory_space<hbm>> -> memref<40xi32, #tpu.memory_space<hbm>>
          %dma_wait3A_266 = tpu.memref_slice %arg5[%add3A_256] : memref<320000xi32, #tpu.memory_space<hbm>> -> memref<40xi32, #tpu.memory_space<hbm>>
          tpu.wait_dma2 semaphore(%run_scoped3A : memref<!tpu.dma_semaphore, #tpu.memory_space<semaphore_mem>>) src(%dma_wait3A_266 : memref<40xi32, #tpu.memory_space<hbm>>) dst(%arg11 : memref<40xi32, #tpu.memory_space<vmem>>)
          tpu.yield
        }) : () -> ()
        "tpu.region"() ({
          %run_scoped3A = tpu.sem_alloc : memref<!tpu.dma_semaphore, #tpu.memory_space<semaphore_mem>>
          %dma_start3A_263 = tpu.memref_slice %arg6[%add3A_256] : memref<320000xi32, #tpu.memory_space<hbm>> -> memref<40xi32, #tpu.memory_space<hbm>>
          %dma_start3A_264 = tpu.memref_slice %arg6[%add3A_256] : memref<320000xi32, #tpu.memory_space<hbm>> -> memref<40xi32, #tpu.memory_space<hbm>>
          tpu.enqueue_dma source(%dma_start3A_264 : memref<40xi32, #tpu.memory_space<hbm>>) target(%arg12 : memref<40xi32, #tpu.memory_space<vmem>>) target_semaphore(%run_scoped3A : memref<!tpu.dma_semaphore, #tpu.memory_space<semaphore_mem>>)
          %dma_wait3A_265 = tpu.memref_slice %arg6[%add3A_256] : memref<320000xi32, #tpu.memory_space<hbm>> -> memref<40xi32, #tpu.memory_space<hbm>>
          %dma_wait3A_266 = tpu.memref_slice %arg6[%add3A_256] : memref<320000xi32, #tpu.memory_space<hbm>> -> memref<40xi32, #tpu.memory_space<hbm>>
          tpu.wait_dma2 semaphore(%run_scoped3A : memref<!tpu.dma_semaphore, #tpu.memory_space<semaphore_mem>>) src(%dma_wait3A_266 : memref<40xi32, #tpu.memory_space<hbm>>) dst(%arg12 : memref<40xi32, #tpu.memory_space<vmem>>)
          tpu.yield
        }) : () -> ()
        "tpu.region"() ({
          %run_scoped3A = tpu.sem_alloc : memref<!tpu.dma_semaphore, #tpu.memory_space<semaphore_mem>>
          %dma_start3A_263 = arith.constant 0 : i32
          %dma_start3A_264 = tpu.memref_slice %arg7[%add3A_256, %dma_start3A_263] : memref<320000x16xf32, #tpu.memory_space<hbm>> -> memref<40x16xf32, #tpu.memory_space<hbm>>
          %dma_start3A_265 = arith.constant 0 : i32
          %dma_start3A_266 = tpu.memref_slice %arg7[%add3A_256, %dma_start3A_265] : memref<320000x16xf32, #tpu.memory_space<hbm>> -> memref<40x16xf32, #tpu.memory_space<hbm>>
          tpu.enqueue_dma source(%dma_start3A_266 : memref<40x16xf32, #tpu.memory_space<hbm>>) target(%arg13 : memref<40x16xf32, #tpu.memory_space<vmem>>) target_semaphore(%run_scoped3A : memref<!tpu.dma_semaphore, #tpu.memory_space<semaphore_mem>>)
          %dma_wait3A_267 = arith.constant 0 : i32
          %dma_wait3A_268 = tpu.memref_slice %arg7[%add3A_256, %dma_wait3A_267] : memref<320000x16xf32, #tpu.memory_space<hbm>> -> memref<40x16xf32, #tpu.memory_space<hbm>>
          %dma_wait3A_269 = arith.constant 0 : i32
          %dma_wait3A_270 = tpu.memref_slice %arg7[%add3A_256, %dma_wait3A_269] : memref<320000x16xf32, #tpu.memory_space<hbm>> -> memref<40x16xf32, #tpu.memory_space<hbm>>
          tpu.wait_dma2 semaphore(%run_scoped3A : memref<!tpu.dma_semaphore, #tpu.memory_space<semaphore_mem>>) src(%dma_wait3A_270 : memref<40x16xf32, #tpu.memory_space<hbm>>) dst(%arg13 : memref<40x16xf32, #tpu.memory_space<vmem>>)
          tpu.yield
        }) : () -> ()
        %dma_start3A_257 = arith.constant 0 : i32
        %dma_start3A_258 = arith.constant 0 : i32
        %dma_start3A_259 = tpu.memref_slice %arg2[%dma_start3A_257, %dma_start3A_258] : memref<10000x128xf32, #tpu.memory_space<hbm>> -> memref<10000x128xf32, #tpu.memory_space<hbm>>
        tpu.enqueue_indirect_dma source(%dma_start3A_259 : memref<10000x128xf32, #tpu.memory_space<hbm>>) target(%arg14 : memref<40x128xf32, #tpu.memory_space<vmem>>) offsets(%arg12 : memref<40xi32, #tpu.memory_space<vmem>>) semaphore(%arg16 : memref<!tpu.dma_semaphore, #tpu.memory_space<semaphore_mem>>)
        %dma_start3A_260 = arith.constant 0 : i32
        %dma_start3A_261 = arith.constant 0 : i32
        %dma_start3A_262 = tpu.memref_slice %arg4[%dma_start3A_260, %dma_start3A_261] : memref<10000x128xf32, #tpu.memory_space<hbm>> -> memref<10000x128xf32, #tpu.memory_space<hbm>>
        tpu.enqueue_indirect_dma source(%dma_start3A_262 : memref<10000x128xf32, #tpu.memory_space<hbm>>) target(%arg15 : memref<40x128xf32, #tpu.memory_space<vmem>>) offsets(%arg11 : memref<40xi32, #tpu.memory_space<vmem>>) semaphore(%arg18 : memref<!tpu.dma_semaphore, #tpu.memory_space<semaphore_mem>>)
      } else {
      }
      %dma_wait3A_233 = arith.constant 0 : i32
      %dma_wait3A_234 = arith.constant 0 : i32
      %dma_wait3A_235 = tpu.memref_slice %arg3[%dma_wait3A_233, %dma_wait3A_234] : memref<10000x128xf32, #tpu.memory_space<hbm>> -> memref<10000x128xf32, #tpu.memory_space<hbm>>
      tpu.wait_indirect_dma semaphore(%arg25 : memref<!tpu.dma_semaphore, #tpu.memory_space<semaphore_mem>>) src(%dma_wait3A_235 : memref<10000x128xf32, #tpu.memory_space<hbm>>) dst(%arg22 : memref<40x128xf32, #tpu.memory_space<vmem>>)
      %dma_wait3A_236 = arith.constant 0 : i32
      %dma_wait3A_237 = arith.constant 0 : i32
      %dma_wait3A_238 = tpu.memref_slice %arg4[%dma_wait3A_236, %dma_wait3A_237] : memref<10000x128xf32, #tpu.memory_space<hbm>> -> memref<10000x128xf32, #tpu.memory_space<hbm>>
      tpu.wait_indirect_dma semaphore(%arg26 : memref<!tpu.dma_semaphore, #tpu.memory_space<semaphore_mem>>) src(%dma_wait3A_238 : memref<10000x128xf32, #tpu.memory_space<hbm>>) dst(%arg23 : memref<40x128xf32, #tpu.memory_space<vmem>>)
      %scan3A_239 = arith.constant 0 : i32
      %scan3A_240 = arith.constant 0 : i32
      %scan3A_241 = arith.constant 40 : i32
      %scan3A_242 = arith.addi %scan3A_240, %scan3A_241 : i32
      %scan3A_243 = arith.constant 1 : i32
      scf.for %scan3A_252 = %scan3A_240 to %scan3A_242 step %scan3A_243  : i32 {
        %get3A_253 = arith.index_cast %scan3A_252 : i32 to index
        %get3A_254 = arith.constant 0 : index
        %get3A_255 = tpu.vector_load %arg21[%get3A_253, %get3A_254] {strides = array<i32>} : memref<40x16xf32, #tpu.memory_space<vmem>>, vector<1x16xf32>,
        %get3A_256 = vector.shape_cast %get3A_255 : vector<1x16xf32> to vector<16xf32>
        %slice3A = vector.extract_strided_slice %get3A_256 {offsets = [0], sizes = [1], strides = [1]} : vector<16xf32> to vector<1xf32>
        %squeeze3A = vector.extract %slice3A[0] : f32 from vector<1xf32>
        %slice3A_257 = vector.extract_strided_slice %get3A_256 {offsets = [1], sizes = [1], strides = [1]} : vector<16xf32> to vector<1xf32>
        %squeeze3A_258 = vector.extract %slice3A_257[0] : f32 from vector<1xf32>
        %slice3A_259 = vector.extract_strided_slice %get3A_256 {offsets = [2], sizes = [1], strides = [1]} : vector<16xf32> to vector<1xf32>
        %squeeze3A_260 = vector.extract %slice3A_259[0] : f32 from vector<1xf32>
        %slice3A_261 = vector.extract_strided_slice %get3A_256 {offsets = [3], sizes = [1], strides = [1]} : vector<16xf32> to vector<1xf32>
        %squeeze3A_262 = vector.extract %slice3A_261[0] : f32 from vector<1xf32>
        %mul3A_263 = vector.broadcast %squeeze3A : f32 to vector<16xf32>
        %mul3A_264 = arith.mulf %mul3A_263, %get3A_8 : vector<16xf32>
        %mul3A_265 = vector.broadcast %squeeze3A_258 : f32 to vector<16xf32>
        %mul3A_266 = arith.mulf %mul3A_265, %get3A_48 : vector<16xf32>
        %add3A_267 = arith.addf %mul3A_264, %mul3A_266 : vector<16xf32>
        %mul3A_268 = vector.broadcast %squeeze3A_260 : f32 to vector<16xf32>
        %mul3A_269 = arith.mulf %mul3A_268, %get3A_88 : vector<16xf32>
        %mul3A_270 = vector.broadcast %squeeze3A_262 : f32 to vector<16xf32>
        %mul3A_271 = arith.mulf %mul3A_270, %get3A_128 : vector<16xf32>
        %add3A_272 = arith.addf %mul3A_269, %mul3A_271 : vector<16xf32>
        %add3A_273 = arith.addf %add3A_267, %add3A_272 : vector<16xf32>
        %get3A_274 = arith.index_cast %scan3A_252 : i32 to index
        %get3A_275 = arith.constant 0 : index
        %get3A_276 = tpu.vector_load %arg22[%get3A_274, %get3A_275] {strides = array<i32>} : memref<40x128xf32, #tpu.memory_space<vmem>>, vector<1x16xf32>,
        %get3A_277 = vector.shape_cast %get3A_276 : vector<1x16xf32> to vector<16xf32>
        %add3A_278 = arith.addf %add3A_273, %get3A_277 : vector<16xf32>
        %mul3A_279 = vector.broadcast %squeeze3A : f32 to vector<16xf32>
        %mul3A_280 = arith.mulf %mul3A_279, %get3A_13 : vector<16xf32>
        %mul3A_281 = vector.broadcast %squeeze3A_258 : f32 to vector<16xf32>
        %mul3A_282 = arith.mulf %mul3A_281, %get3A_53 : vector<16xf32>
        %add3A_283 = arith.addf %mul3A_280, %mul3A_282 : vector<16xf32>
        %mul3A_284 = vector.broadcast %squeeze3A_260 : f32 to vector<16xf32>
        %mul3A_285 = arith.mulf %mul3A_284, %get3A_93 : vector<16xf32>
        %mul3A_286 = vector.broadcast %squeeze3A_262 : f32 to vector<16xf32>
        %mul3A_287 = arith.mulf %mul3A_286, %get3A_133 : vector<16xf32>
        %add3A_288 = arith.addf %mul3A_285, %mul3A_287 : vector<16xf32>
        %add3A_289 = arith.addf %add3A_283, %add3A_288 : vector<16xf32>
        %get3A_290 = arith.index_cast %scan3A_252 : i32 to index
        %get3A_291 = arith.constant 16 : index
        %get3A_292 = tpu.vector_load %arg22[%get3A_290, %get3A_291] {strides = array<i32>} : memref<40x128xf32, #tpu.memory_space<vmem>>, vector<1x16xf32>,
        %get3A_293 = vector.shape_cast %get3A_292 : vector<1x16xf32> to vector<16xf32>
        %add3A_294 = arith.addf %add3A_289, %get3A_293 : vector<16xf32>
        %mul3A_295 = vector.broadcast %squeeze3A : f32 to vector<16xf32>
        %mul3A_296 = arith.mulf %mul3A_295, %get3A_18 : vector<16xf32>
        %mul3A_297 = vector.broadcast %squeeze3A_258 : f32 to vector<16xf32>
        %mul3A_298 = arith.mulf %mul3A_297, %get3A_58 : vector<16xf32>
        %add3A_299 = arith.addf %mul3A_296, %mul3A_298 : vector<16xf32>
        %mul3A_300 = vector.broadcast %squeeze3A_260 : f32 to vector<16xf32>
        %mul3A_301 = arith.mulf %mul3A_300, %get3A_98 : vector<16xf32>
        %mul3A_302 = vector.broadcast %squeeze3A_262 : f32 to vector<16xf32>
        %mul3A_303 = arith.mulf %mul3A_302, %get3A_138 : vector<16xf32>
        %add3A_304 = arith.addf %mul3A_301, %mul3A_303 : vector<16xf32>
        %add3A_305 = arith.addf %add3A_299, %add3A_304 : vector<16xf32>
        %get3A_306 = arith.index_cast %scan3A_252 : i32 to index
        %get3A_307 = arith.constant 32 : index
        %get3A_308 = tpu.vector_load %arg22[%get3A_306, %get3A_307] {strides = array<i32>} : memref<40x128xf32, #tpu.memory_space<vmem>>, vector<1x16xf32>,
        %get3A_309 = vector.shape_cast %get3A_308 : vector<1x16xf32> to vector<16xf32>
        %add3A_310 = arith.addf %add3A_305, %get3A_309 : vector<16xf32>
        %mul3A_311 = vector.broadcast %squeeze3A : f32 to vector<16xf32>
        %mul3A_312 = arith.mulf %mul3A_311, %get3A_23 : vector<16xf32>
        %mul3A_313 = vector.broadcast %squeeze3A_258 : f32 to vector<16xf32>
        %mul3A_314 = arith.mulf %mul3A_313, %get3A_63 : vector<16xf32>
        %add3A_315 = arith.addf %mul3A_312, %mul3A_314 : vector<16xf32>
        %mul3A_316 = vector.broadcast %squeeze3A_260 : f32 to vector<16xf32>
        %mul3A_317 = arith.mulf %mul3A_316, %get3A_103 : vector<16xf32>
        %mul3A_318 = vector.broadcast %squeeze3A_262 : f32 to vector<16xf32>
        %mul3A_319 = arith.mulf %mul3A_318, %get3A_143 : vector<16xf32>
        %add3A_320 = arith.addf %mul3A_317, %mul3A_319 : vector<16xf32>
        %add3A_321 = arith.addf %add3A_315, %add3A_320 : vector<16xf32>
        %get3A_322 = arith.index_cast %scan3A_252 : i32 to index
        %get3A_323 = arith.constant 48 : index
        %get3A_324 = tpu.vector_load %arg22[%get3A_322, %get3A_323] {strides = array<i32>} : memref<40x128xf32, #tpu.memory_space<vmem>>, vector<1x16xf32>,
        %get3A_325 = vector.shape_cast %get3A_324 : vector<1x16xf32> to vector<16xf32>
        %add3A_326 = arith.addf %add3A_321, %get3A_325 : vector<16xf32>
        %mul3A_327 = vector.broadcast %squeeze3A : f32 to vector<16xf32>
        %mul3A_328 = arith.mulf %mul3A_327, %get3A_28 : vector<16xf32>
        %mul3A_329 = vector.broadcast %squeeze3A_258 : f32 to vector<16xf32>
        %mul3A_330 = arith.mulf %mul3A_329, %get3A_68 : vector<16xf32>
        %add3A_331 = arith.addf %mul3A_328, %mul3A_330 : vector<16xf32>
        %mul3A_332 = vector.broadcast %squeeze3A_260 : f32 to vector<16xf32>
        %mul3A_333 = arith.mulf %mul3A_332, %get3A_108 : vector<16xf32>
        %mul3A_334 = vector.broadcast %squeeze3A_262 : f32 to vector<16xf32>
        %mul3A_335 = arith.mulf %mul3A_334, %get3A_148 : vector<16xf32>
        %add3A_336 = arith.addf %mul3A_333, %mul3A_335 : vector<16xf32>
        %add3A_337 = arith.addf %add3A_331, %add3A_336 : vector<16xf32>
        %get3A_338 = arith.index_cast %scan3A_252 : i32 to index
        %get3A_339 = arith.constant 64 : index
        %get3A_340 = tpu.vector_load %arg22[%get3A_338, %get3A_339] {strides = array<i32>} : memref<40x128xf32, #tpu.memory_space<vmem>>, vector<1x16xf32>,
        %get3A_341 = vector.shape_cast %get3A_340 : vector<1x16xf32> to vector<16xf32>
        %add3A_342 = arith.addf %add3A_337, %get3A_341 : vector<16xf32>
        %mul3A_343 = vector.broadcast %squeeze3A : f32 to vector<16xf32>
        %mul3A_344 = arith.mulf %mul3A_343, %get3A_33 : vector<16xf32>
        %mul3A_345 = vector.broadcast %squeeze3A_258 : f32 to vector<16xf32>
        %mul3A_346 = arith.mulf %mul3A_345, %get3A_73 : vector<16xf32>
        %add3A_347 = arith.addf %mul3A_344, %mul3A_346 : vector<16xf32>
        %mul3A_348 = vector.broadcast %squeeze3A_260 : f32 to vector<16xf32>
        %mul3A_349 = arith.mulf %mul3A_348, %get3A_113 : vector<16xf32>
        %mul3A_350 = vector.broadcast %squeeze3A_262 : f32 to vector<16xf32>
        %mul3A_351 = arith.mulf %mul3A_350, %get3A_153 : vector<16xf32>
        %add3A_352 = arith.addf %mul3A_349, %mul3A_351 : vector<16xf32>
        %add3A_353 = arith.addf %add3A_347, %add3A_352 : vector<16xf32>
        %get3A_354 = arith.index_cast %scan3A_252 : i32 to index
        %get3A_355 = arith.constant 80 : index
        %get3A_356 = tpu.vector_load %arg22[%get3A_354, %get3A_355] {strides = array<i32>} : memref<40x128xf32, #tpu.memory_space<vmem>>, vector<1x16xf32>,
        %get3A_357 = vector.shape_cast %get3A_356 : vector<1x16xf32> to vector<16xf32>
        %add3A_358 = arith.addf %add3A_353, %get3A_357 : vector<16xf32>
        %mul3A_359 = vector.broadcast %squeeze3A : f32 to vector<16xf32>
        %mul3A_360 = arith.mulf %mul3A_359, %get3A_38 : vector<16xf32>
        %mul3A_361 = vector.broadcast %squeeze3A_258 : f32 to vector<16xf32>
        %mul3A_362 = arith.mulf %mul3A_361, %get3A_78 : vector<16xf32>
        %add3A_363 = arith.addf %mul3A_360, %mul3A_362 : vector<16xf32>
        %mul3A_364 = vector.broadcast %squeeze3A_260 : f32 to vector<16xf32>
        %mul3A_365 = arith.mulf %mul3A_364, %get3A_118 : vector<16xf32>
        %mul3A_366 = vector.broadcast %squeeze3A_262 : f32 to vector<16xf32>
        %mul3A_367 = arith.mulf %mul3A_366, %get3A_158 : vector<16xf32>
        %add3A_368 = arith.addf %mul3A_365, %mul3A_367 : vector<16xf32>
        %add3A_369 = arith.addf %add3A_363, %add3A_368 : vector<16xf32>
        %get3A_370 = arith.index_cast %scan3A_252 : i32 to index
        %get3A_371 = arith.constant 96 : index
        %get3A_372 = tpu.vector_load %arg22[%get3A_370, %get3A_371] {strides = array<i32>} : memref<40x128xf32, #tpu.memory_space<vmem>>, vector<1x16xf32>,
        %get3A_373 = vector.shape_cast %get3A_372 : vector<1x16xf32> to vector<16xf32>
        %add3A_374 = arith.addf %add3A_369, %get3A_373 : vector<16xf32>
        %mul3A_375 = vector.broadcast %squeeze3A : f32 to vector<16xf32>
        %mul3A_376 = arith.mulf %mul3A_375, %get3A_43 : vector<16xf32>
        %mul3A_377 = vector.broadcast %squeeze3A_258 : f32 to vector<16xf32>
        %mul3A_378 = arith.mulf %mul3A_377, %get3A_83 : vector<16xf32>
        %add3A_379 = arith.addf %mul3A_376, %mul3A_378 : vector<16xf32>
        %mul3A_380 = vector.broadcast %squeeze3A_260 : f32 to vector<16xf32>
        %mul3A_381 = arith.mulf %mul3A_380, %get3A_123 : vector<16xf32>
        %mul3A_382 = vector.broadcast %squeeze3A_262 : f32 to vector<16xf32>
        %mul3A_383 = arith.mulf %mul3A_382, %get3A_163 : vector<16xf32>
        %add3A_384 = arith.addf %mul3A_381, %mul3A_383 : vector<16xf32>
        %add3A_385 = arith.addf %add3A_379, %add3A_384 : vector<16xf32>
        %get3A_386 = arith.index_cast %scan3A_252 : i32 to index
        %get3A_387 = arith.constant 112 : index
        %get3A_388 = tpu.vector_load %arg22[%get3A_386, %get3A_387] {strides = array<i32>} : memref<40x128xf32, #tpu.memory_space<vmem>>, vector<1x16xf32>,
        %get3A_389 = vector.shape_cast %get3A_388 : vector<1x16xf32> to vector<16xf32>
        %add3A_390 = arith.addf %add3A_385, %get3A_389 : vector<16xf32>
        %exp3A = math.exp %add3A_278 : vector<16xf32>
        %exp3A_391 = math.exp %add3A_294 : vector<16xf32>
        %exp3A_392 = math.exp %add3A_310 : vector<16xf32>
        %exp3A_393 = math.exp %add3A_326 : vector<16xf32>
        %exp3A_394 = math.exp %add3A_342 : vector<16xf32>
        %exp3A_395 = math.exp %add3A_358 : vector<16xf32>
        %exp3A_396 = math.exp %add3A_374 : vector<16xf32>
        %exp3A_397 = math.exp %add3A_390 : vector<16xf32>
        %add3A_398 = arith.constant 1.000000e+00 : f32
        %add3A_399 = vector.broadcast %add3A_398 : f32 to vector<16xf32>
        %add3A_400 = arith.addf %add3A_399, %exp3A : vector<16xf32>
        %div3A = arith.constant 1.000000e+00 : f32
        %div3A_401 = vector.broadcast %div3A : f32 to vector<16xf32>
        %div3A_402 = arith.divf %div3A_401, %add3A_400 : vector<16xf32>
        %add3A_403 = arith.constant 1.000000e+00 : f32
        %add3A_404 = vector.broadcast %add3A_403 : f32 to vector<16xf32>
        %add3A_405 = arith.addf %add3A_404, %exp3A_391 : vector<16xf32>
        %div3A_406 = arith.constant 1.000000e+00 : f32
        %div3A_407 = vector.broadcast %div3A_406 : f32 to vector<16xf32>
        %div3A_408 = arith.divf %div3A_407, %add3A_405 : vector<16xf32>
        %add3A_409 = arith.constant 1.000000e+00 : f32
        %add3A_410 = vector.broadcast %add3A_409 : f32 to vector<16xf32>
        %add3A_411 = arith.addf %add3A_410, %exp3A_392 : vector<16xf32>
        %div3A_412 = arith.constant 1.000000e+00 : f32
        %div3A_413 = vector.broadcast %div3A_412 : f32 to vector<16xf32>
        %div3A_414 = arith.divf %div3A_413, %add3A_411 : vector<16xf32>
        %add3A_415 = arith.constant 1.000000e+00 : f32
        %add3A_416 = vector.broadcast %add3A_415 : f32 to vector<16xf32>
        %add3A_417 = arith.addf %add3A_416, %exp3A_393 : vector<16xf32>
        %div3A_418 = arith.constant 1.000000e+00 : f32
        %div3A_419 = vector.broadcast %div3A_418 : f32 to vector<16xf32>
        %div3A_420 = arith.divf %div3A_419, %add3A_417 : vector<16xf32>
        %add3A_421 = arith.constant 1.000000e+00 : f32
        %add3A_422 = vector.broadcast %add3A_421 : f32 to vector<16xf32>
        %add3A_423 = arith.addf %add3A_422, %exp3A_394 : vector<16xf32>
        %div3A_424 = arith.constant 1.000000e+00 : f32
        %div3A_425 = vector.broadcast %div3A_424 : f32 to vector<16xf32>
        %div3A_426 = arith.divf %div3A_425, %add3A_423 : vector<16xf32>
        %add3A_427 = arith.constant 1.000000e+00 : f32
        %add3A_428 = vector.broadcast %add3A_427 : f32 to vector<16xf32>
        %add3A_429 = arith.addf %add3A_428, %exp3A_395 : vector<16xf32>
        %div3A_430 = arith.constant 1.000000e+00 : f32
        %div3A_431 = vector.broadcast %div3A_430 : f32 to vector<16xf32>
        %div3A_432 = arith.divf %div3A_431, %add3A_429 : vector<16xf32>
        %add3A_433 = arith.constant 1.000000e+00 : f32
        %add3A_434 = vector.broadcast %add3A_433 : f32 to vector<16xf32>
        %add3A_435 = arith.addf %add3A_434, %exp3A_396 : vector<16xf32>
        %div3A_436 = arith.constant 1.000000e+00 : f32
        %div3A_437 = vector.broadcast %div3A_436 : f32 to vector<16xf32>
        %div3A_438 = arith.divf %div3A_437, %add3A_435 : vector<16xf32>
        %add3A_439 = arith.constant 1.000000e+00 : f32
        %add3A_440 = vector.broadcast %add3A_439 : f32 to vector<16xf32>
        %add3A_441 = arith.addf %add3A_440, %exp3A_397 : vector<16xf32>
        %div3A_442 = arith.constant 1.000000e+00 : f32
        %div3A_443 = vector.broadcast %div3A_442 : f32 to vector<16xf32>
        %div3A_444 = arith.divf %div3A_443, %add3A_441 : vector<16xf32>
        %get3A_445 = arith.index_cast %scan3A_252 : i32 to index
        %get3A_446 = arith.constant 0 : index
        %get3A_447 = tpu.vector_load %arg23[%get3A_445, %get3A_446] {strides = array<i32>} : memref<40x128xf32, #tpu.memory_space<vmem>>, vector<1x16xf32>,
        %get3A_448 = vector.shape_cast %get3A_447 : vector<1x16xf32> to vector<16xf32>
        %mul3A_449 = arith.mulf %div3A_402, %get3A_448 : vector<16xf32>
        %swap3A = arith.index_cast %scan3A_252 : i32 to index
        %swap3A_450 = arith.constant 0 : index
        %swap3A_451 = tpu.vector_load %arg23[%swap3A, %swap3A_450] {strides = array<i32>} : memref<40x128xf32, #tpu.memory_space<vmem>>, vector<1x16xf32>,
        %swap3A_452 = vector.shape_cast %swap3A_451 : vector<1x16xf32> to vector<16xf32>
        %swap3A_453 = vector.shape_cast %mul3A_449 : vector<16xf32> to vector<1x16xf32>
        tpu.vector_store %arg23[%swap3A, %swap3A_450], %swap3A_453 {strides = array<i32>} : memref<40x128xf32, #tpu.memory_space<vmem>>, vector<1x16xf32>,
        %get3A_454 = arith.index_cast %scan3A_252 : i32 to index
        %get3A_455 = arith.constant 16 : index
        %get3A_456 = tpu.vector_load %arg23[%get3A_454, %get3A_455] {strides = array<i32>} : memref<40x128xf32, #tpu.memory_space<vmem>>, vector<1x16xf32>,
        %get3A_457 = vector.shape_cast %get3A_456 : vector<1x16xf32> to vector<16xf32>
        %mul3A_458 = arith.mulf %div3A_408, %get3A_457 : vector<16xf32>
        %swap3A_459 = arith.index_cast %scan3A_252 : i32 to index
        %swap3A_460 = arith.constant 16 : index
        %swap3A_461 = tpu.vector_load %arg23[%swap3A_459, %swap3A_460] {strides = array<i32>} : memref<40x128xf32, #tpu.memory_space<vmem>>, vector<1x16xf32>,
        %swap3A_462 = vector.shape_cast %swap3A_461 : vector<1x16xf32> to vector<16xf32>
        %swap3A_463 = vector.shape_cast %mul3A_458 : vector<16xf32> to vector<1x16xf32>
        tpu.vector_store %arg23[%swap3A_459, %swap3A_460], %swap3A_463 {strides = array<i32>} : memref<40x128xf32, #tpu.memory_space<vmem>>, vector<1x16xf32>,
        %get3A_464 = arith.index_cast %scan3A_252 : i32 to index
        %get3A_465 = arith.constant 32 : index
        %get3A_466 = tpu.vector_load %arg23[%get3A_464, %get3A_465] {strides = array<i32>} : memref<40x128xf32, #tpu.memory_space<vmem>>, vector<1x16xf32>,
        %get3A_467 = vector.shape_cast %get3A_466 : vector<1x16xf32> to vector<16xf32>
        %mul3A_468 = arith.mulf %div3A_414, %get3A_467 : vector<16xf32>
        %swap3A_469 = arith.index_cast %scan3A_252 : i32 to index
        %swap3A_470 = arith.constant 32 : index
        %swap3A_471 = tpu.vector_load %arg23[%swap3A_469, %swap3A_470] {strides = array<i32>} : memref<40x128xf32, #tpu.memory_space<vmem>>, vector<1x16xf32>,
        %swap3A_472 = vector.shape_cast %swap3A_471 : vector<1x16xf32> to vector<16xf32>
        %swap3A_473 = vector.shape_cast %mul3A_468 : vector<16xf32> to vector<1x16xf32>
        tpu.vector_store %arg23[%swap3A_469, %swap3A_470], %swap3A_473 {strides = array<i32>} : memref<40x128xf32, #tpu.memory_space<vmem>>, vector<1x16xf32>,
        %get3A_474 = arith.index_cast %scan3A_252 : i32 to index
        %get3A_475 = arith.constant 48 : index
        %get3A_476 = tpu.vector_load %arg23[%get3A_474, %get3A_475] {strides = array<i32>} : memref<40x128xf32, #tpu.memory_space<vmem>>, vector<1x16xf32>,
        %get3A_477 = vector.shape_cast %get3A_476 : vector<1x16xf32> to vector<16xf32>
        %mul3A_478 = arith.mulf %div3A_420, %get3A_477 : vector<16xf32>
        %swap3A_479 = arith.index_cast %scan3A_252 : i32 to index
        %swap3A_480 = arith.constant 48 : index
        %swap3A_481 = tpu.vector_load %arg23[%swap3A_479, %swap3A_480] {strides = array<i32>} : memref<40x128xf32, #tpu.memory_space<vmem>>, vector<1x16xf32>,
        %swap3A_482 = vector.shape_cast %swap3A_481 : vector<1x16xf32> to vector<16xf32>
        %swap3A_483 = vector.shape_cast %mul3A_478 : vector<16xf32> to vector<1x16xf32>
        tpu.vector_store %arg23[%swap3A_479, %swap3A_480], %swap3A_483 {strides = array<i32>} : memref<40x128xf32, #tpu.memory_space<vmem>>, vector<1x16xf32>,
        %get3A_484 = arith.index_cast %scan3A_252 : i32 to index
        %get3A_485 = arith.constant 64 : index
        %get3A_486 = tpu.vector_load %arg23[%get3A_484, %get3A_485] {strides = array<i32>} : memref<40x128xf32, #tpu.memory_space<vmem>>, vector<1x16xf32>,
        %get3A_487 = vector.shape_cast %get3A_486 : vector<1x16xf32> to vector<16xf32>
        %mul3A_488 = arith.mulf %div3A_426, %get3A_487 : vector<16xf32>
        %swap3A_489 = arith.index_cast %scan3A_252 : i32 to index
        %swap3A_490 = arith.constant 64 : index
        %swap3A_491 = tpu.vector_load %arg23[%swap3A_489, %swap3A_490] {strides = array<i32>} : memref<40x128xf32, #tpu.memory_space<vmem>>, vector<1x16xf32>,
        %swap3A_492 = vector.shape_cast %swap3A_491 : vector<1x16xf32> to vector<16xf32>
        %swap3A_493 = vector.shape_cast %mul3A_488 : vector<16xf32> to vector<1x16xf32>
        tpu.vector_store %arg23[%swap3A_489, %swap3A_490], %swap3A_493 {strides = array<i32>} : memref<40x128xf32, #tpu.memory_space<vmem>>, vector<1x16xf32>,
        %get3A_494 = arith.index_cast %scan3A_252 : i32 to index
        %get3A_495 = arith.constant 80 : index
        %get3A_496 = tpu.vector_load %arg23[%get3A_494, %get3A_495] {strides = array<i32>} : memref<40x128xf32, #tpu.memory_space<vmem>>, vector<1x16xf32>,
        %get3A_497 = vector.shape_cast %get3A_496 : vector<1x16xf32> to vector<16xf32>
        %mul3A_498 = arith.mulf %div3A_432, %get3A_497 : vector<16xf32>
        %swap3A_499 = arith.index_cast %scan3A_252 : i32 to index
        %swap3A_500 = arith.constant 80 : index
        %swap3A_501 = tpu.vector_load %arg23[%swap3A_499, %swap3A_500] {strides = array<i32>} : memref<40x128xf32, #tpu.memory_space<vmem>>, vector<1x16xf32>,
        %swap3A_502 = vector.shape_cast %swap3A_501 : vector<1x16xf32> to vector<16xf32>
        %swap3A_503 = vector.shape_cast %mul3A_498 : vector<16xf32> to vector<1x16xf32>
        tpu.vector_store %arg23[%swap3A_499, %swap3A_500], %swap3A_503 {strides = array<i32>} : memref<40x128xf32, #tpu.memory_space<vmem>>, vector<1x16xf32>,
        %get3A_504 = arith.index_cast %scan3A_252 : i32 to index
        %get3A_505 = arith.constant 96 : index
        %get3A_506 = tpu.vector_load %arg23[%get3A_504, %get3A_505] {strides = array<i32>} : memref<40x128xf32, #tpu.memory_space<vmem>>, vector<1x16xf32>,
        %get3A_507 = vector.shape_cast %get3A_506 : vector<1x16xf32> to vector<16xf32>
        %mul3A_508 = arith.mulf %div3A_438, %get3A_507 : vector<16xf32>
        %swap3A_509 = arith.index_cast %scan3A_252 : i32 to index
        %swap3A_510 = arith.constant 96 : index
        %swap3A_511 = tpu.vector_load %arg23[%swap3A_509, %swap3A_510] {strides = array<i32>} : memref<40x128xf32, #tpu.memory_space<vmem>>, vector<1x16xf32>,
        %swap3A_512 = vector.shape_cast %swap3A_511 : vector<1x16xf32> to vector<16xf32>
        %swap3A_513 = vector.shape_cast %mul3A_508 : vector<16xf32> to vector<1x16xf32>
        tpu.vector_store %arg23[%swap3A_509, %swap3A_510], %swap3A_513 {strides = array<i32>} : memref<40x128xf32, #tpu.memory_space<vmem>>, vector<1x16xf32>,
        %get3A_514 = arith.index_cast %scan3A_252 : i32 to index
        %get3A_515 = arith.constant 112 : index
        %get3A_516 = tpu.vector_load %arg23[%get3A_514, %get3A_515] {strides = array<i32>} : memref<40x128xf32, #tpu.memory_space<vmem>>, vector<1x16xf32>,
        %get3A_517 = vector.shape_cast %get3A_516 : vector<1x16xf32> to vector<16xf32>
        %mul3A_518 = arith.mulf %div3A_444, %get3A_517 : vector<16xf32>
        %swap3A_519 = arith.index_cast %scan3A_252 : i32 to index
        %swap3A_520 = arith.constant 112 : index
        %swap3A_521 = tpu.vector_load %arg23[%swap3A_519, %swap3A_520] {strides = array<i32>} : memref<40x128xf32, #tpu.memory_space<vmem>>, vector<1x16xf32>,
        %swap3A_522 = vector.shape_cast %swap3A_521 : vector<1x16xf32> to vector<16xf32>
        %swap3A_523 = vector.shape_cast %mul3A_518 : vector<16xf32> to vector<1x16xf32>
        tpu.vector_store %arg23[%swap3A_519, %swap3A_520], %swap3A_523 {strides = array<i32>} : memref<40x128xf32, #tpu.memory_space<vmem>>, vector<1x16xf32>,
      }
      %scan3A_244 = arith.constant 40 : i32
      %add3A_245 = arith.constant 1 : i32
      %add3A_246 = arith.addi %add3A_225, %add3A_245 : i32
      %lt3A_247 = arith.constant 250 : i32
      %lt3A_248 = arith.cmpi slt, %add3A_246, %lt3A_247 : i32
      %convert_element_type3A_249 = arith.extui %lt3A_248 : i1 to i32
      %cond3A_250 = arith.constant 0 : i32
      %cond3A_251 = arith.cmpi ne, %convert_element_type3A_249, %cond3A_250 : i32
      scf.if %cond3A_251 {
        %dma_wait3A_252 = arith.constant 0 : i32
        %dma_wait3A_253 = arith.constant 0 : i32
        %dma_wait3A_254 = tpu.memref_slice %arg2[%dma_wait3A_252, %dma_wait3A_253] : memref<10000x128xf32, #tpu.memory_space<hbm>> -> memref<10000x128xf32, #tpu.memory_space<hbm>>
        tpu.wait_indirect_dma semaphore(%arg16 : memref<!tpu.dma_semaphore, #tpu.memory_space<semaphore_mem>>) src(%dma_wait3A_254 : memref<10000x128xf32, #tpu.memory_space<hbm>>) dst(%arg14 : memref<40x128xf32, #tpu.memory_space<vmem>>)
        %dma_start3A_255 = arith.constant 0 : i32
        %dma_start3A_256 = arith.constant 0 : i32
        %dma_start3A_257 = tpu.memref_slice %arg3[%dma_start3A_255, %dma_start3A_256] : memref<10000x128xf32, #tpu.memory_space<hbm>> -> memref<10000x128xf32, #tpu.memory_space<hbm>>
        tpu.enqueue_indirect_dma source(%dma_start3A_257 : memref<10000x128xf32, #tpu.memory_space<hbm>>) target(%arg14 : memref<40x128xf32, #tpu.memory_space<vmem>>) offsets(%arg11 : memref<40xi32, #tpu.memory_space<vmem>>) semaphore(%arg17 : memref<!tpu.dma_semaphore, #tpu.memory_space<semaphore_mem>>) {add = true}
      } else {
      }
      "tpu.region"() ({
        %run_scoped3A = tpu.sem_alloc : memref<!tpu.dma_semaphore, #tpu.memory_space<semaphore_mem>>
        %dma_start3A_252 = arith.constant 0 : i32
        %dma_start3A_253 = arith.constant 0 : i32
        %dma_start3A_254 = tpu.memref_slice %arg28[%dma_start3A_252, %dma_start3A_253] : memref<10000x128xf32, #tpu.memory_space<vmem_shared>> -> memref<10000x128xf32, #tpu.memory_space<vmem_shared>>
        tpu.enqueue_indirect_dma source(%arg23 : memref<40x128xf32, #tpu.memory_space<vmem>>) target(%dma_start3A_254 : memref<10000x128xf32, #tpu.memory_space<vmem_shared>>) offsets(%arg20 : memref<40xi32, #tpu.memory_space<vmem>>) semaphore(%run_scoped3A : memref<!tpu.dma_semaphore, #tpu.memory_space<semaphore_mem>>) {add = true}
        %dma_wait3A_255 = arith.constant 0 : i32
        %dma_wait3A_256 = arith.constant 0 : i32
        %dma_wait3A_257 = tpu.memref_slice %arg28[%dma_wait3A_255, %dma_wait3A_256] : memref<10000x128xf32, #tpu.memory_space<vmem_shared>> -> memref<10000x128xf32, #tpu.memory_space<vmem_shared>>
        tpu.wait_indirect_dma semaphore(%run_scoped3A : memref<!tpu.dma_semaphore, #tpu.memory_space<semaphore_mem>>) src(%arg23 : memref<40x128xf32, #tpu.memory_space<vmem>>) dst(%dma_wait3A_257 : memref<10000x128xf32, #tpu.memory_space<vmem_shared>>)
        tpu.yield
      }) : () -> ()
    }
    %scan3A_182 = arith.constant 125 : i32
    %barrier3A_183 = arith.constant 0 : index
    tpu.barrier barrier_id(%barrier3A_183)
    %mul3A_184 = arith.constant 624 : i32
    %mul3A_185 = arith.muli %arg1, %mul3A_184 : i32
    %multiple_of3A_186 = tpu.assume_multiple %mul3A_185, 8 : i32
    "tpu.region"() ({
      %run_scoped3A = tpu.sem_alloc : memref<!tpu.dma_semaphore, #tpu.memory_space<semaphore_mem>>
      %dma_start3A_192 = arith.constant 0 : i32
      %dma_start3A_193 = tpu.memref_slice %arg10[%arg0, %multiple_of3A_186, %dma_start3A_192] : memref<2x10000x128xf32, #tpu.memory_space<hbm>> -> memref<1x624x128xf32, #tpu.memory_space<hbm>>
      %dma_start3A_194 = tpu.memref_squeeze %dma_start3A_193 : memref<1x624x128xf32, #tpu.memory_space<hbm>> -> memref<624x128xf32, #tpu.memory_space<hbm>>
      %dma_start3A_195 = arith.constant 0 : i32
      %dma_start3A_196 = tpu.memref_slice %arg28[%multiple_of3A_186, %dma_start3A_195] : memref<10000x128xf32, #tpu.memory_space<vmem_shared>> -> memref<624x128xf32, #tpu.memory_space<vmem_shared>>
      tpu.enqueue_dma source(%dma_start3A_196 : memref<624x128xf32, #tpu.memory_space<vmem_shared>>) target(%dma_start3A_194 : memref<624x128xf32, #tpu.memory_space<hbm>>) target_semaphore(%run_scoped3A : memref<!tpu.dma_semaphore, #tpu.memory_space<semaphore_mem>>)
      %dma_wait3A_197 = arith.constant 0 : i32
      %dma_wait3A_198 = tpu.memref_slice %arg10[%arg0, %multiple_of3A_186, %dma_wait3A_197] : memref<2x10000x128xf32, #tpu.memory_space<hbm>> -> memref<1x624x128xf32, #tpu.memory_space<hbm>>
      %dma_wait3A_199 = tpu.memref_squeeze %dma_wait3A_198 : memref<1x624x128xf32, #tpu.memory_space<hbm>> -> memref<624x128xf32, #tpu.memory_space<hbm>>
      %dma_wait3A_200 = arith.constant 0 : i32
      %dma_wait3A_201 = tpu.memref_slice %arg28[%multiple_of3A_186, %dma_wait3A_200] : memref<10000x128xf32, #tpu.memory_space<vmem_shared>> -> memref<624x128xf32, #tpu.memory_space<vmem_shared>>
      tpu.wait_dma2 semaphore(%run_scoped3A : memref<!tpu.dma_semaphore, #tpu.memory_space<semaphore_mem>>) src(%dma_wait3A_201 : memref<624x128xf32, #tpu.memory_space<vmem_shared>>) dst(%dma_wait3A_199 : memref<624x128xf32, #tpu.memory_space<hbm>>)
      tpu.yield
    }) : () -> ()
    %eq3A_187 = arith.constant 15 : i32
    %eq3A_188 = arith.cmpi eq, %arg1, %eq3A_187 : i32
    %convert_element_type3A_189 = arith.extui %eq3A_188 : i1 to i32
    %cond3A_190 = arith.constant 0 : i32
    %cond3A_191 = arith.cmpi ne, %convert_element_type3A_189, %cond3A_190 : i32
    scf.if %cond3A_191 {
      "tpu.region"() ({
        %run_scoped3A = tpu.sem_alloc : memref<!tpu.dma_semaphore, #tpu.memory_space<semaphore_mem>>
        %dma_start3A_192 = arith.constant 9984 : i32
        %dma_start3A_193 = arith.constant 0 : i32
        %dma_start3A_194 = tpu.memref_slice %arg10[%arg0, %dma_start3A_192, %dma_start3A_193] : memref<2x10000x128xf32, #tpu.memory_space<hbm>> -> memref<1x16x128xf32, #tpu.memory_space<hbm>>
        %dma_start3A_195 = tpu.memref_squeeze %dma_start3A_194 : memref<1x16x128xf32, #tpu.memory_space<hbm>> -> memref<16x128xf32, #tpu.memory_space<hbm>>
        %dma_start3A_196 = arith.constant 9984 : i32
        %dma_start3A_197 = arith.constant 0 : i32
        %dma_start3A_198 = tpu.memref_slice %arg28[%dma_start3A_196, %dma_start3A_197] : memref<10000x128xf32, #tpu.memory_space<vmem_shared>> -> memref<16x128xf32, #tpu.memory_space<vmem_shared>>
        tpu.enqueue_dma source(%dma_start3A_198 : memref<16x128xf32, #tpu.memory_space<vmem_shared>>) target(%dma_start3A_195 : memref<16x128xf32, #tpu.memory_space<hbm>>) target_semaphore(%run_scoped3A : memref<!tpu.dma_semaphore, #tpu.memory_space<semaphore_mem>>)
        %dma_wait3A_199 = arith.constant 9984 : i32
        %dma_wait3A_200 = arith.constant 0 : i32
        %dma_wait3A_201 = tpu.memref_slice %arg10[%arg0, %dma_wait3A_199, %dma_wait3A_200] : memref<2x10000x128xf32, #tpu.memory_space<hbm>> -> memref<1x16x128xf32, #tpu.memory_space<hbm>>
        %dma_wait3A_202 = tpu.memref_squeeze %dma_wait3A_201 : memref<1x16x128xf32, #tpu.memory_space<hbm>> -> memref<16x128xf32, #tpu.memory_space<hbm>>
        %dma_wait3A_203 = arith.constant 9984 : i32
        %dma_wait3A_204 = arith.constant 0 : i32
        %dma_wait3A_205 = tpu.memref_slice %arg28[%dma_wait3A_203, %dma_wait3A_204] : memref<10000x128xf32, #tpu.memory_space<vmem_shared>> -> memref<16x128xf32, #tpu.memory_space<vmem_shared>>
        tpu.wait_dma2 semaphore(%run_scoped3A : memref<!tpu.dma_semaphore, #tpu.memory_space<semaphore_mem>>) src(%dma_wait3A_205 : memref<16x128xf32, #tpu.memory_space<vmem_shared>>) dst(%dma_wait3A_202 : memref<16x128xf32, #tpu.memory_space<hbm>>)
        tpu.yield
      }) : () -> ()
    } else {
    }
    return
  }
}

module attributes {stable_mosaic.version = 14 : i64} {
  func.func @_mm_body(%arg0: i32, %arg1: memref<1000x128xf32, #tpu.memory_space<vmem>>, %arg2: memref<128x512xf32, #tpu.memory_space<vmem>>, %arg3: memref<1x512xf32, #tpu.memory_space<vmem>>, %arg4: memref<1000x128xf32, #tpu.memory_space<vmem>>, %arg5: memref<1000x128xf32, #tpu.memory_space<vmem>>, %arg6: memref<1000x128xf32, #tpu.memory_space<vmem>>, %arg7: memref<1000x128xf32, #tpu.memory_space<vmem>>) attributes {dimension_semantics = [#tpu.dimension_semantics<arbitrary>], iteration_bounds = array<i64: 10>, scalar_prefetch = 0 : i64, scratch_operands = 0 : i64, tpu.core_type = #tpu.core_type<tc>, window_params = [{transform_indices = @transform_0, window_bounds = array<i64: 1000, 128>}, {pipeline_mode = #tpu.pipeline_mode<synchronous>, transform_indices = @transform_1, window_bounds = array<i64: 128, 512>}, {pipeline_mode = #tpu.pipeline_mode<synchronous>, transform_indices = @transform_2, window_bounds = array<i64: 1, 512>}, {transform_indices = @transform_3, window_bounds = array<i64: 1000, 128>}, {transform_indices = @transform_4, window_bounds = array<i64: 1000, 128>}, {transform_indices = @transform_5, window_bounds = array<i64: 1000, 128>}, {transform_indices = @transform_6, window_bounds = array<i64: 1000, 128>}]} {
    %get3A = arith.constant 0 : index
    %get3A_0 = arith.constant 0 : index
    %get3A_1 = vector.load %arg1[%get3A, %get3A_0] : memref<1000x128xf32, #tpu.memory_space<vmem>>, vector<1000x128xf32>
    %get3A_2 = arith.constant 0 : index
    %get3A_3 = arith.constant 0 : index
    %get3A_4 = vector.load %arg2[%get3A_2, %get3A_3] : memref<128x512xf32, #tpu.memory_space<vmem>>, vector<128x512xf32>
    %dot_general3A = arith.constant dense<0.000000e+00> : vector<1000x512xf32>
    %dot_general3A_5 = tpu.matmul %get3A_1, %get3A_4, %dot_general3A {dimension_numbers = #tpu.dot_dimension_numbers<[1], [0], [0], [1], [0, 0, 1, 1], [], []>, transpose_lhs_hint = false} : vector<1000x128xf32>, vector<128x512xf32>, vector<1000x512xf32> -> vector<1000x512xf32>
    %get3A_6 = arith.constant 0 : index
    %get3A_7 = arith.constant 0 : index
    %get3A_8 = vector.load %arg3[%get3A_6, %get3A_7] : memref<1x512xf32, #tpu.memory_space<vmem>>, vector<1x512xf32>
    %add3A = vector.broadcast %get3A_8 : vector<1x512xf32> to vector<1000x512xf32>
    %add3A_9 = arith.addf %dot_general3A_5, %add3A : vector<1000x512xf32>
    %slice3A = vector.extract_strided_slice %add3A_9 {offsets = [0, 0], sizes = [1000, 128], strides = [1, 1]} : vector<1000x512xf32> to vector<1000x128xf32>
    %swap3A = arith.constant 0 : index
    %swap3A_10 = arith.constant 0 : index
    %swap3A_11 = vector.load %arg4[%swap3A, %swap3A_10] : memref<1000x128xf32, #tpu.memory_space<vmem>>, vector<1000x128xf32>
    tpu.vector_store %arg4[%swap3A, %swap3A_10], %slice3A {strides = array<i32>} : memref<1000x128xf32, #tpu.memory_space<vmem>>, vector<1000x128xf32>,
    %slice3A_12 = vector.extract_strided_slice %add3A_9 {offsets = [0, 128], sizes = [1000, 128], strides = [1, 1]} : vector<1000x512xf32> to vector<1000x128xf32>
    %swap3A_13 = arith.constant 0 : index
    %swap3A_14 = arith.constant 0 : index
    %swap3A_15 = vector.load %arg5[%swap3A_13, %swap3A_14] : memref<1000x128xf32, #tpu.memory_space<vmem>>, vector<1000x128xf32>
    tpu.vector_store %arg5[%swap3A_13, %swap3A_14], %slice3A_12 {strides = array<i32>} : memref<1000x128xf32, #tpu.memory_space<vmem>>, vector<1000x128xf32>,
    %slice3A_16 = vector.extract_strided_slice %add3A_9 {offsets = [0, 256], sizes = [1000, 128], strides = [1, 1]} : vector<1000x512xf32> to vector<1000x128xf32>
    %swap3A_17 = arith.constant 0 : index
    %swap3A_18 = arith.constant 0 : index
    %swap3A_19 = vector.load %arg6[%swap3A_17, %swap3A_18] : memref<1000x128xf32, #tpu.memory_space<vmem>>, vector<1000x128xf32>
    tpu.vector_store %arg6[%swap3A_17, %swap3A_18], %slice3A_16 {strides = array<i32>} : memref<1000x128xf32, #tpu.memory_space<vmem>>, vector<1000x128xf32>,
    %slice3A_20 = vector.extract_strided_slice %add3A_9 {offsets = [0, 384], sizes = [1000, 128], strides = [1, 1]} : vector<1000x512xf32> to vector<1000x128xf32>
    %swap3A_21 = arith.constant 0 : index
    %swap3A_22 = arith.constant 0 : index
    %swap3A_23 = vector.load %arg7[%swap3A_21, %swap3A_22] : memref<1000x128xf32, #tpu.memory_space<vmem>>, vector<1000x128xf32>
    tpu.vector_store %arg7[%swap3A_21, %swap3A_22], %slice3A_20 {strides = array<i32>} : memref<1000x128xf32, #tpu.memory_space<vmem>>, vector<1000x128xf32>,
    return
  }
  func.func @transform_0(%arg0: i32) -> (i32, i32) {
    %c0_i32 = arith.constant 0 : i32
    %c0_i32_0 = arith.constant 0 : i32
    return %arg0, %c0_i32 : i32, i32
  }
  func.func @transform_1(%arg0: i32) -> (i32, i32) {
    %c0_i32 = arith.constant 0 : i32
    %c0_i32_0 = arith.constant 0 : i32
    %c0_i32_1 = arith.constant 0 : i32
    return %c0_i32, %c0_i32_0 : i32, i32
  }
  func.func @transform_2(%arg0: i32) -> (i32, i32) {
    %c0_i32 = arith.constant 0 : i32
    %c0_i32_0 = arith.constant 0 : i32
    %c0_i32_1 = arith.constant 0 : i32
    return %c0_i32, %c0_i32_0 : i32, i32
  }
  func.func @transform_3(%arg0: i32) -> (i32, i32) {
    %c0_i32 = arith.constant 0 : i32
    %c0_i32_0 = arith.constant 0 : i32
    return %arg0, %c0_i32 : i32, i32
  }
  func.func @transform_4(%arg0: i32) -> (i32, i32) {
    %c0_i32 = arith.constant 0 : i32
    %c0_i32_0 = arith.constant 0 : i32
    return %arg0, %c0_i32 : i32, i32
  }
  func.func @transform_5(%arg0: i32) -> (i32, i32) {
    %c0_i32 = arith.constant 0 : i32
    %c0_i32_0 = arith.constant 0 : i32
    return %arg0, %c0_i32 : i32, i32
  }
  func.func @transform_6(%arg0: i32) -> (i32, i32) {
    %c0_i32 = arith.constant 0 : i32
    %c0_i32_0 = arith.constant 0 : i32
    return %arg0, %c0_i32 : i32, i32
  }
}

module attributes {stable_mosaic.version = 14 : i64} {
  func.func @_post_body(%arg0: i32, %arg1: memref<2x1000x128xf32, #tpu.memory_space<vmem>>, %arg2: memref<1000x128xf32, #tpu.memory_space<vmem>>, %arg3: memref<1000x128xf32, #tpu.memory_space<vmem>>, %arg4: memref<2x128xf32, #tpu.memory_space<vmem>>) attributes {dimension_semantics = [#tpu.dimension_semantics<arbitrary>], iteration_bounds = array<i64: 10>, scalar_prefetch = 0 : i64, scratch_operands = 0 : i64, tpu.core_type = #tpu.core_type<tc>, window_params = [{transform_indices = @transform_0, window_bounds = array<i64: 2, 1000, 128>}, {transform_indices = @transform_1, window_bounds = array<i64: 1000, 128>}, {transform_indices = @transform_2, window_bounds = array<i64: 1000, 128>}, {pipeline_mode = #tpu.pipeline_mode<synchronous>, transform_indices = @transform_3, window_bounds = array<i64: 2, 128>}]} {
    %get3A = arith.constant 0 : index
    %get3A_0 = arith.constant 0 : index
    %get3A_1 = arith.constant 0 : index
    %get3A_2 = vector.load %arg1[%get3A, %get3A_0, %get3A_1] : memref<2x1000x128xf32, #tpu.memory_space<vmem>>, vector<1x1000x128xf32>
    %get3A_3 = vector.shape_cast %get3A_2 : vector<1x1000x128xf32> to vector<1000x128xf32>
    %get3A_4 = arith.constant 1 : index
    %get3A_5 = arith.constant 0 : index
    %get3A_6 = arith.constant 0 : index
    %get3A_7 = vector.load %arg1[%get3A_4, %get3A_5, %get3A_6] : memref<2x1000x128xf32, #tpu.memory_space<vmem>>, vector<1x1000x128xf32>
    %get3A_8 = vector.shape_cast %get3A_7 : vector<1x1000x128xf32> to vector<1000x128xf32>
    %add3A = arith.addf %get3A_3, %get3A_8 : vector<1000x128xf32>
    %get3A_9 = arith.constant 0 : index
    %get3A_10 = arith.constant 0 : index
    %get3A_11 = vector.load %arg2[%get3A_9, %get3A_10] : memref<1000x128xf32, #tpu.memory_space<vmem>>, vector<1000x128xf32>
    %add3A_12 = arith.addf %add3A, %get3A_11 : vector<1000x128xf32>
    %ge3A = arith.constant 0.000000e+00 : f32
    %ge3A_13 = vector.broadcast %ge3A : f32 to vector<1000x128xf32>
    %ge3A_14 = arith.cmpf oge, %add3A_12, %ge3A_13 : vector<1000x128xf32>
    %mul3A = arith.constant 0.00999999977 : f32
    %mul3A_15 = vector.broadcast %mul3A : f32 to vector<1000x128xf32>
    %mul3A_16 = arith.mulf %mul3A_15, %add3A_12 : vector<1000x128xf32>
    %select_n3A = arith.select %ge3A_14, %add3A_12, %mul3A_16 : vector<1000x128xi1>, vector<1000x128xf32>
    %swap3A = arith.constant 0 : index
    %swap3A_17 = arith.constant 0 : index
    %swap3A_18 = vector.load %arg3[%swap3A, %swap3A_17] : memref<1000x128xf32, #tpu.memory_space<vmem>>, vector<1000x128xf32>
    tpu.vector_store %arg3[%swap3A, %swap3A_17], %select_n3A {strides = array<i32>} : memref<1000x128xf32, #tpu.memory_space<vmem>>, vector<1000x128xf32>,
    %reduce_sum3A = arith.constant dense<0.000000e+00> : vector<128xf32>
    %reduce_sum3A_19 = vector.multi_reduction <add>, %select_n3A, %reduce_sum3A [0] : vector<1000x128xf32> to vector<128xf32>
    %broadcast_in_dim3A = vector.shape_cast %reduce_sum3A_19 : vector<128xf32> to vector<1x128xf32>
    %mul3A_20 = arith.mulf %select_n3A, %select_n3A : vector<1000x128xf32>
    %reduce_sum3A_21 = arith.constant dense<0.000000e+00> : vector<128xf32>
    %reduce_sum3A_22 = vector.multi_reduction <add>, %mul3A_20, %reduce_sum3A_21 [0] : vector<1000x128xf32> to vector<128xf32>
    %broadcast_in_dim3A_23 = vector.shape_cast %reduce_sum3A_22 : vector<128xf32> to vector<1x128xf32>
    %concatenate3A = tpu.concatenate %broadcast_in_dim3A, %broadcast_in_dim3A_23 in 0 : vector<1x128xf32>, vector<1x128xf32> -> vector<2x128xf32>
    %eq3A = arith.constant 0 : i32
    %eq3A_24 = arith.cmpi eq, %arg0, %eq3A : i32
    %convert_element_type3A = arith.extui %eq3A_24 : i1 to i32
    %cond3A = arith.constant 0 : i32
    %cond3A_25 = arith.cmpi ne, %convert_element_type3A, %cond3A : i32
    scf.if %cond3A_25 {
      %swap3A_30 = arith.constant 0 : index
      %swap3A_31 = arith.constant 0 : index
      %swap3A_32 = vector.load %arg4[%swap3A_30, %swap3A_31] : memref<2x128xf32, #tpu.memory_space<vmem>>, vector<2x128xf32>
      tpu.vector_store %arg4[%swap3A_30, %swap3A_31], %concatenate3A {strides = array<i32>} : memref<2x128xf32, #tpu.memory_space<vmem>>, vector<2x128xf32>,
    } else {
    }
    %ne3A = arith.constant 0 : i32
    %ne3A_26 = arith.cmpi ne, %arg0, %ne3A : i32
    %convert_element_type3A_27 = arith.extui %ne3A_26 : i1 to i32
    %cond3A_28 = arith.constant 0 : i32
    %cond3A_29 = arith.cmpi ne, %convert_element_type3A_27, %cond3A_28 : i32
    scf.if %cond3A_29 {
      %get3A_30 = arith.constant 0 : index
      %get3A_31 = arith.constant 0 : index
      %get3A_32 = vector.load %arg4[%get3A_30, %get3A_31] : memref<2x128xf32, #tpu.memory_space<vmem>>, vector<2x128xf32>
      %add3A_33 = arith.addf %get3A_32, %concatenate3A : vector<2x128xf32>
      %swap3A_34 = arith.constant 0 : index
      %swap3A_35 = arith.constant 0 : index
      %swap3A_36 = vector.load %arg4[%swap3A_34, %swap3A_35] : memref<2x128xf32, #tpu.memory_space<vmem>>, vector<2x128xf32>
      tpu.vector_store %arg4[%swap3A_34, %swap3A_35], %add3A_33 {strides = array<i32>} : memref<2x128xf32, #tpu.memory_space<vmem>>, vector<2x128xf32>,
    } else {
    }
    return
  }
  func.func @transform_0(%arg0: i32) -> (i32, i32, i32) {
    %c0_i32 = arith.constant 0 : i32
    %c0_i32_0 = arith.constant 0 : i32
    %c0_i32_1 = arith.constant 0 : i32
    return %c0_i32, %arg0, %c0_i32_0 : i32, i32, i32
  }
  func.func @transform_1(%arg0: i32) -> (i32, i32) {
    %c0_i32 = arith.constant 0 : i32
    %c0_i32_0 = arith.constant 0 : i32
    return %arg0, %c0_i32 : i32, i32
  }
  func.func @transform_2(%arg0: i32) -> (i32, i32) {
    %c0_i32 = arith.constant 0 : i32
    %c0_i32_0 = arith.constant 0 : i32
    return %arg0, %c0_i32 : i32, i32
  }
  func.func @transform_3(%arg0: i32) -> (i32, i32) {
    %c0_i32 = arith.constant 0 : i32
    %c0_i32_0 = arith.constant 0 : i32
    %c0_i32_1 = arith.constant 0 : i32
    return %c0_i32, %c0_i32_0 : i32, i32
  }
}

module attributes {stable_mosaic.version = 14 : i64} {
  func.func @_norm_mm_body(%arg0: i32, %arg1: memref<1000x128xf32, #tpu.memory_space<vmem>>, %arg2: memref<2x128xf32, #tpu.memory_space<vmem>>, %arg3: memref<2x128xf32, #tpu.memory_space<vmem>>, %arg4: memref<128x512xf32, #tpu.memory_space<vmem>>, %arg5: memref<1x512xf32, #tpu.memory_space<vmem>>, %arg6: memref<1000x128xf32, #tpu.memory_space<vmem>>, %arg7: memref<1000x128xf32, #tpu.memory_space<vmem>>, %arg8: memref<1000x128xf32, #tpu.memory_space<vmem>>, %arg9: memref<1000x128xf32, #tpu.memory_space<vmem>>) attributes {dimension_semantics = [#tpu.dimension_semantics<arbitrary>], iteration_bounds = array<i64: 10>, scalar_prefetch = 0 : i64, scratch_operands = 0 : i64, tpu.core_type = #tpu.core_type<tc>, window_params = [{transform_indices = @transform_0, window_bounds = array<i64: 1000, 128>}, {pipeline_mode = #tpu.pipeline_mode<synchronous>, transform_indices = @transform_1, window_bounds = array<i64: 2, 128>}, {pipeline_mode = #tpu.pipeline_mode<synchronous>, transform_indices = @transform_2, window_bounds = array<i64: 2, 128>}, {pipeline_mode = #tpu.pipeline_mode<synchronous>, transform_indices = @transform_3, window_bounds = array<i64: 128, 512>}, {pipeline_mode = #tpu.pipeline_mode<synchronous>, transform_indices = @transform_4, window_bounds = array<i64: 1, 512>}, {transform_indices = @transform_5, window_bounds = array<i64: 1000, 128>}, {transform_indices = @transform_6, window_bounds = array<i64: 1000, 128>}, {transform_indices = @transform_7, window_bounds = array<i64: 1000, 128>}, {transform_indices = @transform_8, window_bounds = array<i64: 1000, 128>}]} {
    %get3A = arith.constant 0 : index
    %get3A_0 = arith.constant 0 : index
    %get3A_1 = vector.load %arg2[%get3A, %get3A_0] : memref<2x128xf32, #tpu.memory_space<vmem>>, vector<1x128xf32>
    %get3A_2 = vector.shape_cast %get3A_1 : vector<1x128xf32> to vector<128xf32>
    %mul3A = arith.constant 9.99999974E-5 : f32
    %mul3A_3 = vector.broadcast %mul3A : f32 to vector<128xf32>
    %mul3A_4 = arith.mulf %get3A_2, %mul3A_3 : vector<128xf32>
    %get3A_5 = arith.constant 1 : index
    %get3A_6 = arith.constant 0 : index
    %get3A_7 = vector.load %arg2[%get3A_5, %get3A_6] : memref<2x128xf32, #tpu.memory_space<vmem>>, vector<1x128xf32>
    %get3A_8 = vector.shape_cast %get3A_7 : vector<1x128xf32> to vector<128xf32>
    %mul3A_9 = arith.constant 9.99999974E-5 : f32
    %mul3A_10 = vector.broadcast %mul3A_9 : f32 to vector<128xf32>
    %mul3A_11 = arith.mulf %get3A_8, %mul3A_10 : vector<128xf32>
    %mul3A_12 = arith.mulf %mul3A_4, %mul3A_4 : vector<128xf32>
    %sub3A = arith.subf %mul3A_11, %mul3A_12 : vector<128xf32>
    %add3A = arith.constant 9.99999974E-6 : f32
    %add3A_13 = vector.broadcast %add3A : f32 to vector<128xf32>
    %add3A_14 = arith.addf %sub3A, %add3A_13 : vector<128xf32>
    %rsqrt3A = math.rsqrt %add3A_14 : vector<128xf32>
    %get3A_15 = arith.constant 0 : index
    %get3A_16 = arith.constant 0 : index
    %get3A_17 = vector.load %arg1[%get3A_15, %get3A_16] : memref<1000x128xf32, #tpu.memory_space<vmem>>, vector<1000x128xf32>
    %broadcast_in_dim3A = vector.shape_cast %mul3A_4 : vector<128xf32> to vector<1x128xf32>
    %sub3A_18 = vector.broadcast %broadcast_in_dim3A : vector<1x128xf32> to vector<1000x128xf32>
    %sub3A_19 = arith.subf %get3A_17, %sub3A_18 : vector<1000x128xf32>
    %get3A_20 = arith.constant 0 : index
    %get3A_21 = arith.constant 0 : index
    %get3A_22 = vector.load %arg3[%get3A_20, %get3A_21] : memref<2x128xf32, #tpu.memory_space<vmem>>, vector<1x128xf32>
    %get3A_23 = vector.shape_cast %get3A_22 : vector<1x128xf32> to vector<128xf32>
    %mul3A_24 = arith.mulf %rsqrt3A, %get3A_23 : vector<128xf32>
    %broadcast_in_dim3A_25 = vector.shape_cast %mul3A_24 : vector<128xf32> to vector<1x128xf32>
    %mul3A_26 = vector.broadcast %broadcast_in_dim3A_25 : vector<1x128xf32> to vector<1000x128xf32>
    %mul3A_27 = arith.mulf %sub3A_19, %mul3A_26 : vector<1000x128xf32>
    %get3A_28 = arith.constant 1 : index
    %get3A_29 = arith.constant 0 : index
    %get3A_30 = vector.load %arg3[%get3A_28, %get3A_29] : memref<2x128xf32, #tpu.memory_space<vmem>>, vector<1x128xf32>
    %get3A_31 = vector.shape_cast %get3A_30 : vector<1x128xf32> to vector<128xf32>
    %broadcast_in_dim3A_32 = vector.shape_cast %get3A_31 : vector<128xf32> to vector<1x128xf32>
    %add3A_33 = vector.broadcast %broadcast_in_dim3A_32 : vector<1x128xf32> to vector<1000x128xf32>
    %add3A_34 = arith.addf %mul3A_27, %add3A_33 : vector<1000x128xf32>
    %get3A_35 = arith.constant 0 : index
    %get3A_36 = arith.constant 0 : index
    %get3A_37 = vector.load %arg4[%get3A_35, %get3A_36] : memref<128x512xf32, #tpu.memory_space<vmem>>, vector<128x512xf32>
    %dot_general3A = arith.constant dense<0.000000e+00> : vector<1000x512xf32>
    %dot_general3A_38 = tpu.matmul %add3A_34, %get3A_37, %dot_general3A {dimension_numbers = #tpu.dot_dimension_numbers<[1], [0], [0], [1], [0, 0, 1, 1], [], []>, transpose_lhs_hint = false} : vector<1000x128xf32>, vector<128x512xf32>, vector<1000x512xf32> -> vector<1000x512xf32>
    %get3A_39 = arith.constant 0 : index
    %get3A_40 = arith.constant 0 : index
    %get3A_41 = vector.load %arg5[%get3A_39, %get3A_40] : memref<1x512xf32, #tpu.memory_space<vmem>>, vector<1x512xf32>
    %add3A_42 = vector.broadcast %get3A_41 : vector<1x512xf32> to vector<1000x512xf32>
    %add3A_43 = arith.addf %dot_general3A_38, %add3A_42 : vector<1000x512xf32>
    %slice3A = vector.extract_strided_slice %add3A_43 {offsets = [0, 0], sizes = [1000, 128], strides = [1, 1]} : vector<1000x512xf32> to vector<1000x128xf32>
    %swap3A = arith.constant 0 : index
    %swap3A_44 = arith.constant 0 : index
    %swap3A_45 = vector.load %arg6[%swap3A, %swap3A_44] : memref<1000x128xf32, #tpu.memory_space<vmem>>, vector<1000x128xf32>
    tpu.vector_store %arg6[%swap3A, %swap3A_44], %slice3A {strides = array<i32>} : memref<1000x128xf32, #tpu.memory_space<vmem>>, vector<1000x128xf32>,
    %slice3A_46 = vector.extract_strided_slice %add3A_43 {offsets = [0, 128], sizes = [1000, 128], strides = [1, 1]} : vector<1000x512xf32> to vector<1000x128xf32>
    %swap3A_47 = arith.constant 0 : index
    %swap3A_48 = arith.constant 0 : index
    %swap3A_49 = vector.load %arg7[%swap3A_47, %swap3A_48] : memref<1000x128xf32, #tpu.memory_space<vmem>>, vector<1000x128xf32>
    tpu.vector_store %arg7[%swap3A_47, %swap3A_48], %slice3A_46 {strides = array<i32>} : memref<1000x128xf32, #tpu.memory_space<vmem>>, vector<1000x128xf32>,
    %slice3A_50 = vector.extract_strided_slice %add3A_43 {offsets = [0, 256], sizes = [1000, 128], strides = [1, 1]} : vector<1000x512xf32> to vector<1000x128xf32>
    %swap3A_51 = arith.constant 0 : index
    %swap3A_52 = arith.constant 0 : index
    %swap3A_53 = vector.load %arg8[%swap3A_51, %swap3A_52] : memref<1000x128xf32, #tpu.memory_space<vmem>>, vector<1000x128xf32>
    tpu.vector_store %arg8[%swap3A_51, %swap3A_52], %slice3A_50 {strides = array<i32>} : memref<1000x128xf32, #tpu.memory_space<vmem>>, vector<1000x128xf32>,
    %slice3A_54 = vector.extract_strided_slice %add3A_43 {offsets = [0, 384], sizes = [1000, 128], strides = [1, 1]} : vector<1000x512xf32> to vector<1000x128xf32>
    %swap3A_55 = arith.constant 0 : index
    %swap3A_56 = arith.constant 0 : index
    %swap3A_57 = vector.load %arg9[%swap3A_55, %swap3A_56] : memref<1000x128xf32, #tpu.memory_space<vmem>>, vector<1000x128xf32>
    tpu.vector_store %arg9[%swap3A_55, %swap3A_56], %slice3A_54 {strides = array<i32>} : memref<1000x128xf32, #tpu.memory_space<vmem>>, vector<1000x128xf32>,
    return
  }
  func.func @transform_0(%arg0: i32) -> (i32, i32) {
    %c0_i32 = arith.constant 0 : i32
    %c0_i32_0 = arith.constant 0 : i32
    return %arg0, %c0_i32 : i32, i32
  }
  func.func @transform_1(%arg0: i32) -> (i32, i32) {
    %c0_i32 = arith.constant 0 : i32
    %c0_i32_0 = arith.constant 0 : i32
    %c0_i32_1 = arith.constant 0 : i32
    return %c0_i32, %c0_i32_0 : i32, i32
  }
  func.func @transform_2(%arg0: i32) -> (i32, i32) {
    %c0_i32 = arith.constant 0 : i32
    %c0_i32_0 = arith.constant 0 : i32
    %c0_i32_1 = arith.constant 0 : i32
    return %c0_i32, %c0_i32_0 : i32, i32
  }
  func.func @transform_3(%arg0: i32) -> (i32, i32) {
    %c0_i32 = arith.constant 0 : i32
    %c0_i32_0 = arith.constant 0 : i32
    %c0_i32_1 = arith.constant 0 : i32
    return %c0_i32, %c0_i32_0 : i32, i32
  }
  func.func @transform_4(%arg0: i32) -> (i32, i32) {
    %c0_i32 = arith.constant 0 : i32
    %c0_i32_0 = arith.constant 0 : i32
    %c0_i32_1 = arith.constant 0 : i32
    return %c0_i32, %c0_i32_0 : i32, i32
  }
  func.func @transform_5(%arg0: i32) -> (i32, i32) {
    %c0_i32 = arith.constant 0 : i32
    %c0_i32_0 = arith.constant 0 : i32
    return %arg0, %c0_i32 : i32, i32
  }
  func.func @transform_6(%arg0: i32) -> (i32, i32) {
    %c0_i32 = arith.constant 0 : i32
    %c0_i32_0 = arith.constant 0 : i32
    return %arg0, %c0_i32 : i32, i32
  }
  func.func @transform_7(%arg0: i32) -> (i32, i32) {
    %c0_i32 = arith.constant 0 : i32
    %c0_i32_0 = arith.constant 0 : i32
    return %arg0, %c0_i32 : i32, i32
  }
  func.func @transform_8(%arg0: i32) -> (i32, i32) {
    %c0_i32 = arith.constant 0 : i32
    %c0_i32_0 = arith.constant 0 : i32
    return %arg0, %c0_i32 : i32, i32
  }
}

module attributes {stable_mosaic.version = 14 : i64} {
  func.func @_final_body(%arg0: memref<10000x128xf32, #tpu.memory_space<vmem>>, %arg1: memref<2x128xf32, #tpu.memory_space<vmem>>, %arg2: memref<2x128xf32, #tpu.memory_space<vmem>>, %arg3: memref<10000x1xi32, #tpu.memory_space<vmem>>, %arg4: memref<8x10xf32, #tpu.memory_space<vmem>>, %arg5: memref<128x2xf32, #tpu.memory_space<vmem>>, %arg6: memref<10x2xf32, #tpu.memory_space<vmem>>, %arg7: memref<1x2xf32, #tpu.memory_space<vmem>>, %arg8: memref<8x2xf32, #tpu.memory_space<vmem>>) attributes {dimension_semantics = [], scalar_prefetch = 0 : i64, scratch_operands = 0 : i64, tpu.core_type = #tpu.core_type<tc>} {
    %get3A = arith.constant 0 : index
    %get3A_0 = arith.constant 0 : index
    %get3A_1 = vector.load %arg1[%get3A, %get3A_0] : memref<2x128xf32, #tpu.memory_space<vmem>>, vector<1x128xf32>
    %get3A_2 = vector.shape_cast %get3A_1 : vector<1x128xf32> to vector<128xf32>
    %mul3A = arith.constant 9.99999974E-5 : f32
    %mul3A_3 = vector.broadcast %mul3A : f32 to vector<128xf32>
    %mul3A_4 = arith.mulf %get3A_2, %mul3A_3 : vector<128xf32>
    %get3A_5 = arith.constant 1 : index
    %get3A_6 = arith.constant 0 : index
    %get3A_7 = vector.load %arg1[%get3A_5, %get3A_6] : memref<2x128xf32, #tpu.memory_space<vmem>>, vector<1x128xf32>
    %get3A_8 = vector.shape_cast %get3A_7 : vector<1x128xf32> to vector<128xf32>
    %mul3A_9 = arith.constant 9.99999974E-5 : f32
    %mul3A_10 = vector.broadcast %mul3A_9 : f32 to vector<128xf32>
    %mul3A_11 = arith.mulf %get3A_8, %mul3A_10 : vector<128xf32>
    %mul3A_12 = arith.mulf %mul3A_4, %mul3A_4 : vector<128xf32>
    %sub3A = arith.subf %mul3A_11, %mul3A_12 : vector<128xf32>
    %add3A = arith.constant 9.99999974E-6 : f32
    %add3A_13 = vector.broadcast %add3A : f32 to vector<128xf32>
    %add3A_14 = arith.addf %sub3A, %add3A_13 : vector<128xf32>
    %rsqrt3A = math.rsqrt %add3A_14 : vector<128xf32>
    %get3A_15 = arith.constant 0 : index
    %get3A_16 = arith.constant 0 : index
    %get3A_17 = vector.load %arg0[%get3A_15, %get3A_16] : memref<10000x128xf32, #tpu.memory_space<vmem>>, vector<10000x128xf32>
    %broadcast_in_dim3A = vector.shape_cast %mul3A_4 : vector<128xf32> to vector<1x128xf32>
    %sub3A_18 = vector.broadcast %broadcast_in_dim3A : vector<1x128xf32> to vector<10000x128xf32>
    %sub3A_19 = arith.subf %get3A_17, %sub3A_18 : vector<10000x128xf32>
    %get3A_20 = arith.constant 0 : index
    %get3A_21 = arith.constant 0 : index
    %get3A_22 = vector.load %arg2[%get3A_20, %get3A_21] : memref<2x128xf32, #tpu.memory_space<vmem>>, vector<1x128xf32>
    %get3A_23 = vector.shape_cast %get3A_22 : vector<1x128xf32> to vector<128xf32>
    %mul3A_24 = arith.mulf %rsqrt3A, %get3A_23 : vector<128xf32>
    %broadcast_in_dim3A_25 = vector.shape_cast %mul3A_24 : vector<128xf32> to vector<1x128xf32>
    %mul3A_26 = vector.broadcast %broadcast_in_dim3A_25 : vector<1x128xf32> to vector<10000x128xf32>
    %mul3A_27 = arith.mulf %sub3A_19, %mul3A_26 : vector<10000x128xf32>
    %get3A_28 = arith.constant 1 : index
    %get3A_29 = arith.constant 0 : index
    %get3A_30 = vector.load %arg2[%get3A_28, %get3A_29] : memref<2x128xf32, #tpu.memory_space<vmem>>, vector<1x128xf32>
    %get3A_31 = vector.shape_cast %get3A_30 : vector<1x128xf32> to vector<128xf32>
    %broadcast_in_dim3A_32 = vector.shape_cast %get3A_31 : vector<128xf32> to vector<1x128xf32>
    %add3A_33 = vector.broadcast %broadcast_in_dim3A_32 : vector<1x128xf32> to vector<10000x128xf32>
    %add3A_34 = arith.addf %mul3A_27, %add3A_33 : vector<10000x128xf32>
    %get3A_35 = arith.constant 0 : index
    %get3A_36 = arith.constant 0 : index
    %get3A_37 = vector.load %arg3[%get3A_35, %get3A_36] : memref<10000x1xi32, #tpu.memory_space<vmem>>, vector<10000x1xi32>
    %iota3A = tpu.iota {dimensions = array<i32: 1>} : vector<10000x8xi32>
    %eq3A = vector.broadcast %get3A_37 : vector<10000x1xi32> to vector<10000x8xi32>
    %eq3A_38 = arith.cmpi eq, %eq3A, %iota3A : vector<10000x8xi32>
    %convert_element_type3A = arith.extui %eq3A_38 : vector<10000x8xi1> to vector<10000x8xi32>
    %convert_element_type3A_39 = arith.sitofp %convert_element_type3A : vector<10000x8xi32> to vector<10000x8xf32>
    %dot_general3A = arith.constant dense<0.000000e+00> : vector<8x128xf32>
    %dot_general3A_40 = tpu.matmul %convert_element_type3A_39, %add3A_34, %dot_general3A {dimension_numbers = #tpu.dot_dimension_numbers<[0], [0], [1], [1], [0, 1, 1, 1], [], []>, transpose_lhs_hint = false} : vector<10000x8xf32>, vector<10000x128xf32>, vector<8x128xf32> -> vector<8x128xf32>
    %reduce_sum3A = arith.constant dense<0.000000e+00> : vector<8xf32>
    %reduce_sum3A_41 = vector.multi_reduction <add>, %convert_element_type3A_39, %reduce_sum3A [0] : vector<10000x8xf32> to vector<8xf32>
    %broadcast_in_dim3A_42 = vector.shape_cast %reduce_sum3A_41 : vector<8xf32> to vector<8x1xf32>
    %jit3A = arith.constant 1.000000e+00 : f32
    %max3A = vector.broadcast %jit3A : f32 to vector<8x1xf32>
    %max3A_43 = arith.maximumf %max3A, %broadcast_in_dim3A_42 : vector<8x1xf32>
    %div3A = vector.broadcast %max3A_43 : vector<8x1xf32> to vector<8x128xf32>
    %div3A_44 = arith.divf %dot_general3A_40, %div3A : vector<8x128xf32>
    %get3A_45 = arith.constant 0 : index
    %get3A_46 = arith.constant 0 : index
    %get3A_47 = vector.load %arg5[%get3A_45, %get3A_46] : memref<128x2xf32, #tpu.memory_space<vmem>>, vector<128x2xf32>
    %dot_general3A_48 = arith.constant dense<0.000000e+00> : vector<8x2xf32>
    %dot_general3A_49 = tpu.matmul %div3A_44, %get3A_47, %dot_general3A_48 {dimension_numbers = #tpu.dot_dimension_numbers<[1], [0], [0], [1], [0, 0, 1, 1], [], []>, transpose_lhs_hint = false} : vector<8x128xf32>, vector<128x2xf32>, vector<8x2xf32> -> vector<8x2xf32>
    %get3A_50 = arith.constant 0 : index
    %get3A_51 = arith.constant 0 : index
    %get3A_52 = vector.load %arg4[%get3A_50, %get3A_51] : memref<8x10xf32, #tpu.memory_space<vmem>>, vector<8x10xf32>
    %get3A_53 = arith.constant 0 : index
    %get3A_54 = arith.constant 0 : index
    %get3A_55 = vector.load %arg6[%get3A_53, %get3A_54] : memref<10x2xf32, #tpu.memory_space<vmem>>, vector<10x2xf32>
    %dot_general3A_56 = arith.constant dense<0.000000e+00> : vector<8x2xf32>
    %dot_general3A_57 = tpu.matmul %get3A_52, %get3A_55, %dot_general3A_56 {dimension_numbers = #tpu.dot_dimension_numbers<[1], [0], [0], [1], [0, 0, 1, 1], [], []>, transpose_lhs_hint = false} : vector<8x10xf32>, vector<10x2xf32>, vector<8x2xf32> -> vector<8x2xf32>
    %add3A_58 = arith.addf %dot_general3A_49, %dot_general3A_57 : vector<8x2xf32>
    %get3A_59 = arith.constant 0 : index
    %get3A_60 = arith.constant 0 : index
    %get3A_61 = vector.load %arg7[%get3A_59, %get3A_60] : memref<1x2xf32, #tpu.memory_space<vmem>>, vector<1x2xf32>
    %add3A_62 = vector.broadcast %get3A_61 : vector<1x2xf32> to vector<8x2xf32>
    %add3A_63 = arith.addf %add3A_58, %add3A_62 : vector<8x2xf32>
    %swap3A = arith.constant 0 : index
    %swap3A_64 = arith.constant 0 : index
    %swap3A_65 = vector.load %arg8[%swap3A, %swap3A_64] : memref<8x2xf32, #tpu.memory_space<vmem>>, vector<8x2xf32>
    tpu.vector_store %arg8[%swap3A, %swap3A_64], %add3A_63 {strides = array<i32>} : memref<8x2xf32, #tpu.memory_space<vmem>>, vector<8x2xf32>,
    return
  }
}

</mosaic_0001>

<sc_bundles>
// kernel: kernel.12.cloned.1.call-start
scs
__scs_entry_jumppad:
0x0: {  	(pc) =	sbr.rel $0x88, $3  }
0x1: {  	(tag) =	ssettag $0x0;
	lr =	simm.s32 $0x1  }
0x2: {  	[smem:$0x3F76] =	sst lr;
	_ =	strace $0xD0000000  }
0x3: {  	_ = 	snop  }
0x4: {  	_ = 	snop  }
0x5: {  	_ = 	snop  }
0x6: {  	_ = 	snop  }
0x7: {  	_ = 	snop  }
__scs_overlays_trampoline_lowered:
0x8: {  	[smem:$0x3F85] =	sst s0  }
0x9: {  	[smem:$0x3F86] =	sst s1  }
0xa: {  	[smem:$0x3F87] =	sst s2  }
0xb: {  	[smem:$0x3F88] =	sst s3  }
0xc: {  	[smem:$0x3F89] =	sst s4  }
0xd: {  	[smem:$0x3F8A] =	sst s5  }
0xe: {  	[smem:$0x3F8B] =	sst s6  }
0xf: {  	[smem:$0x3F8C] =	sst s7  }
0x10: {  	[smem:$0x3F8D] =	sst s8  }
0x11: {  	[smem:$0x3F8E] =	sst s9;
	s0 =	simm.s32 @!p0 $0x0  }
0x12: {  	s1 =	sld [smem:$0x3F74];
	s0 =	simm.s32 @p0 $0x1  }
0x13: {  	[smem:$0x3F8F] =	sst s0;
	s0 =	simm.s32 @!p1 $0x0  }
0x14: {  	s2 =	sld [smem:$0x3F73];
	s0 =	simm.s32 @p1 $0x1  }
0x15: {  	[smem:$0x3F90] =	sst s0;
	s0 =	simm.s32 @!p2 $0x0  }
0x16: {  	s3 =	sld [smem:$0x3FDB];
	s0 =	simm.s32 @p2 $0x1  }
0x17: {  	s4 =	simm.s32 $0x1BF5;
	[smem:$0x3F92] =	sst s0  }
0x18: {  	s0 =	sld [smem:$0x3F75];
	_ =	swait.ge [sflag:s4], $0x0  }
0x19: {  	s7 =	sld [smem:$0x3F76]  }
0x1a: {  	s8 =	sadd.s32 $0xFFFFE003, lr  }
0x1b: {  	s9 =	sadd.s32 $0xFFFFFEF7, lr;
	s5 =	simm.s32 $0xFFFFFFFF;
	p2 =	slt.u32 s8, $0xFFFFF086  }
0x1c: {  	p1 =	slt.u32 s9, $0xF7A;
	s5 =	simm.s32 @!p2 $0x0  }
0x1d: {  	s5 =	simm.s32 @p1 $0x1;
	p0 =	seq.s32 s7, s2  }
0x1e: {  	s7 =	smul.u32 @!p0 $0xF7A, s2;
	p2 =	seq.s32 @!p0 s5, $0x0  }
0x1f: {  	s9 =	smul.u32 $0xF7A, s1;
	s8 =	simm.s32 @!p0 $0x1BF5;
	p2 =	por !p2, p0  }
0x20: {  	[sflag:s8] =	ssyncset.s32 @!p0 $0xFFFFF086;
	s6 =	sadd.s32 @!p0 s3, s7;
	s7 =	simm.s32 @!p0 $0x108  }
0x21: {  	s3 =	sadd.s32 s3, s9;
	s6 =	sadd.s32 @!p0 $0x88, s6;
	s7 =	simm.s32 @p2 $0x1082  }
0x22: {  	[simem:s7], [sflag:s8] =	dma.local @!p0 [hbm:s6], $0xF7A  }
0x23: {  	s9 =	sor.u32 $0xD0000000, s2;
	s6 =	simm.s32 $0x108;
	_ =	swait.ge @!p0 [sflag:s8], $0x0  }
0x24: {  	s3 =	sadd.s32 $0x88, s3;
	s6 =	simm.s32 @!p1 $0x1082;
	[sflag:s4] =	ssyncset.s32 $0xFFFFF086  }
0x25: {  	[simem:s6], [sflag:s4] =	dma.local [hbm:s3], $0xF7A  }
0x26: {  	[smem:$0x3F76] =	sst s1;
	(tag) =	ssettag s2;
	_ =	strace s9  }
0x27: {  	s1 =	sld [smem:$0x3F86]  }
0x28: {  	s2 =	sld [smem:$0x3F87]  }
0x29: {  	s4 =	sld [smem:$0x3F89]  }
0x2a: {  	p0 =	seq.s32 s5, $0x0;
	s5 =	sld [smem:$0x3F8A]  }
0x2b: {  	s6 =	sld [smem:$0x3F8B]  }
0x2c: {  	s7 =	sld [smem:$0x3F8C]  }
0x2d: {  	s3 =	simm.s32 $0x108;
	s8 =	sld [smem:$0x3F8D]  }
0x2e: {  	s3 =	simm.s32 @!p0 $0x1082;
	s9 =	sld [smem:$0x3F8E]  }
0x2f: {  	lr =	sadd.s32 s0, s3;
	s0 =	sld [smem:$0x3F85]  }
0x30: {  	s3 =	sld [smem:$0x3F88]  }
0x31: {  	[smem:$0x3F91] =	sst s10  }
0x32: {  	s10 =	sld [smem:$0x3F8F];
	_ =	sdelay $0x3  }
0x33: {  	p0 =	seq.s32 s10, $0x1;
	s10 =	sld [smem:$0x3F91];
	_ =	sdelay $0x3  }
0x34: {  	[smem:$0x3F91] =	sst s10  }
0x35: {  	s10 =	sld [smem:$0x3F90];
	_ =	sdelay $0x3  }
0x36: {  	p1 =	seq.s32 s10, $0x1;
	s10 =	sld [smem:$0x3F91];
	_ =	sdelay $0x3  }
0x37: {  	[smem:$0x3F91] =	sst s10  }
0x38: {  	s10 =	sld [smem:$0x3F92]  }
0x39: {  	_ = 	snop;
	(pc) =	sbr.ind lr, $3  }
0x3a: {  	_ = 	snop  }
0x3b: {  	_ = 	snop  }
0x3c: {  	p2 =	seq.s32 s10, $0x1;
	s10 =	sld [smem:$0x3F91]  }
0x3d: {  	_ =	shalt  }
0x3e: {  	_ =	shalt  }
0x3f: {  	_ =	shalt  }
0x40: {  	_ =	shalt  }
0x41: {  	_ =	shalt  }
0x42: {  	_ =	shalt  }
0x43: {  	_ =	shalt  }
0x44: {  	_ =	shalt  }
0x45: {  	_ =	shalt  }
0x46: {  	_ =	shalt  }
0x47: {  	_ =	shalt  }
0x48: {  	_ =	shalt  }
0x49: {  	_ =	shalt  }
0x4a: {  	_ =	shalt  }
0x4b: {  	_ =	shalt  }
0x4c: {  	_ =	shalt  }
0x4d: {  	_ =	shalt  }
0x4e: {  	_ =	shalt  }
0x4f: {  	_ =	shalt  }
0x50: {  	_ =	shalt  }
0x51: {  	_ =	shalt  }
0x52: {  	_ =	shalt  }
0x53: {  	_ =	shalt  }
0x54: {  	_ =	shalt  }
0x55: {  	_ =	shalt  }
0x56: {  	_ =	shalt  }
0x57: {  	_ =	shalt  }
0x58: {  	_ =	shalt  }
0x59: {  	_ =	shalt  }
0x5a: {  	_ =	shalt  }
0x5b: {  	_ =	shalt  }
0x5c: {  	_ =	shalt  }
0x5d: {  	_ =	shalt  }
0x5e: {  	_ =	shalt  }
0x5f: {  	_ =	shalt  }
0x60: {  	_ =	shalt  }
0x61: {  	_ =	shalt  }
0x62: {  	_ =	shalt  }
0x63: {  	_ =	shalt  }
0x64: {  	_ =	shalt  }
0x65: {  	_ =	shalt  }
0x66: {  	_ =	shalt  }
0x67: {  	_ =	shalt  }
0x68: {  	_ =	shalt  }
0x69: {  	_ =	shalt  }
0x6a: {  	_ =	shalt  }
0x6b: {  	_ =	shalt  }
0x6c: {  	_ =	shalt  }
0x6d: {  	_ =	shalt  }
0x6e: {  	_ =	shalt  }
0x6f: {  	_ =	shalt  }
0x70: {  	_ =	shalt  }
0x71: {  	_ =	shalt  }
0x72: {  	_ =	shalt  }
0x73: {  	_ =	shalt  }
0x74: {  	_ =	shalt  }
0x75: {  	_ =	shalt  }
0x76: {  	_ =	shalt  }
0x77: {  	_ =	shalt  }
0x78: {  	_ =	shalt  }
0x79: {  	_ =	shalt  }
0x7a: {  	_ =	shalt  }
0x7b: {  	_ =	shalt  }
0x7c: {  	_ =	shalt  }
0x7d: {  	_ =	shalt  }
0x7e: {  	_ =	shalt  }
0x7f: {  	_ =	shalt  }
0x80: {  	_ =	shalt  }
0x81: {  	_ =	shalt  }
0x82: {  	_ =	shalt  }
0x83: {  	_ =	shalt  }
0x84: {  	_ =	shalt  }
0x85: {  	_ =	shalt  }
0x86: {  	_ =	shalt  }
0x87: {  	_ =	shalt  }
.Lfunc_end0:
.L_simem_size_0:
called_computation_lowered:
.L_overlay_start_0:
0x88: {  	s2 =	sld [smem:$0x3FD9]  }
0x89: {  	s3 =	sld [smem:$0x3FFE];
	_ =	sdelay $0x1  }
0x8a: {  	s1 =	srdreg.scid  }
0x8b: {  	s0 =	sand.u32 $0x1, s1  }
0x8c: {  	s16 =	sshll.u32 s0, $0xA;
	s2 =	sadd.s32 s3, s2  }
0x8d: {  	s2 =	sadd.s32 s2, s16  }
0x8e: {  	[smem:$0x3F9D] =	sst s2  }
0x8f: {  	_ = 	snop  }
0x90: {  	(tm) =	ssettm $0x1  }
0x91: {  	s17 =	sld [smem:$0x3FFB];
	_ =	sdelay $0x3  }
0x92: {  	_ =	strace s17  }
0x93: {  	s2 =	sld [smem:$0x3FFC];
	_ =	sdelay $0x3  }
0x94: {  	_ =	strace s2  }
0x95: {  	s2 =	sld [smem:$0x3FFD];
	_ =	sdelay $0x3  }
0x96: {  	_ =	strace s2  }
0x97: {  	_ =	strace $0x8FFFFFFF  }
0x98: {  	s18 =	sld [smem:$0x3FDB];
	_ =	sdelay $0x1  }
0x99: {  	s19 =	simm.s32 $_scs_section_size  }
0x9a: {  	s4 =	simm.s32 $_size__tile_overlayer_lowered;
	s5 =	simm.s32 $_tile_overlayer_lowered  }
0x9b: {  	s22 =	simm.s32 $0x1BFF;
	s21 =	sshll.u32 s5, $0x1;
	s2 =	sadd.s32 s19, s18  }
0x9c: {  	s6 =	simm.s32 $0x0;
	s20 =	sshll.u32 s4, $0x1;
	s4 =	sadd.s32 s21, s2  }
0x9d: {  	[timem:s6], [sflag:s22] =	dma.local [hbm:s4], s20  }
0x9e: {  	_ =	swait.ge [sflag:s22], s20  }
0x9f: {  	s3 =	ssub.s32 $0x0, s20;
	[sflag:s22] =	ssyncset.done $0x0  }
0xa0: {  	[sflag:s22] =	ssyncadd.s32 s3;
	_ =	sdelay $0x1  }
0xa1: {  	s23 =	simm.s32 $0x1B8B  }
0xa2: {  	_ =	swait.ge [sflag:s23], $0x1  }
0xa3: {  	[sflag:s23] =	ssyncset.done $0x0  }
0xa4: {  	s25 =	simm.s32 $0x1B8E;
	s24 =	sld [smem:$0x3FFE];
	[sflag:s23] =	ssyncadd.s32 $0xFFFFFFFF  }
0xa5: {  	s26 =	simm.s32 $execute0_lowered;
	[smem:$0x3FD2] =	sst s25  }
0xa6: {  	s4 =	sshll.u32 s26, $0x1;
	_ =	strace $0x80000046;
	[dreg:$0x1] =	wrdreg $0xFFFFFFFF  }
0xa7: {  	s28 =	simm.s32 $_size_execute0_lowered;
	s2 =	sadd.s32 s2, s4;
	[dreg:$0x0] =	wrdreg $0x0  }
0xa8: {  	s4 =	sshll.u32 s28, $0x1;
	[dreg:$0x2] =	wrdreg s2  }
0xa9: {  	[dreg:$0x3] =	wrdreg s4  }
0xaa: {  	[dreg:$0x4] =	wrdreg $0xC0  }
0xab: {  	_ =	task [dreg:s6], $0x5FFFF  }
0xac: {  	[dreg:$0x1] =	wrdreg $0xFFFFFFFF  }
0xad: {  	[dreg:$0x0] =	wrdreg $0x60  }
0xae: {  	[dreg:$0x2] =	wrdreg s24  }
0xaf: {  	[dreg:$0x3] =	wrdreg $0x7C000  }
0xb0: {  	[dreg:$0x4] =	wrdreg $0x9  }
0xb1: {  	_ =	task.clear_ibuf [dreg:s6], $0x5FFFF;
	_ =	strace $0x90000046  }
0xb2: {  	s29 =	simm.s32 $0x9;
	_ =	strace $0x80000048  }
0xb3: {  	_ =	swait.ge [sflag:s29], $0x1  }
0xb4: {  	[sflag:s29] =	ssyncadd.s32 $0xFFFFFFFF  }
0xb5: {  	_ =	strace $0x90000048  }
0xb6: {  	_ =	sfence  }
0xb7: {  	s30 =	sld [smem:$0x0];
	_ =	sdelay $0x2  }
0xb8: {  	s31 =	sshll.u32 s1, $0xD;
	s1 =	sshrl.u32 s1, $0x2  }
0xb9: {  	s3 =	sand.u32 $0x4000, s31;
	s1 =	sadd.s32 s1, s30  }
0xba: {  	s0 =	sor.u32 s3, s0;
	s1 =	sshll.u32 s1, $0x11  }
0xbb: {  	s0 =	sor.u32 s1, s0  }
0xbc: {  	s0 =	sadd.s32 $0x8F2B, s0  }
0xbd: {  	[sflag:s0] =	ssyncadd.remote.s32 $0x1  }
0xbe: {  	_ =	sfence.sel $0xFFFF  }
0xbf: {  	[dreg:$0x0] =	wrdreg $0xFFFFFFFF;
	(pc) =	sbr.abs _section_cstart, $3  }
0xc0: {  	[dreg:$0x1] =	wrdreg $0xFFFFFFFF  }
0xc1: {  	_ =	task.clear_ibuf [dreg:s6], $0x2FFFF;
	_ =	strace $0x9FFFFFFF  }
0xc2: {  	(tm) =	ssettm $0x7FFFFFFF  }
0xc3: {  	_ =	shalt  }
tec
execute0_lowered:
.L_overlay_start_1:
0x0: {  	(tag) =	ssettag $0x1  }
0x1: {  	s0 =	rddreg [dreg:$0x0]  }
0x2: {  	s1 =	rddreg [dreg:$0x1];
	s2 =	simm.s32 $0x0  }
0x3: {  	s19 =	srdreg.scid;
	s14 =	stileid.u32;
	s29 =	simm.s32 $0x2900  }
0x4: {  	s31 =	simm.s32 $0x3D00;
	s28 =	simm.s32 $0x5;
	[smem:$0x7FF] =	sst s2  }
0x5: {  	s3 =	sadd.s32 $0x1C200, s0;
	s4 =	sadd.s32 $0x43400, s0;
	s6 =	sadd.s32 $0x6A600, s0  }
0x6: {  	s7 =	sadd.s32 $0x12400, s0;
	s8 =	sadd.s32 $0x8600, s0;
	s9 =	sadd.s32 $0x4FE400, s0  }
0x7: {  	s2 =	sand.u32 $0x1, s19;
	s5 =	sshll.u32 s14, $0x1;
	s10 =	sadd.s32 $0x4FE200, s0  }
0x8: {  	s20 =	smul.u32 $0x4E000, s14;
	s11 =	sadd.s32 $0xB8A00, s0;
	s0 =	sadd.s32 $0xBB200, s0  }
0x9: {  	s23 =	smul.u32 $0x13800, s14;
	s15 =	sadd.s32 $0x138000, s1;
	p0 =	sne.s32 s14, $0xF  }
0xa: {  	s14 =	simm.s32 $0x6;
	_ =	strace $0x80000047;
	[dreg:$0x3] =	wrdreg s10  }
0xb: {  	s5 =	sor.u32 s2, s5;
	[dreg:$0x4] =	wrdreg s11;
	s21 =	ssub.s32 $0x2, s2  }
0xc: {  	s2 =	smul.u32 $0x138800, s2;
	[dreg:$0x6] =	wrdreg s15;
	s15 =	simm.s32 $0x0  }
0xd: {  	s12 =	smul.u32 $0x2710, s5;
	s13 =	sshrl.u32 s21, $0x1;
	s10 =	sshrl.u32 s20, $0x2  }
0xe: {  	s5 =	smul.u32 $0x27100, s5;
	s11 =	ssub.s32 s21, s13;
	s10 =	sadd.s32 s10, s1  }
0xf: {  	s25 =	sadd.s32 s23, s2;
	s2 =	sshrl.u32 s2, $0x3;
	s23 =	simm.s32 $0x7  }
0x10: {  	s13 =	simm.s32 $0x4;
	[dreg:$0x5] =	wrdreg s10;
	s22 =	sshrl.u32 s12, $0x3  }
0x11: {  	s5 =	sadd.s32 s9, s5;
	s17 =	sadd.s32 $0x28, s12;
	s2 =	sadd.s32 s0, s2  }
0x12: {  	s18 =	sadd.s32 $0x50, s12;
	s30 =	smax.u32 s11, $0x1;
	[dreg:$0x9] =	wrdreg s5  }
0x13: {  	s12 =	simm.s32 $0x3;
	s24 =	sadd.s32 s7, s22;
	[dreg:$0xc] =	wrdreg s30  }
0x14: {  	s10 =	sadd.s32 s8, s22;
	s5 =	sshrl.u32 s25, $0x3;
	[dreg:$0x7] =	wrdreg s24  }
0x15: {  	s26 =	sadd.s32 $0x27000, s2;
	s22 =	simm.s32 $0x3E00;
	[dreg:$0x8] =	wrdreg s10  }
0x16: {  	s25 =	simm.s32 $0x5200;
	s0 =	sadd.s32 s0, s5;
	[dreg:$0xb] =	wrdreg s26  }
0x17: {  	s24 =	simm.s32 $0x80;
	s26 =	simm.s32 $0x28;
	s5 =	simm.s32 $0x6600  }
0x18: {  	s10 =	simm.s32 $0x2;
	[dreg:$0xa] =	wrdreg s0;
	s0 =	simm.s32 $0x3D80  }
.LBB2_1:
0x19: {  	s11 =	simm.s32 $0x0  }
0x1a: {  	s2 =	rddreg [dreg:$0x3];
	s16 =	simm.s32 $0x7A00;
	s19 =	stileid.u32  }
0x1b: {  	[tilespmem:s16], [sflag:$0x7] =	stream.linear.gather [hbm4b:s2+s11], $0x200, $0x38;
	[tilespmem:$0x1B480] =	vst v63  }
0x1c: {  	s2 =	sshll.u32 s19, $0x6;
	_ =	swait.ge [sflag:s23], $0x200  }
0x1d: {  	s16 =	sor.u32 $0x1C07, s2;
	s20 =	rddreg [dreg:$0x5]  }
0x1e: {  	[sflag:s23] =	ssyncset.done $0x0;
	s2 =	rddreg [dreg:$0x4];
	s19 =	sshrl.u32 s20, $0x3  }
0x1f: {  	[sflag:s23] =	ssyncadd.s32 $0xFFFFFE00;
	[dreg:$0xd] =	wrdreg s19  }
0x20: {  	[spmem:s19], [sflag:s16] =	dma.local [hbm:s2], $0x2700  }
0x21: {  	_ =	swait.ge [sflag:s23], $0x2700  }
0x22: {  	s19 =	rddreg [dreg:$0x6]  }
0x23: {  	[sflag:s23] =	ssyncset.done $0x0;
	s19 =	sshrl.u32 @!p0 s19, $0x3  }
0x24: {  	[sflag:s23] =	ssyncadd.s32 $0xFFFFD900;
	[dreg:$0xe] =	wrdreg s19  }
0x25: {  	[spmem:s19], [sflag:s16] =	dma.local @!p0 [hbm:s2], $0x100  }
0x26: {  	s2 =	simm.s32 @!p0 $0x7  }
0x27: {  	_ =	swait.ge @!p0 [sflag:s2], $0x100  }
0x28: {  	[sflag:s2] =	ssyncset.done @!p0 $0x0  }
0x29: {  	[sflag:s2] =	ssyncadd.s32 @!p0 $0xFFFFFF00  }
0x2a: {  	[bflag:$0x0] =	sbarrier.arrive $0xFFFF  }
0x2b: {  	v0 =	vld [tilespmem:$0x7A00]  }
0x2c: {  	v1 =	vld [tilespmem:$0x7A10]  }
0x2d: {  	v2 =	vld [tilespmem:$0x7A20]  }
0x2e: {  	v3 =	vld [tilespmem:$0x7A30]  }
0x2f: {  	v4 =	vld [tilespmem:$0x7A40]  }
0x30: {  	v5 =	vld [tilespmem:$0x7A50]  }
0x31: {  	v6 =	vld [tilespmem:$0x7A60]  }
0x32: {  	v7 =	vld [tilespmem:$0x7A70]  }
0x33: {  	v8 =	vld [tilespmem:$0x7A80]  }
0x34: {  	v9 =	vld [tilespmem:$0x7A90]  }
0x35: {  	v10 =	vld [tilespmem:$0x7AA0]  }
0x36: {  	v11 =	vld [tilespmem:$0x7AB0]  }
0x37: {  	v12 =	vld [tilespmem:$0x7AC0]  }
0x38: {  	v13 =	vld [tilespmem:$0x7AD0]  }
0x39: {  	v14 =	vld [tilespmem:$0x7AE0]  }
0x3a: {  	v15 =	vld [tilespmem:$0x7AF0]  }
0x3b: {  	v16 =	vld [tilespmem:$0x7B00]  }
0x3c: {  	v17 =	vld [tilespmem:$0x7B10]  }
0x3d: {  	v18 =	vld [tilespmem:$0x7B20]  }
0x3e: {  	v19 =	vld [tilespmem:$0x7B30]  }
0x3f: {  	v20 =	vld [tilespmem:$0x7B40]  }
0x40: {  	v21 =	vld [tilespmem:$0x7B50]  }
0x41: {  	v22 =	vld [tilespmem:$0x7B60]  }
0x42: {  	v23 =	vld [tilespmem:$0x7B70]  }
0x43: {  	v24 =	vld [tilespmem:$0x7B80]  }
0x44: {  	v25 =	vld [tilespmem:$0x7B90]  }
0x45: {  	v26 =	vld [tilespmem:$0x7BA0]  }
0x46: {  	v27 =	vld [tilespmem:$0x7BB0]  }
0x47: {  	v28 =	vld [tilespmem:$0x7BC0]  }
0x48: {  	v29 =	vld [tilespmem:$0x7BD0]  }
0x49: {  	v30 =	vld [tilespmem:$0x7BE0];
	s21 =	rddreg [dreg:$0x7]  }
0x4a: {  	v31 =	vld [tilespmem:$0x7BF0];
	[tilespmem:s11], [sflag:$0x7] =	stream.linear.gather [hbm4b:s21+s11], $0x28, $0x38  }
0x4b: {  	_ =	swait.ge [sflag:s23], $0x28  }
0x4c: {  	[sflag:s23] =	ssyncset.done $0x0  }
0x4d: {  	s30 =	rddreg [dreg:$0x8];
	[sflag:s23] =	ssyncadd.s32 $0xFFFFFFD8  }
0x4e: {  	[tilespmem:s24], [sflag:$0x7] =	stream.linear.gather [hbm4b:s30+s11], $0x28, $0x38;
	[tilespmem:$0x1B480] =	vst v63  }
0x4f: {  	_ =	swait.ge [sflag:s23], $0x28  }
0x50: {  	[sflag:s23] =	ssyncset.done $0x0  }
0x51: {  	s20 =	simm.s32 $0x100;
	s19 =	rddreg [dreg:$0x9];
	[sflag:s23] =	ssyncadd.s32 $0xFFFFFFD8  }
0x52: {  	[tilespmem:s20], [sflag:$0x7] =	stream.linear.gather [hbm4b:s19+s11], $0x1400, $0x38;
	[tilespmem:$0x1B480] =	vst v63  }
0x53: {  	_ =	swait.ge [sflag:s23], $0x1400  }
0x54: {  	[sflag:s23] =	ssyncset.done $0x0  }
0x55: {  	s21 =	simm.s32 $0x1500;
	[sflag:s23] =	ssyncadd.s32 $0xFFFFEC00  }
0x56: {  	[tilespmem:s21], [sflag:$0x1] =	stream.indirect.gather [hbm4b:s3+s26], $0x80, s24, s26, $0xb8;
	[tilespmem:$0x1B480] =	vst v63  }
0x57: {  	s30 =	simm.s32 $0x1  }
0x58: {  	[tilespmem:s29], [sflag:$0x3] =	stream.indirect.gather [hbm4b:s6+s26], $0x80, s11, s26, $0xb8;
	[tilespmem:$0x1B480] =	vst v63  }
0x59: {  	_ =	swait.ge [sflag:s30], $0x1400  }
0x5a: {  	[sflag:s30] =	ssyncset.done $0x0  }
0x5b: {  	[sflag:s30] =	ssyncadd.s32 $0xFFFFEC00  }
0x5c: {  	[tilespmem:s21], [sflag:$0x2] =	stream.indirect.gather.add.f32 [hbm:s4], $0x80, s11, s26, $0xb8;
	[tilespmem:$0x1B480] =	vst v63  }
0x5d: {  	s21 =	simm.s32 $0x0  }
.LBB2_2:
0x5e: {  	s30 =	smul.u32 $0x50, s21;
	_ =	sdelay $0x1  }
0x5f: {  	s2 =	sadd.s32 s30, s17  }
0x60: {  	s11 =	sshrl.u32 s2, $0x3  }
0x61: {  	s20 =	simm.s32 $0x0;
	s19 =	sadd.s32 s7, s11  }
0x62: {  	[tilespmem:s31], [sflag:$0x7] =	stream.linear.gather [hbm4b:s19+s20], $0x28, $0x38;
	[tilespmem:$0x1B480] =	vst v63  }
0x63: {  	_ =	swait.ge [sflag:s23], $0x28  }
0x64: {  	[sflag:s23] =	ssyncset.done $0x0  }
0x65: {  	s11 =	sadd.s32 s8, s11;
	[sflag:s23] =	ssyncadd.s32 $0xFFFFFFD8  }
0x66: {  	[tilespmem:s0], [sflag:$0x7] =	stream.linear.gather [hbm4b:s11+s20], $0x28, $0x38;
	[tilespmem:$0x1B480] =	vst v63  }
0x67: {  	_ =	swait.ge [sflag:s23], $0x28  }
0x68: {  	s2 =	sshll.u32 s2, $0x4;
	[sflag:s23] =	ssyncset.done $0x0  }
0x69: {  	s2 =	sadd.s32 s9, s2;
	[sflag:s23] =	ssyncadd.s32 $0xFFFFFFD8  }
0x6a: {  	[tilespmem:s22], [sflag:$0x7] =	stream.linear.gather [hbm4b:s2+s20], $0x1400, $0x38;
	[tilespmem:$0x1B480] =	vst v63  }
0x6b: {  	_ =	swait.ge [sflag:s23], $0x1400  }
0x6c: {  	[sflag:s23] =	ssyncset.done $0x0  }
0x6d: {  	[sflag:s23] =	ssyncadd.s32 $0xFFFFEC00  }
0x6e: {  	[tilespmem:s25], [sflag:$0x4] =	stream.indirect.gather [hbm4b:s3+s26], $0x80, s0, s26, $0xb8;
	[tilespmem:$0x1B480] =	vst v63  }
0x6f: {  	_ = 	snop  }
0x70: {  	[tilespmem:s5], [sflag:$0x6] =	stream.indirect.gather [hbm4b:s6+s26], $0x80, s31, s26, $0xb8;
	[tilespmem:$0x1B480] =	vst v63  }
0x71: {  	_ =	swait.ge [sflag:s10], $0x1400  }
0x72: {  	[sflag:s10] =	ssyncset.done $0x0  }
0x73: {  	[sflag:s10] =	ssyncadd.s32 $0xFFFFEC00  }
0x74: {  	_ =	swait.ge [sflag:s12], $0x1400  }
0x75: {  	[sflag:s12] =	ssyncset.done $0x0  }
0x76: {  	s11 =	simm.s32 $0x0;
	[sflag:s12] =	ssyncadd.s32 $0xFFFFEC00  }
0x77: {  	v32 =	vld [tilespmem:s11+$0x100];
	_ =	sdelay $0x4  }
0x78: {  	v33 =	vbroadcast v32, $0x0;
	v34 =	vbroadcast v32, $0x2  }
0x79: {  	v35 =	vbroadcast v32, $0x3;
	v32 =	vbroadcast v32, $0x1  }
0x7a: {  	v36 =	vmul.f32 v33, v0;
	v37 =	vmul.f32 v34, v16  }
0x7b: {  	v38 =	vmul.f32 v34, v19;
	v39 =	vmul.f32 v34, v23  }
0x7c: {  	v40 =	vmul.f32 v34, v18;
	v41 =	vmul.f32 v35, v24  }
0x7d: {  	v42 =	vmul.f32 v32, v11;
	v43 =	vmul.f32 v32, v9  }
0x7e: {  	v44 =	vmul.f32 v33, v3;
	v45 =	vmul.f32 v35, v27  }
0x7f: {  	v46 =	vmul.f32 v32, v12;
	v47 =	vmul.f32 v32, v8  }
0x80: {  	v49 =	vmul.f32 v35, v25;
	v57 =	vmul.f32 v34, v17  }
0x81: {  	v58 =	vmul.f32 v35, v26;
	v59 =	vmul.f32 v33, v2  }
0x82: {  	v60 =	vmul.f32 v32, v10;
	v61 =	vmul.f32 v33, v1  }
0x83: {  	v62 =	vmul.f32 v33, v4;
	v50 =	vmul.f32 v35, v28  }
0x84: {  	v51 =	vmul.f32 v34, v20;
	v63 =	vmul.f32 v35, v30;
	v42 =	vadd.f32 v42, v44  }
0x85: {  	v52 =	vmul.f32 v34, v22;
	v37 =	vadd.f32 v41, v37;
	v38 =	vadd.f32 v45, v38  }
0x86: {  	v53 =	vmul.f32 v33, v6;
	v36 =	vadd.f32 v47, v36;
	v44 =	vadd.f32 v49, v57  }
0x87: {  	v34 =	vmul.f32 v34, v21;
	v40 =	vadd.f32 v58, v40;
	v47 =	vadd.f32 v60, v59  }
0x88: {  	v48 =	vld [tilespmem:s11+$0x1530];
	v41 =	vmul.f32 v35, v31;
	v45 =	vadd.f32 v46, v62;
	v50 =	vadd.f32 v50, v51  }
0x89: {  	v56 =	vld [tilespmem:s11+$0x1520];
	v57 =	vmul.f32 v32, v14;
	v60 =	vadd.f32 v63, v52;
	v62 =	vmul.f32 v32, v13  }
0x8a: {  	v46 =	vld [tilespmem:s11+$0x1540];
	v51 =	vmul.f32 v33, v7;
	v38 =	vadd.f32 v38, v42;
	v42 =	vadd.f32 v43, v61  }
0x8b: {  	v52 =	vld [tilespmem:s11+$0x1500];
	v33 =	vmul.f32 v33, v5;
	v40 =	vadd.f32 v40, v47;
	v45 =	vadd.f32 v50, v45  }
0x8c: {  	s2 =	simm.s32 $0x80;
	v58 =	vld [tilespmem:s11+$0x1510];
	v35 =	vmul.f32 v35, v29;
	v61 =	vadd.f32 v57, v53;
	v36 =	vadd.f32 v37, v36  }
0x8d: {  	v53 =	vld [tilespmem:s2+$0x100];
	v39 =	vadd.f32 v41, v39;
	v33 =	vadd.f32 v62, v33  }
0x8e: {  	v55 =	vld [tilespmem:s11+$0x1550];
	v34 =	vadd.f32 v35, v34;
	v38 =	vadd.f32 v48, v38  }
0x8f: {  	v32 =	vmul.f32 v32, v15;
	v40 =	vadd.f32 v40, v56;
	v63 =	vadd.f32 v46, v45  }
0x90: {  	v42 =	vadd.f32 v44, v42;
	v36 =	vadd.f32 v36, v52;
	v38 =	vmul.f32 $1.442695020e+00, v38  }
0x91: {  	v33 =	vadd.f32 v34, v33;
	v40 =	vmul.f32 $1.442695020e+00, v40;
	v44 =	vmul.f32 $1.442695020e+00, v63  }
0x92: {  	v59 =	vld [tilespmem:s11+$0x1560];
	v42 =	vadd.f32 v42, v58;
	v36 =	vmul.f32 $1.442695020e+00, v36;
	v43 =	vbroadcast v53, $0x0  }
0x93: {  	v33 =	vadd.f32 v55, v33;
	v34 =	vbroadcast v53, $0x3;
	v41 =	vbroadcast v53, $0x2  }
0x94: {  	v32 =	vadd.f32 v32, v51;
	(erf) = vpow2.f32 v38;
	v42 =	vmul.f32 $1.442695020e+00, v42  }
0x95: {  	v38 =	vadd.f32 v60, v61;
	v33 =	vmul.f32 $1.442695020e+00, v33;
	(erf) = vpow2.f32 v44  }
0x96: {  	v32 =	vadd.f32 v39, v32;
	v37 =	vmul.f32 v41, v19;
	v45 =	vmul.f32 v41, v23  }
0x97: {  	v39 =	vmul.f32 v41, v18;
	v60 =	vmul.f32 v34, v24;
	v38 =	vadd.f32 v59, v38  }
0x98: {  	v63 =	vmul.f32 v43, v3;
	(erf) = vpow2.f32 v40  }
0x99: {  	(erf) = vpow2.f32 v42;
	v54 =	vmul.f32 $1.442695020e+00, v38  }
0x9a: {  	v42 =	vbroadcast v53, $0x1;
	v38 =	vmul.f32 v41, v16  }
0x9b: {  	v55 =	vmul.f32 v34, v31;
	(erf) = vpow2.f32 v54  }
0x9c: {  	v61 =	vmul.f32 v42, v11;
	v38 =	vadd.f32 v60, v38;
	v60 =	vmul.f32 v34, v26  }
0x9d: {  	v45 =	vadd.f32 v55, v45;
	v48 =	vmul.f32 v42, v9;
	v52 =	vmul.f32 v42, v12  }
0x9e: {  	v56 =	vld [tilespmem:s11+$0x1570];
	v54 =	vmul.f32 v34, v25;
	v39 =	vadd.f32 v60, v39;
	v60 =	vmul.f32 v43, v4;
	v57 =	vpop (erf)  }
0x9f: {  	v46 =	vadd.f32 v61, v63;
	v63 =	vmul.f32 v42, v10;
	v35 =	vadd.f32 $1.000000000e+00, v57  }
0xa0: {  	v58 =	vpop (erf);
	v57 =	vmul.f32 v34, v27;
	v52 =	vadd.f32 v52, v60;
	v60 =	vmul.f32 v43, v7  }
0xa1: {  	v44 =	vadd.f32 $1.000000000e+00, v58;
	v59 =	vpop (erf);
	v58 =	vmul.f32 v42, v8;
	(erf) = vrcp.f32 v35  }
0xa2: {  	v35 =	vmul.f32 v43, v0;
	v40 =	vadd.f32 $1.000000000e+00, v59;
	(erf) = vpow2.f32 v36  }
0xa3: {  	v62 =	vpop (erf);
	v59 =	vmul.f32 v41, v17;
	v37 =	vadd.f32 v57, v37;
	v36 =	vadd.f32 v56, v32  }
0xa4: {  	v57 =	vmul.f32 v43, v1;
	v47 =	vadd.f32 $1.000000000e+00, v62;
	v35 =	vadd.f32 v58, v35;
	v56 =	vpop (erf)  }
0xa5: {  	v62 =	vmul.f32 v43, v2;
	v37 =	vadd.f32 v37, v46;
	v46 =	vld [tilespmem:s2+$0x1530];
	v50 =	vadd.f32 $1.000000000e+00, v56  }
0xa6: {  	v49 =	vadd.f32 v54, v59;
	v54 =	vmul.f32 v42, v13;
	v56 =	vmul.f32 v41, v21  }
0xa7: {  	v38 =	vadd.f32 v38, v35;
	v35 =	vmul.f32 v34, v29;
	(erf) = vrcp.f32 v50  }
0xa8: {  	v53 =	vld [tilespmem:s2+$0x1520];
	v59 =	vadd.f32 v48, v57;
	v36 =	vmul.f32 $1.442695020e+00, v36;
	(erf) = vrcp.f32 v47  }
0xa9: {  	v50 =	vadd.f32 v63, v62;
	v62 =	vld [tilespmem:s2+$0x1510];
	v35 =	vadd.f32 v35, v56;
	(erf) = vpow2.f32 v33  }
0xaa: {  	v63 =	vmul.f32 v41, v20;
	v47 =	vadd.f32 v49, v59;
	v58 =	vadd.f32 v46, v37;
	v32 =	vpop (erf)  }
0xab: {  	v37 =	vmul.f32 v42, v14;
	v39 =	vadd.f32 v39, v50;
	(erf) = vpow2.f32 v36;
	v61 =	vpop (erf)  }
0xac: {  	v42 =	vmul.f32 v42, v15;
	v51 =	vadd.f32 $1.000000000e+00, v61;
	v61 =	vmul.f32 v34, v28  }
0xad: {  	v36 =	vmul.f32 $1.442695020e+00, v58;
	v39 =	vadd.f32 v39, v53;
	v53 =	vld [tilespmem:s2+$0x1540];
	(erf) = vrcp.f32 v40  }
0xae: {  	v58 =	vmul.f32 v43, v6;
	v40 =	vadd.f32 v47, v62;
	v47 =	vld [tilespmem:s11+$0x2960];
	v59 =	vadd.f32 v61, v63  }
0xaf: {  	v49 =	vld [tilespmem:s2+$0x1550];
	v46 =	vadd.f32 v42, v60;
	(erf) = vpow2.f32 v36;
	v61 =	vmul.f32 v43, v5  }
0xb0: {  	v50 =	vld [tilespmem:s2+$0x1570];
	v34 =	vmul.f32 v34, v30;
	v63 =	vmul.f32 v41, v22;
	v33 =	vadd.f32 v59, v52;
	v62 =	vpop (erf)  }
0xb1: {  	v42 =	vld [tilespmem:s2+$0x1500];
	v45 =	vadd.f32 v45, v46;
	v52 =	vadd.f32 v54, v61;
	(erf) = vrcp.f32 v44;
	v41 =	vpop (erf)  }
0xb2: {  	v36 =	vld [tilespmem:s11+$0x2910];
	v59 =	vadd.f32 v34, v63;
	v48 =	vadd.f32 v53, v33;
	v60 =	vpop (erf)  }
0xb3: {  	v43 =	vld [tilespmem:s2+$0x1560];
	v63 =	vadd.f32 v37, v58;
	v47 =	vmul.f32 v47, v62;
	v61 =	vadd.f32 $1.000000000e+00, v60  }
0xb4: {  	v37 =	vld [tilespmem:s11+$0x2920];
	(erf) = vrcp.f32 v51;
	v35 =	vadd.f32 v35, v52;
	v62 =	vpop (erf);
	v48 =	vmul.f32 $1.442695020e+00, v48  }
0xb5: {  	v33 =	vld [tilespmem:s11+$0x2930];
	[tilespmem:s11+$0x2960] =	vst v47;
	v47 =	vadd.f32 v59, v63;
	v46 =	vadd.f32 $1.000000000e+00, v62;
	(erf) = vrcp.f32 v61  }
0xb6: {  	s19 =	simm.s32 $0x400;
	v34 =	vadd.f32 v49, v35;
	v44 =	vpop (erf);
	v35 =	vadd.f32 v50, v45;
	v45 =	vld [tilespmem:s11+$0x2940];
	(erf) = vpow2.f32 v48  }
.LBB2_3:
0xb7: {  	s20 =	sshra.s32 s19, $0x2;
	p1 =	sne.s32 s19, $0x4E00;
	s19 =	sadd.s32 $0x200, s19;
	v38 =	vadd.f32 v38, v42;
	v39 =	vmul.f32 $1.442695020e+00, v39;
	(erf) = vrcp.f32 v46  }
0xb8: {  	v40 =	vmul.f32 $1.442695020e+00, v40;
	v42 =	vld [tilespmem:s20+$0x100];
	v43 =	vadd.f32 v43, v47;
	v46 =	vpop (erf);
	v47 =	vmul.f32 v36, v41  }
0xb9: {  	v41 =	vadd.f32 $1.000000000e+00, v46;
	(erf) = vpow2.f32 v39;
	v37 =	vmul.f32 v37, v44  }
0xba: {  	v38 =	vmul.f32 $1.442695020e+00, v38;
	v39 =	vmul.f32 $1.442695020e+00, v43;
	v43 =	vld [tilespmem:s11+$0x2900];
	[tilespmem:s11+$0x2910] =	vst v47;
	v36 =	vpop (erf)  }
0xbb: {  	(erf) = vpow2.f32 v40;
	v44 =	vmul.f32 v45, v36  }
0xbc: {  	v32 =	vmul.f32 v33, v32;
	(erf) = vpow2.f32 v39;
	[tilespmem:s11+$0x2920] =	vst v37;
	v33 =	vld [tilespmem:s11+$0x2950]  }
0xbd: {  	v37 =	vbroadcast v42, $0x0;
	v40 =	vbroadcast v42, $0x3;
	[tilespmem:s11+$0x2940] =	vst v44;
	v36 =	vpop (erf)  }
0xbe: {  	v44 =	vbroadcast v42, $0x2;
	(erf) = vrcp.f32 v41;
	[tilespmem:s11+$0x2930] =	vst v32;
	v32 =	vld [tilespmem:s11+$0x2970];
	v39 =	vpop (erf)  }
0xbf: {  	v41 =	vmul.f32 v37, v0;
	v45 =	vpop (erf);
	v48 =	vmul.f32 v43, v36  }
0xc0: {  	v43 =	vmul.f32 v44, v16;
	(erf) = vpow2.f32 v38;
	v38 =	vpop (erf)  }
0xc1: {  	v46 =	vmul.f32 v44, v19;
	v45 =	vadd.f32 $1.000000000e+00, v45;
	[tilespmem:s11+$0x2900] =	vst v48;
	v51 =	vmul.f32 v33, v39  }
0xc2: {  	v42 =	vbroadcast v42, $0x1;
	v47 =	vmul.f32 v44, v23;
	v36 =	vpop (erf)  }
0xc3: {  	v39 =	vmul.f32 v44, v18;
	v48 =	vld [tilespmem:s20+$0x1530];
	v49 =	vadd.f32 $1.000000000e+00, v36;
	[tilespmem:s11+$0x2950] =	vst v51;
	v32 =	vmul.f32 v32, v38  }
0xc4: {  	v38 =	vmul.f32 v40, v24;
	v36 =	vmul.f32 v42, v11;
	v50 =	vld [tilespmem:s20+$0x1570];
	v33 =	vpop (erf)  }
0xc5: {  	v52 =	vmul.f32 v37, v3;
	v51 =	vmul.f32 v42, v9;
	v53 =	vld [tilespmem:s20+$0x1550];
	v54 =	vadd.f32 $1.000000000e+00, v33;
	v33 =	vpop (erf);
	[tilespmem:s11+$0x2970] =	vst v32;
	s11 =	smov.u32 s2;
	s2 =	smov.u32 s20  }
0xc6: {  	v61 =	vmul.f32 v40, v27;
	v56 =	vmul.f32 v42, v12;
	v57 =	vadd.f32 $1.000000000e+00, v33;
	v33 =	vld [tilespmem:s11+$0x2930]  }
0xc7: {  	v58 =	vmul.f32 v42, v8;
	v59 =	vmul.f32 v40, v25;
	v52 =	vadd.f32 v36, v52;
	v36 =	vld [tilespmem:s11+$0x2910];
	v32 =	vpop (erf)  }
0xc8: {  	v60 =	vmul.f32 v40, v31;
	v38 =	vadd.f32 v38, v43;
	v43 =	vmul.f32 v44, v17  }
0xc9: {  	v41 =	vadd.f32 v58, v41;
	v58 =	vmul.f32 v40, v26;
	v46 =	vadd.f32 v61, v46;
	v55 =	vpop (erf)  }
0xca: {  	v43 =	vadd.f32 v59, v43;
	v59 =	vmul.f32 v37, v2;
	(erf) = vrcp.f32 v57  }
0xcb: {  	v61 =	vmul.f32 v44, v21;
	v57 =	vmul.f32 v42, v10;
	v55 =	vadd.f32 $1.000000000e+00, v55  }
0xcc: {  	v62 =	vmul.f32 v37, v1;
	v39 =	vadd.f32 v58, v39;
	v46 =	vadd.f32 v46, v52;
	v58 =	vld [tilespmem:s2+$0x1520]  }
0xcd: {  	v52 =	vadd.f32 v57, v59;
	v57 =	vmul.f32 v42, v13;
	(erf) = vrcp.f32 v54  }
0xce: {  	v34 =	vmul.f32 $1.442695020e+00, v34;
	v35 =	vmul.f32 $1.442695020e+00, v35;
	v51 =	vadd.f32 v51, v62  }
0xcf: {  	v54 =	vmul.f32 v40, v28;
	v39 =	vadd.f32 v39, v52;
	v52 =	vmul.f32 v37, v4  }
0xd0: {  	v43 =	vadd.f32 v43, v51;
	v59 =	vmul.f32 v44, v20;
	v51 =	vld [tilespmem:s2+$0x1510];
	(erf) = vpow2.f32 v34  }
0xd1: {  	v34 =	vadd.f32 v56, v52;
	v39 =	vadd.f32 v39, v58;
	v52 =	vld [tilespmem:s2+$0x1540];
	(erf) = vpow2.f32 v35  }
0xd2: {  	v35 =	vadd.f32 v48, v46;
	v46 =	vadd.f32 v54, v59;
	(erf) = vrcp.f32 v49  }
0xd3: {  	v38 =	vadd.f32 v38, v41;
	v48 =	vmul.f32 v40, v29;
	v49 =	vmul.f32 v40, v30;
	v54 =	vpop (erf)  }
0xd4: {  	v34 =	vadd.f32 v46, v34;
	v46 =	vmul.f32 v42, v14;
	v35 =	vmul.f32 $1.442695020e+00, v35  }
0xd5: {  	v42 =	vmul.f32 v42, v15;
	v40 =	vadd.f32 v43, v51;
	v43 =	vmul.f32 v37, v7;
	v51 =	vld [tilespmem:s11+$0x2960]  }
0xd6: {  	v34 =	vadd.f32 v52, v34;
	v52 =	vmul.f32 v37, v5;
	(erf) = vpow2.f32 v35;
	v41 =	vpop (erf)  }
0xd7: {  	v56 =	vadd.f32 v60, v47;
	v35 =	vmul.f32 v44, v22;
	v43 =	vadd.f32 v42, v43  }
0xd8: {  	v48 =	vadd.f32 v48, v61;
	v47 =	vadd.f32 v57, v52;
	(erf) = vrcp.f32 v45  }
.Ltmp0:
0xd9: {  	v37 =	vmul.f32 v37, v6;
	v35 =	vadd.f32 v49, v35;
	v42 =	vld [tilespmem:s2+$0x1500];
	v45 =	vadd.f32 v56, v43;
	v44 =	vpop (erf);
	(pc) =	sbr.rel @p1 .LBB2_3-.Ltmp0, $4  }
0xda: {  	v47 =	vadd.f32 v48, v47;
	v43 =	vld [tilespmem:s2+$0x1560];
	v48 =	vadd.f32 $1.000000000e+00, v44;
	v49 =	vmul.f32 v51, v54;
	v51 =	vpop (erf)  }
0xdb: {  	v52 =	vadd.f32 v46, v37;
	v54 =	vmul.f32 $1.442695020e+00, v34;
	v37 =	vld [tilespmem:s11+$0x2920];
	(erf) = vrcp.f32 v55;
	v44 =	vpop (erf)  }
0xdc: {  	v46 =	vadd.f32 $1.000000000e+00, v51;
	v34 =	vadd.f32 v53, v47;
	[tilespmem:s11+$0x2960] =	vst v49;
	(erf) = vrcp.f32 v48  }
0xdd: {  	v47 =	vadd.f32 v35, v52;
	v35 =	vadd.f32 v50, v45;
	(erf) = vpow2.f32 v54;
	v45 =	vld [tilespmem:s11+$0x2940]  }
0xde: {  	_ = 	snop  }
0xdf: {  	v39 =	vmul.f32 $1.442695020e+00, v39;
	v43 =	vadd.f32 v43, v47  }
0xe0: {  	(erf) = vrcp.f32 v46;
	v40 =	vmul.f32 $1.442695020e+00, v40  }
0xe1: {  	(erf) = vpow2.f32 v39;
	v54 =	vmul.f32 $1.442695020e+00, v43  }
0xe2: {  	(erf) = vpow2.f32 v40  }
0xe3: {  	(erf) = vpow2.f32 v54  }
0xe4: {  	v55 =	vpop (erf)  }
0xe5: {  	v56 =	vpop (erf)  }
0xe6: {  	v58 =	vpop (erf)  }
0xe7: {  	v59 =	vpop (erf)  }
0xe8: {  	v60 =	vpop (erf)  }
0xe9: {  	v62 =	vpop (erf)  }
0xea: {  	v38 =	vadd.f32 v38, v42;
	v63 =	vpop (erf)  }
0xeb: {  	v39 =	vadd.f32 $1.000000000e+00, v55;
	v48 =	vpop (erf)  }
0xec: {  	v32 =	vmul.f32 v33, v32;
	v38 =	vmul.f32 $1.442695020e+00, v38;
	v50 =	vpop (erf)  }
0xed: {  	(erf) = vrcp.f32 v39;
	v51 =	vadd.f32 $1.000000000e+00, v50  }
0xee: {  	[tilespmem:s11+$0x2930] =	vst v32;
	(erf) = vpow2.f32 v38;
	v32 =	vadd.f32 $1.000000000e+00, v48  }
0xef: {  	v34 =	vmul.f32 $1.442695020e+00, v34;
	(erf) = vrcp.f32 v51  }
0xf0: {  	v54 =	vmul.f32 $1.442695020e+00, v35;
	(erf) = vrcp.f32 v32  }
0xf1: {  	v57 =	vld [tilespmem:s11+$0x2900];
	(erf) = vpow2.f32 v34  }
0xf2: {  	v61 =	vld [tilespmem:s11+$0x2950];
	(erf) = vpow2.f32 v54;
	_ =	sdelay $0x1  }
0xf3: {  	v36 =	vmul.f32 v36, v41;
	v49 =	vld [tilespmem:s11+$0x2970]  }
0xf4: {  	v37 =	vmul.f32 v37, v44  }
0xf5: {  	[tilespmem:s11+$0x2910] =	vst v36;
	v40 =	vmul.f32 v45, v56;
	v52 =	vmul.f32 v57, v58;
	v58 =	vpop (erf)  }
0xf6: {  	[tilespmem:s11+$0x2920] =	vst v37;
	v33 =	vmul.f32 v61, v59;
	v59 =	vpop (erf)  }
0xf7: {  	[tilespmem:s11+$0x2940] =	vst v40;
	v55 =	vadd.f32 $1.000000000e+00, v63;
	v61 =	vpop (erf)  }
0xf8: {  	[tilespmem:s11+$0x2900] =	vst v52;
	v57 =	vadd.f32 $1.000000000e+00, v60;
	v53 =	vmul.f32 v49, v62;
	v44 =	vpop (erf)  }
0xf9: {  	[tilespmem:s11+$0x2950] =	vst v33;
	v45 =	vadd.f32 $1.000000000e+00, v59;
	(erf) = vrcp.f32 v55;
	v46 =	vpop (erf)  }
0xfa: {  	[tilespmem:s11+$0x2970] =	vst v53;
	(erf) = vrcp.f32 v57;
	v35 =	vadd.f32 $1.000000000e+00, v46;
	v48 =	vpop (erf)  }
0xfb: {  	v60 =	vld [tilespmem:s2+$0x2930];
	(erf) = vrcp.f32 v45;
	v40 =	vadd.f32 $1.000000000e+00, v48  }
0xfc: {  	v56 =	vld [tilespmem:s2+$0x2960];
	(erf) = vrcp.f32 v35  }
0xfd: {  	v62 =	vld [tilespmem:s2+$0x2910];
	(erf) = vrcp.f32 v40  }
0xfe: {  	v63 =	vld [tilespmem:s2+$0x2920]  }
0xff: {  	v47 =	vld [tilespmem:s2+$0x2940]  }
0x100: {  	v50 =	vld [tilespmem:s2+$0x2900];
	v52 =	vmul.f32 v60, v58  }
0x101: {  	v53 =	vld [tilespmem:s2+$0x2950];
	v32 =	vmul.f32 v56, v61  }
0x102: {  	[tilespmem:s2+$0x2930] =	vst v52;
	v54 =	vld [tilespmem:s2+$0x2970];
	v37 =	vmul.f32 v62, v44;
	v49 =	vpop (erf)  }
0x103: {  	[tilespmem:s2+$0x2960] =	vst v32;
	v32 =	vmul.f32 v63, v49;
	v51 =	vpop (erf)  }
0x104: {  	[tilespmem:s2+$0x2910] =	vst v37;
	v36 =	vmul.f32 v47, v51;
	v55 =	vpop (erf)  }
0x105: {  	[tilespmem:s2+$0x2920] =	vst v32;
	v34 =	vmul.f32 v50, v55;
	v56 =	vpop (erf)  }
0x106: {  	[tilespmem:s2+$0x2940] =	vst v36;
	v57 =	vpop (erf);
	v33 =	vmul.f32 v53, v56  }
0x107: {  	[tilespmem:s2+$0x2900] =	vst v34;
	v32 =	vmul.f32 v54, v57  }
0x108: {  	[tilespmem:s2+$0x2950] =	vst v33  }
0x109: {  	[tilespmem:s2+$0x2970] =	vst v32  }
0x10a: {  	_ =	swait.ge [sflag:s13], $0x1400  }
0x10b: {  	[sflag:s13] =	ssyncset.done $0x0  }
0x10c: {  	[sflag:s13] =	ssyncadd.s32 $0xFFFFEC00  }
0x10d: {  	[tilespmem:s25], [sflag:$0x5] =	stream.indirect.gather.add.f32 [hbm:s4], $0x80, s31, s26, $0xb8;
	[tilespmem:$0x1B480] =	vst v63  }
0x10e: {  	p1 =	seq.s32 s21, $0x7C  }
0x10f: {  	[spmem:s1] =	stream.indirect.scatter.add.f32 [tilespmem:s29], [sflag:$0x7], $0x80, s24, s26, $0xb8;
	[tilespmem:$0x1B480] =	vst v63  }
0x110: {  	s2 =	sadd.s32 @!p1 s30, s18;
	_ =	swait.ge [sflag:s23], $0x1400  }
0x111: {  	s11 =	sshrl.u32 @!p1 s2, $0x3;
	[sflag:s23] =	ssyncset.done $0x0  }
0x112: {  	s20 =	simm.s32 @!p1 $0x0;
	s19 =	sadd.s32 @!p1 s7, s11;
	[sflag:s23] =	ssyncadd.s32 $0xFFFFEC00  }
0x113: {  	[tilespmem:s20], [sflag:$0x7] =	stream.linear.gather @!p1 [hbm4b:s19+s20], $0x28, $0x38;
	[tilespmem:$0x1B480] =	vst v63  }
0x114: {  	s19 =	simm.s32 @!p1 $0x7  }
0x115: {  	_ =	swait.ge @!p1 [sflag:s19], $0x28  }
0x116: {  	[sflag:s19] =	ssyncset.done @!p1 $0x0  }
0x117: {  	s30 =	simm.s32 @!p1 $0x80;
	s11 =	sadd.s32 @!p1 s8, s11;
	[sflag:s19] =	ssyncadd.s32 @!p1 $0xFFFFFFD8  }
0x118: {  	[tilespmem:s30], [sflag:$0x7] =	stream.linear.gather @!p1 [hbm4b:s11+s20], $0x28, $0x38;
	[tilespmem:$0x1B480] =	vst v63  }
0x119: {  	_ =	swait.ge @!p1 [sflag:s19], $0x28  }
0x11a: {  	s2 =	sshll.u32 @!p1 s2, $0x4;
	[sflag:s19] =	ssyncset.done @!p1 $0x0  }
0x11b: {  	s2 =	sadd.s32 @!p1 s9, s2;
	s11 =	simm.s32 @!p1 $0x100;
	[sflag:s19] =	ssyncadd.s32 @!p1 $0xFFFFFFD8  }
0x11c: {  	[tilespmem:s11], [sflag:$0x7] =	stream.linear.gather @!p1 [hbm4b:s2+s20], $0x1400, $0x38;
	[tilespmem:$0x1B480] =	vst v63  }
0x11d: {  	_ =	swait.ge @!p1 [sflag:s19], $0x1400  }
0x11e: {  	[sflag:s19] =	ssyncset.done @!p1 $0x0  }
0x11f: {  	s2 =	simm.s32 @!p1 $0x28;
	s11 =	simm.s32 @!p1 $0x1500;
	[sflag:s19] =	ssyncadd.s32 @!p1 $0xFFFFEC00  }
0x120: {  	[tilespmem:s11], [sflag:$0x1] =	stream.indirect.gather @!p1 [hbm4b:s3+s2], $0x80, s30, s2, $0xb8;
	[tilespmem:$0x1B480] =	vst v63  }
0x121: {  	s11 =	simm.s32 @!p1 $0x2900  }
0x122: {  	[tilespmem:s11], [sflag:$0x3] =	stream.indirect.gather @!p1 [hbm4b:s6+s2], $0x80, s20, s2, $0xb8;
	[tilespmem:$0x1B480] =	vst v63  }
0x123: {  	_ =	swait.ge [sflag:s28], $0x1400  }
0x124: {  	[sflag:s28] =	ssyncset.done $0x0  }
0x125: {  	[sflag:s28] =	ssyncadd.s32 $0xFFFFEC00  }
0x126: {  	_ =	swait.ge [sflag:s14], $0x1400  }
0x127: {  	[sflag:s14] =	ssyncset.done $0x0  }
0x128: {  	s11 =	simm.s32 $0x0;
	[sflag:s14] =	ssyncadd.s32 $0xFFFFEC00  }
0x129: {  	v58 =	vld [tilespmem:s11+$0x3E00];
	_ =	sdelay $0x4  }
0x12a: {  	v33 =	vbroadcast v58, $0x0;
	v34 =	vbroadcast v58, $0x2  }
0x12b: {  	v35 =	vbroadcast v58, $0x3;
	v32 =	vbroadcast v58, $0x1  }
0x12c: {  	v59 =	vmul.f32 v33, v0;
	v60 =	vmul.f32 v34, v16  }
0x12d: {  	v61 =	vmul.f32 v34, v19;
	v39 =	vmul.f32 v34, v23  }
0x12e: {  	v62 =	vmul.f32 v34, v18;
	v63 =	vmul.f32 v35, v24  }
0x12f: {  	v52 =	vmul.f32 v32, v11;
	v43 =	vmul.f32 v32, v9  }
0x130: {  	v53 =	vmul.f32 v33, v3;
	v54 =	vmul.f32 v35, v27  }
0x131: {  	v55 =	vmul.f32 v32, v12;
	v56 =	vmul.f32 v32, v8  }
0x132: {  	v49 =	vmul.f32 v35, v25;
	v57 =	vmul.f32 v34, v17  }
0x133: {  	v41 =	vmul.f32 v35, v31;
	v58 =	vmul.f32 v35, v26  }
0x134: {  	v50 =	vmul.f32 v35, v28;
	v42 =	vadd.f32 v52, v53;
	v37 =	vadd.f32 v63, v60  }
0x135: {  	v51 =	vmul.f32 v34, v20;
	v38 =	vadd.f32 v54, v61;
	v36 =	vadd.f32 v56, v59  }
0x136: {  	v44 =	vadd.f32 v49, v57;
	v59 =	vmul.f32 v33, v2;
	v60 =	vmul.f32 v32, v10  }
0x137: {  	v61 =	vmul.f32 v33, v1;
	v40 =	vadd.f32 v58, v62;
	v62 =	vmul.f32 v33, v4  }
0x138: {  	v63 =	vmul.f32 v35, v30;
	v50 =	vadd.f32 v50, v51;
	v57 =	vmul.f32 v32, v14  }
0x139: {  	v48 =	vld [tilespmem:s11+$0x5230];
	v52 =	vmul.f32 v34, v22;
	v53 =	vmul.f32 v33, v6;
	v39 =	vadd.f32 v41, v39  }
0x13a: {  	v46 =	vld [tilespmem:s11+$0x5240];
	v34 =	vmul.f32 v34, v21;
	v38 =	vadd.f32 v38, v42;
	v47 =	vadd.f32 v60, v59  }
0x13b: {  	v56 =	vld [tilespmem:s11+$0x5220];
	v35 =	vmul.f32 v35, v29;
	v45 =	vadd.f32 v55, v62;
	v42 =	vadd.f32 v43, v61  }
0x13c: {  	s2 =	simm.s32 $0x80;
	v58 =	vld [tilespmem:s11+$0x5210];
	v51 =	vmul.f32 v33, v7;
	v60 =	vadd.f32 v63, v52;
	v61 =	vadd.f32 v57, v53  }
0x13d: {  	v33 =	vmul.f32 v33, v5;
	v53 =	vld [tilespmem:s2+$0x3E00];
	v36 =	vadd.f32 v37, v36;
	v34 =	vadd.f32 v35, v34  }
0x13e: {  	v62 =	vmul.f32 v32, v13;
	v52 =	vld [tilespmem:s11+$0x5200];
	v38 =	vadd.f32 v48, v38;
	v45 =	vadd.f32 v50, v45  }
0x13f: {  	v40 =	vadd.f32 v40, v47;
	v42 =	vadd.f32 v44, v42  }
0x140: {  	v32 =	vmul.f32 v32, v15;
	v33 =	vadd.f32 v62, v33;
	v63 =	vadd.f32 v46, v45  }
0x141: {  	v38 =	vmul.f32 $1.442695020e+00, v38;
	v40 =	vadd.f32 v40, v56;
	v42 =	vadd.f32 v42, v58  }
0x142: {  	v33 =	vadd.f32 v34, v33;
	v43 =	vbroadcast v53, $0x0;
	v34 =	vbroadcast v53, $0x3  }
0x143: {  	v59 =	vld [tilespmem:s11+$0x5260];
	v36 =	vadd.f32 v36, v52;
	v41 =	vbroadcast v53, $0x2;
	(erf) = vpow2.f32 v38  }
0x144: {  	v55 =	vld [tilespmem:s11+$0x5250];
	v44 =	vmul.f32 $1.442695020e+00, v63;
	v40 =	vmul.f32 $1.442695020e+00, v40  }
0x145: {  	v32 =	vadd.f32 v32, v51;
	v42 =	vmul.f32 $1.442695020e+00, v42;
	v36 =	vmul.f32 $1.442695020e+00, v36  }
0x146: {  	v38 =	vadd.f32 v60, v61;
	v37 =	vmul.f32 v41, v19;
	v45 =	vmul.f32 v41, v23  }
0x147: {  	v32 =	vadd.f32 v39, v32;
	v39 =	vmul.f32 v41, v18;
	v60 =	vmul.f32 v34, v24  }
0x148: {  	v63 =	vmul.f32 v43, v3;
	v38 =	vadd.f32 v59, v38;
	(erf) = vpow2.f32 v44  }
0x149: {  	v33 =	vadd.f32 v55, v33;
	v55 =	vmul.f32 v34, v31;
	(erf) = vpow2.f32 v40  }
0x14a: {  	v54 =	vmul.f32 $1.442695020e+00, v38;
	(erf) = vpow2.f32 v42  }
0x14b: {  	v38 =	vmul.f32 v41, v16;
	v42 =	vbroadcast v53, $0x1  }
0x14c: {  	v33 =	vmul.f32 $1.442695020e+00, v33;
	(erf) = vpow2.f32 v54  }
0x14d: {  	v61 =	vmul.f32 v42, v11;
	v38 =	vadd.f32 v60, v38;
	v60 =	vmul.f32 v34, v26  }
0x14e: {  	v45 =	vadd.f32 v55, v45;
	v48 =	vmul.f32 v42, v9;
	v52 =	vmul.f32 v42, v12  }
0x14f: {  	v56 =	vld [tilespmem:s11+$0x5270];
	v54 =	vmul.f32 v34, v25;
	v39 =	vadd.f32 v60, v39;
	v60 =	vmul.f32 v43, v4;
	v57 =	vpop (erf)  }
0x150: {  	v46 =	vadd.f32 v61, v63;
	v63 =	vmul.f32 v42, v10;
	v35 =	vadd.f32 $1.000000000e+00, v57  }
0x151: {  	v57 =	vmul.f32 v34, v27;
	v52 =	vadd.f32 v52, v60;
	v60 =	vmul.f32 v43, v7;
	v58 =	vpop (erf)  }
0x152: {  	(erf) = vrcp.f32 v35;
	v35 =	vmul.f32 v43, v0;
	v44 =	vadd.f32 $1.000000000e+00, v58  }
0x153: {  	v59 =	vpop (erf);
	v58 =	vmul.f32 v42, v8;
	v37 =	vadd.f32 v57, v37;
	(erf) = vpow2.f32 v36  }
0x154: {  	v57 =	vmul.f32 v43, v1;
	v36 =	vadd.f32 v56, v32;
	v40 =	vadd.f32 $1.000000000e+00, v59;
	v62 =	vpop (erf)  }
0x155: {  	v59 =	vmul.f32 v41, v17;
	v47 =	vadd.f32 $1.000000000e+00, v62;
	v35 =	vadd.f32 v58, v35;
	v56 =	vpop (erf)  }
0x156: {  	v62 =	vmul.f32 v43, v2;
	v37 =	vadd.f32 v37, v46;
	v46 =	vld [tilespmem:s2+$0x5230];
	v50 =	vadd.f32 $1.000000000e+00, v56  }
0x157: {  	v49 =	vadd.f32 v54, v59;
	v54 =	vmul.f32 v42, v13;
	v56 =	vmul.f32 v41, v21  }
0x158: {  	v38 =	vadd.f32 v38, v35;
	v35 =	vmul.f32 v34, v29;
	(erf) = vrcp.f32 v50  }
0x159: {  	v53 =	vld [tilespmem:s2+$0x5220];
	v59 =	vadd.f32 v48, v57;
	v36 =	vmul.f32 $1.442695020e+00, v36;
	(erf) = vrcp.f32 v47  }
0x15a: {  	v50 =	vadd.f32 v63, v62;
	v62 =	vld [tilespmem:s2+$0x5210];
	v35 =	vadd.f32 v35, v56;
	(erf) = vpow2.f32 v33  }
0x15b: {  	v63 =	vmul.f32 v41, v20;
	v47 =	vadd.f32 v49, v59;
	v58 =	vadd.f32 v46, v37;
	v32 =	vpop (erf)  }
0x15c: {  	v37 =	vmul.f32 v42, v14;
	v39 =	vadd.f32 v39, v50;
	(erf) = vpow2.f32 v36;
	v61 =	vpop (erf)  }
0x15d: {  	v42 =	vmul.f32 v42, v15;
	v51 =	vadd.f32 $1.000000000e+00, v61;
	v61 =	vmul.f32 v34, v28  }
0x15e: {  	v36 =	vmul.f32 $1.442695020e+00, v58;
	v39 =	vadd.f32 v39, v53;
	v53 =	vld [tilespmem:s2+$0x5240];
	(erf) = vrcp.f32 v40  }
0x15f: {  	v58 =	vmul.f32 v43, v6;
	v40 =	vadd.f32 v47, v62;
	v47 =	vld [tilespmem:s11+$0x6660];
	v59 =	vadd.f32 v61, v63  }
0x160: {  	v49 =	vld [tilespmem:s2+$0x5250];
	v46 =	vadd.f32 v42, v60;
	(erf) = vpow2.f32 v36;
	v61 =	vmul.f32 v43, v5  }
0x161: {  	v50 =	vld [tilespmem:s2+$0x5270];
	v34 =	vmul.f32 v34, v30;
	v63 =	vmul.f32 v41, v22;
	v33 =	vadd.f32 v59, v52;
	v62 =	vpop (erf)  }
0x162: {  	v42 =	vld [tilespmem:s2+$0x5200];
	v45 =	vadd.f32 v45, v46;
	v52 =	vadd.f32 v54, v61;
	(erf) = vrcp.f32 v44;
	v41 =	vpop (erf)  }
0x163: {  	v36 =	vld [tilespmem:s11+$0x6610];
	v59 =	vadd.f32 v34, v63;
	v48 =	vadd.f32 v53, v33;
	v60 =	vpop (erf)  }
0x164: {  	v43 =	vld [tilespmem:s2+$0x5260];
	v63 =	vadd.f32 v37, v58;
	v47 =	vmul.f32 v47, v62;
	v61 =	vadd.f32 $1.000000000e+00, v60  }
0x165: {  	v37 =	vld [tilespmem:s11+$0x6620];
	(erf) = vrcp.f32 v51;
	v35 =	vadd.f32 v35, v52;
	v62 =	vpop (erf);
	v48 =	vmul.f32 $1.442695020e+00, v48  }
0x166: {  	v33 =	vld [tilespmem:s11+$0x6630];
	[tilespmem:s11+$0x6660] =	vst v47;
	v47 =	vadd.f32 v59, v63;
	v46 =	vadd.f32 $1.000000000e+00, v62;
	(erf) = vrcp.f32 v61  }
0x167: {  	s19 =	simm.s32 $0x400;
	v34 =	vadd.f32 v49, v35;
	v44 =	vpop (erf);
	v35 =	vadd.f32 v50, v45;
	v45 =	vld [tilespmem:s11+$0x6640];
	(erf) = vpow2.f32 v48  }
.LBB2_5:
0x168: {  	s20 =	sshra.s32 s19, $0x2;
	p2 =	sne.s32 s19, $0x4E00;
	s19 =	sadd.s32 $0x200, s19;
	v38 =	vadd.f32 v38, v42;
	v39 =	vmul.f32 $1.442695020e+00, v39;
	(erf) = vrcp.f32 v46  }
0x169: {  	v40 =	vmul.f32 $1.442695020e+00, v40;
	v42 =	vld [tilespmem:s20+$0x3E00];
	v43 =	vadd.f32 v43, v47;
	v46 =	vpop (erf);
	v47 =	vmul.f32 v36, v41  }
0x16a: {  	v41 =	vadd.f32 $1.000000000e+00, v46;
	(erf) = vpow2.f32 v39;
	v37 =	vmul.f32 v37, v44  }
0x16b: {  	v38 =	vmul.f32 $1.442695020e+00, v38;
	v39 =	vmul.f32 $1.442695020e+00, v43;
	v43 =	vld [tilespmem:s11+$0x6600];
	[tilespmem:s11+$0x6610] =	vst v47;
	v36 =	vpop (erf)  }
0x16c: {  	(erf) = vpow2.f32 v40;
	v44 =	vmul.f32 v45, v36  }
0x16d: {  	v32 =	vmul.f32 v33, v32;
	(erf) = vpow2.f32 v39;
	[tilespmem:s11+$0x6620] =	vst v37;
	v33 =	vld [tilespmem:s11+$0x6650]  }
0x16e: {  	v37 =	vbroadcast v42, $0x0;
	v40 =	vbroadcast v42, $0x3;
	[tilespmem:s11+$0x6640] =	vst v44;
	v36 =	vpop (erf)  }
0x16f: {  	v44 =	vbroadcast v42, $0x2;
	(erf) = vrcp.f32 v41;
	[tilespmem:s11+$0x6630] =	vst v32;
	v32 =	vld [tilespmem:s11+$0x6670];
	v39 =	vpop (erf)  }
0x170: {  	v41 =	vmul.f32 v37, v0;
	v45 =	vpop (erf);
	v48 =	vmul.f32 v43, v36  }
0x171: {  	v43 =	vmul.f32 v44, v16;
	(erf) = vpow2.f32 v38;
	v38 =	vpop (erf)  }
0x172: {  	v46 =	vmul.f32 v44, v19;
	v45 =	vadd.f32 $1.000000000e+00, v45;
	[tilespmem:s11+$0x6600] =	vst v48;
	v51 =	vmul.f32 v33, v39  }
0x173: {  	v42 =	vbroadcast v42, $0x1;
	v47 =	vmul.f32 v44, v23;
	v36 =	vpop (erf)  }
0x174: {  	v39 =	vmul.f32 v44, v18;
	v48 =	vld [tilespmem:s20+$0x5230];
	v49 =	vadd.f32 $1.000000000e+00, v36;
	[tilespmem:s11+$0x6650] =	vst v51;
	v32 =	vmul.f32 v32, v38  }
0x175: {  	v38 =	vmul.f32 v40, v24;
	v36 =	vmul.f32 v42, v11;
	v50 =	vld [tilespmem:s20+$0x5270];
	v33 =	vpop (erf)  }
0x176: {  	v52 =	vmul.f32 v37, v3;
	v51 =	vmul.f32 v42, v9;
	v53 =	vld [tilespmem:s20+$0x5250];
	v54 =	vadd.f32 $1.000000000e+00, v33;
	v33 =	vpop (erf);
	[tilespmem:s11+$0x6670] =	vst v32;
	s11 =	smov.u32 s2;
	s2 =	smov.u32 s20  }
0x177: {  	v61 =	vmul.f32 v40, v27;
	v56 =	vmul.f32 v42, v12;
	v57 =	vadd.f32 $1.000000000e+00, v33;
	v33 =	vld [tilespmem:s11+$0x6630]  }
0x178: {  	v58 =	vmul.f32 v42, v8;
	v59 =	vmul.f32 v40, v25;
	v52 =	vadd.f32 v36, v52;
	v36 =	vld [tilespmem:s11+$0x6610];
	v32 =	vpop (erf)  }
0x179: {  	v60 =	vmul.f32 v40, v31;
	v38 =	vadd.f32 v38, v43;
	v43 =	vmul.f32 v44, v17  }
0x17a: {  	v41 =	vadd.f32 v58, v41;
	v58 =	vmul.f32 v40, v26;
	v46 =	vadd.f32 v61, v46;
	v55 =	vpop (erf)  }
0x17b: {  	v43 =	vadd.f32 v59, v43;
	v59 =	vmul.f32 v37, v2;
	(erf) = vrcp.f32 v57  }
0x17c: {  	v61 =	vmul.f32 v44, v21;
	v57 =	vmul.f32 v42, v10;
	v55 =	vadd.f32 $1.000000000e+00, v55  }
0x17d: {  	v62 =	vmul.f32 v37, v1;
	v39 =	vadd.f32 v58, v39;
	v46 =	vadd.f32 v46, v52;
	v58 =	vld [tilespmem:s2+$0x5220]  }
0x17e: {  	v52 =	vadd.f32 v57, v59;
	v57 =	vmul.f32 v42, v13;
	(erf) = vrcp.f32 v54  }
0x17f: {  	v34 =	vmul.f32 $1.442695020e+00, v34;
	v35 =	vmul.f32 $1.442695020e+00, v35;
	v51 =	vadd.f32 v51, v62  }
0x180: {  	v54 =	vmul.f32 v40, v28;
	v39 =	vadd.f32 v39, v52;
	v52 =	vmul.f32 v37, v4  }
0x181: {  	v43 =	vadd.f32 v43, v51;
	v59 =	vmul.f32 v44, v20;
	v51 =	vld [tilespmem:s2+$0x5210];
	(erf) = vpow2.f32 v34  }
0x182: {  	v34 =	vadd.f32 v56, v52;
	v39 =	vadd.f32 v39, v58;
	v52 =	vld [tilespmem:s2+$0x5240];
	(erf) = vpow2.f32 v35  }
0x183: {  	v35 =	vadd.f32 v48, v46;
	v46 =	vadd.f32 v54, v59;
	(erf) = vrcp.f32 v49  }
0x184: {  	v38 =	vadd.f32 v38, v41;
	v48 =	vmul.f32 v40, v29;
	v49 =	vmul.f32 v40, v30;
	v54 =	vpop (erf)  }
0x185: {  	v34 =	vadd.f32 v46, v34;
	v46 =	vmul.f32 v42, v14;
	v35 =	vmul.f32 $1.442695020e+00, v35  }
0x186: {  	v42 =	vmul.f32 v42, v15;
	v40 =	vadd.f32 v43, v51;
	v43 =	vmul.f32 v37, v7;
	v51 =	vld [tilespmem:s11+$0x6660]  }
0x187: {  	v34 =	vadd.f32 v52, v34;
	v52 =	vmul.f32 v37, v5;
	(erf) = vpow2.f32 v35;
	v41 =	vpop (erf)  }
0x188: {  	v56 =	vadd.f32 v60, v47;
	v35 =	vmul.f32 v44, v22;
	v43 =	vadd.f32 v42, v43  }
0x189: {  	v48 =	vadd.f32 v48, v61;
	v47 =	vadd.f32 v57, v52;
	(erf) = vrcp.f32 v45  }
.Ltmp1:
0x18a: {  	v37 =	vmul.f32 v37, v6;
	v35 =	vadd.f32 v49, v35;
	v42 =	vld [tilespmem:s2+$0x5200];
	v45 =	vadd.f32 v56, v43;
	v44 =	vpop (erf);
	(pc) =	sbr.rel @p2 .LBB2_5-.Ltmp1, $4  }
0x18b: {  	v47 =	vadd.f32 v48, v47;
	v43 =	vld [tilespmem:s2+$0x5260];
	v48 =	vadd.f32 $1.000000000e+00, v44;
	v49 =	vmul.f32 v51, v54;
	v51 =	vpop (erf)  }
0x18c: {  	v52 =	vadd.f32 v46, v37;
	v54 =	vmul.f32 $1.442695020e+00, v34;
	v37 =	vld [tilespmem:s11+$0x6620];
	(erf) = vrcp.f32 v55;
	v44 =	vpop (erf)  }
0x18d: {  	v46 =	vadd.f32 $1.000000000e+00, v51;
	v34 =	vadd.f32 v53, v47;
	[tilespmem:s11+$0x6660] =	vst v49;
	(erf) = vrcp.f32 v48  }
0x18e: {  	v47 =	vadd.f32 v35, v52;
	v35 =	vadd.f32 v50, v45;
	(erf) = vpow2.f32 v54;
	v45 =	vld [tilespmem:s11+$0x6640]  }
0x18f: {  	_ = 	snop  }
0x190: {  	v39 =	vmul.f32 $1.442695020e+00, v39;
	v43 =	vadd.f32 v43, v47  }
0x191: {  	(erf) = vrcp.f32 v46;
	v40 =	vmul.f32 $1.442695020e+00, v40  }
0x192: {  	(erf) = vpow2.f32 v39;
	v48 =	vmul.f32 $1.442695020e+00, v43  }
0x193: {  	(erf) = vpow2.f32 v40  }
0x194: {  	(erf) = vpow2.f32 v48  }
0x195: {  	v49 =	vpop (erf)  }
0x196: {  	v50 =	vpop (erf)  }
0x197: {  	v52 =	vpop (erf)  }
0x198: {  	v53 =	vpop (erf)  }
0x199: {  	v54 =	vpop (erf)  }
0x19a: {  	v56 =	vpop (erf)  }
0x19b: {  	v38 =	vadd.f32 v38, v42;
	v57 =	vpop (erf)  }
0x19c: {  	v39 =	vadd.f32 $1.000000000e+00, v49;
	v58 =	vpop (erf)  }
0x19d: {  	v32 =	vmul.f32 v33, v32;
	v38 =	vmul.f32 $1.442695020e+00, v38;
	v60 =	vpop (erf)  }
0x19e: {  	(erf) = vrcp.f32 v39;
	v61 =	vadd.f32 $1.000000000e+00, v60  }
0x19f: {  	[tilespmem:s11+$0x6630] =	vst v32;
	(erf) = vpow2.f32 v38;
	v32 =	vadd.f32 $1.000000000e+00, v58  }
0x1a0: {  	v34 =	vmul.f32 $1.442695020e+00, v34;
	(erf) = vrcp.f32 v61  }
0x1a1: {  	v39 =	vmul.f32 $1.442695020e+00, v35;
	(erf) = vrcp.f32 v32  }
0x1a2: {  	(erf) = vpow2.f32 v34  }
0x1a3: {  	v51 =	vld [tilespmem:s11+$0x6600];
	(erf) = vpow2.f32 v39  }
0x1a4: {  	v55 =	vld [tilespmem:s11+$0x6650]  }
0x1a5: {  	v36 =	vmul.f32 v36, v41;
	v59 =	vld [tilespmem:s11+$0x6670]  }
0x1a6: {  	v37 =	vmul.f32 v37, v44  }
0x1a7: {  	[tilespmem:s11+$0x6610] =	vst v36;
	v40 =	vmul.f32 v45, v50;
	v44 =	vpop (erf)  }
0x1a8: {  	[tilespmem:s11+$0x6620] =	vst v37;
	v62 =	vmul.f32 v51, v52;
	v45 =	vpop (erf)  }
0x1a9: {  	[tilespmem:s11+$0x6640] =	vst v40;
	v33 =	vmul.f32 v55, v53;
	v41 =	vadd.f32 $1.000000000e+00, v57;
	v47 =	vpop (erf)  }
0x1aa: {  	[tilespmem:s11+$0x6600] =	vst v62;
	v43 =	vadd.f32 $1.000000000e+00, v54;
	v63 =	vmul.f32 v59, v56;
	v50 =	vpop (erf)  }
0x1ab: {  	[tilespmem:s11+$0x6650] =	vst v33;
	v51 =	vadd.f32 $1.000000000e+00, v45;
	(erf) = vrcp.f32 v41;
	v52 =	vpop (erf)  }
0x1ac: {  	[tilespmem:s11+$0x6670] =	vst v63;
	(erf) = vrcp.f32 v43;
	v35 =	vadd.f32 $1.000000000e+00, v52;
	v54 =	vpop (erf)  }
0x1ad: {  	v46 =	vld [tilespmem:s2+$0x6630];
	(erf) = vrcp.f32 v51;
	v40 =	vadd.f32 $1.000000000e+00, v54  }
0x1ae: {  	v42 =	vld [tilespmem:s2+$0x6660];
	(erf) = vrcp.f32 v35  }
0x1af: {  	v48 =	vld [tilespmem:s2+$0x6610];
	(erf) = vrcp.f32 v40  }
0x1b0: {  	v49 =	vld [tilespmem:s2+$0x6620]  }
0x1b1: {  	v53 =	vld [tilespmem:s2+$0x6640]  }
0x1b2: {  	v56 =	vld [tilespmem:s2+$0x6600];
	v58 =	vmul.f32 v46, v44  }
0x1b3: {  	v59 =	vld [tilespmem:s2+$0x6650];
	v32 =	vmul.f32 v42, v47  }
0x1b4: {  	v60 =	vld [tilespmem:s2+$0x6670];
	[tilespmem:s2+$0x6630] =	vst v58;
	v37 =	vmul.f32 v48, v50;
	v55 =	vpop (erf)  }
0x1b5: {  	[tilespmem:s2+$0x6660] =	vst v32;
	v32 =	vmul.f32 v49, v55;
	v57 =	vpop (erf)  }
0x1b6: {  	[tilespmem:s2+$0x6610] =	vst v37;
	v36 =	vmul.f32 v53, v57;
	v61 =	vpop (erf)  }
0x1b7: {  	[tilespmem:s2+$0x6620] =	vst v32;
	v34 =	vmul.f32 v56, v61;
	v62 =	vpop (erf)  }
0x1b8: {  	[tilespmem:s2+$0x6640] =	vst v36;
	v63 =	vpop (erf);
	v33 =	vmul.f32 v59, v62  }
0x1b9: {  	[tilespmem:s2+$0x6600] =	vst v34;
	v32 =	vmul.f32 v60, v63  }
0x1ba: {  	[tilespmem:s2+$0x6650] =	vst v33  }
0x1bb: {  	[tilespmem:s2+$0x6670] =	vst v32;
	s2 =	simm.s32 @!p1 $0x1  }
0x1bc: {  	_ =	swait.ge @!p1 [sflag:s2], $0x1400  }
0x1bd: {  	s19 =	simm.s32 @!p1 $0x1500;
	s21 =	sadd.s32 $0x1, s21;
	[sflag:s2] =	ssyncset.done @!p1 $0x0  }
0x1be: {  	s11 =	simm.s32 @!p1 $0x0;
	[sflag:s2] =	ssyncadd.s32 @!p1 $0xFFFFEC00;
	s2 =	simm.s32 @!p1 $0x28  }
0x1bf: {  	[tilespmem:s19], [sflag:$0x2] =	stream.indirect.gather.add.f32 @!p1 [hbm:s4], $0x80, s11, s2, $0xb8;
	[tilespmem:$0x1B480] =	vst v63  }
0x1c0: {  	p1 =	sne.s32 s21, $0x7D  }
.Ltmp2:
0x1c1: {  	_ = 	snop;
	(pc) =	sbr.rel @p1 .LBB2_2-.Ltmp2, $4  }
0x1c2: {  	[spmem:s1] =	stream.indirect.scatter.add.f32 [tilespmem:s5], [sflag:$0x7], $0x80, s0, s26, $0xb8;
	[tilespmem:$0x1B480] =	vst v63  }
0x1c3: {  	_ =	swait.ge [sflag:s23], $0x1400  }
0x1c4: {  	[sflag:s23] =	ssyncset.done $0x0  }
0x1c5: {  	[sflag:s23] =	ssyncadd.s32 $0xFFFFEC00  }
0x1c6: {  	[bflag:$0x0] =	sbarrier.arrive $0xFFFF  }
0x1c7: {  	s2 =	rddreg [dreg:$0xa]  }
0x1c8: {  	s11 =	rddreg [dreg:$0xd]  }
0x1c9: {  	[hbm:s2], [sflag:s16] =	dma.local [spmem:s11], $0x2700  }
0x1ca: {  	_ =	swait.ge [sflag:s23], $0x2700  }
0x1cb: {  	[sflag:s23] =	ssyncset.done $0x0;
	s2 =	rddreg [dreg:$0xb]  }
0x1cc: {  	s11 =	rddreg [dreg:$0xe];
	[sflag:s23] =	ssyncadd.s32 $0xFFFFD900  }
0x1cd: {  	[hbm:s2], [sflag:s16] =	dma.local @!p0 [spmem:s11], $0x100  }
0x1ce: {  	s2 =	simm.s32 @!p0 $0x7  }
0x1cf: {  	_ =	swait.ge @!p0 [sflag:s2], $0x100  }
0x1d0: {  	s15 =	sadd.s32 $0x1, s15;
	s30 =	rddreg [dreg:$0xc]  }
0x1d1: {  	p1 =	sne.s32 s15, s30  }
.Ltmp3:
0x1d2: {  	_ = 	snop;
	(pc) =	sbr.rel @p1 .LBB2_1-.Ltmp3, $3  }
0x1d3: {  	_ =	sdelay $0x1  }
0x1d4: {  	[sflag:s2] =	ssyncset.done @!p0 $0x0  }
0x1d5: {  	[sflag:s2] =	ssyncadd.s32 @!p0 $0xFFFFFF00  }
0x1d6: {  	_ =	sfence.sel $0x180000  }
0x1d7: {  	[bflag:$0x0] =	sbarrier.arrive $0xFFFF  }
0x1d8: {  	_ =	strace $0x90000047  }
0x1d9: {  	s0 =	stileid.u32;
	[bflag:$0x2] =	sbarrier.arrive $0xFFFF  }
0x1da: {  	p0 =	sne.s32 s0, $0x0;
	s0 =	rddreg [dreg:$0x2]  }
0x1db: {  	s0 =	sadd.s32 @!p0 $0x100000, s0  }
0x1dc: {  	[sflag:s0] =	ssyncadd.tile.s32 @!p0 $0x1;
	_ =	shalt  }
.Lfunc_end2:
_tile_overlayer_lowered:
.L_overlay_start_2:
0x1dd: {  	(tag) =	ssettag $0x2  }
0x1de: {  	s0 =	rddreg [dreg:$0x0];
	s2 =	stileid.u32  }
0x1df: {  	s1 =	rddreg [dreg:$0x1];
	p0 =	sne.s32 s2, $0x0  }
0x1e0: {  	s3 =	rddreg [dreg:$0x2];
	[bflag:$0x3] =	sbarrier.arrive $0xFFFF;
	s2 =	simm.s32 @!p0 $0x1C07  }
0x1e1: {  	[timem:s3], [sflag:s2] =	dma.local @!p0 [hbm:s0], s1  }
0x1e2: {  	s0 =	simm.s32 @!p0 $0x7  }
0x1e3: {  	_ =	swait.ge @!p0 [sflag:s0], s1  }
0x1e4: {  	s1 =	ssub.s32 @!p0 $0x0, s1;
	[sflag:s0] =	ssyncset.done @!p0 $0x0  }
0x1e5: {  	[sflag:s0] =	ssyncadd.s32 @!p0 s1  }
0x1e6: {  	[bflag:$0x3] =	sbarrier.arrive $0xFFFF  }
0x1e7: {  	_ =	shalt  }

// kernel: kernel.15.cloned.1.call-start
scs
__scs_entry_jumppad:
0x0: {  	(pc) =	sbr.rel $0x88, $3  }
0x1: {  	(tag) =	ssettag $0x0;
	lr =	simm.s32 $0x1  }
0x2: {  	[smem:$0x3F76] =	sst lr;
	_ =	strace $0xD0000000  }
0x3: {  	_ = 	snop  }
0x4: {  	_ = 	snop  }
0x5: {  	_ = 	snop  }
0x6: {  	_ = 	snop  }
0x7: {  	_ = 	snop  }
__scs_overlays_trampoline_lowered:
0x8: {  	[smem:$0x3F85] =	sst s0  }
0x9: {  	[smem:$0x3F86] =	sst s1  }
0xa: {  	[smem:$0x3F87] =	sst s2  }
0xb: {  	[smem:$0x3F88] =	sst s3  }
0xc: {  	[smem:$0x3F89] =	sst s4  }
0xd: {  	[smem:$0x3F8A] =	sst s5  }
0xe: {  	[smem:$0x3F8B] =	sst s6  }
0xf: {  	[smem:$0x3F8C] =	sst s7  }
0x10: {  	[smem:$0x3F8D] =	sst s8  }
0x11: {  	[smem:$0x3F8E] =	sst s9;
	s0 =	simm.s32 @!p0 $0x0  }
0x12: {  	s1 =	sld [smem:$0x3F74];
	s0 =	simm.s32 @p0 $0x1  }
0x13: {  	[smem:$0x3F8F] =	sst s0;
	s0 =	simm.s32 @!p1 $0x0  }
0x14: {  	s2 =	sld [smem:$0x3F73];
	s0 =	simm.s32 @p1 $0x1  }
0x15: {  	[smem:$0x3F90] =	sst s0;
	s0 =	simm.s32 @!p2 $0x0  }
0x16: {  	s3 =	sld [smem:$0x3FDB];
	s0 =	simm.s32 @p2 $0x1  }
0x17: {  	s4 =	simm.s32 $0x1BF5;
	[smem:$0x3F92] =	sst s0  }
0x18: {  	s0 =	sld [smem:$0x3F75];
	_ =	swait.ge [sflag:s4], $0x0  }
0x19: {  	s7 =	sld [smem:$0x3F76]  }
0x1a: {  	s8 =	sadd.s32 $0xFFFFE003, lr  }
0x1b: {  	s9 =	sadd.s32 $0xFFFFFEF7, lr;
	s5 =	simm.s32 $0xFFFFFFFF;
	p2 =	slt.u32 s8, $0xFFFFF086  }
0x1c: {  	p1 =	slt.u32 s9, $0xF7A;
	s5 =	simm.s32 @!p2 $0x0  }
0x1d: {  	s5 =	simm.s32 @p1 $0x1;
	p0 =	seq.s32 s7, s2  }
0x1e: {  	s7 =	smul.u32 @!p0 $0xF7A, s2;
	p2 =	seq.s32 @!p0 s5, $0x0  }
0x1f: {  	s9 =	smul.u32 $0xF7A, s1;
	s8 =	simm.s32 @!p0 $0x1BF5;
	p2 =	por !p2, p0  }
0x20: {  	[sflag:s8] =	ssyncset.s32 @!p0 $0xFFFFF086;
	s6 =	sadd.s32 @!p0 s3, s7;
	s7 =	simm.s32 @!p0 $0x108  }
0x21: {  	s3 =	sadd.s32 s3, s9;
	s6 =	sadd.s32 @!p0 $0x88, s6;
	s7 =	simm.s32 @p2 $0x1082  }
0x22: {  	[simem:s7], [sflag:s8] =	dma.local @!p0 [hbm:s6], $0xF7A  }
0x23: {  	s9 =	sor.u32 $0xD0000000, s2;
	s6 =	simm.s32 $0x108;
	_ =	swait.ge @!p0 [sflag:s8], $0x0  }
0x24: {  	s3 =	sadd.s32 $0x88, s3;
	s6 =	simm.s32 @!p1 $0x1082;
	[sflag:s4] =	ssyncset.s32 $0xFFFFF086  }
0x25: {  	[simem:s6], [sflag:s4] =	dma.local [hbm:s3], $0xF7A  }
0x26: {  	[smem:$0x3F76] =	sst s1;
	(tag) =	ssettag s2;
	_ =	strace s9  }
0x27: {  	s1 =	sld [smem:$0x3F86]  }
0x28: {  	s2 =	sld [smem:$0x3F87]  }
0x29: {  	s4 =	sld [smem:$0x3F89]  }
0x2a: {  	p0 =	seq.s32 s5, $0x0;
	s5 =	sld [smem:$0x3F8A]  }
0x2b: {  	s6 =	sld [smem:$0x3F8B]  }
0x2c: {  	s7 =	sld [smem:$0x3F8C]  }
0x2d: {  	s3 =	simm.s32 $0x108;
	s8 =	sld [smem:$0x3F8D]  }
0x2e: {  	s3 =	simm.s32 @!p0 $0x1082;
	s9 =	sld [smem:$0x3F8E]  }
0x2f: {  	lr =	sadd.s32 s0, s3;
	s0 =	sld [smem:$0x3F85]  }
0x30: {  	s3 =	sld [smem:$0x3F88]  }
0x31: {  	[smem:$0x3F91] =	sst s10  }
0x32: {  	s10 =	sld [smem:$0x3F8F];
	_ =	sdelay $0x3  }
0x33: {  	p0 =	seq.s32 s10, $0x1;
	s10 =	sld [smem:$0x3F91];
	_ =	sdelay $0x3  }
0x34: {  	[smem:$0x3F91] =	sst s10  }
0x35: {  	s10 =	sld [smem:$0x3F90];
	_ =	sdelay $0x3  }
0x36: {  	p1 =	seq.s32 s10, $0x1;
	s10 =	sld [smem:$0x3F91];
	_ =	sdelay $0x3  }
0x37: {  	[smem:$0x3F91] =	sst s10  }
0x38: {  	s10 =	sld [smem:$0x3F92]  }
0x39: {  	_ = 	snop;
	(pc) =	sbr.ind lr, $3  }
0x3a: {  	_ = 	snop  }
0x3b: {  	_ = 	snop  }
0x3c: {  	p2 =	seq.s32 s10, $0x1;
	s10 =	sld [smem:$0x3F91]  }
0x3d: {  	_ =	shalt  }
0x3e: {  	_ =	shalt  }
0x3f: {  	_ =	shalt  }
0x40: {  	_ =	shalt  }
0x41: {  	_ =	shalt  }
0x42: {  	_ =	shalt  }
0x43: {  	_ =	shalt  }
0x44: {  	_ =	shalt  }
0x45: {  	_ =	shalt  }
0x46: {  	_ =	shalt  }
0x47: {  	_ =	shalt  }
0x48: {  	_ =	shalt  }
0x49: {  	_ =	shalt  }
0x4a: {  	_ =	shalt  }
0x4b: {  	_ =	shalt  }
0x4c: {  	_ =	shalt  }
0x4d: {  	_ =	shalt  }
0x4e: {  	_ =	shalt  }
0x4f: {  	_ =	shalt  }
0x50: {  	_ =	shalt  }
0x51: {  	_ =	shalt  }
0x52: {  	_ =	shalt  }
0x53: {  	_ =	shalt  }
0x54: {  	_ =	shalt  }
0x55: {  	_ =	shalt  }
0x56: {  	_ =	shalt  }
0x57: {  	_ =	shalt  }
0x58: {  	_ =	shalt  }
0x59: {  	_ =	shalt  }
0x5a: {  	_ =	shalt  }
0x5b: {  	_ =	shalt  }
0x5c: {  	_ =	shalt  }
0x5d: {  	_ =	shalt  }
0x5e: {  	_ =	shalt  }
0x5f: {  	_ =	shalt  }
0x60: {  	_ =	shalt  }
0x61: {  	_ =	shalt  }
0x62: {  	_ =	shalt  }
0x63: {  	_ =	shalt  }
0x64: {  	_ =	shalt  }
0x65: {  	_ =	shalt  }
0x66: {  	_ =	shalt  }
0x67: {  	_ =	shalt  }
0x68: {  	_ =	shalt  }
0x69: {  	_ =	shalt  }
0x6a: {  	_ =	shalt  }
0x6b: {  	_ =	shalt  }
0x6c: {  	_ =	shalt  }
0x6d: {  	_ =	shalt  }
0x6e: {  	_ =	shalt  }
0x6f: {  	_ =	shalt  }
0x70: {  	_ =	shalt  }
0x71: {  	_ =	shalt  }
0x72: {  	_ =	shalt  }
0x73: {  	_ =	shalt  }
0x74: {  	_ =	shalt  }
0x75: {  	_ =	shalt  }
0x76: {  	_ =	shalt  }
0x77: {  	_ =	shalt  }
0x78: {  	_ =	shalt  }
0x79: {  	_ =	shalt  }
0x7a: {  	_ =	shalt  }
0x7b: {  	_ =	shalt  }
0x7c: {  	_ =	shalt  }
0x7d: {  	_ =	shalt  }
0x7e: {  	_ =	shalt  }
0x7f: {  	_ =	shalt  }
0x80: {  	_ =	shalt  }
0x81: {  	_ =	shalt  }
0x82: {  	_ =	shalt  }
0x83: {  	_ =	shalt  }
0x84: {  	_ =	shalt  }
0x85: {  	_ =	shalt  }
0x86: {  	_ =	shalt  }
0x87: {  	_ =	shalt  }
.Lfunc_end0:
.L_simem_size_0:
called_computation.1_lowered:
.L_overlay_start_0:
0x88: {  	s2 =	sld [smem:$0x3FD9]  }
0x89: {  	s3 =	sld [smem:$0x3FFE];
	_ =	sdelay $0x1  }
0x8a: {  	s1 =	srdreg.scid  }
0x8b: {  	s0 =	sand.u32 $0x1, s1  }
0x8c: {  	s16 =	sshll.u32 s0, $0xA;
	s2 =	sadd.s32 s3, s2  }
0x8d: {  	s2 =	sadd.s32 s2, s16  }
0x8e: {  	[smem:$0x3F9D] =	sst s2  }
0x8f: {  	_ = 	snop  }
0x90: {  	(tm) =	ssettm $0x1  }
0x91: {  	s17 =	sld [smem:$0x3FFB];
	_ =	sdelay $0x3  }
0x92: {  	_ =	strace s17  }
0x93: {  	s2 =	sld [smem:$0x3FFC];
	_ =	sdelay $0x3  }
0x94: {  	_ =	strace s2  }
0x95: {  	s2 =	sld [smem:$0x3FFD];
	_ =	sdelay $0x3  }
0x96: {  	_ =	strace s2  }
0x97: {  	_ =	strace $0x8FFFFFFF  }
0x98: {  	s18 =	sld [smem:$0x3FDB];
	_ =	sdelay $0x1  }
0x99: {  	s19 =	simm.s32 $_scs_section_size  }
0x9a: {  	s4 =	simm.s32 $_size__tile_overlayer_lowered;
	s5 =	simm.s32 $_tile_overlayer_lowered  }
0x9b: {  	s22 =	simm.s32 $0x1BFF;
	s21 =	sshll.u32 s5, $0x1;
	s2 =	sadd.s32 s19, s18  }
0x9c: {  	s6 =	simm.s32 $0x0;
	s20 =	sshll.u32 s4, $0x1;
	s4 =	sadd.s32 s21, s2  }
0x9d: {  	[timem:s6], [sflag:s22] =	dma.local [hbm:s4], s20  }
0x9e: {  	_ =	swait.ge [sflag:s22], s20  }
0x9f: {  	s3 =	ssub.s32 $0x0, s20;
	[sflag:s22] =	ssyncset.done $0x0  }
0xa0: {  	[sflag:s22] =	ssyncadd.s32 s3;
	_ =	sdelay $0x1  }
0xa1: {  	s23 =	simm.s32 $0x1B8B  }
0xa2: {  	_ =	swait.ge [sflag:s23], $0x1  }
0xa3: {  	[sflag:s23] =	ssyncset.done $0x0  }
0xa4: {  	s25 =	simm.s32 $0x1B8E;
	s24 =	sld [smem:$0x3FFE];
	[sflag:s23] =	ssyncadd.s32 $0xFFFFFFFF  }
0xa5: {  	s26 =	simm.s32 $execute0_lowered;
	[smem:$0x3FD2] =	sst s25  }
0xa6: {  	s4 =	sshll.u32 s26, $0x1;
	_ =	strace $0x80000049;
	[dreg:$0x1] =	wrdreg $0xFFFFFFFF  }
0xa7: {  	s28 =	simm.s32 $_size_execute0_lowered;
	s2 =	sadd.s32 s2, s4;
	[dreg:$0x0] =	wrdreg $0x0  }
0xa8: {  	s4 =	sshll.u32 s28, $0x1;
	[dreg:$0x2] =	wrdreg s2  }
0xa9: {  	[dreg:$0x3] =	wrdreg s4  }
0xaa: {  	[dreg:$0x4] =	wrdreg $0xC0  }
0xab: {  	_ =	task [dreg:s6], $0x5FFFF  }
0xac: {  	[dreg:$0x1] =	wrdreg $0xFFFFFFFF  }
0xad: {  	[dreg:$0x0] =	wrdreg $0x60  }
0xae: {  	[dreg:$0x2] =	wrdreg s24  }
0xaf: {  	[dreg:$0x3] =	wrdreg $0x7C000  }
0xb0: {  	[dreg:$0x4] =	wrdreg $0x9  }
0xb1: {  	_ =	task.clear_ibuf [dreg:s6], $0x5FFFF;
	_ =	strace $0x90000049  }
0xb2: {  	s29 =	simm.s32 $0x9;
	_ =	strace $0x8000004B  }
0xb3: {  	_ =	swait.ge [sflag:s29], $0x1  }
0xb4: {  	[sflag:s29] =	ssyncadd.s32 $0xFFFFFFFF  }
0xb5: {  	_ =	strace $0x9000004B  }
0xb6: {  	_ =	sfence  }
0xb7: {  	s30 =	sld [smem:$0x0];
	_ =	sdelay $0x2  }
0xb8: {  	s31 =	sshll.u32 s1, $0xD;
	s1 =	sshrl.u32 s1, $0x2  }
0xb9: {  	s3 =	sand.u32 $0x4000, s31;
	s1 =	sadd.s32 s1, s30  }
0xba: {  	s0 =	sor.u32 s3, s0;
	s1 =	sshll.u32 s1, $0x11  }
0xbb: {  	s0 =	sor.u32 s1, s0  }
0xbc: {  	s0 =	sadd.s32 $0x8F2B, s0  }
0xbd: {  	[sflag:s0] =	ssyncadd.remote.s32 $0x1  }
0xbe: {  	_ =	sfence.sel $0xFFFF  }
0xbf: {  	[dreg:$0x0] =	wrdreg $0xFFFFFFFF;
	(pc) =	sbr.abs _section_cstart, $3  }
0xc0: {  	[dreg:$0x1] =	wrdreg $0xFFFFFFFF  }
0xc1: {  	_ =	task.clear_ibuf [dreg:s6], $0x2FFFF;
	_ =	strace $0x9FFFFFFF  }
0xc2: {  	(tm) =	ssettm $0x7FFFFFFF  }
0xc3: {  	_ =	shalt  }
tec
execute0_lowered:
.L_overlay_start_1:
0x0: {  	(tag) =	ssettag $0x1  }
0x1: {  	s0 =	rddreg [dreg:$0x0]  }
0x2: {  	s1 =	rddreg [dreg:$0x1];
	s2 =	simm.s32 $0x0  }
0x3: {  	s19 =	srdreg.scid;
	s14 =	stileid.u32;
	s29 =	simm.s32 $0x2900  }
0x4: {  	s31 =	simm.s32 $0x3D00;
	s28 =	simm.s32 $0x5;
	[smem:$0x7FF] =	sst s2  }
0x5: {  	s3 =	sadd.s32 $0xBB200, s0;
	s4 =	sadd.s32 $0x1C200, s0;
	s6 =	sadd.s32 $0x43400, s0  }
0x6: {  	s7 =	sadd.s32 $0x12400, s0;
	s8 =	sadd.s32 $0x8600, s0;
	s9 =	sadd.s32 $0x4FE400, s0  }
0x7: {  	s2 =	sand.u32 $0x1, s19;
	s5 =	sshll.u32 s14, $0x1;
	s10 =	sadd.s32 $0x109400, s0  }
0x8: {  	s20 =	smul.u32 $0x4E000, s14;
	s11 =	sadd.s32 $0xB8A00, s0;
	s0 =	sadd.s32 $0x109600, s0  }
0x9: {  	s23 =	smul.u32 $0x13800, s14;
	s15 =	sadd.s32 $0x138000, s1;
	p0 =	sne.s32 s14, $0xF  }
0xa: {  	s14 =	simm.s32 $0x6;
	_ =	strace $0x8000004A;
	[dreg:$0x3] =	wrdreg s10  }
0xb: {  	s5 =	sor.u32 s2, s5;
	[dreg:$0x4] =	wrdreg s11;
	s21 =	ssub.s32 $0x2, s2  }
0xc: {  	s2 =	smul.u32 $0x138800, s2;
	[dreg:$0x6] =	wrdreg s15;
	s15 =	simm.s32 $0x0  }
0xd: {  	s12 =	smul.u32 $0x2710, s5;
	s13 =	sshrl.u32 s21, $0x1;
	s10 =	sshrl.u32 s20, $0x2  }
0xe: {  	s5 =	smul.u32 $0x27100, s5;
	s11 =	ssub.s32 s21, s13;
	s10 =	sadd.s32 s10, s1  }
0xf: {  	s25 =	sadd.s32 s23, s2;
	s2 =	sshrl.u32 s2, $0x3;
	s23 =	simm.s32 $0x7  }
0x10: {  	s13 =	simm.s32 $0x4;
	[dreg:$0x5] =	wrdreg s10;
	s22 =	sshrl.u32 s12, $0x3  }
0x11: {  	s5 =	sadd.s32 s9, s5;
	s17 =	sadd.s32 $0x28, s12;
	s2 =	sadd.s32 s0, s2  }
0x12: {  	s18 =	sadd.s32 $0x50, s12;
	s30 =	smax.u32 s11, $0x1;
	[dreg:$0x9] =	wrdreg s5  }
0x13: {  	s12 =	simm.s32 $0x3;
	s24 =	sadd.s32 s7, s22;
	[dreg:$0xc] =	wrdreg s30  }
0x14: {  	s10 =	sadd.s32 s8, s22;
	s5 =	sshrl.u32 s25, $0x3;
	[dreg:$0x7] =	wrdreg s24  }
0x15: {  	s26 =	sadd.s32 $0x27000, s2;
	s22 =	simm.s32 $0x3E00;
	[dreg:$0x8] =	wrdreg s10  }
0x16: {  	s25 =	simm.s32 $0x5200;
	s0 =	sadd.s32 s0, s5;
	[dreg:$0xb] =	wrdreg s26  }
0x17: {  	s24 =	simm.s32 $0x80;
	s26 =	simm.s32 $0x28;
	s5 =	simm.s32 $0x6600  }
0x18: {  	s10 =	simm.s32 $0x2;
	[dreg:$0xa] =	wrdreg s0;
	s0 =	simm.s32 $0x3D80  }
.LBB2_1:
0x19: {  	s11 =	simm.s32 $0x0  }
0x1a: {  	s2 =	rddreg [dreg:$0x3];
	s16 =	simm.s32 $0x7A00;
	s19 =	stileid.u32  }
0x1b: {  	[tilespmem:s16], [sflag:$0x7] =	stream.linear.gather [hbm4b:s2+s11], $0x200, $0x38;
	[tilespmem:$0x1B480] =	vst v63  }
0x1c: {  	s2 =	sshll.u32 s19, $0x6;
	_ =	swait.ge [sflag:s23], $0x200  }
0x1d: {  	s16 =	sor.u32 $0x1C07, s2;
	s20 =	rddreg [dreg:$0x5]  }
0x1e: {  	[sflag:s23] =	ssyncset.done $0x0;
	s2 =	rddreg [dreg:$0x4];
	s19 =	sshrl.u32 s20, $0x3  }
0x1f: {  	[sflag:s23] =	ssyncadd.s32 $0xFFFFFE00;
	[dreg:$0xd] =	wrdreg s19  }
0x20: {  	[spmem:s19], [sflag:s16] =	dma.local [hbm:s2], $0x2700  }
0x21: {  	_ =	swait.ge [sflag:s23], $0x2700  }
0x22: {  	s19 =	rddreg [dreg:$0x6]  }
0x23: {  	[sflag:s23] =	ssyncset.done $0x0;
	s19 =	sshrl.u32 @!p0 s19, $0x3  }
0x24: {  	[sflag:s23] =	ssyncadd.s32 $0xFFFFD900;
	[dreg:$0xe] =	wrdreg s19  }
0x25: {  	[spmem:s19], [sflag:s16] =	dma.local @!p0 [hbm:s2], $0x100  }
0x26: {  	s2 =	simm.s32 @!p0 $0x7  }
0x27: {  	_ =	swait.ge @!p0 [sflag:s2], $0x100  }
0x28: {  	[sflag:s2] =	ssyncset.done @!p0 $0x0  }
0x29: {  	[sflag:s2] =	ssyncadd.s32 @!p0 $0xFFFFFF00  }
0x2a: {  	[bflag:$0x0] =	sbarrier.arrive $0xFFFF  }
0x2b: {  	v0 =	vld [tilespmem:$0x7A00]  }
0x2c: {  	v1 =	vld [tilespmem:$0x7A10]  }
0x2d: {  	v2 =	vld [tilespmem:$0x7A20]  }
0x2e: {  	v3 =	vld [tilespmem:$0x7A30]  }
0x2f: {  	v4 =	vld [tilespmem:$0x7A40]  }
0x30: {  	v5 =	vld [tilespmem:$0x7A50]  }
0x31: {  	v6 =	vld [tilespmem:$0x7A60]  }
0x32: {  	v7 =	vld [tilespmem:$0x7A70]  }
0x33: {  	v8 =	vld [tilespmem:$0x7A80]  }
0x34: {  	v9 =	vld [tilespmem:$0x7A90]  }
0x35: {  	v10 =	vld [tilespmem:$0x7AA0]  }
0x36: {  	v11 =	vld [tilespmem:$0x7AB0]  }
0x37: {  	v12 =	vld [tilespmem:$0x7AC0]  }
0x38: {  	v13 =	vld [tilespmem:$0x7AD0]  }
0x39: {  	v14 =	vld [tilespmem:$0x7AE0]  }
0x3a: {  	v15 =	vld [tilespmem:$0x7AF0]  }
0x3b: {  	v16 =	vld [tilespmem:$0x7B00]  }
0x3c: {  	v17 =	vld [tilespmem:$0x7B10]  }
0x3d: {  	v18 =	vld [tilespmem:$0x7B20]  }
0x3e: {  	v19 =	vld [tilespmem:$0x7B30]  }
0x3f: {  	v20 =	vld [tilespmem:$0x7B40]  }
0x40: {  	v21 =	vld [tilespmem:$0x7B50]  }
0x41: {  	v22 =	vld [tilespmem:$0x7B60]  }
0x42: {  	v23 =	vld [tilespmem:$0x7B70]  }
0x43: {  	v24 =	vld [tilespmem:$0x7B80]  }
0x44: {  	v25 =	vld [tilespmem:$0x7B90]  }
0x45: {  	v26 =	vld [tilespmem:$0x7BA0]  }
0x46: {  	v27 =	vld [tilespmem:$0x7BB0]  }
0x47: {  	v28 =	vld [tilespmem:$0x7BC0]  }
0x48: {  	v29 =	vld [tilespmem:$0x7BD0]  }
0x49: {  	v30 =	vld [tilespmem:$0x7BE0];
	s21 =	rddreg [dreg:$0x7]  }
0x4a: {  	v31 =	vld [tilespmem:$0x7BF0];
	[tilespmem:s11], [sflag:$0x7] =	stream.linear.gather [hbm4b:s21+s11], $0x28, $0x38  }
0x4b: {  	_ =	swait.ge [sflag:s23], $0x28  }
0x4c: {  	[sflag:s23] =	ssyncset.done $0x0  }
0x4d: {  	s30 =	rddreg [dreg:$0x8];
	[sflag:s23] =	ssyncadd.s32 $0xFFFFFFD8  }
0x4e: {  	[tilespmem:s24], [sflag:$0x7] =	stream.linear.gather [hbm4b:s30+s11], $0x28, $0x38;
	[tilespmem:$0x1B480] =	vst v63  }
0x4f: {  	_ =	swait.ge [sflag:s23], $0x28  }
0x50: {  	[sflag:s23] =	ssyncset.done $0x0  }
0x51: {  	s20 =	simm.s32 $0x100;
	s19 =	rddreg [dreg:$0x9];
	[sflag:s23] =	ssyncadd.s32 $0xFFFFFFD8  }
0x52: {  	[tilespmem:s20], [sflag:$0x7] =	stream.linear.gather [hbm4b:s19+s11], $0x1400, $0x38;
	[tilespmem:$0x1B480] =	vst v63  }
0x53: {  	_ =	swait.ge [sflag:s23], $0x1400  }
0x54: {  	[sflag:s23] =	ssyncset.done $0x0  }
0x55: {  	s21 =	simm.s32 $0x1500;
	[sflag:s23] =	ssyncadd.s32 $0xFFFFEC00  }
0x56: {  	[tilespmem:s21], [sflag:$0x1] =	stream.indirect.gather [hbm4b:s3+s26], $0x80, s24, s26, $0xb8;
	[tilespmem:$0x1B480] =	vst v63  }
0x57: {  	s30 =	simm.s32 $0x1  }
0x58: {  	[tilespmem:s29], [sflag:$0x3] =	stream.indirect.gather [hbm4b:s6+s26], $0x80, s11, s26, $0xb8;
	[tilespmem:$0x1B480] =	vst v63  }
0x59: {  	_ =	swait.ge [sflag:s30], $0x1400  }
0x5a: {  	[sflag:s30] =	ssyncset.done $0x0  }
0x5b: {  	[sflag:s30] =	ssyncadd.s32 $0xFFFFEC00  }
0x5c: {  	[tilespmem:s21], [sflag:$0x2] =	stream.indirect.gather.add.f32 [hbm:s4], $0x80, s11, s26, $0xb8;
	[tilespmem:$0x1B480] =	vst v63  }
0x5d: {  	s21 =	simm.s32 $0x0  }
.LBB2_2:
0x5e: {  	s30 =	smul.u32 $0x50, s21;
	_ =	sdelay $0x1  }
0x5f: {  	s2 =	sadd.s32 s30, s17  }
0x60: {  	s11 =	sshrl.u32 s2, $0x3  }
0x61: {  	s20 =	simm.s32 $0x0;
	s19 =	sadd.s32 s7, s11  }
0x62: {  	[tilespmem:s31], [sflag:$0x7] =	stream.linear.gather [hbm4b:s19+s20], $0x28, $0x38;
	[tilespmem:$0x1B480] =	vst v63  }
0x63: {  	_ =	swait.ge [sflag:s23], $0x28  }
0x64: {  	[sflag:s23] =	ssyncset.done $0x0  }
0x65: {  	s11 =	sadd.s32 s8, s11;
	[sflag:s23] =	ssyncadd.s32 $0xFFFFFFD8  }
0x66: {  	[tilespmem:s0], [sflag:$0x7] =	stream.linear.gather [hbm4b:s11+s20], $0x28, $0x38;
	[tilespmem:$0x1B480] =	vst v63  }
0x67: {  	_ =	swait.ge [sflag:s23], $0x28  }
0x68: {  	s2 =	sshll.u32 s2, $0x4;
	[sflag:s23] =	ssyncset.done $0x0  }
0x69: {  	s2 =	sadd.s32 s9, s2;
	[sflag:s23] =	ssyncadd.s32 $0xFFFFFFD8  }
0x6a: {  	[tilespmem:s22], [sflag:$0x7] =	stream.linear.gather [hbm4b:s2+s20], $0x1400, $0x38;
	[tilespmem:$0x1B480] =	vst v63  }
0x6b: {  	_ =	swait.ge [sflag:s23], $0x1400  }
0x6c: {  	[sflag:s23] =	ssyncset.done $0x0  }
0x6d: {  	[sflag:s23] =	ssyncadd.s32 $0xFFFFEC00  }
0x6e: {  	[tilespmem:s25], [sflag:$0x4] =	stream.indirect.gather [hbm4b:s3+s26], $0x80, s0, s26, $0xb8;
	[tilespmem:$0x1B480] =	vst v63  }
0x6f: {  	_ = 	snop  }
0x70: {  	[tilespmem:s5], [sflag:$0x6] =	stream.indirect.gather [hbm4b:s6+s26], $0x80, s31, s26, $0xb8;
	[tilespmem:$0x1B480] =	vst v63  }
0x71: {  	_ =	swait.ge [sflag:s10], $0x1400  }
0x72: {  	[sflag:s10] =	ssyncset.done $0x0  }
0x73: {  	[sflag:s10] =	ssyncadd.s32 $0xFFFFEC00  }
0x74: {  	_ =	swait.ge [sflag:s12], $0x1400  }
0x75: {  	[sflag:s12] =	ssyncset.done $0x0  }
0x76: {  	s11 =	simm.s32 $0x0;
	[sflag:s12] =	ssyncadd.s32 $0xFFFFEC00  }
0x77: {  	v32 =	vld [tilespmem:s11+$0x100];
	_ =	sdelay $0x4  }
0x78: {  	v33 =	vbroadcast v32, $0x0;
	v34 =	vbroadcast v32, $0x2  }
0x79: {  	v35 =	vbroadcast v32, $0x3;
	v32 =	vbroadcast v32, $0x1  }
0x7a: {  	v36 =	vmul.f32 v33, v0;
	v37 =	vmul.f32 v34, v16  }
0x7b: {  	v38 =	vmul.f32 v34, v19;
	v39 =	vmul.f32 v34, v23  }
0x7c: {  	v40 =	vmul.f32 v34, v18;
	v41 =	vmul.f32 v35, v24  }
0x7d: {  	v42 =	vmul.f32 v32, v11;
	v43 =	vmul.f32 v32, v9  }
0x7e: {  	v44 =	vmul.f32 v33, v3;
	v45 =	vmul.f32 v35, v27  }
0x7f: {  	v46 =	vmul.f32 v32, v12;
	v47 =	vmul.f32 v32, v8  }
0x80: {  	v49 =	vmul.f32 v35, v25;
	v57 =	vmul.f32 v34, v17  }
0x81: {  	v58 =	vmul.f32 v35, v26;
	v59 =	vmul.f32 v33, v2  }
0x82: {  	v60 =	vmul.f32 v32, v10;
	v61 =	vmul.f32 v33, v1  }
0x83: {  	v62 =	vmul.f32 v33, v4;
	v50 =	vmul.f32 v35, v28  }
0x84: {  	v51 =	vmul.f32 v34, v20;
	v63 =	vmul.f32 v35, v30;
	v42 =	vadd.f32 v42, v44  }
0x85: {  	v52 =	vmul.f32 v34, v22;
	v37 =	vadd.f32 v41, v37;
	v38 =	vadd.f32 v45, v38  }
0x86: {  	v53 =	vmul.f32 v33, v6;
	v36 =	vadd.f32 v47, v36;
	v44 =	vadd.f32 v49, v57  }
0x87: {  	v34 =	vmul.f32 v34, v21;
	v40 =	vadd.f32 v58, v40;
	v47 =	vadd.f32 v60, v59  }
0x88: {  	v48 =	vld [tilespmem:s11+$0x1530];
	v41 =	vmul.f32 v35, v31;
	v45 =	vadd.f32 v46, v62;
	v50 =	vadd.f32 v50, v51  }
0x89: {  	v56 =	vld [tilespmem:s11+$0x1520];
	v57 =	vmul.f32 v32, v14;
	v60 =	vadd.f32 v63, v52;
	v62 =	vmul.f32 v32, v13  }
0x8a: {  	v46 =	vld [tilespmem:s11+$0x1540];
	v51 =	vmul.f32 v33, v7;
	v38 =	vadd.f32 v38, v42;
	v42 =	vadd.f32 v43, v61  }
0x8b: {  	v52 =	vld [tilespmem:s11+$0x1500];
	v33 =	vmul.f32 v33, v5;
	v40 =	vadd.f32 v40, v47;
	v45 =	vadd.f32 v50, v45  }
0x8c: {  	s2 =	simm.s32 $0x80;
	v58 =	vld [tilespmem:s11+$0x1510];
	v35 =	vmul.f32 v35, v29;
	v61 =	vadd.f32 v57, v53;
	v36 =	vadd.f32 v37, v36  }
0x8d: {  	v53 =	vld [tilespmem:s2+$0x100];
	v39 =	vadd.f32 v41, v39;
	v33 =	vadd.f32 v62, v33  }
0x8e: {  	v55 =	vld [tilespmem:s11+$0x1550];
	v34 =	vadd.f32 v35, v34;
	v38 =	vadd.f32 v48, v38  }
0x8f: {  	v32 =	vmul.f32 v32, v15;
	v40 =	vadd.f32 v40, v56;
	v63 =	vadd.f32 v46, v45  }
0x90: {  	v42 =	vadd.f32 v44, v42;
	v36 =	vadd.f32 v36, v52;
	v38 =	vmul.f32 $1.442695020e+00, v38  }
0x91: {  	v33 =	vadd.f32 v34, v33;
	v40 =	vmul.f32 $1.442695020e+00, v40;
	v44 =	vmul.f32 $1.442695020e+00, v63  }
0x92: {  	v59 =	vld [tilespmem:s11+$0x1560];
	v42 =	vadd.f32 v42, v58;
	v36 =	vmul.f32 $1.442695020e+00, v36;
	v43 =	vbroadcast v53, $0x0  }
0x93: {  	v33 =	vadd.f32 v55, v33;
	v34 =	vbroadcast v53, $0x3;
	v41 =	vbroadcast v53, $0x2  }
0x94: {  	v32 =	vadd.f32 v32, v51;
	(erf) = vpow2.f32 v38;
	v42 =	vmul.f32 $1.442695020e+00, v42  }
0x95: {  	v38 =	vadd.f32 v60, v61;
	v33 =	vmul.f32 $1.442695020e+00, v33;
	(erf) = vpow2.f32 v44  }
0x96: {  	v32 =	vadd.f32 v39, v32;
	v37 =	vmul.f32 v41, v19;
	v45 =	vmul.f32 v41, v23  }
0x97: {  	v39 =	vmul.f32 v41, v18;
	v60 =	vmul.f32 v34, v24;
	v38 =	vadd.f32 v59, v38  }
0x98: {  	v63 =	vmul.f32 v43, v3;
	(erf) = vpow2.f32 v40  }
0x99: {  	(erf) = vpow2.f32 v42;
	v54 =	vmul.f32 $1.442695020e+00, v38  }
0x9a: {  	v42 =	vbroadcast v53, $0x1;
	v38 =	vmul.f32 v41, v16  }
0x9b: {  	v55 =	vmul.f32 v34, v31;
	(erf) = vpow2.f32 v54  }
0x9c: {  	v61 =	vmul.f32 v42, v11;
	v38 =	vadd.f32 v60, v38;
	v60 =	vmul.f32 v34, v26  }
0x9d: {  	v45 =	vadd.f32 v55, v45;
	v48 =	vmul.f32 v42, v9;
	v52 =	vmul.f32 v42, v12  }
0x9e: {  	v56 =	vld [tilespmem:s11+$0x1570];
	v54 =	vmul.f32 v34, v25;
	v39 =	vadd.f32 v60, v39;
	v60 =	vmul.f32 v43, v4;
	v57 =	vpop (erf)  }
0x9f: {  	v46 =	vadd.f32 v61, v63;
	v63 =	vmul.f32 v42, v10;
	v35 =	vadd.f32 $1.000000000e+00, v57  }
0xa0: {  	v58 =	vpop (erf);
	v57 =	vmul.f32 v34, v27;
	v52 =	vadd.f32 v52, v60;
	v60 =	vmul.f32 v43, v7  }
0xa1: {  	v44 =	vadd.f32 $1.000000000e+00, v58;
	v59 =	vpop (erf);
	v58 =	vmul.f32 v42, v8;
	(erf) = vrcp.f32 v35  }
0xa2: {  	v35 =	vmul.f32 v43, v0;
	v40 =	vadd.f32 $1.000000000e+00, v59;
	(erf) = vpow2.f32 v36  }
0xa3: {  	v62 =	vpop (erf);
	v59 =	vmul.f32 v41, v17;
	v37 =	vadd.f32 v57, v37;
	v36 =	vadd.f32 v56, v32  }
0xa4: {  	v57 =	vmul.f32 v43, v1;
	v47 =	vadd.f32 $1.000000000e+00, v62;
	v35 =	vadd.f32 v58, v35;
	v56 =	vpop (erf)  }
0xa5: {  	v62 =	vmul.f32 v43, v2;
	v37 =	vadd.f32 v37, v46;
	v46 =	vld [tilespmem:s2+$0x1530];
	v50 =	vadd.f32 $1.000000000e+00, v56  }
0xa6: {  	v49 =	vadd.f32 v54, v59;
	v54 =	vmul.f32 v42, v13;
	v56 =	vmul.f32 v41, v21  }
0xa7: {  	v38 =	vadd.f32 v38, v35;
	v35 =	vmul.f32 v34, v29;
	(erf) = vrcp.f32 v50  }
0xa8: {  	v53 =	vld [tilespmem:s2+$0x1520];
	v59 =	vadd.f32 v48, v57;
	v36 =	vmul.f32 $1.442695020e+00, v36;
	(erf) = vrcp.f32 v47  }
0xa9: {  	v50 =	vadd.f32 v63, v62;
	v62 =	vld [tilespmem:s2+$0x1510];
	v35 =	vadd.f32 v35, v56;
	(erf) = vpow2.f32 v33  }
0xaa: {  	v63 =	vmul.f32 v41, v20;
	v47 =	vadd.f32 v49, v59;
	v58 =	vadd.f32 v46, v37;
	v32 =	vpop (erf)  }
0xab: {  	v37 =	vmul.f32 v42, v14;
	v39 =	vadd.f32 v39, v50;
	(erf) = vpow2.f32 v36;
	v61 =	vpop (erf)  }
0xac: {  	v42 =	vmul.f32 v42, v15;
	v51 =	vadd.f32 $1.000000000e+00, v61;
	v61 =	vmul.f32 v34, v28  }
0xad: {  	v36 =	vmul.f32 $1.442695020e+00, v58;
	v39 =	vadd.f32 v39, v53;
	v53 =	vld [tilespmem:s2+$0x1540];
	(erf) = vrcp.f32 v40  }
0xae: {  	v58 =	vmul.f32 v43, v6;
	v40 =	vadd.f32 v47, v62;
	v47 =	vld [tilespmem:s11+$0x2960];
	v59 =	vadd.f32 v61, v63  }
0xaf: {  	v49 =	vld [tilespmem:s2+$0x1550];
	v46 =	vadd.f32 v42, v60;
	(erf) = vpow2.f32 v36;
	v61 =	vmul.f32 v43, v5  }
0xb0: {  	v50 =	vld [tilespmem:s2+$0x1570];
	v34 =	vmul.f32 v34, v30;
	v63 =	vmul.f32 v41, v22;
	v33 =	vadd.f32 v59, v52;
	v62 =	vpop (erf)  }
0xb1: {  	v42 =	vld [tilespmem:s2+$0x1500];
	v45 =	vadd.f32 v45, v46;
	v52 =	vadd.f32 v54, v61;
	(erf) = vrcp.f32 v44;
	v41 =	vpop (erf)  }
0xb2: {  	v36 =	vld [tilespmem:s11+$0x2910];
	v59 =	vadd.f32 v34, v63;
	v48 =	vadd.f32 v53, v33;
	v60 =	vpop (erf)  }
0xb3: {  	v43 =	vld [tilespmem:s2+$0x1560];
	v63 =	vadd.f32 v37, v58;
	v47 =	vmul.f32 v47, v62;
	v61 =	vadd.f32 $1.000000000e+00, v60  }
0xb4: {  	v37 =	vld [tilespmem:s11+$0x2920];
	(erf) = vrcp.f32 v51;
	v35 =	vadd.f32 v35, v52;
	v62 =	vpop (erf);
	v48 =	vmul.f32 $1.442695020e+00, v48  }
0xb5: {  	v33 =	vld [tilespmem:s11+$0x2930];
	[tilespmem:s11+$0x2960] =	vst v47;
	v47 =	vadd.f32 v59, v63;
	v46 =	vadd.f32 $1.000000000e+00, v62;
	(erf) = vrcp.f32 v61  }
0xb6: {  	s19 =	simm.s32 $0x400;
	v34 =	vadd.f32 v49, v35;
	v44 =	vpop (erf);
	v35 =	vadd.f32 v50, v45;
	v45 =	vld [tilespmem:s11+$0x2940];
	(erf) = vpow2.f32 v48  }
.LBB2_3:
0xb7: {  	s20 =	sshra.s32 s19, $0x2;
	p1 =	sne.s32 s19, $0x4E00;
	s19 =	sadd.s32 $0x200, s19;
	v38 =	vadd.f32 v38, v42;
	v39 =	vmul.f32 $1.442695020e+00, v39;
	(erf) = vrcp.f32 v46  }
0xb8: {  	v40 =	vmul.f32 $1.442695020e+00, v40;
	v42 =	vld [tilespmem:s20+$0x100];
	v43 =	vadd.f32 v43, v47;
	v46 =	vpop (erf);
	v47 =	vmul.f32 v36, v41  }
0xb9: {  	v41 =	vadd.f32 $1.000000000e+00, v46;
	(erf) = vpow2.f32 v39;
	v37 =	vmul.f32 v37, v44  }
0xba: {  	v38 =	vmul.f32 $1.442695020e+00, v38;
	v39 =	vmul.f32 $1.442695020e+00, v43;
	v43 =	vld [tilespmem:s11+$0x2900];
	[tilespmem:s11+$0x2910] =	vst v47;
	v36 =	vpop (erf)  }
0xbb: {  	(erf) = vpow2.f32 v40;
	v44 =	vmul.f32 v45, v36  }
0xbc: {  	v32 =	vmul.f32 v33, v32;
	(erf) = vpow2.f32 v39;
	[tilespmem:s11+$0x2920] =	vst v37;
	v33 =	vld [tilespmem:s11+$0x2950]  }
0xbd: {  	v37 =	vbroadcast v42, $0x0;
	v40 =	vbroadcast v42, $0x3;
	[tilespmem:s11+$0x2940] =	vst v44;
	v36 =	vpop (erf)  }
0xbe: {  	v44 =	vbroadcast v42, $0x2;
	(erf) = vrcp.f32 v41;
	[tilespmem:s11+$0x2930] =	vst v32;
	v32 =	vld [tilespmem:s11+$0x2970];
	v39 =	vpop (erf)  }
0xbf: {  	v41 =	vmul.f32 v37, v0;
	v45 =	vpop (erf);
	v48 =	vmul.f32 v43, v36  }
0xc0: {  	v43 =	vmul.f32 v44, v16;
	(erf) = vpow2.f32 v38;
	v38 =	vpop (erf)  }
0xc1: {  	v46 =	vmul.f32 v44, v19;
	v45 =	vadd.f32 $1.000000000e+00, v45;
	[tilespmem:s11+$0x2900] =	vst v48;
	v51 =	vmul.f32 v33, v39  }
0xc2: {  	v42 =	vbroadcast v42, $0x1;
	v47 =	vmul.f32 v44, v23;
	v36 =	vpop (erf)  }
0xc3: {  	v39 =	vmul.f32 v44, v18;
	v48 =	vld [tilespmem:s20+$0x1530];
	v49 =	vadd.f32 $1.000000000e+00, v36;
	[tilespmem:s11+$0x2950] =	vst v51;
	v32 =	vmul.f32 v32, v38  }
0xc4: {  	v38 =	vmul.f32 v40, v24;
	v36 =	vmul.f32 v42, v11;
	v50 =	vld [tilespmem:s20+$0x1570];
	v33 =	vpop (erf)  }
0xc5: {  	v52 =	vmul.f32 v37, v3;
	v51 =	vmul.f32 v42, v9;
	v53 =	vld [tilespmem:s20+$0x1550];
	v54 =	vadd.f32 $1.000000000e+00, v33;
	v33 =	vpop (erf);
	[tilespmem:s11+$0x2970] =	vst v32;
	s11 =	smov.u32 s2;
	s2 =	smov.u32 s20  }
0xc6: {  	v61 =	vmul.f32 v40, v27;
	v56 =	vmul.f32 v42, v12;
	v57 =	vadd.f32 $1.000000000e+00, v33;
	v33 =	vld [tilespmem:s11+$0x2930]  }
0xc7: {  	v58 =	vmul.f32 v42, v8;
	v59 =	vmul.f32 v40, v25;
	v52 =	vadd.f32 v36, v52;
	v36 =	vld [tilespmem:s11+$0x2910];
	v32 =	vpop (erf)  }
0xc8: {  	v60 =	vmul.f32 v40, v31;
	v38 =	vadd.f32 v38, v43;
	v43 =	vmul.f32 v44, v17  }
0xc9: {  	v41 =	vadd.f32 v58, v41;
	v58 =	vmul.f32 v40, v26;
	v46 =	vadd.f32 v61, v46;
	v55 =	vpop (erf)  }
0xca: {  	v43 =	vadd.f32 v59, v43;
	v59 =	vmul.f32 v37, v2;
	(erf) = vrcp.f32 v57  }
0xcb: {  	v61 =	vmul.f32 v44, v21;
	v57 =	vmul.f32 v42, v10;
	v55 =	vadd.f32 $1.000000000e+00, v55  }
0xcc: {  	v62 =	vmul.f32 v37, v1;
	v39 =	vadd.f32 v58, v39;
	v46 =	vadd.f32 v46, v52;
	v58 =	vld [tilespmem:s2+$0x1520]  }
0xcd: {  	v52 =	vadd.f32 v57, v59;
	v57 =	vmul.f32 v42, v13;
	(erf) = vrcp.f32 v54  }
0xce: {  	v34 =	vmul.f32 $1.442695020e+00, v34;
	v35 =	vmul.f32 $1.442695020e+00, v35;
	v51 =	vadd.f32 v51, v62  }
0xcf: {  	v54 =	vmul.f32 v40, v28;
	v39 =	vadd.f32 v39, v52;
	v52 =	vmul.f32 v37, v4  }
0xd0: {  	v43 =	vadd.f32 v43, v51;
	v59 =	vmul.f32 v44, v20;
	v51 =	vld [tilespmem:s2+$0x1510];
	(erf) = vpow2.f32 v34  }
0xd1: {  	v34 =	vadd.f32 v56, v52;
	v39 =	vadd.f32 v39, v58;
	v52 =	vld [tilespmem:s2+$0x1540];
	(erf) = vpow2.f32 v35  }
0xd2: {  	v35 =	vadd.f32 v48, v46;
	v46 =	vadd.f32 v54, v59;
	(erf) = vrcp.f32 v49  }
0xd3: {  	v38 =	vadd.f32 v38, v41;
	v48 =	vmul.f32 v40, v29;
	v49 =	vmul.f32 v40, v30;
	v54 =	vpop (erf)  }
0xd4: {  	v34 =	vadd.f32 v46, v34;
	v46 =	vmul.f32 v42, v14;
	v35 =	vmul.f32 $1.442695020e+00, v35  }
0xd5: {  	v42 =	vmul.f32 v42, v15;
	v40 =	vadd.f32 v43, v51;
	v43 =	vmul.f32 v37, v7;
	v51 =	vld [tilespmem:s11+$0x2960]  }
0xd6: {  	v34 =	vadd.f32 v52, v34;
	v52 =	vmul.f32 v37, v5;
	(erf) = vpow2.f32 v35;
	v41 =	vpop (erf)  }
0xd7: {  	v56 =	vadd.f32 v60, v47;
	v35 =	vmul.f32 v44, v22;
	v43 =	vadd.f32 v42, v43  }
0xd8: {  	v48 =	vadd.f32 v48, v61;
	v47 =	vadd.f32 v57, v52;
	(erf) = vrcp.f32 v45  }
.Ltmp0:
0xd9: {  	v37 =	vmul.f32 v37, v6;
	v35 =	vadd.f32 v49, v35;
	v42 =	vld [tilespmem:s2+$0x1500];
	v45 =	vadd.f32 v56, v43;
	v44 =	vpop (erf);
	(pc) =	sbr.rel @p1 .LBB2_3-.Ltmp0, $4  }
0xda: {  	v47 =	vadd.f32 v48, v47;
	v43 =	vld [tilespmem:s2+$0x1560];
	v48 =	vadd.f32 $1.000000000e+00, v44;
	v49 =	vmul.f32 v51, v54;
	v51 =	vpop (erf)  }
0xdb: {  	v52 =	vadd.f32 v46, v37;
	v54 =	vmul.f32 $1.442695020e+00, v34;
	v37 =	vld [tilespmem:s11+$0x2920];
	(erf) = vrcp.f32 v55;
	v44 =	vpop (erf)  }
0xdc: {  	v46 =	vadd.f32 $1.000000000e+00, v51;
	v34 =	vadd.f32 v53, v47;
	[tilespmem:s11+$0x2960] =	vst v49;
	(erf) = vrcp.f32 v48  }
0xdd: {  	v47 =	vadd.f32 v35, v52;
	v35 =	vadd.f32 v50, v45;
	(erf) = vpow2.f32 v54;
	v45 =	vld [tilespmem:s11+$0x2940]  }
0xde: {  	_ = 	snop  }
0xdf: {  	v39 =	vmul.f32 $1.442695020e+00, v39;
	v43 =	vadd.f32 v43, v47  }
0xe0: {  	(erf) = vrcp.f32 v46;
	v40 =	vmul.f32 $1.442695020e+00, v40  }
0xe1: {  	(erf) = vpow2.f32 v39;
	v54 =	vmul.f32 $1.442695020e+00, v43  }
0xe2: {  	(erf) = vpow2.f32 v40  }
0xe3: {  	(erf) = vpow2.f32 v54  }
0xe4: {  	v55 =	vpop (erf)  }
0xe5: {  	v56 =	vpop (erf)  }
0xe6: {  	v58 =	vpop (erf)  }
0xe7: {  	v59 =	vpop (erf)  }
0xe8: {  	v60 =	vpop (erf)  }
0xe9: {  	v62 =	vpop (erf)  }
0xea: {  	v38 =	vadd.f32 v38, v42;
	v63 =	vpop (erf)  }
0xeb: {  	v39 =	vadd.f32 $1.000000000e+00, v55;
	v48 =	vpop (erf)  }
0xec: {  	v32 =	vmul.f32 v33, v32;
	v38 =	vmul.f32 $1.442695020e+00, v38;
	v50 =	vpop (erf)  }
0xed: {  	(erf) = vrcp.f32 v39;
	v51 =	vadd.f32 $1.000000000e+00, v50  }
0xee: {  	[tilespmem:s11+$0x2930] =	vst v32;
	(erf) = vpow2.f32 v38;
	v32 =	vadd.f32 $1.000000000e+00, v48  }
0xef: {  	v34 =	vmul.f32 $1.442695020e+00, v34;
	(erf) = vrcp.f32 v51  }
0xf0: {  	v54 =	vmul.f32 $1.442695020e+00, v35;
	(erf) = vrcp.f32 v32  }
0xf1: {  	v57 =	vld [tilespmem:s11+$0x2900];
	(erf) = vpow2.f32 v34  }
0xf2: {  	v61 =	vld [tilespmem:s11+$0x2950];
	(erf) = vpow2.f32 v54;
	_ =	sdelay $0x1  }
0xf3: {  	v36 =	vmul.f32 v36, v41;
	v49 =	vld [tilespmem:s11+$0x2970]  }
0xf4: {  	v37 =	vmul.f32 v37, v44  }
0xf5: {  	[tilespmem:s11+$0x2910] =	vst v36;
	v40 =	vmul.f32 v45, v56;
	v52 =	vmul.f32 v57, v58;
	v58 =	vpop (erf)  }
0xf6: {  	[tilespmem:s11+$0x2920] =	vst v37;
	v33 =	vmul.f32 v61, v59;
	v59 =	vpop (erf)  }
0xf7: {  	[tilespmem:s11+$0x2940] =	vst v40;
	v55 =	vadd.f32 $1.000000000e+00, v63;
	v61 =	vpop (erf)  }
0xf8: {  	[tilespmem:s11+$0x2900] =	vst v52;
	v57 =	vadd.f32 $1.000000000e+00, v60;
	v53 =	vmul.f32 v49, v62;
	v44 =	vpop (erf)  }
0xf9: {  	[tilespmem:s11+$0x2950] =	vst v33;
	v45 =	vadd.f32 $1.000000000e+00, v59;
	(erf) = vrcp.f32 v55;
	v46 =	vpop (erf)  }
0xfa: {  	[tilespmem:s11+$0x2970] =	vst v53;
	(erf) = vrcp.f32 v57;
	v35 =	vadd.f32 $1.000000000e+00, v46;
	v48 =	vpop (erf)  }
0xfb: {  	v60 =	vld [tilespmem:s2+$0x2930];
	(erf) = vrcp.f32 v45;
	v40 =	vadd.f32 $1.000000000e+00, v48  }
0xfc: {  	v56 =	vld [tilespmem:s2+$0x2960];
	(erf) = vrcp.f32 v35  }
0xfd: {  	v62 =	vld [tilespmem:s2+$0x2910];
	(erf) = vrcp.f32 v40  }
0xfe: {  	v63 =	vld [tilespmem:s2+$0x2920]  }
0xff: {  	v47 =	vld [tilespmem:s2+$0x2940]  }
0x100: {  	v50 =	vld [tilespmem:s2+$0x2900];
	v52 =	vmul.f32 v60, v58  }
0x101: {  	v53 =	vld [tilespmem:s2+$0x2950];
	v32 =	vmul.f32 v56, v61  }
0x102: {  	[tilespmem:s2+$0x2930] =	vst v52;
	v54 =	vld [tilespmem:s2+$0x2970];
	v37 =	vmul.f32 v62, v44;
	v49 =	vpop (erf)  }
0x103: {  	[tilespmem:s2+$0x2960] =	vst v32;
	v32 =	vmul.f32 v63, v49;
	v51 =	vpop (erf)  }
0x104: {  	[tilespmem:s2+$0x2910] =	vst v37;
	v36 =	vmul.f32 v47, v51;
	v55 =	vpop (erf)  }
0x105: {  	[tilespmem:s2+$0x2920] =	vst v32;
	v34 =	vmul.f32 v50, v55;
	v56 =	vpop (erf)  }
0x106: {  	[tilespmem:s2+$0x2940] =	vst v36;
	v57 =	vpop (erf);
	v33 =	vmul.f32 v53, v56  }
0x107: {  	[tilespmem:s2+$0x2900] =	vst v34;
	v32 =	vmul.f32 v54, v57  }
0x108: {  	[tilespmem:s2+$0x2950] =	vst v33  }
0x109: {  	[tilespmem:s2+$0x2970] =	vst v32  }
0x10a: {  	_ =	swait.ge [sflag:s13], $0x1400  }
0x10b: {  	[sflag:s13] =	ssyncset.done $0x0  }
0x10c: {  	[sflag:s13] =	ssyncadd.s32 $0xFFFFEC00  }
0x10d: {  	[tilespmem:s25], [sflag:$0x5] =	stream.indirect.gather.add.f32 [hbm:s4], $0x80, s31, s26, $0xb8;
	[tilespmem:$0x1B480] =	vst v63  }
0x10e: {  	p1 =	seq.s32 s21, $0x7C  }
0x10f: {  	[spmem:s1] =	stream.indirect.scatter.add.f32 [tilespmem:s29], [sflag:$0x7], $0x80, s24, s26, $0xb8;
	[tilespmem:$0x1B480] =	vst v63  }
0x110: {  	s2 =	sadd.s32 @!p1 s30, s18;
	_ =	swait.ge [sflag:s23], $0x1400  }
0x111: {  	s11 =	sshrl.u32 @!p1 s2, $0x3;
	[sflag:s23] =	ssyncset.done $0x0  }
0x112: {  	s20 =	simm.s32 @!p1 $0x0;
	s19 =	sadd.s32 @!p1 s7, s11;
	[sflag:s23] =	ssyncadd.s32 $0xFFFFEC00  }
0x113: {  	[tilespmem:s20], [sflag:$0x7] =	stream.linear.gather @!p1 [hbm4b:s19+s20], $0x28, $0x38;
	[tilespmem:$0x1B480] =	vst v63  }
0x114: {  	s19 =	simm.s32 @!p1 $0x7  }
0x115: {  	_ =	swait.ge @!p1 [sflag:s19], $0x28  }
0x116: {  	[sflag:s19] =	ssyncset.done @!p1 $0x0  }
0x117: {  	s30 =	simm.s32 @!p1 $0x80;
	s11 =	sadd.s32 @!p1 s8, s11;
	[sflag:s19] =	ssyncadd.s32 @!p1 $0xFFFFFFD8  }
0x118: {  	[tilespmem:s30], [sflag:$0x7] =	stream.linear.gather @!p1 [hbm4b:s11+s20], $0x28, $0x38;
	[tilespmem:$0x1B480] =	vst v63  }
0x119: {  	_ =	swait.ge @!p1 [sflag:s19], $0x28  }
0x11a: {  	s2 =	sshll.u32 @!p1 s2, $0x4;
	[sflag:s19] =	ssyncset.done @!p1 $0x0  }
0x11b: {  	s2 =	sadd.s32 @!p1 s9, s2;
	s11 =	simm.s32 @!p1 $0x100;
	[sflag:s19] =	ssyncadd.s32 @!p1 $0xFFFFFFD8  }
0x11c: {  	[tilespmem:s11], [sflag:$0x7] =	stream.linear.gather @!p1 [hbm4b:s2+s20], $0x1400, $0x38;
	[tilespmem:$0x1B480] =	vst v63  }
0x11d: {  	_ =	swait.ge @!p1 [sflag:s19], $0x1400  }
0x11e: {  	[sflag:s19] =	ssyncset.done @!p1 $0x0  }
0x11f: {  	s2 =	simm.s32 @!p1 $0x28;
	s11 =	simm.s32 @!p1 $0x1500;
	[sflag:s19] =	ssyncadd.s32 @!p1 $0xFFFFEC00  }
0x120: {  	[tilespmem:s11], [sflag:$0x1] =	stream.indirect.gather @!p1 [hbm4b:s3+s2], $0x80, s30, s2, $0xb8;
	[tilespmem:$0x1B480] =	vst v63  }
0x121: {  	s11 =	simm.s32 @!p1 $0x2900  }
0x122: {  	[tilespmem:s11], [sflag:$0x3] =	stream.indirect.gather @!p1 [hbm4b:s6+s2], $0x80, s20, s2, $0xb8;
	[tilespmem:$0x1B480] =	vst v63  }
0x123: {  	_ =	swait.ge [sflag:s28], $0x1400  }
0x124: {  	[sflag:s28] =	ssyncset.done $0x0  }
0x125: {  	[sflag:s28] =	ssyncadd.s32 $0xFFFFEC00  }
0x126: {  	_ =	swait.ge [sflag:s14], $0x1400  }
0x127: {  	[sflag:s14] =	ssyncset.done $0x0  }
0x128: {  	s11 =	simm.s32 $0x0;
	[sflag:s14] =	ssyncadd.s32 $0xFFFFEC00  }
0x129: {  	v58 =	vld [tilespmem:s11+$0x3E00];
	_ =	sdelay $0x4  }
0x12a: {  	v33 =	vbroadcast v58, $0x0;
	v34 =	vbroadcast v58, $0x2  }
0x12b: {  	v35 =	vbroadcast v58, $0x3;
	v32 =	vbroadcast v58, $0x1  }
0x12c: {  	v59 =	vmul.f32 v33, v0;
	v60 =	vmul.f32 v34, v16  }
0x12d: {  	v61 =	vmul.f32 v34, v19;
	v39 =	vmul.f32 v34, v23  }
0x12e: {  	v62 =	vmul.f32 v34, v18;
	v63 =	vmul.f32 v35, v24  }
0x12f: {  	v52 =	vmul.f32 v32, v11;
	v43 =	vmul.f32 v32, v9  }
0x130: {  	v53 =	vmul.f32 v33, v3;
	v54 =	vmul.f32 v35, v27  }
0x131: {  	v55 =	vmul.f32 v32, v12;
	v56 =	vmul.f32 v32, v8  }
0x132: {  	v49 =	vmul.f32 v35, v25;
	v57 =	vmul.f32 v34, v17  }
0x133: {  	v41 =	vmul.f32 v35, v31;
	v58 =	vmul.f32 v35, v26  }
0x134: {  	v50 =	vmul.f32 v35, v28;
	v42 =	vadd.f32 v52, v53;
	v37 =	vadd.f32 v63, v60  }
0x135: {  	v51 =	vmul.f32 v34, v20;
	v38 =	vadd.f32 v54, v61;
	v36 =	vadd.f32 v56, v59  }
0x136: {  	v44 =	vadd.f32 v49, v57;
	v59 =	vmul.f32 v33, v2;
	v60 =	vmul.f32 v32, v10  }
0x137: {  	v61 =	vmul.f32 v33, v1;
	v40 =	vadd.f32 v58, v62;
	v62 =	vmul.f32 v33, v4  }
0x138: {  	v63 =	vmul.f32 v35, v30;
	v50 =	vadd.f32 v50, v51;
	v57 =	vmul.f32 v32, v14  }
0x139: {  	v48 =	vld [tilespmem:s11+$0x5230];
	v52 =	vmul.f32 v34, v22;
	v53 =	vmul.f32 v33, v6;
	v39 =	vadd.f32 v41, v39  }
0x13a: {  	v46 =	vld [tilespmem:s11+$0x5240];
	v34 =	vmul.f32 v34, v21;
	v38 =	vadd.f32 v38, v42;
	v47 =	vadd.f32 v60, v59  }
0x13b: {  	v56 =	vld [tilespmem:s11+$0x5220];
	v35 =	vmul.f32 v35, v29;
	v45 =	vadd.f32 v55, v62;
	v42 =	vadd.f32 v43, v61  }
0x13c: {  	s2 =	simm.s32 $0x80;
	v58 =	vld [tilespmem:s11+$0x5210];
	v51 =	vmul.f32 v33, v7;
	v60 =	vadd.f32 v63, v52;
	v61 =	vadd.f32 v57, v53  }
0x13d: {  	v33 =	vmul.f32 v33, v5;
	v53 =	vld [tilespmem:s2+$0x3E00];
	v36 =	vadd.f32 v37, v36;
	v34 =	vadd.f32 v35, v34  }
0x13e: {  	v62 =	vmul.f32 v32, v13;
	v52 =	vld [tilespmem:s11+$0x5200];
	v38 =	vadd.f32 v48, v38;
	v45 =	vadd.f32 v50, v45  }
0x13f: {  	v40 =	vadd.f32 v40, v47;
	v42 =	vadd.f32 v44, v42  }
0x140: {  	v32 =	vmul.f32 v32, v15;
	v33 =	vadd.f32 v62, v33;
	v63 =	vadd.f32 v46, v45  }
0x141: {  	v38 =	vmul.f32 $1.442695020e+00, v38;
	v40 =	vadd.f32 v40, v56;
	v42 =	vadd.f32 v42, v58  }
0x142: {  	v33 =	vadd.f32 v34, v33;
	v43 =	vbroadcast v53, $0x0;
	v34 =	vbroadcast v53, $0x3  }
0x143: {  	v59 =	vld [tilespmem:s11+$0x5260];
	v36 =	vadd.f32 v36, v52;
	v41 =	vbroadcast v53, $0x2;
	(erf) = vpow2.f32 v38  }
0x144: {  	v55 =	vld [tilespmem:s11+$0x5250];
	v44 =	vmul.f32 $1.442695020e+00, v63;
	v40 =	vmul.f32 $1.442695020e+00, v40  }
0x145: {  	v32 =	vadd.f32 v32, v51;
	v42 =	vmul.f32 $1.442695020e+00, v42;
	v36 =	vmul.f32 $1.442695020e+00, v36  }
0x146: {  	v38 =	vadd.f32 v60, v61;
	v37 =	vmul.f32 v41, v19;
	v45 =	vmul.f32 v41, v23  }
0x147: {  	v32 =	vadd.f32 v39, v32;
	v39 =	vmul.f32 v41, v18;
	v60 =	vmul.f32 v34, v24  }
0x148: {  	v63 =	vmul.f32 v43, v3;
	v38 =	vadd.f32 v59, v38;
	(erf) = vpow2.f32 v44  }
0x149: {  	v33 =	vadd.f32 v55, v33;
	v55 =	vmul.f32 v34, v31;
	(erf) = vpow2.f32 v40  }
0x14a: {  	v54 =	vmul.f32 $1.442695020e+00, v38;
	(erf) = vpow2.f32 v42  }
0x14b: {  	v38 =	vmul.f32 v41, v16;
	v42 =	vbroadcast v53, $0x1  }
0x14c: {  	v33 =	vmul.f32 $1.442695020e+00, v33;
	(erf) = vpow2.f32 v54  }
0x14d: {  	v61 =	vmul.f32 v42, v11;
	v38 =	vadd.f32 v60, v38;
	v60 =	vmul.f32 v34, v26  }
0x14e: {  	v45 =	vadd.f32 v55, v45;
	v48 =	vmul.f32 v42, v9;
	v52 =	vmul.f32 v42, v12  }
0x14f: {  	v56 =	vld [tilespmem:s11+$0x5270];
	v54 =	vmul.f32 v34, v25;
	v39 =	vadd.f32 v60, v39;
	v60 =	vmul.f32 v43, v4;
	v57 =	vpop (erf)  }
0x150: {  	v46 =	vadd.f32 v61, v63;
	v63 =	vmul.f32 v42, v10;
	v35 =	vadd.f32 $1.000000000e+00, v57  }
0x151: {  	v57 =	vmul.f32 v34, v27;
	v52 =	vadd.f32 v52, v60;
	v60 =	vmul.f32 v43, v7;
	v58 =	vpop (erf)  }
0x152: {  	(erf) = vrcp.f32 v35;
	v35 =	vmul.f32 v43, v0;
	v44 =	vadd.f32 $1.000000000e+00, v58  }
0x153: {  	v59 =	vpop (erf);
	v58 =	vmul.f32 v42, v8;
	v37 =	vadd.f32 v57, v37;
	(erf) = vpow2.f32 v36  }
0x154: {  	v57 =	vmul.f32 v43, v1;
	v36 =	vadd.f32 v56, v32;
	v40 =	vadd.f32 $1.000000000e+00, v59;
	v62 =	vpop (erf)  }
0x155: {  	v59 =	vmul.f32 v41, v17;
	v47 =	vadd.f32 $1.000000000e+00, v62;
	v35 =	vadd.f32 v58, v35;
	v56 =	vpop (erf)  }
0x156: {  	v62 =	vmul.f32 v43, v2;
	v37 =	vadd.f32 v37, v46;
	v46 =	vld [tilespmem:s2+$0x5230];
	v50 =	vadd.f32 $1.000000000e+00, v56  }
0x157: {  	v49 =	vadd.f32 v54, v59;
	v54 =	vmul.f32 v42, v13;
	v56 =	vmul.f32 v41, v21  }
0x158: {  	v38 =	vadd.f32 v38, v35;
	v35 =	vmul.f32 v34, v29;
	(erf) = vrcp.f32 v50  }
0x159: {  	v53 =	vld [tilespmem:s2+$0x5220];
	v59 =	vadd.f32 v48, v57;
	v36 =	vmul.f32 $1.442695020e+00, v36;
	(erf) = vrcp.f32 v47  }
0x15a: {  	v50 =	vadd.f32 v63, v62;
	v62 =	vld [tilespmem:s2+$0x5210];
	v35 =	vadd.f32 v35, v56;
	(erf) = vpow2.f32 v33  }
0x15b: {  	v63 =	vmul.f32 v41, v20;
	v47 =	vadd.f32 v49, v59;
	v58 =	vadd.f32 v46, v37;
	v32 =	vpop (erf)  }
0x15c: {  	v37 =	vmul.f32 v42, v14;
	v39 =	vadd.f32 v39, v50;
	(erf) = vpow2.f32 v36;
	v61 =	vpop (erf)  }
0x15d: {  	v42 =	vmul.f32 v42, v15;
	v51 =	vadd.f32 $1.000000000e+00, v61;
	v61 =	vmul.f32 v34, v28  }
0x15e: {  	v36 =	vmul.f32 $1.442695020e+00, v58;
	v39 =	vadd.f32 v39, v53;
	v53 =	vld [tilespmem:s2+$0x5240];
	(erf) = vrcp.f32 v40  }
0x15f: {  	v58 =	vmul.f32 v43, v6;
	v40 =	vadd.f32 v47, v62;
	v47 =	vld [tilespmem:s11+$0x6660];
	v59 =	vadd.f32 v61, v63  }
0x160: {  	v49 =	vld [tilespmem:s2+$0x5250];
	v46 =	vadd.f32 v42, v60;
	(erf) = vpow2.f32 v36;
	v61 =	vmul.f32 v43, v5  }
0x161: {  	v50 =	vld [tilespmem:s2+$0x5270];
	v34 =	vmul.f32 v34, v30;
	v63 =	vmul.f32 v41, v22;
	v33 =	vadd.f32 v59, v52;
	v62 =	vpop (erf)  }
0x162: {  	v42 =	vld [tilespmem:s2+$0x5200];
	v45 =	vadd.f32 v45, v46;
	v52 =	vadd.f32 v54, v61;
	(erf) = vrcp.f32 v44;
	v41 =	vpop (erf)  }
0x163: {  	v36 =	vld [tilespmem:s11+$0x6610];
	v59 =	vadd.f32 v34, v63;
	v48 =	vadd.f32 v53, v33;
	v60 =	vpop (erf)  }
0x164: {  	v43 =	vld [tilespmem:s2+$0x5260];
	v63 =	vadd.f32 v37, v58;
	v47 =	vmul.f32 v47, v62;
	v61 =	vadd.f32 $1.000000000e+00, v60  }
0x165: {  	v37 =	vld [tilespmem:s11+$0x6620];
	(erf) = vrcp.f32 v51;
	v35 =	vadd.f32 v35, v52;
	v62 =	vpop (erf);
	v48 =	vmul.f32 $1.442695020e+00, v48  }
0x166: {  	v33 =	vld [tilespmem:s11+$0x6630];
	[tilespmem:s11+$0x6660] =	vst v47;
	v47 =	vadd.f32 v59, v63;
	v46 =	vadd.f32 $1.000000000e+00, v62;
	(erf) = vrcp.f32 v61  }
0x167: {  	s19 =	simm.s32 $0x400;
	v34 =	vadd.f32 v49, v35;
	v44 =	vpop (erf);
	v35 =	vadd.f32 v50, v45;
	v45 =	vld [tilespmem:s11+$0x6640];
	(erf) = vpow2.f32 v48  }
.LBB2_5:
0x168: {  	s20 =	sshra.s32 s19, $0x2;
	p2 =	sne.s32 s19, $0x4E00;
	s19 =	sadd.s32 $0x200, s19;
	v38 =	vadd.f32 v38, v42;
	v39 =	vmul.f32 $1.442695020e+00, v39;
	(erf) = vrcp.f32 v46  }
0x169: {  	v40 =	vmul.f32 $1.442695020e+00, v40;
	v42 =	vld [tilespmem:s20+$0x3E00];
	v43 =	vadd.f32 v43, v47;
	v46 =	vpop (erf);
	v47 =	vmul.f32 v36, v41  }
0x16a: {  	v41 =	vadd.f32 $1.000000000e+00, v46;
	(erf) = vpow2.f32 v39;
	v37 =	vmul.f32 v37, v44  }
0x16b: {  	v38 =	vmul.f32 $1.442695020e+00, v38;
	v39 =	vmul.f32 $1.442695020e+00, v43;
	v43 =	vld [tilespmem:s11+$0x6600];
	[tilespmem:s11+$0x6610] =	vst v47;
	v36 =	vpop (erf)  }
0x16c: {  	(erf) = vpow2.f32 v40;
	v44 =	vmul.f32 v45, v36  }
0x16d: {  	v32 =	vmul.f32 v33, v32;
	(erf) = vpow2.f32 v39;
	[tilespmem:s11+$0x6620] =	vst v37;
	v33 =	vld [tilespmem:s11+$0x6650]  }
0x16e: {  	v37 =	vbroadcast v42, $0x0;
	v40 =	vbroadcast v42, $0x3;
	[tilespmem:s11+$0x6640] =	vst v44;
	v36 =	vpop (erf)  }
0x16f: {  	v44 =	vbroadcast v42, $0x2;
	(erf) = vrcp.f32 v41;
	[tilespmem:s11+$0x6630] =	vst v32;
	v32 =	vld [tilespmem:s11+$0x6670];
	v39 =	vpop (erf)  }
0x170: {  	v41 =	vmul.f32 v37, v0;
	v45 =	vpop (erf);
	v48 =	vmul.f32 v43, v36  }
0x171: {  	v43 =	vmul.f32 v44, v16;
	(erf) = vpow2.f32 v38;
	v38 =	vpop (erf)  }
0x172: {  	v46 =	vmul.f32 v44, v19;
	v45 =	vadd.f32 $1.000000000e+00, v45;
	[tilespmem:s11+$0x6600] =	vst v48;
	v51 =	vmul.f32 v33, v39  }
0x173: {  	v42 =	vbroadcast v42, $0x1;
	v47 =	vmul.f32 v44, v23;
	v36 =	vpop (erf)  }
0x174: {  	v39 =	vmul.f32 v44, v18;
	v48 =	vld [tilespmem:s20+$0x5230];
	v49 =	vadd.f32 $1.000000000e+00, v36;
	[tilespmem:s11+$0x6650] =	vst v51;
	v32 =	vmul.f32 v32, v38  }
0x175: {  	v38 =	vmul.f32 v40, v24;
	v36 =	vmul.f32 v42, v11;
	v50 =	vld [tilespmem:s20+$0x5270];
	v33 =	vpop (erf)  }
0x176: {  	v52 =	vmul.f32 v37, v3;
	v51 =	vmul.f32 v42, v9;
	v53 =	vld [tilespmem:s20+$0x5250];
	v54 =	vadd.f32 $1.000000000e+00, v33;
	v33 =	vpop (erf);
	[tilespmem:s11+$0x6670] =	vst v32;
	s11 =	smov.u32 s2;
	s2 =	smov.u32 s20  }
0x177: {  	v61 =	vmul.f32 v40, v27;
	v56 =	vmul.f32 v42, v12;
	v57 =	vadd.f32 $1.000000000e+00, v33;
	v33 =	vld [tilespmem:s11+$0x6630]  }
0x178: {  	v58 =	vmul.f32 v42, v8;
	v59 =	vmul.f32 v40, v25;
	v52 =	vadd.f32 v36, v52;
	v36 =	vld [tilespmem:s11+$0x6610];
	v32 =	vpop (erf)  }
0x179: {  	v60 =	vmul.f32 v40, v31;
	v38 =	vadd.f32 v38, v43;
	v43 =	vmul.f32 v44, v17  }
0x17a: {  	v41 =	vadd.f32 v58, v41;
	v58 =	vmul.f32 v40, v26;
	v46 =	vadd.f32 v61, v46;
	v55 =	vpop (erf)  }
0x17b: {  	v43 =	vadd.f32 v59, v43;
	v59 =	vmul.f32 v37, v2;
	(erf) = vrcp.f32 v57  }
0x17c: {  	v61 =	vmul.f32 v44, v21;
	v57 =	vmul.f32 v42, v10;
	v55 =	vadd.f32 $1.000000000e+00, v55  }
0x17d: {  	v62 =	vmul.f32 v37, v1;
	v39 =	vadd.f32 v58, v39;
	v46 =	vadd.f32 v46, v52;
	v58 =	vld [tilespmem:s2+$0x5220]  }
0x17e: {  	v52 =	vadd.f32 v57, v59;
	v57 =	vmul.f32 v42, v13;
	(erf) = vrcp.f32 v54  }
0x17f: {  	v34 =	vmul.f32 $1.442695020e+00, v34;
	v35 =	vmul.f32 $1.442695020e+00, v35;
	v51 =	vadd.f32 v51, v62  }
0x180: {  	v54 =	vmul.f32 v40, v28;
	v39 =	vadd.f32 v39, v52;
	v52 =	vmul.f32 v37, v4  }
0x181: {  	v43 =	vadd.f32 v43, v51;
	v59 =	vmul.f32 v44, v20;
	v51 =	vld [tilespmem:s2+$0x5210];
	(erf) = vpow2.f32 v34  }
0x182: {  	v34 =	vadd.f32 v56, v52;
	v39 =	vadd.f32 v39, v58;
	v52 =	vld [tilespmem:s2+$0x5240];
	(erf) = vpow2.f32 v35  }
0x183: {  	v35 =	vadd.f32 v48, v46;
	v46 =	vadd.f32 v54, v59;
	(erf) = vrcp.f32 v49  }
0x184: {  	v38 =	vadd.f32 v38, v41;
	v48 =	vmul.f32 v40, v29;
	v49 =	vmul.f32 v40, v30;
	v54 =	vpop (erf)  }
0x185: {  	v34 =	vadd.f32 v46, v34;
	v46 =	vmul.f32 v42, v14;
	v35 =	vmul.f32 $1.442695020e+00, v35  }
0x186: {  	v42 =	vmul.f32 v42, v15;
	v40 =	vadd.f32 v43, v51;
	v43 =	vmul.f32 v37, v7;
	v51 =	vld [tilespmem:s11+$0x6660]  }
0x187: {  	v34 =	vadd.f32 v52, v34;
	v52 =	vmul.f32 v37, v5;
	(erf) = vpow2.f32 v35;
	v41 =	vpop (erf)  }
0x188: {  	v56 =	vadd.f32 v60, v47;
	v35 =	vmul.f32 v44, v22;
	v43 =	vadd.f32 v42, v43  }
0x189: {  	v48 =	vadd.f32 v48, v61;
	v47 =	vadd.f32 v57, v52;
	(erf) = vrcp.f32 v45  }
.Ltmp1:
0x18a: {  	v37 =	vmul.f32 v37, v6;
	v35 =	vadd.f32 v49, v35;
	v42 =	vld [tilespmem:s2+$0x5200];
	v45 =	vadd.f32 v56, v43;
	v44 =	vpop (erf);
	(pc) =	sbr.rel @p2 .LBB2_5-.Ltmp1, $4  }
0x18b: {  	v47 =	vadd.f32 v48, v47;
	v43 =	vld [tilespmem:s2+$0x5260];
	v48 =	vadd.f32 $1.000000000e+00, v44;
	v49 =	vmul.f32 v51, v54;
	v51 =	vpop (erf)  }
0x18c: {  	v52 =	vadd.f32 v46, v37;
	v54 =	vmul.f32 $1.442695020e+00, v34;
	v37 =	vld [tilespmem:s11+$0x6620];
	(erf) = vrcp.f32 v55;
	v44 =	vpop (erf)  }
0x18d: {  	v46 =	vadd.f32 $1.000000000e+00, v51;
	v34 =	vadd.f32 v53, v47;
	[tilespmem:s11+$0x6660] =	vst v49;
	(erf) = vrcp.f32 v48  }
0x18e: {  	v47 =	vadd.f32 v35, v52;
	v35 =	vadd.f32 v50, v45;
	(erf) = vpow2.f32 v54;
	v45 =	vld [tilespmem:s11+$0x6640]  }
0x18f: {  	_ = 	snop  }
0x190: {  	v39 =	vmul.f32 $1.442695020e+00, v39;
	v43 =	vadd.f32 v43, v47  }
0x191: {  	(erf) = vrcp.f32 v46;
	v40 =	vmul.f32 $1.442695020e+00, v40  }
0x192: {  	(erf) = vpow2.f32 v39;
	v48 =	vmul.f32 $1.442695020e+00, v43  }
0x193: {  	(erf) = vpow2.f32 v40  }
0x194: {  	(erf) = vpow2.f32 v48  }
0x195: {  	v49 =	vpop (erf)  }
0x196: {  	v50 =	vpop (erf)  }
0x197: {  	v52 =	vpop (erf)  }
0x198: {  	v53 =	vpop (erf)  }
0x199: {  	v54 =	vpop (erf)  }
0x19a: {  	v56 =	vpop (erf)  }
0x19b: {  	v38 =	vadd.f32 v38, v42;
	v57 =	vpop (erf)  }
0x19c: {  	v39 =	vadd.f32 $1.000000000e+00, v49;
	v58 =	vpop (erf)  }
0x19d: {  	v32 =	vmul.f32 v33, v32;
	v38 =	vmul.f32 $1.442695020e+00, v38;
	v60 =	vpop (erf)  }
0x19e: {  	(erf) = vrcp.f32 v39;
	v61 =	vadd.f32 $1.000000000e+00, v60  }
0x19f: {  	[tilespmem:s11+$0x6630] =	vst v32;
	(erf) = vpow2.f32 v38;
	v32 =	vadd.f32 $1.000000000e+00, v58  }
0x1a0: {  	v34 =	vmul.f32 $1.442695020e+00, v34;
	(erf) = vrcp.f32 v61  }
0x1a1: {  	v39 =	vmul.f32 $1.442695020e+00, v35;
	(erf) = vrcp.f32 v32  }
0x1a2: {  	(erf) = vpow2.f32 v34  }
0x1a3: {  	v51 =	vld [tilespmem:s11+$0x6600];
	(erf) = vpow2.f32 v39  }
0x1a4: {  	v55 =	vld [tilespmem:s11+$0x6650]  }
0x1a5: {  	v36 =	vmul.f32 v36, v41;
	v59 =	vld [tilespmem:s11+$0x6670]  }
0x1a6: {  	v37 =	vmul.f32 v37, v44  }
0x1a7: {  	[tilespmem:s11+$0x6610] =	vst v36;
	v40 =	vmul.f32 v45, v50;
	v44 =	vpop (erf)  }
0x1a8: {  	[tilespmem:s11+$0x6620] =	vst v37;
	v62 =	vmul.f32 v51, v52;
	v45 =	vpop (erf)  }
0x1a9: {  	[tilespmem:s11+$0x6640] =	vst v40;
	v33 =	vmul.f32 v55, v53;
	v41 =	vadd.f32 $1.000000000e+00, v57;
	v47 =	vpop (erf)  }
0x1aa: {  	[tilespmem:s11+$0x6600] =	vst v62;
	v43 =	vadd.f32 $1.000000000e+00, v54;
	v63 =	vmul.f32 v59, v56;
	v50 =	vpop (erf)  }
0x1ab: {  	[tilespmem:s11+$0x6650] =	vst v33;
	v51 =	vadd.f32 $1.000000000e+00, v45;
	(erf) = vrcp.f32 v41;
	v52 =	vpop (erf)  }
0x1ac: {  	[tilespmem:s11+$0x6670] =	vst v63;
	(erf) = vrcp.f32 v43;
	v35 =	vadd.f32 $1.000000000e+00, v52;
	v54 =	vpop (erf)  }
0x1ad: {  	v46 =	vld [tilespmem:s2+$0x6630];
	(erf) = vrcp.f32 v51;
	v40 =	vadd.f32 $1.000000000e+00, v54  }
0x1ae: {  	v42 =	vld [tilespmem:s2+$0x6660];
	(erf) = vrcp.f32 v35  }
0x1af: {  	v48 =	vld [tilespmem:s2+$0x6610];
	(erf) = vrcp.f32 v40  }
0x1b0: {  	v49 =	vld [tilespmem:s2+$0x6620]  }
0x1b1: {  	v53 =	vld [tilespmem:s2+$0x6640]  }
0x1b2: {  	v56 =	vld [tilespmem:s2+$0x6600];
	v58 =	vmul.f32 v46, v44  }
0x1b3: {  	v59 =	vld [tilespmem:s2+$0x6650];
	v32 =	vmul.f32 v42, v47  }
0x1b4: {  	v60 =	vld [tilespmem:s2+$0x6670];
	[tilespmem:s2+$0x6630] =	vst v58;
	v37 =	vmul.f32 v48, v50;
	v55 =	vpop (erf)  }
0x1b5: {  	[tilespmem:s2+$0x6660] =	vst v32;
	v32 =	vmul.f32 v49, v55;
	v57 =	vpop (erf)  }
0x1b6: {  	[tilespmem:s2+$0x6610] =	vst v37;
	v36 =	vmul.f32 v53, v57;
	v61 =	vpop (erf)  }
0x1b7: {  	[tilespmem:s2+$0x6620] =	vst v32;
	v34 =	vmul.f32 v56, v61;
	v62 =	vpop (erf)  }
0x1b8: {  	[tilespmem:s2+$0x6640] =	vst v36;
	v63 =	vpop (erf);
	v33 =	vmul.f32 v59, v62  }
0x1b9: {  	[tilespmem:s2+$0x6600] =	vst v34;
	v32 =	vmul.f32 v60, v63  }
0x1ba: {  	[tilespmem:s2+$0x6650] =	vst v33  }
0x1bb: {  	[tilespmem:s2+$0x6670] =	vst v32;
	s2 =	simm.s32 @!p1 $0x1  }
0x1bc: {  	_ =	swait.ge @!p1 [sflag:s2], $0x1400  }
0x1bd: {  	s19 =	simm.s32 @!p1 $0x1500;
	s21 =	sadd.s32 $0x1, s21;
	[sflag:s2] =	ssyncset.done @!p1 $0x0  }
0x1be: {  	s11 =	simm.s32 @!p1 $0x0;
	[sflag:s2] =	ssyncadd.s32 @!p1 $0xFFFFEC00;
	s2 =	simm.s32 @!p1 $0x28  }
0x1bf: {  	[tilespmem:s19], [sflag:$0x2] =	stream.indirect.gather.add.f32 @!p1 [hbm:s4], $0x80, s11, s2, $0xb8;
	[tilespmem:$0x1B480] =	vst v63  }
0x1c0: {  	p1 =	sne.s32 s21, $0x7D  }
.Ltmp2:
0x1c1: {  	_ = 	snop;
	(pc) =	sbr.rel @p1 .LBB2_2-.Ltmp2, $4  }
0x1c2: {  	[spmem:s1] =	stream.indirect.scatter.add.f32 [tilespmem:s5], [sflag:$0x7], $0x80, s0, s26, $0xb8;
	[tilespmem:$0x1B480] =	vst v63  }
0x1c3: {  	_ =	swait.ge [sflag:s23], $0x1400  }
0x1c4: {  	[sflag:s23] =	ssyncset.done $0x0  }
0x1c5: {  	[sflag:s23] =	ssyncadd.s32 $0xFFFFEC00  }
0x1c6: {  	[bflag:$0x0] =	sbarrier.arrive $0xFFFF  }
0x1c7: {  	s2 =	rddreg [dreg:$0xa]  }
0x1c8: {  	s11 =	rddreg [dreg:$0xd]  }
0x1c9: {  	[hbm:s2], [sflag:s16] =	dma.local [spmem:s11], $0x2700  }
0x1ca: {  	_ =	swait.ge [sflag:s23], $0x2700  }
0x1cb: {  	[sflag:s23] =	ssyncset.done $0x0;
	s2 =	rddreg [dreg:$0xb]  }
0x1cc: {  	s11 =	rddreg [dreg:$0xe];
	[sflag:s23] =	ssyncadd.s32 $0xFFFFD900  }
0x1cd: {  	[hbm:s2], [sflag:s16] =	dma.local @!p0 [spmem:s11], $0x100  }
0x1ce: {  	s2 =	simm.s32 @!p0 $0x7  }
0x1cf: {  	_ =	swait.ge @!p0 [sflag:s2], $0x100  }
0x1d0: {  	s15 =	sadd.s32 $0x1, s15;
	s30 =	rddreg [dreg:$0xc]  }
0x1d1: {  	p1 =	sne.s32 s15, s30  }
.Ltmp3:
0x1d2: {  	_ = 	snop;
	(pc) =	sbr.rel @p1 .LBB2_1-.Ltmp3, $3  }
0x1d3: {  	_ =	sdelay $0x1  }
0x1d4: {  	[sflag:s2] =	ssyncset.done @!p0 $0x0  }
0x1d5: {  	[sflag:s2] =	ssyncadd.s32 @!p0 $0xFFFFFF00  }
0x1d6: {  	_ =	sfence.sel $0x180000  }
0x1d7: {  	[bflag:$0x0] =	sbarrier.arrive $0xFFFF  }
0x1d8: {  	_ =	strace $0x9000004A  }
0x1d9: {  	s0 =	stileid.u32;
	[bflag:$0x2] =	sbarrier.arrive $0xFFFF  }
0x1da: {  	p0 =	sne.s32 s0, $0x0;
	s0 =	rddreg [dreg:$0x2]  }
0x1db: {  	s0 =	sadd.s32 @!p0 $0x100000, s0  }
0x1dc: {  	[sflag:s0] =	ssyncadd.tile.s32 @!p0 $0x1;
	_ =	shalt  }
.Lfunc_end2:
_tile_overlayer_lowered:
.L_overlay_start_2:
0x1dd: {  	(tag) =	ssettag $0x2  }
0x1de: {  	s0 =	rddreg [dreg:$0x0];
	s2 =	stileid.u32  }
0x1df: {  	s1 =	rddreg [dreg:$0x1];
	p0 =	sne.s32 s2, $0x0  }
0x1e0: {  	s3 =	rddreg [dreg:$0x2];
	[bflag:$0x3] =	sbarrier.arrive $0xFFFF;
	s2 =	simm.s32 @!p0 $0x1C07  }
0x1e1: {  	[timem:s3], [sflag:s2] =	dma.local @!p0 [hbm:s0], s1  }
0x1e2: {  	s0 =	simm.s32 @!p0 $0x7  }
0x1e3: {  	_ =	swait.ge @!p0 [sflag:s0], s1  }
0x1e4: {  	s1 =	ssub.s32 @!p0 $0x0, s1;
	[sflag:s0] =	ssyncset.done @!p0 $0x0  }
0x1e5: {  	[sflag:s0] =	ssyncadd.s32 @!p0 s1  }
0x1e6: {  	[bflag:$0x3] =	sbarrier.arrive $0xFFFF  }
0x1e7: {  	_ =	shalt  }

// kernel: kernel.18.cloned.1.call-start
scs
__scs_entry_jumppad:
0x0: {  	(pc) =	sbr.rel $0x88, $3  }
0x1: {  	(tag) =	ssettag $0x0;
	lr =	simm.s32 $0x1  }
0x2: {  	[smem:$0x3F76] =	sst lr;
	_ =	strace $0xD0000000  }
0x3: {  	_ = 	snop  }
0x4: {  	_ = 	snop  }
0x5: {  	_ = 	snop  }
0x6: {  	_ = 	snop  }
0x7: {  	_ = 	snop  }
__scs_overlays_trampoline_lowered:
0x8: {  	[smem:$0x3F85] =	sst s0  }
0x9: {  	[smem:$0x3F86] =	sst s1  }
0xa: {  	[smem:$0x3F87] =	sst s2  }
0xb: {  	[smem:$0x3F88] =	sst s3  }
0xc: {  	[smem:$0x3F89] =	sst s4  }
0xd: {  	[smem:$0x3F8A] =	sst s5  }
0xe: {  	[smem:$0x3F8B] =	sst s6  }
0xf: {  	[smem:$0x3F8C] =	sst s7  }
0x10: {  	[smem:$0x3F8D] =	sst s8  }
0x11: {  	[smem:$0x3F8E] =	sst s9;
	s0 =	simm.s32 @!p0 $0x0  }
0x12: {  	s1 =	sld [smem:$0x3F74];
	s0 =	simm.s32 @p0 $0x1  }
0x13: {  	[smem:$0x3F8F] =	sst s0;
	s0 =	simm.s32 @!p1 $0x0  }
0x14: {  	s2 =	sld [smem:$0x3F73];
	s0 =	simm.s32 @p1 $0x1  }
0x15: {  	[smem:$0x3F90] =	sst s0;
	s0 =	simm.s32 @!p2 $0x0  }
0x16: {  	s3 =	sld [smem:$0x3FDB];
	s0 =	simm.s32 @p2 $0x1  }
0x17: {  	s4 =	simm.s32 $0x1BF5;
	[smem:$0x3F92] =	sst s0  }
0x18: {  	s0 =	sld [smem:$0x3F75];
	_ =	swait.ge [sflag:s4], $0x0  }
0x19: {  	s7 =	sld [smem:$0x3F76]  }
0x1a: {  	s8 =	sadd.s32 $0xFFFFE003, lr  }
0x1b: {  	s9 =	sadd.s32 $0xFFFFFEF7, lr;
	s5 =	simm.s32 $0xFFFFFFFF;
	p2 =	slt.u32 s8, $0xFFFFF086  }
0x1c: {  	p1 =	slt.u32 s9, $0xF7A;
	s5 =	simm.s32 @!p2 $0x0  }
0x1d: {  	s5 =	simm.s32 @p1 $0x1;
	p0 =	seq.s32 s7, s2  }
0x1e: {  	s7 =	smul.u32 @!p0 $0xF7A, s2;
	p2 =	seq.s32 @!p0 s5, $0x0  }
0x1f: {  	s9 =	smul.u32 $0xF7A, s1;
	s8 =	simm.s32 @!p0 $0x1BF5;
	p2 =	por !p2, p0  }
0x20: {  	[sflag:s8] =	ssyncset.s32 @!p0 $0xFFFFF086;
	s6 =	sadd.s32 @!p0 s3, s7;
	s7 =	simm.s32 @!p0 $0x108  }
0x21: {  	s3 =	sadd.s32 s3, s9;
	s6 =	sadd.s32 @!p0 $0x88, s6;
	s7 =	simm.s32 @p2 $0x1082  }
0x22: {  	[simem:s7], [sflag:s8] =	dma.local @!p0 [hbm:s6], $0xF7A  }
0x23: {  	s9 =	sor.u32 $0xD0000000, s2;
	s6 =	simm.s32 $0x108;
	_ =	swait.ge @!p0 [sflag:s8], $0x0  }
0x24: {  	s3 =	sadd.s32 $0x88, s3;
	s6 =	simm.s32 @!p1 $0x1082;
	[sflag:s4] =	ssyncset.s32 $0xFFFFF086  }
0x25: {  	[simem:s6], [sflag:s4] =	dma.local [hbm:s3], $0xF7A  }
0x26: {  	[smem:$0x3F76] =	sst s1;
	(tag) =	ssettag s2;
	_ =	strace s9  }
0x27: {  	s1 =	sld [smem:$0x3F86]  }
0x28: {  	s2 =	sld [smem:$0x3F87]  }
0x29: {  	s4 =	sld [smem:$0x3F89]  }
0x2a: {  	p0 =	seq.s32 s5, $0x0;
	s5 =	sld [smem:$0x3F8A]  }
0x2b: {  	s6 =	sld [smem:$0x3F8B]  }
0x2c: {  	s7 =	sld [smem:$0x3F8C]  }
0x2d: {  	s3 =	simm.s32 $0x108;
	s8 =	sld [smem:$0x3F8D]  }
0x2e: {  	s3 =	simm.s32 @!p0 $0x1082;
	s9 =	sld [smem:$0x3F8E]  }
0x2f: {  	lr =	sadd.s32 s0, s3;
	s0 =	sld [smem:$0x3F85]  }
0x30: {  	s3 =	sld [smem:$0x3F88]  }
0x31: {  	[smem:$0x3F91] =	sst s10  }
0x32: {  	s10 =	sld [smem:$0x3F8F];
	_ =	sdelay $0x3  }
0x33: {  	p0 =	seq.s32 s10, $0x1;
	s10 =	sld [smem:$0x3F91];
	_ =	sdelay $0x3  }
0x34: {  	[smem:$0x3F91] =	sst s10  }
0x35: {  	s10 =	sld [smem:$0x3F90];
	_ =	sdelay $0x3  }
0x36: {  	p1 =	seq.s32 s10, $0x1;
	s10 =	sld [smem:$0x3F91];
	_ =	sdelay $0x3  }
0x37: {  	[smem:$0x3F91] =	sst s10  }
0x38: {  	s10 =	sld [smem:$0x3F92]  }
0x39: {  	_ = 	snop;
	(pc) =	sbr.ind lr, $3  }
0x3a: {  	_ = 	snop  }
0x3b: {  	_ = 	snop  }
0x3c: {  	p2 =	seq.s32 s10, $0x1;
	s10 =	sld [smem:$0x3F91]  }
0x3d: {  	_ =	shalt  }
0x3e: {  	_ =	shalt  }
0x3f: {  	_ =	shalt  }
0x40: {  	_ =	shalt  }
0x41: {  	_ =	shalt  }
0x42: {  	_ =	shalt  }
0x43: {  	_ =	shalt  }
0x44: {  	_ =	shalt  }
0x45: {  	_ =	shalt  }
0x46: {  	_ =	shalt  }
0x47: {  	_ =	shalt  }
0x48: {  	_ =	shalt  }
0x49: {  	_ =	shalt  }
0x4a: {  	_ =	shalt  }
0x4b: {  	_ =	shalt  }
0x4c: {  	_ =	shalt  }
0x4d: {  	_ =	shalt  }
0x4e: {  	_ =	shalt  }
0x4f: {  	_ =	shalt  }
0x50: {  	_ =	shalt  }
0x51: {  	_ =	shalt  }
0x52: {  	_ =	shalt  }
0x53: {  	_ =	shalt  }
0x54: {  	_ =	shalt  }
0x55: {  	_ =	shalt  }
0x56: {  	_ =	shalt  }
0x57: {  	_ =	shalt  }
0x58: {  	_ =	shalt  }
0x59: {  	_ =	shalt  }
0x5a: {  	_ =	shalt  }
0x5b: {  	_ =	shalt  }
0x5c: {  	_ =	shalt  }
0x5d: {  	_ =	shalt  }
0x5e: {  	_ =	shalt  }
0x5f: {  	_ =	shalt  }
0x60: {  	_ =	shalt  }
0x61: {  	_ =	shalt  }
0x62: {  	_ =	shalt  }
0x63: {  	_ =	shalt  }
0x64: {  	_ =	shalt  }
0x65: {  	_ =	shalt  }
0x66: {  	_ =	shalt  }
0x67: {  	_ =	shalt  }
0x68: {  	_ =	shalt  }
0x69: {  	_ =	shalt  }
0x6a: {  	_ =	shalt  }
0x6b: {  	_ =	shalt  }
0x6c: {  	_ =	shalt  }
0x6d: {  	_ =	shalt  }
0x6e: {  	_ =	shalt  }
0x6f: {  	_ =	shalt  }
0x70: {  	_ =	shalt  }
0x71: {  	_ =	shalt  }
0x72: {  	_ =	shalt  }
0x73: {  	_ =	shalt  }
0x74: {  	_ =	shalt  }
0x75: {  	_ =	shalt  }
0x76: {  	_ =	shalt  }
0x77: {  	_ =	shalt  }
0x78: {  	_ =	shalt  }
0x79: {  	_ =	shalt  }
0x7a: {  	_ =	shalt  }
0x7b: {  	_ =	shalt  }
0x7c: {  	_ =	shalt  }
0x7d: {  	_ =	shalt  }
0x7e: {  	_ =	shalt  }
0x7f: {  	_ =	shalt  }
0x80: {  	_ =	shalt  }
0x81: {  	_ =	shalt  }
0x82: {  	_ =	shalt  }
0x83: {  	_ =	shalt  }
0x84: {  	_ =	shalt  }
0x85: {  	_ =	shalt  }
0x86: {  	_ =	shalt  }
0x87: {  	_ =	shalt  }
.Lfunc_end0:
.L_simem_size_0:
called_computation.2_lowered:
.L_overlay_start_0:
0x88: {  	s2 =	sld [smem:$0x3FD9]  }
0x89: {  	s3 =	sld [smem:$0x3FFE];
	_ =	sdelay $0x1  }
0x8a: {  	s1 =	srdreg.scid  }
0x8b: {  	s0 =	sand.u32 $0x1, s1  }
0x8c: {  	s16 =	sshll.u32 s0, $0xA;
	s2 =	sadd.s32 s3, s2  }
0x8d: {  	s2 =	sadd.s32 s2, s16  }
0x8e: {  	[smem:$0x3F9D] =	sst s2  }
0x8f: {  	_ = 	snop  }
0x90: {  	(tm) =	ssettm $0x1  }
0x91: {  	s17 =	sld [smem:$0x3FFB];
	_ =	sdelay $0x3  }
0x92: {  	_ =	strace s17  }
0x93: {  	s2 =	sld [smem:$0x3FFC];
	_ =	sdelay $0x3  }
0x94: {  	_ =	strace s2  }
0x95: {  	s2 =	sld [smem:$0x3FFD];
	_ =	sdelay $0x3  }
0x96: {  	_ =	strace s2  }
0x97: {  	_ =	strace $0x8FFFFFFF  }
0x98: {  	s18 =	sld [smem:$0x3FDB];
	_ =	sdelay $0x1  }
0x99: {  	s19 =	simm.s32 $_scs_section_size  }
0x9a: {  	s4 =	simm.s32 $_size__tile_overlayer_lowered;
	s5 =	simm.s32 $_tile_overlayer_lowered  }
0x9b: {  	s22 =	simm.s32 $0x1BFF;
	s21 =	sshll.u32 s5, $0x1;
	s2 =	sadd.s32 s19, s18  }
0x9c: {  	s6 =	simm.s32 $0x0;
	s20 =	sshll.u32 s4, $0x1;
	s4 =	sadd.s32 s21, s2  }
0x9d: {  	[timem:s6], [sflag:s22] =	dma.local [hbm:s4], s20  }
0x9e: {  	_ =	swait.ge [sflag:s22], s20  }
0x9f: {  	s3 =	ssub.s32 $0x0, s20;
	[sflag:s22] =	ssyncset.done $0x0  }
0xa0: {  	[sflag:s22] =	ssyncadd.s32 s3;
	_ =	sdelay $0x1  }
0xa1: {  	s23 =	simm.s32 $0x1B8B  }
0xa2: {  	_ =	swait.ge [sflag:s23], $0x1  }
0xa3: {  	[sflag:s23] =	ssyncset.done $0x0  }
0xa4: {  	s25 =	simm.s32 $0x1B8E;
	s24 =	sld [smem:$0x3FFE];
	[sflag:s23] =	ssyncadd.s32 $0xFFFFFFFF  }
0xa5: {  	s26 =	simm.s32 $execute0_lowered;
	[smem:$0x3FD2] =	sst s25  }
0xa6: {  	s4 =	sshll.u32 s26, $0x1;
	_ =	strace $0x8000004C;
	[dreg:$0x1] =	wrdreg $0xFFFFFFFF  }
0xa7: {  	s28 =	simm.s32 $_size_execute0_lowered;
	s2 =	sadd.s32 s2, s4;
	[dreg:$0x0] =	wrdreg $0x0  }
0xa8: {  	s4 =	sshll.u32 s28, $0x1;
	[dreg:$0x2] =	wrdreg s2  }
0xa9: {  	[dreg:$0x3] =	wrdreg s4  }
0xaa: {  	[dreg:$0x4] =	wrdreg $0xC0  }
0xab: {  	_ =	task [dreg:s6], $0x5FFFF  }
0xac: {  	[dreg:$0x1] =	wrdreg $0xFFFFFFFF  }
0xad: {  	[dreg:$0x0] =	wrdreg $0x60  }
0xae: {  	[dreg:$0x2] =	wrdreg s24  }
0xaf: {  	[dreg:$0x3] =	wrdreg $0x7C000  }
0xb0: {  	[dreg:$0x4] =	wrdreg $0x9  }
0xb1: {  	_ =	task.clear_ibuf [dreg:s6], $0x5FFFF;
	_ =	strace $0x9000004C  }
0xb2: {  	s29 =	simm.s32 $0x9;
	_ =	strace $0x8000004E  }
0xb3: {  	_ =	swait.ge [sflag:s29], $0x1  }
0xb4: {  	[sflag:s29] =	ssyncadd.s32 $0xFFFFFFFF  }
0xb5: {  	_ =	strace $0x9000004E  }
0xb6: {  	_ =	sfence  }
0xb7: {  	s30 =	sld [smem:$0x0];
	_ =	sdelay $0x2  }
0xb8: {  	s31 =	sshll.u32 s1, $0xD;
	s1 =	sshrl.u32 s1, $0x2  }
0xb9: {  	s3 =	sand.u32 $0x4000, s31;
	s1 =	sadd.s32 s1, s30  }
0xba: {  	s0 =	sor.u32 s3, s0;
	s1 =	sshll.u32 s1, $0x11  }
0xbb: {  	s0 =	sor.u32 s1, s0  }
0xbc: {  	s0 =	sadd.s32 $0x8F2B, s0  }
0xbd: {  	[sflag:s0] =	ssyncadd.remote.s32 $0x1  }
0xbe: {  	_ =	sfence.sel $0xFFFF  }
0xbf: {  	[dreg:$0x0] =	wrdreg $0xFFFFFFFF;
	(pc) =	sbr.abs _section_cstart, $3  }
0xc0: {  	[dreg:$0x1] =	wrdreg $0xFFFFFFFF  }
0xc1: {  	_ =	task.clear_ibuf [dreg:s6], $0x2FFFF;
	_ =	strace $0x9FFFFFFF  }
0xc2: {  	(tm) =	ssettm $0x7FFFFFFF  }
0xc3: {  	_ =	shalt  }
tec
execute0_lowered:
.L_overlay_start_1:
0x0: {  	(tag) =	ssettag $0x1  }
0x1: {  	s0 =	rddreg [dreg:$0x0]  }
0x2: {  	s1 =	rddreg [dreg:$0x1];
	s2 =	simm.s32 $0x0  }
0x3: {  	s19 =	srdreg.scid;
	s14 =	stileid.u32;
	s29 =	simm.s32 $0x2900  }
0x4: {  	s31 =	simm.s32 $0x3D00;
	s28 =	simm.s32 $0x5;
	[smem:$0x7FF] =	sst s2  }
0x5: {  	s3 =	sadd.s32 $0xBB200, s0;
	s4 =	sadd.s32 $0x1C200, s0;
	s6 =	sadd.s32 $0x43400, s0  }
0x6: {  	s7 =	sadd.s32 $0x12400, s0;
	s8 =	sadd.s32 $0x8600, s0;
	s9 =	sadd.s32 $0x4FE400, s0  }
0x7: {  	s2 =	sand.u32 $0x1, s19;
	s5 =	sshll.u32 s14, $0x1;
	s10 =	sadd.s32 $0xE2400, s0  }
0x8: {  	s20 =	smul.u32 $0x4E000, s14;
	s11 =	sadd.s32 $0xB8A00, s0;
	s0 =	sadd.s32 $0xE2600, s0  }
0x9: {  	s23 =	smul.u32 $0x13800, s14;
	s15 =	sadd.s32 $0x138000, s1;
	p0 =	sne.s32 s14, $0xF  }
0xa: {  	s14 =	simm.s32 $0x6;
	_ =	strace $0x8000004D;
	[dreg:$0x3] =	wrdreg s10  }
0xb: {  	s5 =	sor.u32 s2, s5;
	[dreg:$0x4] =	wrdreg s11;
	s21 =	ssub.s32 $0x2, s2  }
0xc: {  	s2 =	smul.u32 $0x138800, s2;
	[dreg:$0x6] =	wrdreg s15;
	s15 =	simm.s32 $0x0  }
0xd: {  	s12 =	smul.u32 $0x2710, s5;
	s13 =	sshrl.u32 s21, $0x1;
	s10 =	sshrl.u32 s20, $0x2  }
0xe: {  	s5 =	smul.u32 $0x27100, s5;
	s11 =	ssub.s32 s21, s13;
	s10 =	sadd.s32 s10, s1  }
0xf: {  	s25 =	sadd.s32 s23, s2;
	s2 =	sshrl.u32 s2, $0x3;
	s23 =	simm.s32 $0x7  }
0x10: {  	s13 =	simm.s32 $0x4;
	[dreg:$0x5] =	wrdreg s10;
	s22 =	sshrl.u32 s12, $0x3  }
0x11: {  	s5 =	sadd.s32 s9, s5;
	s17 =	sadd.s32 $0x28, s12;
	s2 =	sadd.s32 s0, s2  }
0x12: {  	s18 =	sadd.s32 $0x50, s12;
	s30 =	smax.u32 s11, $0x1;
	[dreg:$0x9] =	wrdreg s5  }
0x13: {  	s12 =	simm.s32 $0x3;
	s24 =	sadd.s32 s7, s22;
	[dreg:$0xc] =	wrdreg s30  }
0x14: {  	s10 =	sadd.s32 s8, s22;
	s5 =	sshrl.u32 s25, $0x3;
	[dreg:$0x7] =	wrdreg s24  }
0x15: {  	s26 =	sadd.s32 $0x27000, s2;
	s22 =	simm.s32 $0x3E00;
	[dreg:$0x8] =	wrdreg s10  }
0x16: {  	s25 =	simm.s32 $0x5200;
	s0 =	sadd.s32 s0, s5;
	[dreg:$0xb] =	wrdreg s26  }
0x17: {  	s24 =	simm.s32 $0x80;
	s26 =	simm.s32 $0x28;
	s5 =	simm.s32 $0x6600  }
0x18: {  	s10 =	simm.s32 $0x2;
	[dreg:$0xa] =	wrdreg s0;
	s0 =	simm.s32 $0x3D80  }
.LBB2_1:
0x19: {  	s11 =	simm.s32 $0x0  }
0x1a: {  	s2 =	rddreg [dreg:$0x3];
	s16 =	simm.s32 $0x7A00;
	s19 =	stileid.u32  }
0x1b: {  	[tilespmem:s16], [sflag:$0x7] =	stream.linear.gather [hbm4b:s2+s11], $0x200, $0x38;
	[tilespmem:$0x1B480] =	vst v63  }
0x1c: {  	s2 =	sshll.u32 s19, $0x6;
	_ =	swait.ge [sflag:s23], $0x200  }
0x1d: {  	s16 =	sor.u32 $0x1C07, s2;
	s20 =	rddreg [dreg:$0x5]  }
0x1e: {  	[sflag:s23] =	ssyncset.done $0x0;
	s2 =	rddreg [dreg:$0x4];
	s19 =	sshrl.u32 s20, $0x3  }
0x1f: {  	[sflag:s23] =	ssyncadd.s32 $0xFFFFFE00;
	[dreg:$0xd] =	wrdreg s19  }
0x20: {  	[spmem:s19], [sflag:s16] =	dma.local [hbm:s2], $0x2700  }
0x21: {  	_ =	swait.ge [sflag:s23], $0x2700  }
0x22: {  	s19 =	rddreg [dreg:$0x6]  }
0x23: {  	[sflag:s23] =	ssyncset.done $0x0;
	s19 =	sshrl.u32 @!p0 s19, $0x3  }
0x24: {  	[sflag:s23] =	ssyncadd.s32 $0xFFFFD900;
	[dreg:$0xe] =	wrdreg s19  }
0x25: {  	[spmem:s19], [sflag:s16] =	dma.local @!p0 [hbm:s2], $0x100  }
0x26: {  	s2 =	simm.s32 @!p0 $0x7  }
0x27: {  	_ =	swait.ge @!p0 [sflag:s2], $0x100  }
0x28: {  	[sflag:s2] =	ssyncset.done @!p0 $0x0  }
0x29: {  	[sflag:s2] =	ssyncadd.s32 @!p0 $0xFFFFFF00  }
0x2a: {  	[bflag:$0x0] =	sbarrier.arrive $0xFFFF  }
0x2b: {  	v0 =	vld [tilespmem:$0x7A00]  }
0x2c: {  	v1 =	vld [tilespmem:$0x7A10]  }
0x2d: {  	v2 =	vld [tilespmem:$0x7A20]  }
0x2e: {  	v3 =	vld [tilespmem:$0x7A30]  }
0x2f: {  	v4 =	vld [tilespmem:$0x7A40]  }
0x30: {  	v5 =	vld [tilespmem:$0x7A50]  }
0x31: {  	v6 =	vld [tilespmem:$0x7A60]  }
0x32: {  	v7 =	vld [tilespmem:$0x7A70]  }
0x33: {  	v8 =	vld [tilespmem:$0x7A80]  }
0x34: {  	v9 =	vld [tilespmem:$0x7A90]  }
0x35: {  	v10 =	vld [tilespmem:$0x7AA0]  }
0x36: {  	v11 =	vld [tilespmem:$0x7AB0]  }
0x37: {  	v12 =	vld [tilespmem:$0x7AC0]  }
0x38: {  	v13 =	vld [tilespmem:$0x7AD0]  }
0x39: {  	v14 =	vld [tilespmem:$0x7AE0]  }
0x3a: {  	v15 =	vld [tilespmem:$0x7AF0]  }
0x3b: {  	v16 =	vld [tilespmem:$0x7B00]  }
0x3c: {  	v17 =	vld [tilespmem:$0x7B10]  }
0x3d: {  	v18 =	vld [tilespmem:$0x7B20]  }
0x3e: {  	v19 =	vld [tilespmem:$0x7B30]  }
0x3f: {  	v20 =	vld [tilespmem:$0x7B40]  }
0x40: {  	v21 =	vld [tilespmem:$0x7B50]  }
0x41: {  	v22 =	vld [tilespmem:$0x7B60]  }
0x42: {  	v23 =	vld [tilespmem:$0x7B70]  }
0x43: {  	v24 =	vld [tilespmem:$0x7B80]  }
0x44: {  	v25 =	vld [tilespmem:$0x7B90]  }
0x45: {  	v26 =	vld [tilespmem:$0x7BA0]  }
0x46: {  	v27 =	vld [tilespmem:$0x7BB0]  }
0x47: {  	v28 =	vld [tilespmem:$0x7BC0]  }
0x48: {  	v29 =	vld [tilespmem:$0x7BD0]  }
0x49: {  	v30 =	vld [tilespmem:$0x7BE0];
	s21 =	rddreg [dreg:$0x7]  }
0x4a: {  	v31 =	vld [tilespmem:$0x7BF0];
	[tilespmem:s11], [sflag:$0x7] =	stream.linear.gather [hbm4b:s21+s11], $0x28, $0x38  }
0x4b: {  	_ =	swait.ge [sflag:s23], $0x28  }
0x4c: {  	[sflag:s23] =	ssyncset.done $0x0  }
0x4d: {  	s30 =	rddreg [dreg:$0x8];
	[sflag:s23] =	ssyncadd.s32 $0xFFFFFFD8  }
0x4e: {  	[tilespmem:s24], [sflag:$0x7] =	stream.linear.gather [hbm4b:s30+s11], $0x28, $0x38;
	[tilespmem:$0x1B480] =	vst v63  }
0x4f: {  	_ =	swait.ge [sflag:s23], $0x28  }
0x50: {  	[sflag:s23] =	ssyncset.done $0x0  }
0x51: {  	s20 =	simm.s32 $0x100;
	s19 =	rddreg [dreg:$0x9];
	[sflag:s23] =	ssyncadd.s32 $0xFFFFFFD8  }
0x52: {  	[tilespmem:s20], [sflag:$0x7] =	stream.linear.gather [hbm4b:s19+s11], $0x1400, $0x38;
	[tilespmem:$0x1B480] =	vst v63  }
0x53: {  	_ =	swait.ge [sflag:s23], $0x1400  }
0x54: {  	[sflag:s23] =	ssyncset.done $0x0  }
0x55: {  	s21 =	simm.s32 $0x1500;
	[sflag:s23] =	ssyncadd.s32 $0xFFFFEC00  }
0x56: {  	[tilespmem:s21], [sflag:$0x1] =	stream.indirect.gather [hbm4b:s3+s26], $0x80, s24, s26, $0xb8;
	[tilespmem:$0x1B480] =	vst v63  }
0x57: {  	s30 =	simm.s32 $0x1  }
0x58: {  	[tilespmem:s29], [sflag:$0x3] =	stream.indirect.gather [hbm4b:s6+s26], $0x80, s11, s26, $0xb8;
	[tilespmem:$0x1B480] =	vst v63  }
0x59: {  	_ =	swait.ge [sflag:s30], $0x1400  }
0x5a: {  	[sflag:s30] =	ssyncset.done $0x0  }
0x5b: {  	[sflag:s30] =	ssyncadd.s32 $0xFFFFEC00  }
0x5c: {  	[tilespmem:s21], [sflag:$0x2] =	stream.indirect.gather.add.f32 [hbm:s4], $0x80, s11, s26, $0xb8;
	[tilespmem:$0x1B480] =	vst v63  }
0x5d: {  	s21 =	simm.s32 $0x0  }
.LBB2_2:
0x5e: {  	s30 =	smul.u32 $0x50, s21;
	_ =	sdelay $0x1  }
0x5f: {  	s2 =	sadd.s32 s30, s17  }
0x60: {  	s11 =	sshrl.u32 s2, $0x3  }
0x61: {  	s20 =	simm.s32 $0x0;
	s19 =	sadd.s32 s7, s11  }
0x62: {  	[tilespmem:s31], [sflag:$0x7] =	stream.linear.gather [hbm4b:s19+s20], $0x28, $0x38;
	[tilespmem:$0x1B480] =	vst v63  }
0x63: {  	_ =	swait.ge [sflag:s23], $0x28  }
0x64: {  	[sflag:s23] =	ssyncset.done $0x0  }
0x65: {  	s11 =	sadd.s32 s8, s11;
	[sflag:s23] =	ssyncadd.s32 $0xFFFFFFD8  }
0x66: {  	[tilespmem:s0], [sflag:$0x7] =	stream.linear.gather [hbm4b:s11+s20], $0x28, $0x38;
	[tilespmem:$0x1B480] =	vst v63  }
0x67: {  	_ =	swait.ge [sflag:s23], $0x28  }
0x68: {  	s2 =	sshll.u32 s2, $0x4;
	[sflag:s23] =	ssyncset.done $0x0  }
0x69: {  	s2 =	sadd.s32 s9, s2;
	[sflag:s23] =	ssyncadd.s32 $0xFFFFFFD8  }
0x6a: {  	[tilespmem:s22], [sflag:$0x7] =	stream.linear.gather [hbm4b:s2+s20], $0x1400, $0x38;
	[tilespmem:$0x1B480] =	vst v63  }
0x6b: {  	_ =	swait.ge [sflag:s23], $0x1400  }
0x6c: {  	[sflag:s23] =	ssyncset.done $0x0  }
0x6d: {  	[sflag:s23] =	ssyncadd.s32 $0xFFFFEC00  }
0x6e: {  	[tilespmem:s25], [sflag:$0x4] =	stream.indirect.gather [hbm4b:s3+s26], $0x80, s0, s26, $0xb8;
	[tilespmem:$0x1B480] =	vst v63  }
0x6f: {  	_ = 	snop  }
0x70: {  	[tilespmem:s5], [sflag:$0x6] =	stream.indirect.gather [hbm4b:s6+s26], $0x80, s31, s26, $0xb8;
	[tilespmem:$0x1B480] =	vst v63  }
0x71: {  	_ =	swait.ge [sflag:s10], $0x1400  }
0x72: {  	[sflag:s10] =	ssyncset.done $0x0  }
0x73: {  	[sflag:s10] =	ssyncadd.s32 $0xFFFFEC00  }
0x74: {  	_ =	swait.ge [sflag:s12], $0x1400  }
0x75: {  	[sflag:s12] =	ssyncset.done $0x0  }
0x76: {  	s11 =	simm.s32 $0x0;
	[sflag:s12] =	ssyncadd.s32 $0xFFFFEC00  }
0x77: {  	v32 =	vld [tilespmem:s11+$0x100];
	_ =	sdelay $0x4  }
0x78: {  	v33 =	vbroadcast v32, $0x0;
	v34 =	vbroadcast v32, $0x2  }
0x79: {  	v35 =	vbroadcast v32, $0x3;
	v32 =	vbroadcast v32, $0x1  }
0x7a: {  	v36 =	vmul.f32 v33, v0;
	v37 =	vmul.f32 v34, v16  }
0x7b: {  	v38 =	vmul.f32 v34, v19;
	v39 =	vmul.f32 v34, v23  }
0x7c: {  	v40 =	vmul.f32 v34, v18;
	v41 =	vmul.f32 v35, v24  }
0x7d: {  	v42 =	vmul.f32 v32, v11;
	v43 =	vmul.f32 v32, v9  }
0x7e: {  	v44 =	vmul.f32 v33, v3;
	v45 =	vmul.f32 v35, v27  }
0x7f: {  	v46 =	vmul.f32 v32, v12;
	v47 =	vmul.f32 v32, v8  }
0x80: {  	v49 =	vmul.f32 v35, v25;
	v57 =	vmul.f32 v34, v17  }
0x81: {  	v58 =	vmul.f32 v35, v26;
	v59 =	vmul.f32 v33, v2  }
0x82: {  	v60 =	vmul.f32 v32, v10;
	v61 =	vmul.f32 v33, v1  }
0x83: {  	v62 =	vmul.f32 v33, v4;
	v50 =	vmul.f32 v35, v28  }
0x84: {  	v51 =	vmul.f32 v34, v20;
	v63 =	vmul.f32 v35, v30;
	v42 =	vadd.f32 v42, v44  }
0x85: {  	v52 =	vmul.f32 v34, v22;
	v37 =	vadd.f32 v41, v37;
	v38 =	vadd.f32 v45, v38  }
0x86: {  	v53 =	vmul.f32 v33, v6;
	v36 =	vadd.f32 v47, v36;
	v44 =	vadd.f32 v49, v57  }
0x87: {  	v34 =	vmul.f32 v34, v21;
	v40 =	vadd.f32 v58, v40;
	v47 =	vadd.f32 v60, v59  }
0x88: {  	v48 =	vld [tilespmem:s11+$0x1530];
	v41 =	vmul.f32 v35, v31;
	v45 =	vadd.f32 v46, v62;
	v50 =	vadd.f32 v50, v51  }
0x89: {  	v56 =	vld [tilespmem:s11+$0x1520];
	v57 =	vmul.f32 v32, v14;
	v60 =	vadd.f32 v63, v52;
	v62 =	vmul.f32 v32, v13  }
0x8a: {  	v46 =	vld [tilespmem:s11+$0x1540];
	v51 =	vmul.f32 v33, v7;
	v38 =	vadd.f32 v38, v42;
	v42 =	vadd.f32 v43, v61  }
0x8b: {  	v52 =	vld [tilespmem:s11+$0x1500];
	v33 =	vmul.f32 v33, v5;
	v40 =	vadd.f32 v40, v47;
	v45 =	vadd.f32 v50, v45  }
0x8c: {  	s2 =	simm.s32 $0x80;
	v58 =	vld [tilespmem:s11+$0x1510];
	v35 =	vmul.f32 v35, v29;
	v61 =	vadd.f32 v57, v53;
	v36 =	vadd.f32 v37, v36  }
0x8d: {  	v53 =	vld [tilespmem:s2+$0x100];
	v39 =	vadd.f32 v41, v39;
	v33 =	vadd.f32 v62, v33  }
0x8e: {  	v55 =	vld [tilespmem:s11+$0x1550];
	v34 =	vadd.f32 v35, v34;
	v38 =	vadd.f32 v48, v38  }
0x8f: {  	v32 =	vmul.f32 v32, v15;
	v40 =	vadd.f32 v40, v56;
	v63 =	vadd.f32 v46, v45  }
0x90: {  	v42 =	vadd.f32 v44, v42;
	v36 =	vadd.f32 v36, v52;
	v38 =	vmul.f32 $1.442695020e+00, v38  }
0x91: {  	v33 =	vadd.f32 v34, v33;
	v40 =	vmul.f32 $1.442695020e+00, v40;
	v44 =	vmul.f32 $1.442695020e+00, v63  }
0x92: {  	v59 =	vld [tilespmem:s11+$0x1560];
	v42 =	vadd.f32 v42, v58;
	v36 =	vmul.f32 $1.442695020e+00, v36;
	v43 =	vbroadcast v53, $0x0  }
0x93: {  	v33 =	vadd.f32 v55, v33;
	v34 =	vbroadcast v53, $0x3;
	v41 =	vbroadcast v53, $0x2  }
0x94: {  	v32 =	vadd.f32 v32, v51;
	(erf) = vpow2.f32 v38;
	v42 =	vmul.f32 $1.442695020e+00, v42  }
0x95: {  	v38 =	vadd.f32 v60, v61;
	v33 =	vmul.f32 $1.442695020e+00, v33;
	(erf) = vpow2.f32 v44  }
0x96: {  	v32 =	vadd.f32 v39, v32;
	v37 =	vmul.f32 v41, v19;
	v45 =	vmul.f32 v41, v23  }
0x97: {  	v39 =	vmul.f32 v41, v18;
	v60 =	vmul.f32 v34, v24;
	v38 =	vadd.f32 v59, v38  }
0x98: {  	v63 =	vmul.f32 v43, v3;
	(erf) = vpow2.f32 v40  }
0x99: {  	(erf) = vpow2.f32 v42;
	v54 =	vmul.f32 $1.442695020e+00, v38  }
0x9a: {  	v42 =	vbroadcast v53, $0x1;
	v38 =	vmul.f32 v41, v16  }
0x9b: {  	v55 =	vmul.f32 v34, v31;
	(erf) = vpow2.f32 v54  }
0x9c: {  	v61 =	vmul.f32 v42, v11;
	v38 =	vadd.f32 v60, v38;
	v60 =	vmul.f32 v34, v26  }
0x9d: {  	v45 =	vadd.f32 v55, v45;
	v48 =	vmul.f32 v42, v9;
	v52 =	vmul.f32 v42, v12  }
0x9e: {  	v56 =	vld [tilespmem:s11+$0x1570];
	v54 =	vmul.f32 v34, v25;
	v39 =	vadd.f32 v60, v39;
	v60 =	vmul.f32 v43, v4;
	v57 =	vpop (erf)  }
0x9f: {  	v46 =	vadd.f32 v61, v63;
	v63 =	vmul.f32 v42, v10;
	v35 =	vadd.f32 $1.000000000e+00, v57  }
0xa0: {  	v58 =	vpop (erf);
	v57 =	vmul.f32 v34, v27;
	v52 =	vadd.f32 v52, v60;
	v60 =	vmul.f32 v43, v7  }
0xa1: {  	v44 =	vadd.f32 $1.000000000e+00, v58;
	v59 =	vpop (erf);
	v58 =	vmul.f32 v42, v8;
	(erf) = vrcp.f32 v35  }
0xa2: {  	v35 =	vmul.f32 v43, v0;
	v40 =	vadd.f32 $1.000000000e+00, v59;
	(erf) = vpow2.f32 v36  }
0xa3: {  	v62 =	vpop (erf);
	v59 =	vmul.f32 v41, v17;
	v37 =	vadd.f32 v57, v37;
	v36 =	vadd.f32 v56, v32  }
0xa4: {  	v57 =	vmul.f32 v43, v1;
	v47 =	vadd.f32 $1.000000000e+00, v62;
	v35 =	vadd.f32 v58, v35;
	v56 =	vpop (erf)  }
0xa5: {  	v62 =	vmul.f32 v43, v2;
	v37 =	vadd.f32 v37, v46;
	v46 =	vld [tilespmem:s2+$0x1530];
	v50 =	vadd.f32 $1.000000000e+00, v56  }
0xa6: {  	v49 =	vadd.f32 v54, v59;
	v54 =	vmul.f32 v42, v13;
	v56 =	vmul.f32 v41, v21  }
0xa7: {  	v38 =	vadd.f32 v38, v35;
	v35 =	vmul.f32 v34, v29;
	(erf) = vrcp.f32 v50  }
0xa8: {  	v53 =	vld [tilespmem:s2+$0x1520];
	v59 =	vadd.f32 v48, v57;
	v36 =	vmul.f32 $1.442695020e+00, v36;
	(erf) = vrcp.f32 v47  }
0xa9: {  	v50 =	vadd.f32 v63, v62;
	v62 =	vld [tilespmem:s2+$0x1510];
	v35 =	vadd.f32 v35, v56;
	(erf) = vpow2.f32 v33  }
0xaa: {  	v63 =	vmul.f32 v41, v20;
	v47 =	vadd.f32 v49, v59;
	v58 =	vadd.f32 v46, v37;
	v32 =	vpop (erf)  }
0xab: {  	v37 =	vmul.f32 v42, v14;
	v39 =	vadd.f32 v39, v50;
	(erf) = vpow2.f32 v36;
	v61 =	vpop (erf)  }
0xac: {  	v42 =	vmul.f32 v42, v15;
	v51 =	vadd.f32 $1.000000000e+00, v61;
	v61 =	vmul.f32 v34, v28  }
0xad: {  	v36 =	vmul.f32 $1.442695020e+00, v58;
	v39 =	vadd.f32 v39, v53;
	v53 =	vld [tilespmem:s2+$0x1540];
	(erf) = vrcp.f32 v40  }
0xae: {  	v58 =	vmul.f32 v43, v6;
	v40 =	vadd.f32 v47, v62;
	v47 =	vld [tilespmem:s11+$0x2960];
	v59 =	vadd.f32 v61, v63  }
0xaf: {  	v49 =	vld [tilespmem:s2+$0x1550];
	v46 =	vadd.f32 v42, v60;
	(erf) = vpow2.f32 v36;
	v61 =	vmul.f32 v43, v5  }
0xb0: {  	v50 =	vld [tilespmem:s2+$0x1570];
	v34 =	vmul.f32 v34, v30;
	v63 =	vmul.f32 v41, v22;
	v33 =	vadd.f32 v59, v52;
	v62 =	vpop (erf)  }
0xb1: {  	v42 =	vld [tilespmem:s2+$0x1500];
	v45 =	vadd.f32 v45, v46;
	v52 =	vadd.f32 v54, v61;
	(erf) = vrcp.f32 v44;
	v41 =	vpop (erf)  }
0xb2: {  	v36 =	vld [tilespmem:s11+$0x2910];
	v59 =	vadd.f32 v34, v63;
	v48 =	vadd.f32 v53, v33;
	v60 =	vpop (erf)  }
0xb3: {  	v43 =	vld [tilespmem:s2+$0x1560];
	v63 =	vadd.f32 v37, v58;
	v47 =	vmul.f32 v47, v62;
	v61 =	vadd.f32 $1.000000000e+00, v60  }
0xb4: {  	v37 =	vld [tilespmem:s11+$0x2920];
	(erf) = vrcp.f32 v51;
	v35 =	vadd.f32 v35, v52;
	v62 =	vpop (erf);
	v48 =	vmul.f32 $1.442695020e+00, v48  }
0xb5: {  	v33 =	vld [tilespmem:s11+$0x2930];
	[tilespmem:s11+$0x2960] =	vst v47;
	v47 =	vadd.f32 v59, v63;
	v46 =	vadd.f32 $1.000000000e+00, v62;
	(erf) = vrcp.f32 v61  }
0xb6: {  	s19 =	simm.s32 $0x400;
	v34 =	vadd.f32 v49, v35;
	v44 =	vpop (erf);
	v35 =	vadd.f32 v50, v45;
	v45 =	vld [tilespmem:s11+$0x2940];
	(erf) = vpow2.f32 v48  }
.LBB2_3:
0xb7: {  	s20 =	sshra.s32 s19, $0x2;
	p1 =	sne.s32 s19, $0x4E00;
	s19 =	sadd.s32 $0x200, s19;
	v38 =	vadd.f32 v38, v42;
	v39 =	vmul.f32 $1.442695020e+00, v39;
	(erf) = vrcp.f32 v46  }
0xb8: {  	v40 =	vmul.f32 $1.442695020e+00, v40;
	v42 =	vld [tilespmem:s20+$0x100];
	v43 =	vadd.f32 v43, v47;
	v46 =	vpop (erf);
	v47 =	vmul.f32 v36, v41  }
0xb9: {  	v41 =	vadd.f32 $1.000000000e+00, v46;
	(erf) = vpow2.f32 v39;
	v37 =	vmul.f32 v37, v44  }
0xba: {  	v38 =	vmul.f32 $1.442695020e+00, v38;
	v39 =	vmul.f32 $1.442695020e+00, v43;
	v43 =	vld [tilespmem:s11+$0x2900];
	[tilespmem:s11+$0x2910] =	vst v47;
	v36 =	vpop (erf)  }
0xbb: {  	(erf) = vpow2.f32 v40;
	v44 =	vmul.f32 v45, v36  }
0xbc: {  	v32 =	vmul.f32 v33, v32;
	(erf) = vpow2.f32 v39;
	[tilespmem:s11+$0x2920] =	vst v37;
	v33 =	vld [tilespmem:s11+$0x2950]  }
0xbd: {  	v37 =	vbroadcast v42, $0x0;
	v40 =	vbroadcast v42, $0x3;
	[tilespmem:s11+$0x2940] =	vst v44;
	v36 =	vpop (erf)  }
0xbe: {  	v44 =	vbroadcast v42, $0x2;
	(erf) = vrcp.f32 v41;
	[tilespmem:s11+$0x2930] =	vst v32;
	v32 =	vld [tilespmem:s11+$0x2970];
	v39 =	vpop (erf)  }
0xbf: {  	v41 =	vmul.f32 v37, v0;
	v45 =	vpop (erf);
	v48 =	vmul.f32 v43, v36  }
0xc0: {  	v43 =	vmul.f32 v44, v16;
	(erf) = vpow2.f32 v38;
	v38 =	vpop (erf)  }
0xc1: {  	v46 =	vmul.f32 v44, v19;
	v45 =	vadd.f32 $1.000000000e+00, v45;
	[tilespmem:s11+$0x2900] =	vst v48;
	v51 =	vmul.f32 v33, v39  }
0xc2: {  	v42 =	vbroadcast v42, $0x1;
	v47 =	vmul.f32 v44, v23;
	v36 =	vpop (erf)  }
0xc3: {  	v39 =	vmul.f32 v44, v18;
	v48 =	vld [tilespmem:s20+$0x1530];
	v49 =	vadd.f32 $1.000000000e+00, v36;
	[tilespmem:s11+$0x2950] =	vst v51;
	v32 =	vmul.f32 v32, v38  }
0xc4: {  	v38 =	vmul.f32 v40, v24;
	v36 =	vmul.f32 v42, v11;
	v50 =	vld [tilespmem:s20+$0x1570];
	v33 =	vpop (erf)  }
0xc5: {  	v52 =	vmul.f32 v37, v3;
	v51 =	vmul.f32 v42, v9;
	v53 =	vld [tilespmem:s20+$0x1550];
	v54 =	vadd.f32 $1.000000000e+00, v33;
	v33 =	vpop (erf);
	[tilespmem:s11+$0x2970] =	vst v32;
	s11 =	smov.u32 s2;
	s2 =	smov.u32 s20  }
0xc6: {  	v61 =	vmul.f32 v40, v27;
	v56 =	vmul.f32 v42, v12;
	v57 =	vadd.f32 $1.000000000e+00, v33;
	v33 =	vld [tilespmem:s11+$0x2930]  }
0xc7: {  	v58 =	vmul.f32 v42, v8;
	v59 =	vmul.f32 v40, v25;
	v52 =	vadd.f32 v36, v52;
	v36 =	vld [tilespmem:s11+$0x2910];
	v32 =	vpop (erf)  }
0xc8: {  	v60 =	vmul.f32 v40, v31;
	v38 =	vadd.f32 v38, v43;
	v43 =	vmul.f32 v44, v17  }
0xc9: {  	v41 =	vadd.f32 v58, v41;
	v58 =	vmul.f32 v40, v26;
	v46 =	vadd.f32 v61, v46;
	v55 =	vpop (erf)  }
0xca: {  	v43 =	vadd.f32 v59, v43;
	v59 =	vmul.f32 v37, v2;
	(erf) = vrcp.f32 v57  }
0xcb: {  	v61 =	vmul.f32 v44, v21;
	v57 =	vmul.f32 v42, v10;
	v55 =	vadd.f32 $1.000000000e+00, v55  }
0xcc: {  	v62 =	vmul.f32 v37, v1;
	v39 =	vadd.f32 v58, v39;
	v46 =	vadd.f32 v46, v52;
	v58 =	vld [tilespmem:s2+$0x1520]  }
0xcd: {  	v52 =	vadd.f32 v57, v59;
	v57 =	vmul.f32 v42, v13;
	(erf) = vrcp.f32 v54  }
0xce: {  	v34 =	vmul.f32 $1.442695020e+00, v34;
	v35 =	vmul.f32 $1.442695020e+00, v35;
	v51 =	vadd.f32 v51, v62  }
0xcf: {  	v54 =	vmul.f32 v40, v28;
	v39 =	vadd.f32 v39, v52;
	v52 =	vmul.f32 v37, v4  }
0xd0: {  	v43 =	vadd.f32 v43, v51;
	v59 =	vmul.f32 v44, v20;
	v51 =	vld [tilespmem:s2+$0x1510];
	(erf) = vpow2.f32 v34  }
0xd1: {  	v34 =	vadd.f32 v56, v52;
	v39 =	vadd.f32 v39, v58;
	v52 =	vld [tilespmem:s2+$0x1540];
	(erf) = vpow2.f32 v35  }
0xd2: {  	v35 =	vadd.f32 v48, v46;
	v46 =	vadd.f32 v54, v59;
	(erf) = vrcp.f32 v49  }
0xd3: {  	v38 =	vadd.f32 v38, v41;
	v48 =	vmul.f32 v40, v29;
	v49 =	vmul.f32 v40, v30;
	v54 =	vpop (erf)  }
0xd4: {  	v34 =	vadd.f32 v46, v34;
	v46 =	vmul.f32 v42, v14;
	v35 =	vmul.f32 $1.442695020e+00, v35  }
0xd5: {  	v42 =	vmul.f32 v42, v15;
	v40 =	vadd.f32 v43, v51;
	v43 =	vmul.f32 v37, v7;
	v51 =	vld [tilespmem:s11+$0x2960]  }
0xd6: {  	v34 =	vadd.f32 v52, v34;
	v52 =	vmul.f32 v37, v5;
	(erf) = vpow2.f32 v35;
	v41 =	vpop (erf)  }
0xd7: {  	v56 =	vadd.f32 v60, v47;
	v35 =	vmul.f32 v44, v22;
	v43 =	vadd.f32 v42, v43  }
0xd8: {  	v48 =	vadd.f32 v48, v61;
	v47 =	vadd.f32 v57, v52;
	(erf) = vrcp.f32 v45  }
.Ltmp0:
0xd9: {  	v37 =	vmul.f32 v37, v6;
	v35 =	vadd.f32 v49, v35;
	v42 =	vld [tilespmem:s2+$0x1500];
	v45 =	vadd.f32 v56, v43;
	v44 =	vpop (erf);
	(pc) =	sbr.rel @p1 .LBB2_3-.Ltmp0, $4  }
0xda: {  	v47 =	vadd.f32 v48, v47;
	v43 =	vld [tilespmem:s2+$0x1560];
	v48 =	vadd.f32 $1.000000000e+00, v44;
	v49 =	vmul.f32 v51, v54;
	v51 =	vpop (erf)  }
0xdb: {  	v52 =	vadd.f32 v46, v37;
	v54 =	vmul.f32 $1.442695020e+00, v34;
	v37 =	vld [tilespmem:s11+$0x2920];
	(erf) = vrcp.f32 v55;
	v44 =	vpop (erf)  }
0xdc: {  	v46 =	vadd.f32 $1.000000000e+00, v51;
	v34 =	vadd.f32 v53, v47;
	[tilespmem:s11+$0x2960] =	vst v49;
	(erf) = vrcp.f32 v48  }
0xdd: {  	v47 =	vadd.f32 v35, v52;
	v35 =	vadd.f32 v50, v45;
	(erf) = vpow2.f32 v54;
	v45 =	vld [tilespmem:s11+$0x2940]  }
0xde: {  	_ = 	snop  }
0xdf: {  	v39 =	vmul.f32 $1.442695020e+00, v39;
	v43 =	vadd.f32 v43, v47  }
0xe0: {  	(erf) = vrcp.f32 v46;
	v40 =	vmul.f32 $1.442695020e+00, v40  }
0xe1: {  	(erf) = vpow2.f32 v39;
	v54 =	vmul.f32 $1.442695020e+00, v43  }
0xe2: {  	(erf) = vpow2.f32 v40  }
0xe3: {  	(erf) = vpow2.f32 v54  }
0xe4: {  	v55 =	vpop (erf)  }
0xe5: {  	v56 =	vpop (erf)  }
0xe6: {  	v58 =	vpop (erf)  }
0xe7: {  	v59 =	vpop (erf)  }
0xe8: {  	v60 =	vpop (erf)  }
0xe9: {  	v62 =	vpop (erf)  }
0xea: {  	v38 =	vadd.f32 v38, v42;
	v63 =	vpop (erf)  }
0xeb: {  	v39 =	vadd.f32 $1.000000000e+00, v55;
	v48 =	vpop (erf)  }
0xec: {  	v32 =	vmul.f32 v33, v32;
	v38 =	vmul.f32 $1.442695020e+00, v38;
	v50 =	vpop (erf)  }
0xed: {  	(erf) = vrcp.f32 v39;
	v51 =	vadd.f32 $1.000000000e+00, v50  }
0xee: {  	[tilespmem:s11+$0x2930] =	vst v32;
	(erf) = vpow2.f32 v38;
	v32 =	vadd.f32 $1.000000000e+00, v48  }
0xef: {  	v34 =	vmul.f32 $1.442695020e+00, v34;
	(erf) = vrcp.f32 v51  }
0xf0: {  	v54 =	vmul.f32 $1.442695020e+00, v35;
	(erf) = vrcp.f32 v32  }
0xf1: {  	v57 =	vld [tilespmem:s11+$0x2900];
	(erf) = vpow2.f32 v34  }
0xf2: {  	v61 =	vld [tilespmem:s11+$0x2950];
	(erf) = vpow2.f32 v54;
	_ =	sdelay $0x1  }
0xf3: {  	v36 =	vmul.f32 v36, v41;
	v49 =	vld [tilespmem:s11+$0x2970]  }
0xf4: {  	v37 =	vmul.f32 v37, v44  }
0xf5: {  	[tilespmem:s11+$0x2910] =	vst v36;
	v40 =	vmul.f32 v45, v56;
	v52 =	vmul.f32 v57, v58;
	v58 =	vpop (erf)  }
0xf6: {  	[tilespmem:s11+$0x2920] =	vst v37;
	v33 =	vmul.f32 v61, v59;
	v59 =	vpop (erf)  }
0xf7: {  	[tilespmem:s11+$0x2940] =	vst v40;
	v55 =	vadd.f32 $1.000000000e+00, v63;
	v61 =	vpop (erf)  }
0xf8: {  	[tilespmem:s11+$0x2900] =	vst v52;
	v57 =	vadd.f32 $1.000000000e+00, v60;
	v53 =	vmul.f32 v49, v62;
	v44 =	vpop (erf)  }
0xf9: {  	[tilespmem:s11+$0x2950] =	vst v33;
	v45 =	vadd.f32 $1.000000000e+00, v59;
	(erf) = vrcp.f32 v55;
	v46 =	vpop (erf)  }
0xfa: {  	[tilespmem:s11+$0x2970] =	vst v53;
	(erf) = vrcp.f32 v57;
	v35 =	vadd.f32 $1.000000000e+00, v46;
	v48 =	vpop (erf)  }
0xfb: {  	v60 =	vld [tilespmem:s2+$0x2930];
	(erf) = vrcp.f32 v45;
	v40 =	vadd.f32 $1.000000000e+00, v48  }
0xfc: {  	v56 =	vld [tilespmem:s2+$0x2960];
	(erf) = vrcp.f32 v35  }
0xfd: {  	v62 =	vld [tilespmem:s2+$0x2910];
	(erf) = vrcp.f32 v40  }
0xfe: {  	v63 =	vld [tilespmem:s2+$0x2920]  }
0xff: {  	v47 =	vld [tilespmem:s2+$0x2940]  }
0x100: {  	v50 =	vld [tilespmem:s2+$0x2900];
	v52 =	vmul.f32 v60, v58  }
0x101: {  	v53 =	vld [tilespmem:s2+$0x2950];
	v32 =	vmul.f32 v56, v61  }
0x102: {  	[tilespmem:s2+$0x2930] =	vst v52;
	v54 =	vld [tilespmem:s2+$0x2970];
	v37 =	vmul.f32 v62, v44;
	v49 =	vpop (erf)  }
0x103: {  	[tilespmem:s2+$0x2960] =	vst v32;
	v32 =	vmul.f32 v63, v49;
	v51 =	vpop (erf)  }
0x104: {  	[tilespmem:s2+$0x2910] =	vst v37;
	v36 =	vmul.f32 v47, v51;
	v55 =	vpop (erf)  }
0x105: {  	[tilespmem:s2+$0x2920] =	vst v32;
	v34 =	vmul.f32 v50, v55;
	v56 =	vpop (erf)  }
0x106: {  	[tilespmem:s2+$0x2940] =	vst v36;
	v57 =	vpop (erf);
	v33 =	vmul.f32 v53, v56  }
0x107: {  	[tilespmem:s2+$0x2900] =	vst v34;
	v32 =	vmul.f32 v54, v57  }
0x108: {  	[tilespmem:s2+$0x2950] =	vst v33  }
0x109: {  	[tilespmem:s2+$0x2970] =	vst v32  }
0x10a: {  	_ =	swait.ge [sflag:s13], $0x1400  }
0x10b: {  	[sflag:s13] =	ssyncset.done $0x0  }
0x10c: {  	[sflag:s13] =	ssyncadd.s32 $0xFFFFEC00  }
0x10d: {  	[tilespmem:s25], [sflag:$0x5] =	stream.indirect.gather.add.f32 [hbm:s4], $0x80, s31, s26, $0xb8;
	[tilespmem:$0x1B480] =	vst v63  }
0x10e: {  	p1 =	seq.s32 s21, $0x7C  }
0x10f: {  	[spmem:s1] =	stream.indirect.scatter.add.f32 [tilespmem:s29], [sflag:$0x7], $0x80, s24, s26, $0xb8;
	[tilespmem:$0x1B480] =	vst v63  }
0x110: {  	s2 =	sadd.s32 @!p1 s30, s18;
	_ =	swait.ge [sflag:s23], $0x1400  }
0x111: {  	s11 =	sshrl.u32 @!p1 s2, $0x3;
	[sflag:s23] =	ssyncset.done $0x0  }
0x112: {  	s20 =	simm.s32 @!p1 $0x0;
	s19 =	sadd.s32 @!p1 s7, s11;
	[sflag:s23] =	ssyncadd.s32 $0xFFFFEC00  }
0x113: {  	[tilespmem:s20], [sflag:$0x7] =	stream.linear.gather @!p1 [hbm4b:s19+s20], $0x28, $0x38;
	[tilespmem:$0x1B480] =	vst v63  }
0x114: {  	s19 =	simm.s32 @!p1 $0x7  }
0x115: {  	_ =	swait.ge @!p1 [sflag:s19], $0x28  }
0x116: {  	[sflag:s19] =	ssyncset.done @!p1 $0x0  }
0x117: {  	s30 =	simm.s32 @!p1 $0x80;
	s11 =	sadd.s32 @!p1 s8, s11;
	[sflag:s19] =	ssyncadd.s32 @!p1 $0xFFFFFFD8  }
0x118: {  	[tilespmem:s30], [sflag:$0x7] =	stream.linear.gather @!p1 [hbm4b:s11+s20], $0x28, $0x38;
	[tilespmem:$0x1B480] =	vst v63  }
0x119: {  	_ =	swait.ge @!p1 [sflag:s19], $0x28  }
0x11a: {  	s2 =	sshll.u32 @!p1 s2, $0x4;
	[sflag:s19] =	ssyncset.done @!p1 $0x0  }
0x11b: {  	s2 =	sadd.s32 @!p1 s9, s2;
	s11 =	simm.s32 @!p1 $0x100;
	[sflag:s19] =	ssyncadd.s32 @!p1 $0xFFFFFFD8  }
0x11c: {  	[tilespmem:s11], [sflag:$0x7] =	stream.linear.gather @!p1 [hbm4b:s2+s20], $0x1400, $0x38;
	[tilespmem:$0x1B480] =	vst v63  }
0x11d: {  	_ =	swait.ge @!p1 [sflag:s19], $0x1400  }
0x11e: {  	[sflag:s19] =	ssyncset.done @!p1 $0x0  }
0x11f: {  	s2 =	simm.s32 @!p1 $0x28;
	s11 =	simm.s32 @!p1 $0x1500;
	[sflag:s19] =	ssyncadd.s32 @!p1 $0xFFFFEC00  }
0x120: {  	[tilespmem:s11], [sflag:$0x1] =	stream.indirect.gather @!p1 [hbm4b:s3+s2], $0x80, s30, s2, $0xb8;
	[tilespmem:$0x1B480] =	vst v63  }
0x121: {  	s11 =	simm.s32 @!p1 $0x2900  }
0x122: {  	[tilespmem:s11], [sflag:$0x3] =	stream.indirect.gather @!p1 [hbm4b:s6+s2], $0x80, s20, s2, $0xb8;
	[tilespmem:$0x1B480] =	vst v63  }
0x123: {  	_ =	swait.ge [sflag:s28], $0x1400  }
0x124: {  	[sflag:s28] =	ssyncset.done $0x0  }
0x125: {  	[sflag:s28] =	ssyncadd.s32 $0xFFFFEC00  }
0x126: {  	_ =	swait.ge [sflag:s14], $0x1400  }
0x127: {  	[sflag:s14] =	ssyncset.done $0x0  }
0x128: {  	s11 =	simm.s32 $0x0;
	[sflag:s14] =	ssyncadd.s32 $0xFFFFEC00  }
0x129: {  	v58 =	vld [tilespmem:s11+$0x3E00];
	_ =	sdelay $0x4  }
0x12a: {  	v33 =	vbroadcast v58, $0x0;
	v34 =	vbroadcast v58, $0x2  }
0x12b: {  	v35 =	vbroadcast v58, $0x3;
	v32 =	vbroadcast v58, $0x1  }
0x12c: {  	v59 =	vmul.f32 v33, v0;
	v60 =	vmul.f32 v34, v16  }
0x12d: {  	v61 =	vmul.f32 v34, v19;
	v39 =	vmul.f32 v34, v23  }
0x12e: {  	v62 =	vmul.f32 v34, v18;
	v63 =	vmul.f32 v35, v24  }
0x12f: {  	v52 =	vmul.f32 v32, v11;
	v43 =	vmul.f32 v32, v9  }
0x130: {  	v53 =	vmul.f32 v33, v3;
	v54 =	vmul.f32 v35, v27  }
0x131: {  	v55 =	vmul.f32 v32, v12;
	v56 =	vmul.f32 v32, v8  }
0x132: {  	v49 =	vmul.f32 v35, v25;
	v57 =	vmul.f32 v34, v17  }
0x133: {  	v41 =	vmul.f32 v35, v31;
	v58 =	vmul.f32 v35, v26  }
0x134: {  	v50 =	vmul.f32 v35, v28;
	v42 =	vadd.f32 v52, v53;
	v37 =	vadd.f32 v63, v60  }
0x135: {  	v51 =	vmul.f32 v34, v20;
	v38 =	vadd.f32 v54, v61;
	v36 =	vadd.f32 v56, v59  }
0x136: {  	v44 =	vadd.f32 v49, v57;
	v59 =	vmul.f32 v33, v2;
	v60 =	vmul.f32 v32, v10  }
0x137: {  	v61 =	vmul.f32 v33, v1;
	v40 =	vadd.f32 v58, v62;
	v62 =	vmul.f32 v33, v4  }
0x138: {  	v63 =	vmul.f32 v35, v30;
	v50 =	vadd.f32 v50, v51;
	v57 =	vmul.f32 v32, v14  }
0x139: {  	v48 =	vld [tilespmem:s11+$0x5230];
	v52 =	vmul.f32 v34, v22;
	v53 =	vmul.f32 v33, v6;
	v39 =	vadd.f32 v41, v39  }
0x13a: {  	v46 =	vld [tilespmem:s11+$0x5240];
	v34 =	vmul.f32 v34, v21;
	v38 =	vadd.f32 v38, v42;
	v47 =	vadd.f32 v60, v59  }
0x13b: {  	v56 =	vld [tilespmem:s11+$0x5220];
	v35 =	vmul.f32 v35, v29;
	v45 =	vadd.f32 v55, v62;
	v42 =	vadd.f32 v43, v61  }
0x13c: {  	s2 =	simm.s32 $0x80;
	v58 =	vld [tilespmem:s11+$0x5210];
	v51 =	vmul.f32 v33, v7;
	v60 =	vadd.f32 v63, v52;
	v61 =	vadd.f32 v57, v53  }
0x13d: {  	v33 =	vmul.f32 v33, v5;
	v53 =	vld [tilespmem:s2+$0x3E00];
	v36 =	vadd.f32 v37, v36;
	v34 =	vadd.f32 v35, v34  }
0x13e: {  	v62 =	vmul.f32 v32, v13;
	v52 =	vld [tilespmem:s11+$0x5200];
	v38 =	vadd.f32 v48, v38;
	v45 =	vadd.f32 v50, v45  }
0x13f: {  	v40 =	vadd.f32 v40, v47;
	v42 =	vadd.f32 v44, v42  }
0x140: {  	v32 =	vmul.f32 v32, v15;
	v33 =	vadd.f32 v62, v33;
	v63 =	vadd.f32 v46, v45  }
0x141: {  	v38 =	vmul.f32 $1.442695020e+00, v38;
	v40 =	vadd.f32 v40, v56;
	v42 =	vadd.f32 v42, v58  }
0x142: {  	v33 =	vadd.f32 v34, v33;
	v43 =	vbroadcast v53, $0x0;
	v34 =	vbroadcast v53, $0x3  }
0x143: {  	v59 =	vld [tilespmem:s11+$0x5260];
	v36 =	vadd.f32 v36, v52;
	v41 =	vbroadcast v53, $0x2;
	(erf) = vpow2.f32 v38  }
0x144: {  	v55 =	vld [tilespmem:s11+$0x5250];
	v44 =	vmul.f32 $1.442695020e+00, v63;
	v40 =	vmul.f32 $1.442695020e+00, v40  }
0x145: {  	v32 =	vadd.f32 v32, v51;
	v42 =	vmul.f32 $1.442695020e+00, v42;
	v36 =	vmul.f32 $1.442695020e+00, v36  }
0x146: {  	v38 =	vadd.f32 v60, v61;
	v37 =	vmul.f32 v41, v19;
	v45 =	vmul.f32 v41, v23  }
0x147: {  	v32 =	vadd.f32 v39, v32;
	v39 =	vmul.f32 v41, v18;
	v60 =	vmul.f32 v34, v24  }
0x148: {  	v63 =	vmul.f32 v43, v3;
	v38 =	vadd.f32 v59, v38;
	(erf) = vpow2.f32 v44  }
0x149: {  	v33 =	vadd.f32 v55, v33;
	v55 =	vmul.f32 v34, v31;
	(erf) = vpow2.f32 v40  }
0x14a: {  	v54 =	vmul.f32 $1.442695020e+00, v38;
	(erf) = vpow2.f32 v42  }
0x14b: {  	v38 =	vmul.f32 v41, v16;
	v42 =	vbroadcast v53, $0x1  }
0x14c: {  	v33 =	vmul.f32 $1.442695020e+00, v33;
	(erf) = vpow2.f32 v54  }
0x14d: {  	v61 =	vmul.f32 v42, v11;
	v38 =	vadd.f32 v60, v38;
	v60 =	vmul.f32 v34, v26  }
0x14e: {  	v45 =	vadd.f32 v55, v45;
	v48 =	vmul.f32 v42, v9;
	v52 =	vmul.f32 v42, v12  }
0x14f: {  	v56 =	vld [tilespmem:s11+$0x5270];
	v54 =	vmul.f32 v34, v25;
	v39 =	vadd.f32 v60, v39;
	v60 =	vmul.f32 v43, v4;
	v57 =	vpop (erf)  }
0x150: {  	v46 =	vadd.f32 v61, v63;
	v63 =	vmul.f32 v42, v10;
	v35 =	vadd.f32 $1.000000000e+00, v57  }
0x151: {  	v57 =	vmul.f32 v34, v27;
	v52 =	vadd.f32 v52, v60;
	v60 =	vmul.f32 v43, v7;
	v58 =	vpop (erf)  }
0x152: {  	(erf) = vrcp.f32 v35;
	v35 =	vmul.f32 v43, v0;
	v44 =	vadd.f32 $1.000000000e+00, v58  }
0x153: {  	v59 =	vpop (erf);
	v58 =	vmul.f32 v42, v8;
	v37 =	vadd.f32 v57, v37;
	(erf) = vpow2.f32 v36  }
0x154: {  	v57 =	vmul.f32 v43, v1;
	v36 =	vadd.f32 v56, v32;
	v40 =	vadd.f32 $1.000000000e+00, v59;
	v62 =	vpop (erf)  }
0x155: {  	v59 =	vmul.f32 v41, v17;
	v47 =	vadd.f32 $1.000000000e+00, v62;
	v35 =	vadd.f32 v58, v35;
	v56 =	vpop (erf)  }
0x156: {  	v62 =	vmul.f32 v43, v2;
	v37 =	vadd.f32 v37, v46;
	v46 =	vld [tilespmem:s2+$0x5230];
	v50 =	vadd.f32 $1.000000000e+00, v56  }
0x157: {  	v49 =	vadd.f32 v54, v59;
	v54 =	vmul.f32 v42, v13;
	v56 =	vmul.f32 v41, v21  }
0x158: {  	v38 =	vadd.f32 v38, v35;
	v35 =	vmul.f32 v34, v29;
	(erf) = vrcp.f32 v50  }
0x159: {  	v53 =	vld [tilespmem:s2+$0x5220];
	v59 =	vadd.f32 v48, v57;
	v36 =	vmul.f32 $1.442695020e+00, v36;
	(erf) = vrcp.f32 v47  }
0x15a: {  	v50 =	vadd.f32 v63, v62;
	v62 =	vld [tilespmem:s2+$0x5210];
	v35 =	vadd.f32 v35, v56;
	(erf) = vpow2.f32 v33  }
0x15b: {  	v63 =	vmul.f32 v41, v20;
	v47 =	vadd.f32 v49, v59;
	v58 =	vadd.f32 v46, v37;
	v32 =	vpop (erf)  }
0x15c: {  	v37 =	vmul.f32 v42, v14;
	v39 =	vadd.f32 v39, v50;
	(erf) = vpow2.f32 v36;
	v61 =	vpop (erf)  }
0x15d: {  	v42 =	vmul.f32 v42, v15;
	v51 =	vadd.f32 $1.000000000e+00, v61;
	v61 =	vmul.f32 v34, v28  }
0x15e: {  	v36 =	vmul.f32 $1.442695020e+00, v58;
	v39 =	vadd.f32 v39, v53;
	v53 =	vld [tilespmem:s2+$0x5240];
	(erf) = vrcp.f32 v40  }
0x15f: {  	v58 =	vmul.f32 v43, v6;
	v40 =	vadd.f32 v47, v62;
	v47 =	vld [tilespmem:s11+$0x6660];
	v59 =	vadd.f32 v61, v63  }
0x160: {  	v49 =	vld [tilespmem:s2+$0x5250];
	v46 =	vadd.f32 v42, v60;
	(erf) = vpow2.f32 v36;
	v61 =	vmul.f32 v43, v5  }
0x161: {  	v50 =	vld [tilespmem:s2+$0x5270];
	v34 =	vmul.f32 v34, v30;
	v63 =	vmul.f32 v41, v22;
	v33 =	vadd.f32 v59, v52;
	v62 =	vpop (erf)  }
0x162: {  	v42 =	vld [tilespmem:s2+$0x5200];
	v45 =	vadd.f32 v45, v46;
	v52 =	vadd.f32 v54, v61;
	(erf) = vrcp.f32 v44;
	v41 =	vpop (erf)  }
0x163: {  	v36 =	vld [tilespmem:s11+$0x6610];
	v59 =	vadd.f32 v34, v63;
	v48 =	vadd.f32 v53, v33;
	v60 =	vpop (erf)  }
0x164: {  	v43 =	vld [tilespmem:s2+$0x5260];
	v63 =	vadd.f32 v37, v58;
	v47 =	vmul.f32 v47, v62;
	v61 =	vadd.f32 $1.000000000e+00, v60  }
0x165: {  	v37 =	vld [tilespmem:s11+$0x6620];
	(erf) = vrcp.f32 v51;
	v35 =	vadd.f32 v35, v52;
	v62 =	vpop (erf);
	v48 =	vmul.f32 $1.442695020e+00, v48  }
0x166: {  	v33 =	vld [tilespmem:s11+$0x6630];
	[tilespmem:s11+$0x6660] =	vst v47;
	v47 =	vadd.f32 v59, v63;
	v46 =	vadd.f32 $1.000000000e+00, v62;
	(erf) = vrcp.f32 v61  }
0x167: {  	s19 =	simm.s32 $0x400;
	v34 =	vadd.f32 v49, v35;
	v44 =	vpop (erf);
	v35 =	vadd.f32 v50, v45;
	v45 =	vld [tilespmem:s11+$0x6640];
	(erf) = vpow2.f32 v48  }
.LBB2_5:
0x168: {  	s20 =	sshra.s32 s19, $0x2;
	p2 =	sne.s32 s19, $0x4E00;
	s19 =	sadd.s32 $0x200, s19;
	v38 =	vadd.f32 v38, v42;
	v39 =	vmul.f32 $1.442695020e+00, v39;
	(erf) = vrcp.f32 v46  }
0x169: {  	v40 =	vmul.f32 $1.442695020e+00, v40;
	v42 =	vld [tilespmem:s20+$0x3E00];
	v43 =	vadd.f32 v43, v47;
	v46 =	vpop (erf);
	v47 =	vmul.f32 v36, v41  }
0x16a: {  	v41 =	vadd.f32 $1.000000000e+00, v46;
	(erf) = vpow2.f32 v39;
	v37 =	vmul.f32 v37, v44  }
0x16b: {  	v38 =	vmul.f32 $1.442695020e+00, v38;
	v39 =	vmul.f32 $1.442695020e+00, v43;
	v43 =	vld [tilespmem:s11+$0x6600];
	[tilespmem:s11+$0x6610] =	vst v47;
	v36 =	vpop (erf)  }
0x16c: {  	(erf) = vpow2.f32 v40;
	v44 =	vmul.f32 v45, v36  }
0x16d: {  	v32 =	vmul.f32 v33, v32;
	(erf) = vpow2.f32 v39;
	[tilespmem:s11+$0x6620] =	vst v37;
	v33 =	vld [tilespmem:s11+$0x6650]  }
0x16e: {  	v37 =	vbroadcast v42, $0x0;
	v40 =	vbroadcast v42, $0x3;
	[tilespmem:s11+$0x6640] =	vst v44;
	v36 =	vpop (erf)  }
0x16f: {  	v44 =	vbroadcast v42, $0x2;
	(erf) = vrcp.f32 v41;
	[tilespmem:s11+$0x6630] =	vst v32;
	v32 =	vld [tilespmem:s11+$0x6670];
	v39 =	vpop (erf)  }
0x170: {  	v41 =	vmul.f32 v37, v0;
	v45 =	vpop (erf);
	v48 =	vmul.f32 v43, v36  }
0x171: {  	v43 =	vmul.f32 v44, v16;
	(erf) = vpow2.f32 v38;
	v38 =	vpop (erf)  }
0x172: {  	v46 =	vmul.f32 v44, v19;
	v45 =	vadd.f32 $1.000000000e+00, v45;
	[tilespmem:s11+$0x6600] =	vst v48;
	v51 =	vmul.f32 v33, v39  }
0x173: {  	v42 =	vbroadcast v42, $0x1;
	v47 =	vmul.f32 v44, v23;
	v36 =	vpop (erf)  }
0x174: {  	v39 =	vmul.f32 v44, v18;
	v48 =	vld [tilespmem:s20+$0x5230];
	v49 =	vadd.f32 $1.000000000e+00, v36;
	[tilespmem:s11+$0x6650] =	vst v51;
	v32 =	vmul.f32 v32, v38  }
0x175: {  	v38 =	vmul.f32 v40, v24;
	v36 =	vmul.f32 v42, v11;
	v50 =	vld [tilespmem:s20+$0x5270];
	v33 =	vpop (erf)  }
0x176: {  	v52 =	vmul.f32 v37, v3;
	v51 =	vmul.f32 v42, v9;
	v53 =	vld [tilespmem:s20+$0x5250];
	v54 =	vadd.f32 $1.000000000e+00, v33;
	v33 =	vpop (erf);
	[tilespmem:s11+$0x6670] =	vst v32;
	s11 =	smov.u32 s2;
	s2 =	smov.u32 s20  }
0x177: {  	v61 =	vmul.f32 v40, v27;
	v56 =	vmul.f32 v42, v12;
	v57 =	vadd.f32 $1.000000000e+00, v33;
	v33 =	vld [tilespmem:s11+$0x6630]  }
0x178: {  	v58 =	vmul.f32 v42, v8;
	v59 =	vmul.f32 v40, v25;
	v52 =	vadd.f32 v36, v52;
	v36 =	vld [tilespmem:s11+$0x6610];
	v32 =	vpop (erf)  }
0x179: {  	v60 =	vmul.f32 v40, v31;
	v38 =	vadd.f32 v38, v43;
	v43 =	vmul.f32 v44, v17  }
0x17a: {  	v41 =	vadd.f32 v58, v41;
	v58 =	vmul.f32 v40, v26;
	v46 =	vadd.f32 v61, v46;
	v55 =	vpop (erf)  }
0x17b: {  	v43 =	vadd.f32 v59, v43;
	v59 =	vmul.f32 v37, v2;
	(erf) = vrcp.f32 v57  }
0x17c: {  	v61 =	vmul.f32 v44, v21;
	v57 =	vmul.f32 v42, v10;
	v55 =	vadd.f32 $1.000000000e+00, v55  }
0x17d: {  	v62 =	vmul.f32 v37, v1;
	v39 =	vadd.f32 v58, v39;
	v46 =	vadd.f32 v46, v52;
	v58 =	vld [tilespmem:s2+$0x5220]  }
0x17e: {  	v52 =	vadd.f32 v57, v59;
	v57 =	vmul.f32 v42, v13;
	(erf) = vrcp.f32 v54  }
0x17f: {  	v34 =	vmul.f32 $1.442695020e+00, v34;
	v35 =	vmul.f32 $1.442695020e+00, v35;
	v51 =	vadd.f32 v51, v62  }
0x180: {  	v54 =	vmul.f32 v40, v28;
	v39 =	vadd.f32 v39, v52;
	v52 =	vmul.f32 v37, v4  }
0x181: {  	v43 =	vadd.f32 v43, v51;
	v59 =	vmul.f32 v44, v20;
	v51 =	vld [tilespmem:s2+$0x5210];
	(erf) = vpow2.f32 v34  }
0x182: {  	v34 =	vadd.f32 v56, v52;
	v39 =	vadd.f32 v39, v58;
	v52 =	vld [tilespmem:s2+$0x5240];
	(erf) = vpow2.f32 v35  }
0x183: {  	v35 =	vadd.f32 v48, v46;
	v46 =	vadd.f32 v54, v59;
	(erf) = vrcp.f32 v49  }
0x184: {  	v38 =	vadd.f32 v38, v41;
	v48 =	vmul.f32 v40, v29;
	v49 =	vmul.f32 v40, v30;
	v54 =	vpop (erf)  }
0x185: {  	v34 =	vadd.f32 v46, v34;
	v46 =	vmul.f32 v42, v14;
	v35 =	vmul.f32 $1.442695020e+00, v35  }
0x186: {  	v42 =	vmul.f32 v42, v15;
	v40 =	vadd.f32 v43, v51;
	v43 =	vmul.f32 v37, v7;
	v51 =	vld [tilespmem:s11+$0x6660]  }
0x187: {  	v34 =	vadd.f32 v52, v34;
	v52 =	vmul.f32 v37, v5;
	(erf) = vpow2.f32 v35;
	v41 =	vpop (erf)  }
0x188: {  	v56 =	vadd.f32 v60, v47;
	v35 =	vmul.f32 v44, v22;
	v43 =	vadd.f32 v42, v43  }
0x189: {  	v48 =	vadd.f32 v48, v61;
	v47 =	vadd.f32 v57, v52;
	(erf) = vrcp.f32 v45  }
.Ltmp1:
0x18a: {  	v37 =	vmul.f32 v37, v6;
	v35 =	vadd.f32 v49, v35;
	v42 =	vld [tilespmem:s2+$0x5200];
	v45 =	vadd.f32 v56, v43;
	v44 =	vpop (erf);
	(pc) =	sbr.rel @p2 .LBB2_5-.Ltmp1, $4  }
0x18b: {  	v47 =	vadd.f32 v48, v47;
	v43 =	vld [tilespmem:s2+$0x5260];
	v48 =	vadd.f32 $1.000000000e+00, v44;
	v49 =	vmul.f32 v51, v54;
	v51 =	vpop (erf)  }
0x18c: {  	v52 =	vadd.f32 v46, v37;
	v54 =	vmul.f32 $1.442695020e+00, v34;
	v37 =	vld [tilespmem:s11+$0x6620];
	(erf) = vrcp.f32 v55;
	v44 =	vpop (erf)  }
0x18d: {  	v46 =	vadd.f32 $1.000000000e+00, v51;
	v34 =	vadd.f32 v53, v47;
	[tilespmem:s11+$0x6660] =	vst v49;
	(erf) = vrcp.f32 v48  }
0x18e: {  	v47 =	vadd.f32 v35, v52;
	v35 =	vadd.f32 v50, v45;
	(erf) = vpow2.f32 v54;
	v45 =	vld [tilespmem:s11+$0x6640]  }
0x18f: {  	_ = 	snop  }
0x190: {  	v39 =	vmul.f32 $1.442695020e+00, v39;
	v43 =	vadd.f32 v43, v47  }
0x191: {  	(erf) = vrcp.f32 v46;
	v40 =	vmul.f32 $1.442695020e+00, v40  }
0x192: {  	(erf) = vpow2.f32 v39;
	v48 =	vmul.f32 $1.442695020e+00, v43  }
0x193: {  	(erf) = vpow2.f32 v40  }
0x194: {  	(erf) = vpow2.f32 v48  }
0x195: {  	v49 =	vpop (erf)  }
0x196: {  	v50 =	vpop (erf)  }
0x197: {  	v52 =	vpop (erf)  }
0x198: {  	v53 =	vpop (erf)  }
0x199: {  	v54 =	vpop (erf)  }
0x19a: {  	v56 =	vpop (erf)  }
0x19b: {  	v38 =	vadd.f32 v38, v42;
	v57 =	vpop (erf)  }
0x19c: {  	v39 =	vadd.f32 $1.000000000e+00, v49;
	v58 =	vpop (erf)  }
0x19d: {  	v32 =	vmul.f32 v33, v32;
	v38 =	vmul.f32 $1.442695020e+00, v38;
	v60 =	vpop (erf)  }
0x19e: {  	(erf) = vrcp.f32 v39;
	v61 =	vadd.f32 $1.000000000e+00, v60  }
0x19f: {  	[tilespmem:s11+$0x6630] =	vst v32;
	(erf) = vpow2.f32 v38;
	v32 =	vadd.f32 $1.000000000e+00, v58  }
0x1a0: {  	v34 =	vmul.f32 $1.442695020e+00, v34;
	(erf) = vrcp.f32 v61  }
0x1a1: {  	v39 =	vmul.f32 $1.442695020e+00, v35;
	(erf) = vrcp.f32 v32  }
0x1a2: {  	(erf) = vpow2.f32 v34  }
0x1a3: {  	v51 =	vld [tilespmem:s11+$0x6600];
	(erf) = vpow2.f32 v39  }
0x1a4: {  	v55 =	vld [tilespmem:s11+$0x6650]  }
0x1a5: {  	v36 =	vmul.f32 v36, v41;
	v59 =	vld [tilespmem:s11+$0x6670]  }
0x1a6: {  	v37 =	vmul.f32 v37, v44  }
0x1a7: {  	[tilespmem:s11+$0x6610] =	vst v36;
	v40 =	vmul.f32 v45, v50;
	v44 =	vpop (erf)  }
0x1a8: {  	[tilespmem:s11+$0x6620] =	vst v37;
	v62 =	vmul.f32 v51, v52;
	v45 =	vpop (erf)  }
0x1a9: {  	[tilespmem:s11+$0x6640] =	vst v40;
	v33 =	vmul.f32 v55, v53;
	v41 =	vadd.f32 $1.000000000e+00, v57;
	v47 =	vpop (erf)  }
0x1aa: {  	[tilespmem:s11+$0x6600] =	vst v62;
	v43 =	vadd.f32 $1.000000000e+00, v54;
	v63 =	vmul.f32 v59, v56;
	v50 =	vpop (erf)  }
0x1ab: {  	[tilespmem:s11+$0x6650] =	vst v33;
	v51 =	vadd.f32 $1.000000000e+00, v45;
	(erf) = vrcp.f32 v41;
	v52 =	vpop (erf)  }
0x1ac: {  	[tilespmem:s11+$0x6670] =	vst v63;
	(erf) = vrcp.f32 v43;
	v35 =	vadd.f32 $1.000000000e+00, v52;
	v54 =	vpop (erf)  }
0x1ad: {  	v46 =	vld [tilespmem:s2+$0x6630];
	(erf) = vrcp.f32 v51;
	v40 =	vadd.f32 $1.000000000e+00, v54  }
0x1ae: {  	v42 =	vld [tilespmem:s2+$0x6660];
	(erf) = vrcp.f32 v35  }
0x1af: {  	v48 =	vld [tilespmem:s2+$0x6610];
	(erf) = vrcp.f32 v40  }
0x1b0: {  	v49 =	vld [tilespmem:s2+$0x6620]  }
0x1b1: {  	v53 =	vld [tilespmem:s2+$0x6640]  }
0x1b2: {  	v56 =	vld [tilespmem:s2+$0x6600];
	v58 =	vmul.f32 v46, v44  }
0x1b3: {  	v59 =	vld [tilespmem:s2+$0x6650];
	v32 =	vmul.f32 v42, v47  }
0x1b4: {  	v60 =	vld [tilespmem:s2+$0x6670];
	[tilespmem:s2+$0x6630] =	vst v58;
	v37 =	vmul.f32 v48, v50;
	v55 =	vpop (erf)  }
0x1b5: {  	[tilespmem:s2+$0x6660] =	vst v32;
	v32 =	vmul.f32 v49, v55;
	v57 =	vpop (erf)  }
0x1b6: {  	[tilespmem:s2+$0x6610] =	vst v37;
	v36 =	vmul.f32 v53, v57;
	v61 =	vpop (erf)  }
0x1b7: {  	[tilespmem:s2+$0x6620] =	vst v32;
	v34 =	vmul.f32 v56, v61;
	v62 =	vpop (erf)  }
0x1b8: {  	[tilespmem:s2+$0x6640] =	vst v36;
	v63 =	vpop (erf);
	v33 =	vmul.f32 v59, v62  }
0x1b9: {  	[tilespmem:s2+$0x6600] =	vst v34;
	v32 =	vmul.f32 v60, v63  }
0x1ba: {  	[tilespmem:s2+$0x6650] =	vst v33  }
0x1bb: {  	[tilespmem:s2+$0x6670] =	vst v32;
	s2 =	simm.s32 @!p1 $0x1  }
0x1bc: {  	_ =	swait.ge @!p1 [sflag:s2], $0x1400  }
0x1bd: {  	s19 =	simm.s32 @!p1 $0x1500;
	s21 =	sadd.s32 $0x1, s21;
	[sflag:s2] =	ssyncset.done @!p1 $0x0  }
0x1be: {  	s11 =	simm.s32 @!p1 $0x0;
	[sflag:s2] =	ssyncadd.s32 @!p1 $0xFFFFEC00;
	s2 =	simm.s32 @!p1 $0x28  }
0x1bf: {  	[tilespmem:s19], [sflag:$0x2] =	stream.indirect.gather.add.f32 @!p1 [hbm:s4], $0x80, s11, s2, $0xb8;
	[tilespmem:$0x1B480] =	vst v63  }
0x1c0: {  	p1 =	sne.s32 s21, $0x7D  }
.Ltmp2:
0x1c1: {  	_ = 	snop;
	(pc) =	sbr.rel @p1 .LBB2_2-.Ltmp2, $4  }
0x1c2: {  	[spmem:s1] =	stream.indirect.scatter.add.f32 [tilespmem:s5], [sflag:$0x7], $0x80, s0, s26, $0xb8;
	[tilespmem:$0x1B480] =	vst v63  }
0x1c3: {  	_ =	swait.ge [sflag:s23], $0x1400  }
0x1c4: {  	[sflag:s23] =	ssyncset.done $0x0  }
0x1c5: {  	[sflag:s23] =	ssyncadd.s32 $0xFFFFEC00  }
0x1c6: {  	[bflag:$0x0] =	sbarrier.arrive $0xFFFF  }
0x1c7: {  	s2 =	rddreg [dreg:$0xa]  }
0x1c8: {  	s11 =	rddreg [dreg:$0xd]  }
0x1c9: {  	[hbm:s2], [sflag:s16] =	dma.local [spmem:s11], $0x2700  }
0x1ca: {  	_ =	swait.ge [sflag:s23], $0x2700  }
0x1cb: {  	[sflag:s23] =	ssyncset.done $0x0;
	s2 =	rddreg [dreg:$0xb]  }
0x1cc: {  	s11 =	rddreg [dreg:$0xe];
	[sflag:s23] =	ssyncadd.s32 $0xFFFFD900  }
0x1cd: {  	[hbm:s2], [sflag:s16] =	dma.local @!p0 [spmem:s11], $0x100  }
0x1ce: {  	s2 =	simm.s32 @!p0 $0x7  }
0x1cf: {  	_ =	swait.ge @!p0 [sflag:s2], $0x100  }
0x1d0: {  	s15 =	sadd.s32 $0x1, s15;
	s30 =	rddreg [dreg:$0xc]  }
0x1d1: {  	p1 =	sne.s32 s15, s30  }
.Ltmp3:
0x1d2: {  	_ = 	snop;
	(pc) =	sbr.rel @p1 .LBB2_1-.Ltmp3, $3  }
0x1d3: {  	_ =	sdelay $0x1  }
0x1d4: {  	[sflag:s2] =	ssyncset.done @!p0 $0x0  }
0x1d5: {  	[sflag:s2] =	ssyncadd.s32 @!p0 $0xFFFFFF00  }
0x1d6: {  	_ =	sfence.sel $0x180000  }
0x1d7: {  	[bflag:$0x0] =	sbarrier.arrive $0xFFFF  }
0x1d8: {  	_ =	strace $0x9000004D  }
0x1d9: {  	s0 =	stileid.u32;
	[bflag:$0x2] =	sbarrier.arrive $0xFFFF  }
0x1da: {  	p0 =	sne.s32 s0, $0x0;
	s0 =	rddreg [dreg:$0x2]  }
0x1db: {  	s0 =	sadd.s32 @!p0 $0x100000, s0  }
0x1dc: {  	[sflag:s0] =	ssyncadd.tile.s32 @!p0 $0x1;
	_ =	shalt  }
.Lfunc_end2:
_tile_overlayer_lowered:
.L_overlay_start_2:
0x1dd: {  	(tag) =	ssettag $0x2  }
0x1de: {  	s0 =	rddreg [dreg:$0x0];
	s2 =	stileid.u32  }
0x1df: {  	s1 =	rddreg [dreg:$0x1];
	p0 =	sne.s32 s2, $0x0  }
0x1e0: {  	s3 =	rddreg [dreg:$0x2];
	[bflag:$0x3] =	sbarrier.arrive $0xFFFF;
	s2 =	simm.s32 @!p0 $0x1C07  }
0x1e1: {  	[timem:s3], [sflag:s2] =	dma.local @!p0 [hbm:s0], s1  }
0x1e2: {  	s0 =	simm.s32 @!p0 $0x7  }
0x1e3: {  	_ =	swait.ge @!p0 [sflag:s0], s1  }
0x1e4: {  	s1 =	ssub.s32 @!p0 $0x0, s1;
	[sflag:s0] =	ssyncset.done @!p0 $0x0  }
0x1e5: {  	[sflag:s0] =	ssyncadd.s32 @!p0 s1  }
0x1e6: {  	[bflag:$0x3] =	sbarrier.arrive $0xFFFF  }
0x1e7: {  	_ =	shalt  }

</sc_bundles>
